<compile_context>
chip_gen: v7x
topology: tpu7x:2x2x1
jax: 0.10.2.dev20260603
libtpu: 0.0.44.dev20260713+nightly
codegen_flags: <defaults>
</compile_context>

<pallas_src>
import functools

import jax
import jax.numpy as jnp
import numpy as np
from jax import lax
from jax.experimental import pallas as pl
from jax.experimental.pallas import tpu as pltpu
from jax.experimental.pallas import tpu_sc as plsc

N = 10000
E = 160000
F = 128
F3 = 3 * F

_NC = 2
_NS = 16
_H0 = 79360
_H1 = E - _H0
_CHA = 80
_CHB = 40
_CHS = 80

_TC_PARAMS = pltpu.CompilerParams(dimension_semantics=("parallel",))


_PHI_BLK = 1000


def _pack2(a, b):
    ua = jax.lax.bitcast_convert_type(a, jnp.uint32) + jnp.uint32(0x8000)
    ub = jax.lax.bitcast_convert_type(b, jnp.uint32) + jnp.uint32(0x8000)
    return (ua >> 16) | (ub & jnp.uint32(0xFFFF0000))


def _unpack2(w):
    a = jax.lax.bitcast_convert_type(w << 16, jnp.float32)
    b = jax.lax.bitcast_convert_type(w & jnp.uint32(0xFFFF0000), jnp.float32)
    return a, b


def _phi_body(s_ref, vec_ref, w1_ref, b1_ref, w2_ref, b2_ref,
              t0_ref, t1_ref, t2_ref):
    h = jnp.dot(s_ref[...], w1_ref[...], preferred_element_type=jnp.float32)
    h = jax.nn.silu(h + b1_ref[...])
    phi = jnp.dot(h, w2_ref[...], preferred_element_type=jnp.float32) + b2_ref[...]
    v = vec_ref[...]
    phi_mid = phi[:, F:2 * F]
    t0_ref[...] = _pack2(phi[:, 0:F], phi[:, 2 * F:3 * F])
    t1_ref[...] = _pack2(phi_mid * v[:, 0:F], phi_mid * v[:, F:2 * F])
    t2_ref[...] = jax.lax.bitcast_convert_type(
        phi_mid * v[:, 2 * F:3 * F], jnp.uint32)


def _phi_tc(s, vec2, W1, b1, W2, b2):
    t = jax.ShapeDtypeStruct((N, F), jnp.uint32)
    return pl.pallas_call(
        _phi_body,
        grid=(N // _PHI_BLK,),
        in_specs=[
            pl.BlockSpec((_PHI_BLK, F), lambda i: (i, 0)),
            pl.BlockSpec((_PHI_BLK, F3), lambda i: (i, 0)),
            pl.BlockSpec((F, F), lambda i: (0, 0)),
            pl.BlockSpec((1, F), lambda i: (0, 0)),
            pl.BlockSpec((F, F3), lambda i: (0, 0)),
            pl.BlockSpec((1, F3), lambda i: (0, 0)),
        ],
        out_specs=[
            pl.BlockSpec((_PHI_BLK, F), lambda i: (i, 0)),
            pl.BlockSpec((_PHI_BLK, F), lambda i: (i, 0)),
            pl.BlockSpec((_PHI_BLK, F), lambda i: (i, 0)),
        ],
        out_shape=[t, t, t],
        compiler_params=_TC_PARAMS,
    )(s, vec2, W1, b1.reshape(1, F), W2, b2.reshape(1, F3))




def _gather_stream(tbl_hbm, out_hbm, idx_v, bufs, gsems, csems, base, nch, ch):

    def chunk_start(i, b):
        return pltpu.async_copy(
            tbl_hbm.at[idx_v.at[pl.ds(i * ch, ch)]], bufs[b], gsems[b])

    def chunk_out(i, b):
        pltpu.async_copy(bufs[b], out_hbm.at[pl.ds(base + i * ch, ch)],
                         csems[b])

    def drain_out(i, b):
        pltpu.make_async_copy(
            bufs[b], out_hbm.at[pl.ds(base + i * ch, ch)], csems[b]).wait()

    @pl.loop(0, nch // 2)
    def _(j):
        i0 = 2 * j
        for b in (0, 1):
            @pl.when(j > 0)
            def _():
                drain_out(i0 + b - 2, b)
            chunk_start(i0 + b, b)
        for b in (0, 1):
            pltpu.make_async_copy(
                tbl_hbm.at[idx_v.at[pl.ds((i0 + b) * ch, ch)]],
                bufs[b], gsems[b]).wait()
            chunk_out(i0 + b, b)

    if nch % 2:
        tail = nch - 1
        drain_out(tail - 2, 0)
        chunk_start(tail, 0).wait()
        chunk_out(tail, 0)
        drain_out(tail, 0)
        drain_out(tail - 1, 1)
    else:
        drain_out(nch - 2, 0)
        drain_out(nch - 1, 1)


def _gather_body(hbase, H, t0_hbm, t1_hbm, t2_hbm, dst_hbm,
                 g0_hbm, g1_hbm, g2_hbm,
                 idx_a, idx_b, a0, a1, c0, c1,
                 gsem0, gsem1, csem0, csem1):
    c = lax.axis_index("c")
    sid = lax.axis_index("s")
    et = H // _NS
    eth = H // (2 * _NS)
    base_a = sid * et
    pltpu.sync_copy(dst_hbm.at[pl.ds(hbase + base_a, et)], idx_a)

    @pl.when(c == 0)
    def _():
        _gather_stream(t0_hbm, g0_hbm, idx_a, (a0, a1),
                       (gsem0, gsem1), (csem0, csem1), base_a, et // _CHA, _CHA)
        base_b = sid * eth
        pltpu.sync_copy(dst_hbm.at[pl.ds(hbase + base_b, eth)], idx_b)
        _gather_stream(t2_hbm, g2_hbm, idx_b, (c0, c1),
                       (gsem0, gsem1), (csem0, csem1), base_b, eth // _CHB, _CHB)

    @pl.when(c == 1)
    def _():
        _gather_stream(t1_hbm, g1_hbm, idx_a, (a0, a1),
                       (gsem0, gsem1), (csem0, csem1), base_a, et // _CHA, _CHA)
        base_b = H // 2 + sid * eth
        pltpu.sync_copy(dst_hbm.at[pl.ds(hbase + base_b, eth)], idx_b)
        _gather_stream(t2_hbm, g2_hbm, idx_b, (c0, c1),
                       (gsem0, gsem1), (csem0, csem1), base_b, eth // _CHB, _CHB)


def _gather_sc(t0, t1, t2, dst, hbase, H):
    row = jax.ShapeDtypeStruct((H, F), jnp.uint32)
    k = pl.kernel(
        functools.partial(_gather_body, hbase, H),
        out_type=[row, row, row],
        mesh=plsc.VectorSubcoreMesh(core_axis_name="c", subcore_axis_name="s"),
        scratch_types=[
            pltpu.VMEM((H // _NS,), jnp.int32),
            pltpu.VMEM((H // (2 * _NS),), jnp.int32),
            pltpu.VMEM((_CHA, F), jnp.uint32),
            pltpu.VMEM((_CHA, F), jnp.uint32),
            pltpu.VMEM((_CHB, F), jnp.uint32),
            pltpu.VMEM((_CHB, F), jnp.uint32),
            pltpu.SemaphoreType.DMA,
            pltpu.SemaphoreType.DMA,
            pltpu.SemaphoreType.DMA,
            pltpu.SemaphoreType.DMA,
        ],
    )
    return k(t0, t1, t2, dst)



_EDGE_BLK = 1280


def _edge_body(cut_ref, g0_ref, g1_ref, g2_ref, rbf_ref, geom_ref, wr_ref,
               o_ref):
    cut = cut_ref[0, 0]
    d = geom_ref[:, 0:1]
    fcut = 0.5 * (jnp.cos(np.pi * d / cut) + 1.0)
    fcut = jnp.where(d < cut, fcut, 0.0)
    rbf17 = jnp.concatenate([rbf_ref[...] * fcut, fcut], axis=1)
    w = jnp.dot(rbf17, wr_ref[...], preferred_element_type=jnp.float32)
    phi_lo, phi_hi = _unpack2(g0_ref[...])
    p0, p1 = _unpack2(g1_ref[...])
    p2 = jax.lax.bitcast_convert_type(g2_ref[...], jnp.float32)
    w_mid = w[:, F:2 * F]
    xd = phi_hi * w[:, 2 * F:3 * F] / d
    parts = [phi_lo * w[:, 0:F]]
    for k, pk in enumerate((p0, p1, p2)):
        parts.append(pk * w_mid + geom_ref[:, k + 1:k + 2] * xd)
    o_ref[...] = jnp.concatenate(parts, axis=1)


def _edge_tc(cut_arr, g0, g1, g2, edge_rbf, geom, Wr17, blk_off, H):
    n_rbf = edge_rbf.shape[1]
    return pl.pallas_call(
        _edge_body,
        grid=(H // _EDGE_BLK,),
        in_specs=[
            pl.BlockSpec((1, 1), lambda i: (0, 0)),
            pl.BlockSpec((_EDGE_BLK, F), lambda i: (i, 0)),
            pl.BlockSpec((_EDGE_BLK, F), lambda i: (i, 0)),
            pl.BlockSpec((_EDGE_BLK, F), lambda i: (i, 0)),
            pl.BlockSpec((_EDGE_BLK, n_rbf), lambda i: (i + blk_off, 0)),
            pl.BlockSpec((_EDGE_BLK, 4), lambda i: (i + blk_off, 0)),
            pl.BlockSpec((n_rbf + 1, F3), lambda i: (0, 0)),
        ],
        out_specs=pl.BlockSpec((_EDGE_BLK, 4 * F), lambda i: (i, 0)),
        out_shape=jax.ShapeDtypeStruct((H, 4 * F), jnp.float32),
        compiler_params=_TC_PARAMS,
    )(cut_arr, g0, g1, g2, edge_rbf, geom, Wr17)




def _scatter_stream(pay_hbm, accum, idx2, bufs, lsems, ssems, blk, nch):
    col = pl.ds(blk * F, F)
    sid = lax.axis_index("s")
    base = sid * (nch * _CHS)

    def load_start(i, b):
        return pltpu.async_copy(
            pay_hbm.at[pl.ds(base + i * _CHS, _CHS), col], bufs[b], lsems[b])

    def scat_start(i, b):
        pltpu.async_copy(bufs[b], accum.at[idx2.at[i]], ssems[b], add=True)

    def drain_scat(i, b):
        pltpu.make_async_copy(
            bufs[b], accum.at[idx2.at[i]], ssems[b]).wait()

    @pl.loop(0, nch // 2)
    def _(j):
        i0 = 2 * j
        for b in (0, 1):
            @pl.when(j > 0)
            def _():
                drain_scat(i0 + b - 2, b)
            load_start(i0 + b, b)
        for b in (0, 1):
            pltpu.make_async_copy(
                pay_hbm.at[pl.ds(base + (i0 + b) * _CHS, _CHS), col],
                bufs[b], lsems[b]).wait()
            scat_start(i0 + b, b)

    if nch % 2:
        tail = nch - 1
        drain_scat(tail - 2, 0)
        load_start(tail, 0).wait()
        scat_start(tail, 0)
        drain_scat(tail, 0)
        drain_scat(tail - 1, 1)
    else:
        drain_scat(nch - 2, 0)
        drain_scat(nch - 1, 1)


def _scatter_body(nch, pay_hbm, src3_hbm, ids_hbm, idvec_hbm, ds_hbm, dvec_hbm,
                  idx2, b0, b1, accum, lsem0, lsem1, ssem0, ssem1):
    c = lax.axis_index("c")
    sid = lax.axis_index("s")
    pltpu.sync_copy(src3_hbm.at[sid], idx2)

    for blk in range(4):
        @pl.when(c == (blk % 2))
        def _():
            plsc.subcore_barrier()

            @pl.when(sid == 0)
            def _():
                if blk == 0:
                    pltpu.sync_copy(ids_hbm, accum)
                else:
                    pltpu.sync_copy(idvec_hbm.at[blk - 1], accum)

            plsc.subcore_barrier()
            _scatter_stream(pay_hbm, accum, idx2, (b0, b1),
                            (lsem0, lsem1), (ssem0, ssem1), blk, nch)
            plsc.subcore_barrier()

            @pl.when(sid == 0)
            def _():
                if blk == 0:
                    pltpu.sync_copy(accum, ds_hbm)
                else:
                    pltpu.sync_copy(accum, dvec_hbm.at[blk - 1])


def _scatter_sc(pay, src3, init_ds, init_dvec, nch):
    k = pl.kernel(
        functools.partial(_scatter_body, nch),
        out_type=[
            jax.ShapeDtypeStruct((N, F), jnp.float32),
            jax.ShapeDtypeStruct((3, N, F), jnp.float32),
        ],
        mesh=plsc.VectorSubcoreMesh(core_axis_name="c", subcore_axis_name="s"),
        scratch_types=[
            pltpu.VMEM((nch, _CHS), jnp.int32),
            pltpu.VMEM((_CHS, F), jnp.float32),
            pltpu.VMEM((_CHS, F), jnp.float32),
            pltpu.VMEM_SHARED((N, F), jnp.float32),
            pltpu.SemaphoreType.DMA,
            pltpu.SemaphoreType.DMA,
            pltpu.SemaphoreType.DMA,
            pltpu.SemaphoreType.DMA,
        ],
    )
    return k(pay, src3, init_ds, init_dvec)




def kernel(s, vec, edge_indexes, edge_vector, edge_distance, edge_rbf,
           cutoff_dist, W1, b1, W2, b2, Wr, br):
    src = edge_indexes[0].astype(jnp.int32)
    dst = edge_indexes[1].astype(jnp.int32)
    vec2 = vec.reshape(N, F3)
    cut_arr = jnp.asarray(cutoff_dist, jnp.float32).reshape(1, 1)
    geom = jnp.concatenate(
        [edge_distance.reshape(E, 1), edge_vector], axis=1)
    zeros_ds = jnp.zeros((N, F), jnp.float32)
    zeros_dvec = jnp.zeros((3, N, F), jnp.float32)
    Wr17 = jnp.concatenate([Wr, br.reshape(1, F3)], axis=0)

    t0, t1, t2 = _phi_tc(s, vec2, W1, b1, W2, b2)

    chunks = ((0, _H0), (_H0, _H1))
    pays = []
    for hbase, H in chunks:
        g0, g1, g2 = _gather_sc(t0, t1, t2, dst, hbase, H)
        pays.append(
            _edge_tc(cut_arr, g0, g1, g2, edge_rbf, geom, Wr17,
                     hbase // _EDGE_BLK, H))

    ds, dvec = zeros_ds, zeros_dvec
    for pay, (hbase, H) in zip(pays, chunks):
        nch = H // _NS // _CHS
        src3 = src[hbase:hbase + H].reshape(_NS, nch, _CHS)
        ds, dvec = _scatter_sc(pay, src3, ds, dvec, nch)
    return ds, dvec.transpose(1, 0, 2)

# --- scband reference (transcript-rebuilt; emitter-appended) ---
"""Pipeline reference for scband-message-block-23184233464610 (READ-ONLY COPY).

The authoritative reference and input builder live on the scoring server;
editing this copy changes nothing except your own understanding.
"""

import jax, jax.numpy as jnp
import numpy as np

N_NODES = 10000
N_EDGES = 160000
F = 128
N_RBF = 16


def setup_inputs(seed: int = 0) -> dict:
    key = jax.random.key(seed)
    ks = jax.random.split(key, 12)
    s = jax.random.normal(ks[0], (N_NODES, F), dtype=jnp.float32)
    vec = jax.random.normal(ks[1], (N_NODES, 3, F), dtype=jnp.float32)
    edge_indexes = jax.random.randint(ks[2], (2, N_EDGES), 0, N_NODES, dtype=jnp.int64 if jax.config.jax_enable_x64 else jnp.int32)
    edge_vector = jax.random.normal(ks[3], (N_EDGES, 3), dtype=jnp.float32)
    # distances strictly positive and below cutoff to avoid div-by-zero
    edge_distance = jax.random.uniform(ks[4], (N_EDGES,), dtype=jnp.float32) * 4.0 + 0.5
    edge_rbf = jax.random.normal(ks[5], (N_EDGES, N_RBF), dtype=jnp.float32)
    cutoff_dist = 5
    # parameters for linear_s: Linear(F,F) -> SiLU -> Linear(F,3F)
    lim1 = 1.0 / np.sqrt(F)
    W1 = jax.random.uniform(ks[6], (F, F), dtype=jnp.float32, minval=-lim1, maxval=lim1)
    b1 = jax.random.uniform(ks[7], (F,), dtype=jnp.float32, minval=-lim1, maxval=lim1)
    W2 = jax.random.uniform(ks[8], (F, 3 * F), dtype=jnp.float32, minval=-lim1, maxval=lim1)
    b2 = jax.random.uniform(ks[9], (3 * F,), dtype=jnp.float32, minval=-lim1, maxval=lim1)
    limr = 1.0 / np.sqrt(N_RBF)
    Wr = jax.random.uniform(ks[10], (N_RBF, 3 * F), dtype=jnp.float32, minval=-limr, maxval=limr)
    br = jax.random.uniform(ks[11], (3 * F,), dtype=jnp.float32, minval=-limr, maxval=limr)
    return {"s": s, "vec": vec, "edge_indexes": edge_indexes, "edge_vector": edge_vector,
            "edge_distance": edge_distance, "edge_rbf": edge_rbf, "cutoff_dist": cutoff_dist,
            "W1": W1, "b1": b1, "W2": W2, "b2": b2, "Wr": Wr, "br": br}


def cosine_cutoff(d, cutoff):
    return 0.5 * (jnp.cos(jnp.pi * d / cutoff) + 1.0) * (d < cutoff).astype(d.dtype)


def reference(s, vec, edge_indexes, edge_vector, edge_distance, edge_rbf, cutoff_dist,
              W1, b1, W2, b2, Wr, br):
    num_atoms = s.shape[0]
    src = edge_indexes[0]
    dst = edge_indexes[1]
    S = s[dst]                      # gather [E, F]
    Vec = vec[dst]                  # gather [E, 3, F]
    h = jax.nn.silu(S @ W1 + b1)
    phi = h @ W2 + b2               # [E, 3F]
    edge_rbf_linear = edge_rbf @ Wr + br  # [E, 3F]
    fcut = cosine_cutoff(edge_distance, jnp.float32(cutoff_dist))
    W = edge_rbf_linear * fcut[..., None]
    x = phi * W
    vec_Ws, vec_Wvv, vec_Wvs = jnp.split(x, 3, axis=-1)
    ds = jnp.zeros((num_atoms, F), dtype=jnp.float32).at[src].add(vec_Ws)
    vec_n = edge_vector / edge_distance[..., None]
    dVec = vec_Wvv[:, None, :] * Vec + vec_n[:, :, None] * vec_Wvs[:, None, :]
    dvec = jnp.zeros((num_atoms, 3, F), dtype=jnp.float32).at[src].add(dVec)
    return (ds, dvec)

if __name__ == "__main__":
    import jax
    _d = setup_inputs()
    print(jax.jit(kernel)(*tuple(_d.values())))

</pallas_src>

<mosaic_0001>
#map = affine_map<(d0, d1) -> (0, 0)>
#map1 = affine_map<(d0, d1) -> (0)>
module attributes {stable_mosaic.version = 14 : i64} {
  func.func @_gather_body(%arg0: i32, %arg1: i32, %arg2: memref<10000x128xi32, #tpu.memory_space<hbm>>, %arg3: memref<10000x128xi32, #tpu.memory_space<hbm>>, %arg4: memref<10000x128xi32, #tpu.memory_space<hbm>>, %arg5: memref<160000xi32, #tpu.memory_space<hbm>>, %arg6: memref<79360x128xi32, #tpu.memory_space<hbm>>, %arg7: memref<79360x128xi32, #tpu.memory_space<hbm>>, %arg8: memref<79360x128xi32, #tpu.memory_space<hbm>>, %arg9: memref<4960xi32, #tpu.memory_space<vmem>>, %arg10: memref<2480xi32, #tpu.memory_space<vmem>>, %arg11: memref<80x128xi32, #tpu.memory_space<vmem>>, %arg12: memref<80x128xi32, #tpu.memory_space<vmem>>, %arg13: memref<40x128xi32, #tpu.memory_space<vmem>>, %arg14: memref<40x128xi32, #tpu.memory_space<vmem>>, %arg15: memref<!tpu.dma_semaphore, #tpu.memory_space<semaphore_mem>>, %arg16: memref<!tpu.dma_semaphore, #tpu.memory_space<semaphore_mem>>, %arg17: memref<!tpu.dma_semaphore, #tpu.memory_space<semaphore_mem>>, %arg18: memref<!tpu.dma_semaphore, #tpu.memory_space<semaphore_mem>>) attributes {dimension_semantics = [#tpu.dimension_semantics<core_parallel>, #tpu.dimension_semantics<subcore_parallel>], iteration_bounds = array<i64: 2, 16>, scalar_prefetch = 0 : i64, scratch_operands = 10 : i64, tpu.core_type = #tpu.core_type<sc_vector_subcore>, window_params = [{transform_indices = #map}, {transform_indices = #map}, {transform_indices = #map}, {transform_indices = #map1}, {transform_indices = #map}, {transform_indices = #map}, {transform_indices = #map}]} {
    %mul3A = arith.constant 4960 : i32
    %mul3A_0 = arith.muli %arg1, %mul3A : i32
    %add3A = arith.constant 0 : i32
    %add3A_1 = arith.addi %add3A, %mul3A_0 : i32
    "tpu.region"() ({
      %run_scoped3A = tpu.sem_alloc : memref<!tpu.dma_semaphore, #tpu.memory_space<semaphore_mem>>
      %dma_start3A = tpu.memref_slice %arg5[%add3A_1] : memref<160000xi32, #tpu.memory_space<hbm>> -> memref<4960xi32, #tpu.memory_space<hbm>>
      %dma_start3A_9 = tpu.memref_slice %arg5[%add3A_1] : memref<160000xi32, #tpu.memory_space<hbm>> -> memref<4960xi32, #tpu.memory_space<hbm>>
      tpu.enqueue_dma source(%dma_start3A_9 : memref<4960xi32, #tpu.memory_space<hbm>>) target(%arg9 : memref<4960xi32, #tpu.memory_space<vmem>>) target_semaphore(%run_scoped3A : memref<!tpu.dma_semaphore, #tpu.memory_space<semaphore_mem>>)
      %dma_wait3A = tpu.memref_slice %arg5[%add3A_1] : memref<160000xi32, #tpu.memory_space<hbm>> -> memref<4960xi32, #tpu.memory_space<hbm>>
      %dma_wait3A_10 = tpu.memref_slice %arg5[%add3A_1] : memref<160000xi32, #tpu.memory_space<hbm>> -> memref<4960xi32, #tpu.memory_space<hbm>>
      tpu.wait_dma2 semaphore(%run_scoped3A : memref<!tpu.dma_semaphore, #tpu.memory_space<semaphore_mem>>) src(%dma_wait3A_10 : memref<4960xi32, #tpu.memory_space<hbm>>) dst(%arg9 : memref<4960xi32, #tpu.memory_space<vmem>>)
      tpu.yield
    }) : () -> ()
    %eq3A = arith.constant 0 : i32
    %eq3A_2 = arith.cmpi eq, %arg0, %eq3A : i32
    %convert_element_type3A = arith.extui %eq3A_2 : i1 to i32
    %cond3A = arith.constant 0 : i32
    %cond3A_3 = arith.cmpi ne, %convert_element_type3A, %cond3A : i32
    scf.if %cond3A_3 {
      %scan3A = arith.constant 0 : i32
      %scan3A_9 = arith.constant 31 : i32
      %scan3A_10 = arith.addi %scan3A, %scan3A_9 : i32
      %scan3A_11 = arith.constant 1 : i32
      scf.for %scan3A_45 = %scan3A to %scan3A_10 step %scan3A_11  : i32 {
        %mul3A_46 = arith.constant 1 : i32
        %mul3A_47 = arith.muli %scan3A_45, %mul3A_46 : i32
        %add3A_48 = arith.constant 0 : i32
        %add3A_49 = arith.addi %add3A_48, %mul3A_47 : i32
        %mul3A_50 = arith.constant 2 : i32
        %mul3A_51 = arith.muli %mul3A_50, %add3A_49 : i32
        %gt3A = arith.constant 0 : i32
        %gt3A_52 = arith.cmpi sgt, %add3A_49, %gt3A : i32
        %convert_element_type3A_53 = arith.extui %gt3A_52 : i1 to i32
        %cond3A_54 = arith.constant 0 : i32
        %cond3A_55 = arith.cmpi ne, %convert_element_type3A_53, %cond3A_54 : i32
        scf.if %cond3A_55 {
          %add3A_110 = arith.constant 0 : i32
          %add3A_111 = arith.addi %mul3A_51, %add3A_110 : i32
          %sub3A = arith.constant 2 : i32
          %sub3A_112 = arith.subi %add3A_111, %sub3A : i32
          %mul3A_113 = arith.constant 80 : i32
          %mul3A_114 = arith.muli %sub3A_112, %mul3A_113 : i32
          %add3A_115 = arith.addi %mul3A_0, %mul3A_114 : i32
          %dma_wait3A_116 = arith.constant 0 : i32
          %dma_wait3A_117 = tpu.memref_slice %arg6[%add3A_115, %dma_wait3A_116] : memref<79360x128xi32, #tpu.memory_space<hbm>> -> memref<80x128xi32, #tpu.memory_space<hbm>>
          %dma_wait3A_118 = arith.constant 0 : i32
          %dma_wait3A_119 = tpu.memref_slice %arg6[%add3A_115, %dma_wait3A_118] : memref<79360x128xi32, #tpu.memory_space<hbm>> -> memref<80x128xi32, #tpu.memory_space<hbm>>
          tpu.wait_dma2 semaphore(%arg17 : memref<!tpu.dma_semaphore, #tpu.memory_space<semaphore_mem>>) src(%arg11 : memref<80x128xi32, #tpu.memory_space<vmem>>) dst(%dma_wait3A_119 : memref<80x128xi32, #tpu.memory_space<hbm>>)
        } else {
        }
        %add3A_56 = arith.constant 0 : i32
        %add3A_57 = arith.addi %mul3A_51, %add3A_56 : i32
        %mul3A_58 = arith.constant 80 : i32
        %mul3A_59 = arith.muli %add3A_57, %mul3A_58 : i32
        %dma_start3A = tpu.memref_slice %arg9[%mul3A_59] : memref<4960xi32, #tpu.memory_space<vmem>> -> memref<80xi32, #tpu.memory_space<vmem>>
        %dma_start3A_60 = arith.constant 0 : i32
        %dma_start3A_61 = arith.constant 0 : i32
        %dma_start3A_62 = tpu.memref_slice %arg2[%dma_start3A_60, %dma_start3A_61] : memref<10000x128xi32, #tpu.memory_space<hbm>> -> memref<10000x128xi32, #tpu.memory_space<hbm>>
        tpu.enqueue_indirect_dma source(%dma_start3A_62 : memref<10000x128xi32, #tpu.memory_space<hbm>>) target(%arg11 : memref<80x128xi32, #tpu.memory_space<vmem>>) offsets(%dma_start3A : memref<80xi32, #tpu.memory_space<vmem>>) semaphore(%arg15 : memref<!tpu.dma_semaphore, #tpu.memory_space<semaphore_mem>>)
        %gt3A_63 = arith.constant 0 : i32
        %gt3A_64 = arith.cmpi sgt, %add3A_49, %gt3A_63 : i32
        %convert_element_type3A_65 = arith.extui %gt3A_64 : i1 to i32
        %cond3A_66 = arith.constant 0 : i32
        %cond3A_67 = arith.cmpi ne, %convert_element_type3A_65, %cond3A_66 : i32
        scf.if %cond3A_67 {
          %add3A_110 = arith.constant 1 : i32
          %add3A_111 = arith.addi %mul3A_51, %add3A_110 : i32
          %sub3A = arith.constant 2 : i32
          %sub3A_112 = arith.subi %add3A_111, %sub3A : i32
          %mul3A_113 = arith.constant 80 : i32
          %mul3A_114 = arith.muli %sub3A_112, %mul3A_113 : i32
          %add3A_115 = arith.addi %mul3A_0, %mul3A_114 : i32
          %dma_wait3A_116 = arith.constant 0 : i32
          %dma_wait3A_117 = tpu.memref_slice %arg6[%add3A_115, %dma_wait3A_116] : memref<79360x128xi32, #tpu.memory_space<hbm>> -> memref<80x128xi32, #tpu.memory_space<hbm>>
          %dma_wait3A_118 = arith.constant 0 : i32
          %dma_wait3A_119 = tpu.memref_slice %arg6[%add3A_115, %dma_wait3A_118] : memref<79360x128xi32, #tpu.memory_space<hbm>> -> memref<80x128xi32, #tpu.memory_space<hbm>>
          tpu.wait_dma2 semaphore(%arg18 : memref<!tpu.dma_semaphore, #tpu.memory_space<semaphore_mem>>) src(%arg12 : memref<80x128xi32, #tpu.memory_space<vmem>>) dst(%dma_wait3A_119 : memref<80x128xi32, #tpu.memory_space<hbm>>)
        } else {
        }
        %add3A_68 = arith.constant 1 : i32
        %add3A_69 = arith.addi %mul3A_51, %add3A_68 : i32
        %mul3A_70 = arith.constant 80 : i32
        %mul3A_71 = arith.muli %add3A_69, %mul3A_70 : i32
        %dma_start3A_72 = tpu.memref_slice %arg9[%mul3A_71] : memref<4960xi32, #tpu.memory_space<vmem>> -> memref<80xi32, #tpu.memory_space<vmem>>
        %dma_start3A_73 = arith.constant 0 : i32
        %dma_start3A_74 = arith.constant 0 : i32
        %dma_start3A_75 = tpu.memref_slice %arg2[%dma_start3A_73, %dma_start3A_74] : memref<10000x128xi32, #tpu.memory_space<hbm>> -> memref<10000x128xi32, #tpu.memory_space<hbm>>
        tpu.enqueue_indirect_dma source(%dma_start3A_75 : memref<10000x128xi32, #tpu.memory_space<hbm>>) target(%arg12 : memref<80x128xi32, #tpu.memory_space<vmem>>) offsets(%dma_start3A_72 : memref<80xi32, #tpu.memory_space<vmem>>) semaphore(%arg16 : memref<!tpu.dma_semaphore, #tpu.memory_space<semaphore_mem>>)
        %add3A_76 = arith.constant 0 : i32
        %add3A_77 = arith.addi %mul3A_51, %add3A_76 : i32
        %mul3A_78 = arith.constant 80 : i32
        %mul3A_79 = arith.muli %add3A_77, %mul3A_78 : i32
        %dma_wait3A_80 = tpu.memref_slice %arg9[%mul3A_79] : memref<4960xi32, #tpu.memory_space<vmem>> -> memref<80xi32, #tpu.memory_space<vmem>>
        %dma_wait3A_81 = arith.constant 0 : i32
        %dma_wait3A_82 = arith.constant 0 : i32
        %dma_wait3A_83 = tpu.memref_slice %arg2[%dma_wait3A_81, %dma_wait3A_82] : memref<10000x128xi32, #tpu.memory_space<hbm>> -> memref<10000x128xi32, #tpu.memory_space<hbm>>
        tpu.wait_indirect_dma semaphore(%arg15 : memref<!tpu.dma_semaphore, #tpu.memory_space<semaphore_mem>>) src(%dma_wait3A_83 : memref<10000x128xi32, #tpu.memory_space<hbm>>) dst(%arg11 : memref<80x128xi32, #tpu.memory_space<vmem>>)
        %add3A_84 = arith.constant 0 : i32
        %add3A_85 = arith.addi %mul3A_51, %add3A_84 : i32
        %mul3A_86 = arith.constant 80 : i32
        %mul3A_87 = arith.muli %add3A_85, %mul3A_86 : i32
        %add3A_88 = arith.addi %mul3A_0, %mul3A_87 : i32
        %dma_start3A_89 = arith.constant 0 : i32
        %dma_start3A_90 = tpu.memref_slice %arg6[%add3A_88, %dma_start3A_89] : memref<79360x128xi32, #tpu.memory_space<hbm>> -> memref<80x128xi32, #tpu.memory_space<hbm>>
        %dma_start3A_91 = arith.constant 0 : i32
        %dma_start3A_92 = tpu.memref_slice %arg6[%add3A_88, %dma_start3A_91] : memref<79360x128xi32, #tpu.memory_space<hbm>> -> memref<80x128xi32, #tpu.memory_space<hbm>>
        tpu.enqueue_dma source(%arg11 : memref<80x128xi32, #tpu.memory_space<vmem>>) target(%dma_start3A_92 : memref<80x128xi32, #tpu.memory_space<hbm>>) target_semaphore(%arg17 : memref<!tpu.dma_semaphore, #tpu.memory_space<semaphore_mem>>)
        %add3A_93 = arith.constant 1 : i32
        %add3A_94 = arith.addi %mul3A_51, %add3A_93 : i32
        %mul3A_95 = arith.constant 80 : i32
        %mul3A_96 = arith.muli %add3A_94, %mul3A_95 : i32
        %dma_wait3A_97 = tpu.memref_slice %arg9[%mul3A_96] : memref<4960xi32, #tpu.memory_space<vmem>> -> memref<80xi32, #tpu.memory_space<vmem>>
        %dma_wait3A_98 = arith.constant 0 : i32
        %dma_wait3A_99 = arith.constant 0 : i32
        %dma_wait3A_100 = tpu.memref_slice %arg2[%dma_wait3A_98, %dma_wait3A_99] : memref<10000x128xi32, #tpu.memory_space<hbm>> -> memref<10000x128xi32, #tpu.memory_space<hbm>>
        tpu.wait_indirect_dma semaphore(%arg16 : memref<!tpu.dma_semaphore, #tpu.memory_space<semaphore_mem>>) src(%dma_wait3A_100 : memref<10000x128xi32, #tpu.memory_space<hbm>>) dst(%arg12 : memref<80x128xi32, #tpu.memory_space<vmem>>)
        %add3A_101 = arith.constant 1 : i32
        %add3A_102 = arith.addi %mul3A_51, %add3A_101 : i32
        %mul3A_103 = arith.constant 80 : i32
        %mul3A_104 = arith.muli %add3A_102, %mul3A_103 : i32
        %add3A_105 = arith.addi %mul3A_0, %mul3A_104 : i32
        %dma_start3A_106 = arith.constant 0 : i32
        %dma_start3A_107 = tpu.memref_slice %arg6[%add3A_105, %dma_start3A_106] : memref<79360x128xi32, #tpu.memory_space<hbm>> -> memref<80x128xi32, #tpu.memory_space<hbm>>
        %dma_start3A_108 = arith.constant 0 : i32
        %dma_start3A_109 = tpu.memref_slice %arg6[%add3A_105, %dma_start3A_108] : memref<79360x128xi32, #tpu.memory_space<hbm>> -> memref<80x128xi32, #tpu.memory_space<hbm>>
        tpu.enqueue_dma source(%arg12 : memref<80x128xi32, #tpu.memory_space<vmem>>) target(%dma_start3A_109 : memref<80x128xi32, #tpu.memory_space<hbm>>) target_semaphore(%arg18 : memref<!tpu.dma_semaphore, #tpu.memory_space<semaphore_mem>>)
      }
      %scan3A_12 = arith.constant 31 : i32
      %add3A_13 = arith.constant 4800 : i32
      %add3A_14 = arith.addi %mul3A_0, %add3A_13 : i32
      %dma_wait3A = arith.constant 0 : i32
      %dma_wait3A_15 = tpu.memref_slice %arg6[%add3A_14, %dma_wait3A] : memref<79360x128xi32, #tpu.memory_space<hbm>> -> memref<80x128xi32, #tpu.memory_space<hbm>>
      %dma_wait3A_16 = arith.constant 0 : i32
      %dma_wait3A_17 = tpu.memref_slice %arg6[%add3A_14, %dma_wait3A_16] : memref<79360x128xi32, #tpu.memory_space<hbm>> -> memref<80x128xi32, #tpu.memory_space<hbm>>
      tpu.wait_dma2 semaphore(%arg17 : memref<!tpu.dma_semaphore, #tpu.memory_space<semaphore_mem>>) src(%arg11 : memref<80x128xi32, #tpu.memory_space<vmem>>) dst(%dma_wait3A_17 : memref<80x128xi32, #tpu.memory_space<hbm>>)
      %add3A_18 = arith.constant 4880 : i32
      %add3A_19 = arith.addi %mul3A_0, %add3A_18 : i32
      %dma_wait3A_20 = arith.constant 0 : i32
      %dma_wait3A_21 = tpu.memref_slice %arg6[%add3A_19, %dma_wait3A_20] : memref<79360x128xi32, #tpu.memory_space<hbm>> -> memref<80x128xi32, #tpu.memory_space<hbm>>
      %dma_wait3A_22 = arith.constant 0 : i32
      %dma_wait3A_23 = tpu.memref_slice %arg6[%add3A_19, %dma_wait3A_22] : memref<79360x128xi32, #tpu.memory_space<hbm>> -> memref<80x128xi32, #tpu.memory_space<hbm>>
      tpu.wait_dma2 semaphore(%arg18 : memref<!tpu.dma_semaphore, #tpu.memory_space<semaphore_mem>>) src(%arg12 : memref<80x128xi32, #tpu.memory_space<vmem>>) dst(%dma_wait3A_23 : memref<80x128xi32, #tpu.memory_space<hbm>>)
      %mul3A_24 = arith.constant 2480 : i32
      %mul3A_25 = arith.muli %arg1, %mul3A_24 : i32
      %add3A_26 = arith.constant 0 : i32
      %add3A_27 = arith.addi %add3A_26, %mul3A_25 : i32
      "tpu.region"() ({
        %run_scoped3A = tpu.sem_alloc : memref<!tpu.dma_semaphore, #tpu.memory_space<semaphore_mem>>
        %dma_start3A = tpu.memref_slice %arg5[%add3A_27] : memref<160000xi32, #tpu.memory_space<hbm>> -> memref<2480xi32, #tpu.memory_space<hbm>>
        %dma_start3A_45 = tpu.memref_slice %arg5[%add3A_27] : memref<160000xi32, #tpu.memory_space<hbm>> -> memref<2480xi32, #tpu.memory_space<hbm>>
        tpu.enqueue_dma source(%dma_start3A_45 : memref<2480xi32, #tpu.memory_space<hbm>>) target(%arg10 : memref<2480xi32, #tpu.memory_space<vmem>>) target_semaphore(%run_scoped3A : memref<!tpu.dma_semaphore, #tpu.memory_space<semaphore_mem>>)
        %dma_wait3A_46 = tpu.memref_slice %arg5[%add3A_27] : memref<160000xi32, #tpu.memory_space<hbm>> -> memref<2480xi32, #tpu.memory_space<hbm>>
        %dma_wait3A_47 = tpu.memref_slice %arg5[%add3A_27] : memref<160000xi32, #tpu.memory_space<hbm>> -> memref<2480xi32, #tpu.memory_space<hbm>>
        tpu.wait_dma2 semaphore(%run_scoped3A : memref<!tpu.dma_semaphore, #tpu.memory_space<semaphore_mem>>) src(%dma_wait3A_47 : memref<2480xi32, #tpu.memory_space<hbm>>) dst(%arg10 : memref<2480xi32, #tpu.memory_space<vmem>>)
        tpu.yield
      }) : () -> ()
      %scan3A_28 = arith.constant 0 : i32
      %scan3A_29 = arith.constant 31 : i32
      %scan3A_30 = arith.addi %scan3A_28, %scan3A_29 : i32
      %scan3A_31 = arith.constant 1 : i32
      scf.for %scan3A_45 = %scan3A_28 to %scan3A_30 step %scan3A_31  : i32 {
        %mul3A_46 = arith.constant 1 : i32
        %mul3A_47 = arith.muli %scan3A_45, %mul3A_46 : i32
        %add3A_48 = arith.constant 0 : i32
        %add3A_49 = arith.addi %add3A_48, %mul3A_47 : i32
        %mul3A_50 = arith.constant 2 : i32
        %mul3A_51 = arith.muli %mul3A_50, %add3A_49 : i32
        %gt3A = arith.constant 0 : i32
        %gt3A_52 = arith.cmpi sgt, %add3A_49, %gt3A : i32
        %convert_element_type3A_53 = arith.extui %gt3A_52 : i1 to i32
        %cond3A_54 = arith.constant 0 : i32
        %cond3A_55 = arith.cmpi ne, %convert_element_type3A_53, %cond3A_54 : i32
        scf.if %cond3A_55 {
          %add3A_110 = arith.constant 0 : i32
          %add3A_111 = arith.addi %mul3A_51, %add3A_110 : i32
          %sub3A = arith.constant 2 : i32
          %sub3A_112 = arith.subi %add3A_111, %sub3A : i32
          %mul3A_113 = arith.constant 40 : i32
          %mul3A_114 = arith.muli %sub3A_112, %mul3A_113 : i32
          %add3A_115 = arith.addi %mul3A_25, %mul3A_114 : i32
          %dma_wait3A_116 = arith.constant 0 : i32
          %dma_wait3A_117 = tpu.memref_slice %arg8[%add3A_115, %dma_wait3A_116] : memref<79360x128xi32, #tpu.memory_space<hbm>> -> memref<40x128xi32, #tpu.memory_space<hbm>>
          %dma_wait3A_118 = arith.constant 0 : i32
          %dma_wait3A_119 = tpu.memref_slice %arg8[%add3A_115, %dma_wait3A_118] : memref<79360x128xi32, #tpu.memory_space<hbm>> -> memref<40x128xi32, #tpu.memory_space<hbm>>
          tpu.wait_dma2 semaphore(%arg17 : memref<!tpu.dma_semaphore, #tpu.memory_space<semaphore_mem>>) src(%arg13 : memref<40x128xi32, #tpu.memory_space<vmem>>) dst(%dma_wait3A_119 : memref<40x128xi32, #tpu.memory_space<hbm>>)
        } else {
        }
        %add3A_56 = arith.constant 0 : i32
        %add3A_57 = arith.addi %mul3A_51, %add3A_56 : i32
        %mul3A_58 = arith.constant 40 : i32
        %mul3A_59 = arith.muli %add3A_57, %mul3A_58 : i32
        %dma_start3A = tpu.memref_slice %arg10[%mul3A_59] : memref<2480xi32, #tpu.memory_space<vmem>> -> memref<40xi32, #tpu.memory_space<vmem>>
        %dma_start3A_60 = arith.constant 0 : i32
        %dma_start3A_61 = arith.constant 0 : i32
        %dma_start3A_62 = tpu.memref_slice %arg4[%dma_start3A_60, %dma_start3A_61] : memref<10000x128xi32, #tpu.memory_space<hbm>> -> memref<10000x128xi32, #tpu.memory_space<hbm>>
        tpu.enqueue_indirect_dma source(%dma_start3A_62 : memref<10000x128xi32, #tpu.memory_space<hbm>>) target(%arg13 : memref<40x128xi32, #tpu.memory_space<vmem>>) offsets(%dma_start3A : memref<40xi32, #tpu.memory_space<vmem>>) semaphore(%arg15 : memref<!tpu.dma_semaphore, #tpu.memory_space<semaphore_mem>>)
        %gt3A_63 = arith.constant 0 : i32
        %gt3A_64 = arith.cmpi sgt, %add3A_49, %gt3A_63 : i32
        %convert_element_type3A_65 = arith.extui %gt3A_64 : i1 to i32
        %cond3A_66 = arith.constant 0 : i32
        %cond3A_67 = arith.cmpi ne, %convert_element_type3A_65, %cond3A_66 : i32
        scf.if %cond3A_67 {
          %add3A_110 = arith.constant 1 : i32
          %add3A_111 = arith.addi %mul3A_51, %add3A_110 : i32
          %sub3A = arith.constant 2 : i32
          %sub3A_112 = arith.subi %add3A_111, %sub3A : i32
          %mul3A_113 = arith.constant 40 : i32
          %mul3A_114 = arith.muli %sub3A_112, %mul3A_113 : i32
          %add3A_115 = arith.addi %mul3A_25, %mul3A_114 : i32
          %dma_wait3A_116 = arith.constant 0 : i32
          %dma_wait3A_117 = tpu.memref_slice %arg8[%add3A_115, %dma_wait3A_116] : memref<79360x128xi32, #tpu.memory_space<hbm>> -> memref<40x128xi32, #tpu.memory_space<hbm>>
          %dma_wait3A_118 = arith.constant 0 : i32
          %dma_wait3A_119 = tpu.memref_slice %arg8[%add3A_115, %dma_wait3A_118] : memref<79360x128xi32, #tpu.memory_space<hbm>> -> memref<40x128xi32, #tpu.memory_space<hbm>>
          tpu.wait_dma2 semaphore(%arg18 : memref<!tpu.dma_semaphore, #tpu.memory_space<semaphore_mem>>) src(%arg14 : memref<40x128xi32, #tpu.memory_space<vmem>>) dst(%dma_wait3A_119 : memref<40x128xi32, #tpu.memory_space<hbm>>)
        } else {
        }
        %add3A_68 = arith.constant 1 : i32
        %add3A_69 = arith.addi %mul3A_51, %add3A_68 : i32
        %mul3A_70 = arith.constant 40 : i32
        %mul3A_71 = arith.muli %add3A_69, %mul3A_70 : i32
        %dma_start3A_72 = tpu.memref_slice %arg10[%mul3A_71] : memref<2480xi32, #tpu.memory_space<vmem>> -> memref<40xi32, #tpu.memory_space<vmem>>
        %dma_start3A_73 = arith.constant 0 : i32
        %dma_start3A_74 = arith.constant 0 : i32
        %dma_start3A_75 = tpu.memref_slice %arg4[%dma_start3A_73, %dma_start3A_74] : memref<10000x128xi32, #tpu.memory_space<hbm>> -> memref<10000x128xi32, #tpu.memory_space<hbm>>
        tpu.enqueue_indirect_dma source(%dma_start3A_75 : memref<10000x128xi32, #tpu.memory_space<hbm>>) target(%arg14 : memref<40x128xi32, #tpu.memory_space<vmem>>) offsets(%dma_start3A_72 : memref<40xi32, #tpu.memory_space<vmem>>) semaphore(%arg16 : memref<!tpu.dma_semaphore, #tpu.memory_space<semaphore_mem>>)
        %add3A_76 = arith.constant 0 : i32
        %add3A_77 = arith.addi %mul3A_51, %add3A_76 : i32
        %mul3A_78 = arith.constant 40 : i32
        %mul3A_79 = arith.muli %add3A_77, %mul3A_78 : i32
        %dma_wait3A_80 = tpu.memref_slice %arg10[%mul3A_79] : memref<2480xi32, #tpu.memory_space<vmem>> -> memref<40xi32, #tpu.memory_space<vmem>>
        %dma_wait3A_81 = arith.constant 0 : i32
        %dma_wait3A_82 = arith.constant 0 : i32
        %dma_wait3A_83 = tpu.memref_slice %arg4[%dma_wait3A_81, %dma_wait3A_82] : memref<10000x128xi32, #tpu.memory_space<hbm>> -> memref<10000x128xi32, #tpu.memory_space<hbm>>
        tpu.wait_indirect_dma semaphore(%arg15 : memref<!tpu.dma_semaphore, #tpu.memory_space<semaphore_mem>>) src(%dma_wait3A_83 : memref<10000x128xi32, #tpu.memory_space<hbm>>) dst(%arg13 : memref<40x128xi32, #tpu.memory_space<vmem>>)
        %add3A_84 = arith.constant 0 : i32
        %add3A_85 = arith.addi %mul3A_51, %add3A_84 : i32
        %mul3A_86 = arith.constant 40 : i32
        %mul3A_87 = arith.muli %add3A_85, %mul3A_86 : i32
        %add3A_88 = arith.addi %mul3A_25, %mul3A_87 : i32
        %dma_start3A_89 = arith.constant 0 : i32
        %dma_start3A_90 = tpu.memref_slice %arg8[%add3A_88, %dma_start3A_89] : memref<79360x128xi32, #tpu.memory_space<hbm>> -> memref<40x128xi32, #tpu.memory_space<hbm>>
        %dma_start3A_91 = arith.constant 0 : i32
        %dma_start3A_92 = tpu.memref_slice %arg8[%add3A_88, %dma_start3A_91] : memref<79360x128xi32, #tpu.memory_space<hbm>> -> memref<40x128xi32, #tpu.memory_space<hbm>>
        tpu.enqueue_dma source(%arg13 : memref<40x128xi32, #tpu.memory_space<vmem>>) target(%dma_start3A_92 : memref<40x128xi32, #tpu.memory_space<hbm>>) target_semaphore(%arg17 : memref<!tpu.dma_semaphore, #tpu.memory_space<semaphore_mem>>)
        %add3A_93 = arith.constant 1 : i32
        %add3A_94 = arith.addi %mul3A_51, %add3A_93 : i32
        %mul3A_95 = arith.constant 40 : i32
        %mul3A_96 = arith.muli %add3A_94, %mul3A_95 : i32
        %dma_wait3A_97 = tpu.memref_slice %arg10[%mul3A_96] : memref<2480xi32, #tpu.memory_space<vmem>> -> memref<40xi32, #tpu.memory_space<vmem>>
        %dma_wait3A_98 = arith.constant 0 : i32
        %dma_wait3A_99 = arith.constant 0 : i32
        %dma_wait3A_100 = tpu.memref_slice %arg4[%dma_wait3A_98, %dma_wait3A_99] : memref<10000x128xi32, #tpu.memory_space<hbm>> -> memref<10000x128xi32, #tpu.memory_space<hbm>>
        tpu.wait_indirect_dma semaphore(%arg16 : memref<!tpu.dma_semaphore, #tpu.memory_space<semaphore_mem>>) src(%dma_wait3A_100 : memref<10000x128xi32, #tpu.memory_space<hbm>>) dst(%arg14 : memref<40x128xi32, #tpu.memory_space<vmem>>)
        %add3A_101 = arith.constant 1 : i32
        %add3A_102 = arith.addi %mul3A_51, %add3A_101 : i32
        %mul3A_103 = arith.constant 40 : i32
        %mul3A_104 = arith.muli %add3A_102, %mul3A_103 : i32
        %add3A_105 = arith.addi %mul3A_25, %mul3A_104 : i32
        %dma_start3A_106 = arith.constant 0 : i32
        %dma_start3A_107 = tpu.memref_slice %arg8[%add3A_105, %dma_start3A_106] : memref<79360x128xi32, #tpu.memory_space<hbm>> -> memref<40x128xi32, #tpu.memory_space<hbm>>
        %dma_start3A_108 = arith.constant 0 : i32
        %dma_start3A_109 = tpu.memref_slice %arg8[%add3A_105, %dma_start3A_108] : memref<79360x128xi32, #tpu.memory_space<hbm>> -> memref<40x128xi32, #tpu.memory_space<hbm>>
        tpu.enqueue_dma source(%arg14 : memref<40x128xi32, #tpu.memory_space<vmem>>) target(%dma_start3A_109 : memref<40x128xi32, #tpu.memory_space<hbm>>) target_semaphore(%arg18 : memref<!tpu.dma_semaphore, #tpu.memory_space<semaphore_mem>>)
      }
      %scan3A_32 = arith.constant 31 : i32
      %add3A_33 = arith.constant 2400 : i32
      %add3A_34 = arith.addi %mul3A_25, %add3A_33 : i32
      %dma_wait3A_35 = arith.constant 0 : i32
      %dma_wait3A_36 = tpu.memref_slice %arg8[%add3A_34, %dma_wait3A_35] : memref<79360x128xi32, #tpu.memory_space<hbm>> -> memref<40x128xi32, #tpu.memory_space<hbm>>
      %dma_wait3A_37 = arith.constant 0 : i32
      %dma_wait3A_38 = tpu.memref_slice %arg8[%add3A_34, %dma_wait3A_37] : memref<79360x128xi32, #tpu.memory_space<hbm>> -> memref<40x128xi32, #tpu.memory_space<hbm>>
      tpu.wait_dma2 semaphore(%arg17 : memref<!tpu.dma_semaphore, #tpu.memory_space<semaphore_mem>>) src(%arg13 : memref<40x128xi32, #tpu.memory_space<vmem>>) dst(%dma_wait3A_38 : memref<40x128xi32, #tpu.memory_space<hbm>>)
      %add3A_39 = arith.constant 2440 : i32
      %add3A_40 = arith.addi %mul3A_25, %add3A_39 : i32
      %dma_wait3A_41 = arith.constant 0 : i32
      %dma_wait3A_42 = tpu.memref_slice %arg8[%add3A_40, %dma_wait3A_41] : memref<79360x128xi32, #tpu.memory_space<hbm>> -> memref<40x128xi32, #tpu.memory_space<hbm>>
      %dma_wait3A_43 = arith.constant 0 : i32
      %dma_wait3A_44 = tpu.memref_slice %arg8[%add3A_40, %dma_wait3A_43] : memref<79360x128xi32, #tpu.memory_space<hbm>> -> memref<40x128xi32, #tpu.memory_space<hbm>>
      tpu.wait_dma2 semaphore(%arg18 : memref<!tpu.dma_semaphore, #tpu.memory_space<semaphore_mem>>) src(%arg14 : memref<40x128xi32, #tpu.memory_space<vmem>>) dst(%dma_wait3A_44 : memref<40x128xi32, #tpu.memory_space<hbm>>)
    } else {
    }
    %eq3A_4 = arith.constant 1 : i32
    %eq3A_5 = arith.cmpi eq, %arg0, %eq3A_4 : i32
    %convert_element_type3A_6 = arith.extui %eq3A_5 : i1 to i32
    %cond3A_7 = arith.constant 0 : i32
    %cond3A_8 = arith.cmpi ne, %convert_element_type3A_6, %cond3A_7 : i32
    scf.if %cond3A_8 {
      %scan3A = arith.constant 0 : i32
      %scan3A_9 = arith.constant 31 : i32
      %scan3A_10 = arith.addi %scan3A, %scan3A_9 : i32
      %scan3A_11 = arith.constant 1 : i32
      scf.for %scan3A_47 = %scan3A to %scan3A_10 step %scan3A_11  : i32 {
        %mul3A_48 = arith.constant 1 : i32
        %mul3A_49 = arith.muli %scan3A_47, %mul3A_48 : i32
        %add3A_50 = arith.constant 0 : i32
        %add3A_51 = arith.addi %add3A_50, %mul3A_49 : i32
        %mul3A_52 = arith.constant 2 : i32
        %mul3A_53 = arith.muli %mul3A_52, %add3A_51 : i32
        %gt3A = arith.constant 0 : i32
        %gt3A_54 = arith.cmpi sgt, %add3A_51, %gt3A : i32
        %convert_element_type3A_55 = arith.extui %gt3A_54 : i1 to i32
        %cond3A_56 = arith.constant 0 : i32
        %cond3A_57 = arith.cmpi ne, %convert_element_type3A_55, %cond3A_56 : i32
        scf.if %cond3A_57 {
          %add3A_112 = arith.constant 0 : i32
          %add3A_113 = arith.addi %mul3A_53, %add3A_112 : i32
          %sub3A = arith.constant 2 : i32
          %sub3A_114 = arith.subi %add3A_113, %sub3A : i32
          %mul3A_115 = arith.constant 80 : i32
          %mul3A_116 = arith.muli %sub3A_114, %mul3A_115 : i32
          %add3A_117 = arith.addi %mul3A_0, %mul3A_116 : i32
          %dma_wait3A_118 = arith.constant 0 : i32
          %dma_wait3A_119 = tpu.memref_slice %arg7[%add3A_117, %dma_wait3A_118] : memref<79360x128xi32, #tpu.memory_space<hbm>> -> memref<80x128xi32, #tpu.memory_space<hbm>>
          %dma_wait3A_120 = arith.constant 0 : i32
          %dma_wait3A_121 = tpu.memref_slice %arg7[%add3A_117, %dma_wait3A_120] : memref<79360x128xi32, #tpu.memory_space<hbm>> -> memref<80x128xi32, #tpu.memory_space<hbm>>
          tpu.wait_dma2 semaphore(%arg17 : memref<!tpu.dma_semaphore, #tpu.memory_space<semaphore_mem>>) src(%arg11 : memref<80x128xi32, #tpu.memory_space<vmem>>) dst(%dma_wait3A_121 : memref<80x128xi32, #tpu.memory_space<hbm>>)
        } else {
        }
        %add3A_58 = arith.constant 0 : i32
        %add3A_59 = arith.addi %mul3A_53, %add3A_58 : i32
        %mul3A_60 = arith.constant 80 : i32
        %mul3A_61 = arith.muli %add3A_59, %mul3A_60 : i32
        %dma_start3A = tpu.memref_slice %arg9[%mul3A_61] : memref<4960xi32, #tpu.memory_space<vmem>> -> memref<80xi32, #tpu.memory_space<vmem>>
        %dma_start3A_62 = arith.constant 0 : i32
        %dma_start3A_63 = arith.constant 0 : i32
        %dma_start3A_64 = tpu.memref_slice %arg3[%dma_start3A_62, %dma_start3A_63] : memref<10000x128xi32, #tpu.memory_space<hbm>> -> memref<10000x128xi32, #tpu.memory_space<hbm>>
        tpu.enqueue_indirect_dma source(%dma_start3A_64 : memref<10000x128xi32, #tpu.memory_space<hbm>>) target(%arg11 : memref<80x128xi32, #tpu.memory_space<vmem>>) offsets(%dma_start3A : memref<80xi32, #tpu.memory_space<vmem>>) semaphore(%arg15 : memref<!tpu.dma_semaphore, #tpu.memory_space<semaphore_mem>>)
        %gt3A_65 = arith.constant 0 : i32
        %gt3A_66 = arith.cmpi sgt, %add3A_51, %gt3A_65 : i32
        %convert_element_type3A_67 = arith.extui %gt3A_66 : i1 to i32
        %cond3A_68 = arith.constant 0 : i32
        %cond3A_69 = arith.cmpi ne, %convert_element_type3A_67, %cond3A_68 : i32
        scf.if %cond3A_69 {
          %add3A_112 = arith.constant 1 : i32
          %add3A_113 = arith.addi %mul3A_53, %add3A_112 : i32
          %sub3A = arith.constant 2 : i32
          %sub3A_114 = arith.subi %add3A_113, %sub3A : i32
          %mul3A_115 = arith.constant 80 : i32
          %mul3A_116 = arith.muli %sub3A_114, %mul3A_115 : i32
          %add3A_117 = arith.addi %mul3A_0, %mul3A_116 : i32
          %dma_wait3A_118 = arith.constant 0 : i32
          %dma_wait3A_119 = tpu.memref_slice %arg7[%add3A_117, %dma_wait3A_118] : memref<79360x128xi32, #tpu.memory_space<hbm>> -> memref<80x128xi32, #tpu.memory_space<hbm>>
          %dma_wait3A_120 = arith.constant 0 : i32
          %dma_wait3A_121 = tpu.memref_slice %arg7[%add3A_117, %dma_wait3A_120] : memref<79360x128xi32, #tpu.memory_space<hbm>> -> memref<80x128xi32, #tpu.memory_space<hbm>>
          tpu.wait_dma2 semaphore(%arg18 : memref<!tpu.dma_semaphore, #tpu.memory_space<semaphore_mem>>) src(%arg12 : memref<80x128xi32, #tpu.memory_space<vmem>>) dst(%dma_wait3A_121 : memref<80x128xi32, #tpu.memory_space<hbm>>)
        } else {
        }
        %add3A_70 = arith.constant 1 : i32
        %add3A_71 = arith.addi %mul3A_53, %add3A_70 : i32
        %mul3A_72 = arith.constant 80 : i32
        %mul3A_73 = arith.muli %add3A_71, %mul3A_72 : i32
        %dma_start3A_74 = tpu.memref_slice %arg9[%mul3A_73] : memref<4960xi32, #tpu.memory_space<vmem>> -> memref<80xi32, #tpu.memory_space<vmem>>
        %dma_start3A_75 = arith.constant 0 : i32
        %dma_start3A_76 = arith.constant 0 : i32
        %dma_start3A_77 = tpu.memref_slice %arg3[%dma_start3A_75, %dma_start3A_76] : memref<10000x128xi32, #tpu.memory_space<hbm>> -> memref<10000x128xi32, #tpu.memory_space<hbm>>
        tpu.enqueue_indirect_dma source(%dma_start3A_77 : memref<10000x128xi32, #tpu.memory_space<hbm>>) target(%arg12 : memref<80x128xi32, #tpu.memory_space<vmem>>) offsets(%dma_start3A_74 : memref<80xi32, #tpu.memory_space<vmem>>) semaphore(%arg16 : memref<!tpu.dma_semaphore, #tpu.memory_space<semaphore_mem>>)
        %add3A_78 = arith.constant 0 : i32
        %add3A_79 = arith.addi %mul3A_53, %add3A_78 : i32
        %mul3A_80 = arith.constant 80 : i32
        %mul3A_81 = arith.muli %add3A_79, %mul3A_80 : i32
        %dma_wait3A_82 = tpu.memref_slice %arg9[%mul3A_81] : memref<4960xi32, #tpu.memory_space<vmem>> -> memref<80xi32, #tpu.memory_space<vmem>>
        %dma_wait3A_83 = arith.constant 0 : i32
        %dma_wait3A_84 = arith.constant 0 : i32
        %dma_wait3A_85 = tpu.memref_slice %arg3[%dma_wait3A_83, %dma_wait3A_84] : memref<10000x128xi32, #tpu.memory_space<hbm>> -> memref<10000x128xi32, #tpu.memory_space<hbm>>
        tpu.wait_indirect_dma semaphore(%arg15 : memref<!tpu.dma_semaphore, #tpu.memory_space<semaphore_mem>>) src(%dma_wait3A_85 : memref<10000x128xi32, #tpu.memory_space<hbm>>) dst(%arg11 : memref<80x128xi32, #tpu.memory_space<vmem>>)
        %add3A_86 = arith.constant 0 : i32
        %add3A_87 = arith.addi %mul3A_53, %add3A_86 : i32
        %mul3A_88 = arith.constant 80 : i32
        %mul3A_89 = arith.muli %add3A_87, %mul3A_88 : i32
        %add3A_90 = arith.addi %mul3A_0, %mul3A_89 : i32
        %dma_start3A_91 = arith.constant 0 : i32
        %dma_start3A_92 = tpu.memref_slice %arg7[%add3A_90, %dma_start3A_91] : memref<79360x128xi32, #tpu.memory_space<hbm>> -> memref<80x128xi32, #tpu.memory_space<hbm>>
        %dma_start3A_93 = arith.constant 0 : i32
        %dma_start3A_94 = tpu.memref_slice %arg7[%add3A_90, %dma_start3A_93] : memref<79360x128xi32, #tpu.memory_space<hbm>> -> memref<80x128xi32, #tpu.memory_space<hbm>>
        tpu.enqueue_dma source(%arg11 : memref<80x128xi32, #tpu.memory_space<vmem>>) target(%dma_start3A_94 : memref<80x128xi32, #tpu.memory_space<hbm>>) target_semaphore(%arg17 : memref<!tpu.dma_semaphore, #tpu.memory_space<semaphore_mem>>)
        %add3A_95 = arith.constant 1 : i32
        %add3A_96 = arith.addi %mul3A_53, %add3A_95 : i32
        %mul3A_97 = arith.constant 80 : i32
        %mul3A_98 = arith.muli %add3A_96, %mul3A_97 : i32
        %dma_wait3A_99 = tpu.memref_slice %arg9[%mul3A_98] : memref<4960xi32, #tpu.memory_space<vmem>> -> memref<80xi32, #tpu.memory_space<vmem>>
        %dma_wait3A_100 = arith.constant 0 : i32
        %dma_wait3A_101 = arith.constant 0 : i32
        %dma_wait3A_102 = tpu.memref_slice %arg3[%dma_wait3A_100, %dma_wait3A_101] : memref<10000x128xi32, #tpu.memory_space<hbm>> -> memref<10000x128xi32, #tpu.memory_space<hbm>>
        tpu.wait_indirect_dma semaphore(%arg16 : memref<!tpu.dma_semaphore, #tpu.memory_space<semaphore_mem>>) src(%dma_wait3A_102 : memref<10000x128xi32, #tpu.memory_space<hbm>>) dst(%arg12 : memref<80x128xi32, #tpu.memory_space<vmem>>)
        %add3A_103 = arith.constant 1 : i32
        %add3A_104 = arith.addi %mul3A_53, %add3A_103 : i32
        %mul3A_105 = arith.constant 80 : i32
        %mul3A_106 = arith.muli %add3A_104, %mul3A_105 : i32
        %add3A_107 = arith.addi %mul3A_0, %mul3A_106 : i32
        %dma_start3A_108 = arith.constant 0 : i32
        %dma_start3A_109 = tpu.memref_slice %arg7[%add3A_107, %dma_start3A_108] : memref<79360x128xi32, #tpu.memory_space<hbm>> -> memref<80x128xi32, #tpu.memory_space<hbm>>
        %dma_start3A_110 = arith.constant 0 : i32
        %dma_start3A_111 = tpu.memref_slice %arg7[%add3A_107, %dma_start3A_110] : memref<79360x128xi32, #tpu.memory_space<hbm>> -> memref<80x128xi32, #tpu.memory_space<hbm>>
        tpu.enqueue_dma source(%arg12 : memref<80x128xi32, #tpu.memory_space<vmem>>) target(%dma_start3A_111 : memref<80x128xi32, #tpu.memory_space<hbm>>) target_semaphore(%arg18 : memref<!tpu.dma_semaphore, #tpu.memory_space<semaphore_mem>>)
      }
      %scan3A_12 = arith.constant 31 : i32
      %add3A_13 = arith.constant 4800 : i32
      %add3A_14 = arith.addi %mul3A_0, %add3A_13 : i32
      %dma_wait3A = arith.constant 0 : i32
      %dma_wait3A_15 = tpu.memref_slice %arg7[%add3A_14, %dma_wait3A] : memref<79360x128xi32, #tpu.memory_space<hbm>> -> memref<80x128xi32, #tpu.memory_space<hbm>>
      %dma_wait3A_16 = arith.constant 0 : i32
      %dma_wait3A_17 = tpu.memref_slice %arg7[%add3A_14, %dma_wait3A_16] : memref<79360x128xi32, #tpu.memory_space<hbm>> -> memref<80x128xi32, #tpu.memory_space<hbm>>
      tpu.wait_dma2 semaphore(%arg17 : memref<!tpu.dma_semaphore, #tpu.memory_space<semaphore_mem>>) src(%arg11 : memref<80x128xi32, #tpu.memory_space<vmem>>) dst(%dma_wait3A_17 : memref<80x128xi32, #tpu.memory_space<hbm>>)
      %add3A_18 = arith.constant 4880 : i32
      %add3A_19 = arith.addi %mul3A_0, %add3A_18 : i32
      %dma_wait3A_20 = arith.constant 0 : i32
      %dma_wait3A_21 = tpu.memref_slice %arg7[%add3A_19, %dma_wait3A_20] : memref<79360x128xi32, #tpu.memory_space<hbm>> -> memref<80x128xi32, #tpu.memory_space<hbm>>
      %dma_wait3A_22 = arith.constant 0 : i32
      %dma_wait3A_23 = tpu.memref_slice %arg7[%add3A_19, %dma_wait3A_22] : memref<79360x128xi32, #tpu.memory_space<hbm>> -> memref<80x128xi32, #tpu.memory_space<hbm>>
      tpu.wait_dma2 semaphore(%arg18 : memref<!tpu.dma_semaphore, #tpu.memory_space<semaphore_mem>>) src(%arg12 : memref<80x128xi32, #tpu.memory_space<vmem>>) dst(%dma_wait3A_23 : memref<80x128xi32, #tpu.memory_space<hbm>>)
      %mul3A_24 = arith.constant 2480 : i32
      %mul3A_25 = arith.muli %arg1, %mul3A_24 : i32
      %add3A_26 = arith.constant 39680 : i32
      %add3A_27 = arith.addi %add3A_26, %mul3A_25 : i32
      %add3A_28 = arith.constant 0 : i32
      %add3A_29 = arith.addi %add3A_28, %add3A_27 : i32
      "tpu.region"() ({
        %run_scoped3A = tpu.sem_alloc : memref<!tpu.dma_semaphore, #tpu.memory_space<semaphore_mem>>
        %dma_start3A = tpu.memref_slice %arg5[%add3A_29] : memref<160000xi32, #tpu.memory_space<hbm>> -> memref<2480xi32, #tpu.memory_space<hbm>>
        %dma_start3A_47 = tpu.memref_slice %arg5[%add3A_29] : memref<160000xi32, #tpu.memory_space<hbm>> -> memref<2480xi32, #tpu.memory_space<hbm>>
        tpu.enqueue_dma source(%dma_start3A_47 : memref<2480xi32, #tpu.memory_space<hbm>>) target(%arg10 : memref<2480xi32, #tpu.memory_space<vmem>>) target_semaphore(%run_scoped3A : memref<!tpu.dma_semaphore, #tpu.memory_space<semaphore_mem>>)
        %dma_wait3A_48 = tpu.memref_slice %arg5[%add3A_29] : memref<160000xi32, #tpu.memory_space<hbm>> -> memref<2480xi32, #tpu.memory_space<hbm>>
        %dma_wait3A_49 = tpu.memref_slice %arg5[%add3A_29] : memref<160000xi32, #tpu.memory_space<hbm>> -> memref<2480xi32, #tpu.memory_space<hbm>>
        tpu.wait_dma2 semaphore(%run_scoped3A : memref<!tpu.dma_semaphore, #tpu.memory_space<semaphore_mem>>) src(%dma_wait3A_49 : memref<2480xi32, #tpu.memory_space<hbm>>) dst(%arg10 : memref<2480xi32, #tpu.memory_space<vmem>>)
        tpu.yield
      }) : () -> ()
      %scan3A_30 = arith.constant 0 : i32
      %scan3A_31 = arith.constant 31 : i32
      %scan3A_32 = arith.addi %scan3A_30, %scan3A_31 : i32
      %scan3A_33 = arith.constant 1 : i32
      scf.for %scan3A_47 = %scan3A_30 to %scan3A_32 step %scan3A_33  : i32 {
        %mul3A_48 = arith.constant 1 : i32
        %mul3A_49 = arith.muli %scan3A_47, %mul3A_48 : i32
        %add3A_50 = arith.constant 0 : i32
        %add3A_51 = arith.addi %add3A_50, %mul3A_49 : i32
        %mul3A_52 = arith.constant 2 : i32
        %mul3A_53 = arith.muli %mul3A_52, %add3A_51 : i32
        %gt3A = arith.constant 0 : i32
        %gt3A_54 = arith.cmpi sgt, %add3A_51, %gt3A : i32
        %convert_element_type3A_55 = arith.extui %gt3A_54 : i1 to i32
        %cond3A_56 = arith.constant 0 : i32
        %cond3A_57 = arith.cmpi ne, %convert_element_type3A_55, %cond3A_56 : i32
        scf.if %cond3A_57 {
          %add3A_112 = arith.constant 0 : i32
          %add3A_113 = arith.addi %mul3A_53, %add3A_112 : i32
          %sub3A = arith.constant 2 : i32
          %sub3A_114 = arith.subi %add3A_113, %sub3A : i32
          %mul3A_115 = arith.constant 40 : i32
          %mul3A_116 = arith.muli %sub3A_114, %mul3A_115 : i32
          %add3A_117 = arith.addi %add3A_27, %mul3A_116 : i32
          %dma_wait3A_118 = arith.constant 0 : i32
          %dma_wait3A_119 = tpu.memref_slice %arg8[%add3A_117, %dma_wait3A_118] : memref<79360x128xi32, #tpu.memory_space<hbm>> -> memref<40x128xi32, #tpu.memory_space<hbm>>
          %dma_wait3A_120 = arith.constant 0 : i32
          %dma_wait3A_121 = tpu.memref_slice %arg8[%add3A_117, %dma_wait3A_120] : memref<79360x128xi32, #tpu.memory_space<hbm>> -> memref<40x128xi32, #tpu.memory_space<hbm>>
          tpu.wait_dma2 semaphore(%arg17 : memref<!tpu.dma_semaphore, #tpu.memory_space<semaphore_mem>>) src(%arg13 : memref<40x128xi32, #tpu.memory_space<vmem>>) dst(%dma_wait3A_121 : memref<40x128xi32, #tpu.memory_space<hbm>>)
        } else {
        }
        %add3A_58 = arith.constant 0 : i32
        %add3A_59 = arith.addi %mul3A_53, %add3A_58 : i32
        %mul3A_60 = arith.constant 40 : i32
        %mul3A_61 = arith.muli %add3A_59, %mul3A_60 : i32
        %dma_start3A = tpu.memref_slice %arg10[%mul3A_61] : memref<2480xi32, #tpu.memory_space<vmem>> -> memref<40xi32, #tpu.memory_space<vmem>>
        %dma_start3A_62 = arith.constant 0 : i32
        %dma_start3A_63 = arith.constant 0 : i32
        %dma_start3A_64 = tpu.memref_slice %arg4[%dma_start3A_62, %dma_start3A_63] : memref<10000x128xi32, #tpu.memory_space<hbm>> -> memref<10000x128xi32, #tpu.memory_space<hbm>>
        tpu.enqueue_indirect_dma source(%dma_start3A_64 : memref<10000x128xi32, #tpu.memory_space<hbm>>) target(%arg13 : memref<40x128xi32, #tpu.memory_space<vmem>>) offsets(%dma_start3A : memref<40xi32, #tpu.memory_space<vmem>>) semaphore(%arg15 : memref<!tpu.dma_semaphore, #tpu.memory_space<semaphore_mem>>)
        %gt3A_65 = arith.constant 0 : i32
        %gt3A_66 = arith.cmpi sgt, %add3A_51, %gt3A_65 : i32
        %convert_element_type3A_67 = arith.extui %gt3A_66 : i1 to i32
        %cond3A_68 = arith.constant 0 : i32
        %cond3A_69 = arith.cmpi ne, %convert_element_type3A_67, %cond3A_68 : i32
        scf.if %cond3A_69 {
          %add3A_112 = arith.constant 1 : i32
          %add3A_113 = arith.addi %mul3A_53, %add3A_112 : i32
          %sub3A = arith.constant 2 : i32
          %sub3A_114 = arith.subi %add3A_113, %sub3A : i32
          %mul3A_115 = arith.constant 40 : i32
          %mul3A_116 = arith.muli %sub3A_114, %mul3A_115 : i32
          %add3A_117 = arith.addi %add3A_27, %mul3A_116 : i32
          %dma_wait3A_118 = arith.constant 0 : i32
          %dma_wait3A_119 = tpu.memref_slice %arg8[%add3A_117, %dma_wait3A_118] : memref<79360x128xi32, #tpu.memory_space<hbm>> -> memref<40x128xi32, #tpu.memory_space<hbm>>
          %dma_wait3A_120 = arith.constant 0 : i32
          %dma_wait3A_121 = tpu.memref_slice %arg8[%add3A_117, %dma_wait3A_120] : memref<79360x128xi32, #tpu.memory_space<hbm>> -> memref<40x128xi32, #tpu.memory_space<hbm>>
          tpu.wait_dma2 semaphore(%arg18 : memref<!tpu.dma_semaphore, #tpu.memory_space<semaphore_mem>>) src(%arg14 : memref<40x128xi32, #tpu.memory_space<vmem>>) dst(%dma_wait3A_121 : memref<40x128xi32, #tpu.memory_space<hbm>>)
        } else {
        }
        %add3A_70 = arith.constant 1 : i32
        %add3A_71 = arith.addi %mul3A_53, %add3A_70 : i32
        %mul3A_72 = arith.constant 40 : i32
        %mul3A_73 = arith.muli %add3A_71, %mul3A_72 : i32
        %dma_start3A_74 = tpu.memref_slice %arg10[%mul3A_73] : memref<2480xi32, #tpu.memory_space<vmem>> -> memref<40xi32, #tpu.memory_space<vmem>>
        %dma_start3A_75 = arith.constant 0 : i32
        %dma_start3A_76 = arith.constant 0 : i32
        %dma_start3A_77 = tpu.memref_slice %arg4[%dma_start3A_75, %dma_start3A_76] : memref<10000x128xi32, #tpu.memory_space<hbm>> -> memref<10000x128xi32, #tpu.memory_space<hbm>>
        tpu.enqueue_indirect_dma source(%dma_start3A_77 : memref<10000x128xi32, #tpu.memory_space<hbm>>) target(%arg14 : memref<40x128xi32, #tpu.memory_space<vmem>>) offsets(%dma_start3A_74 : memref<40xi32, #tpu.memory_space<vmem>>) semaphore(%arg16 : memref<!tpu.dma_semaphore, #tpu.memory_space<semaphore_mem>>)
        %add3A_78 = arith.constant 0 : i32
        %add3A_79 = arith.addi %mul3A_53, %add3A_78 : i32
        %mul3A_80 = arith.constant 40 : i32
        %mul3A_81 = arith.muli %add3A_79, %mul3A_80 : i32
        %dma_wait3A_82 = tpu.memref_slice %arg10[%mul3A_81] : memref<2480xi32, #tpu.memory_space<vmem>> -> memref<40xi32, #tpu.memory_space<vmem>>
        %dma_wait3A_83 = arith.constant 0 : i32
        %dma_wait3A_84 = arith.constant 0 : i32
        %dma_wait3A_85 = tpu.memref_slice %arg4[%dma_wait3A_83, %dma_wait3A_84] : memref<10000x128xi32, #tpu.memory_space<hbm>> -> memref<10000x128xi32, #tpu.memory_space<hbm>>
        tpu.wait_indirect_dma semaphore(%arg15 : memref<!tpu.dma_semaphore, #tpu.memory_space<semaphore_mem>>) src(%dma_wait3A_85 : memref<10000x128xi32, #tpu.memory_space<hbm>>) dst(%arg13 : memref<40x128xi32, #tpu.memory_space<vmem>>)
        %add3A_86 = arith.constant 0 : i32
        %add3A_87 = arith.addi %mul3A_53, %add3A_86 : i32
        %mul3A_88 = arith.constant 40 : i32
        %mul3A_89 = arith.muli %add3A_87, %mul3A_88 : i32
        %add3A_90 = arith.addi %add3A_27, %mul3A_89 : i32
        %dma_start3A_91 = arith.constant 0 : i32
        %dma_start3A_92 = tpu.memref_slice %arg8[%add3A_90, %dma_start3A_91] : memref<79360x128xi32, #tpu.memory_space<hbm>> -> memref<40x128xi32, #tpu.memory_space<hbm>>
        %dma_start3A_93 = arith.constant 0 : i32
        %dma_start3A_94 = tpu.memref_slice %arg8[%add3A_90, %dma_start3A_93] : memref<79360x128xi32, #tpu.memory_space<hbm>> -> memref<40x128xi32, #tpu.memory_space<hbm>>
        tpu.enqueue_dma source(%arg13 : memref<40x128xi32, #tpu.memory_space<vmem>>) target(%dma_start3A_94 : memref<40x128xi32, #tpu.memory_space<hbm>>) target_semaphore(%arg17 : memref<!tpu.dma_semaphore, #tpu.memory_space<semaphore_mem>>)
        %add3A_95 = arith.constant 1 : i32
        %add3A_96 = arith.addi %mul3A_53, %add3A_95 : i32
        %mul3A_97 = arith.constant 40 : i32
        %mul3A_98 = arith.muli %add3A_96, %mul3A_97 : i32
        %dma_wait3A_99 = tpu.memref_slice %arg10[%mul3A_98] : memref<2480xi32, #tpu.memory_space<vmem>> -> memref<40xi32, #tpu.memory_space<vmem>>
        %dma_wait3A_100 = arith.constant 0 : i32
        %dma_wait3A_101 = arith.constant 0 : i32
        %dma_wait3A_102 = tpu.memref_slice %arg4[%dma_wait3A_100, %dma_wait3A_101] : memref<10000x128xi32, #tpu.memory_space<hbm>> -> memref<10000x128xi32, #tpu.memory_space<hbm>>
        tpu.wait_indirect_dma semaphore(%arg16 : memref<!tpu.dma_semaphore, #tpu.memory_space<semaphore_mem>>) src(%dma_wait3A_102 : memref<10000x128xi32, #tpu.memory_space<hbm>>) dst(%arg14 : memref<40x128xi32, #tpu.memory_space<vmem>>)
        %add3A_103 = arith.constant 1 : i32
        %add3A_104 = arith.addi %mul3A_53, %add3A_103 : i32
        %mul3A_105 = arith.constant 40 : i32
        %mul3A_106 = arith.muli %add3A_104, %mul3A_105 : i32
        %add3A_107 = arith.addi %add3A_27, %mul3A_106 : i32
        %dma_start3A_108 = arith.constant 0 : i32
        %dma_start3A_109 = tpu.memref_slice %arg8[%add3A_107, %dma_start3A_108] : memref<79360x128xi32, #tpu.memory_space<hbm>> -> memref<40x128xi32, #tpu.memory_space<hbm>>
        %dma_start3A_110 = arith.constant 0 : i32
        %dma_start3A_111 = tpu.memref_slice %arg8[%add3A_107, %dma_start3A_110] : memref<79360x128xi32, #tpu.memory_space<hbm>> -> memref<40x128xi32, #tpu.memory_space<hbm>>
        tpu.enqueue_dma source(%arg14 : memref<40x128xi32, #tpu.memory_space<vmem>>) target(%dma_start3A_111 : memref<40x128xi32, #tpu.memory_space<hbm>>) target_semaphore(%arg18 : memref<!tpu.dma_semaphore, #tpu.memory_space<semaphore_mem>>)
      }
      %scan3A_34 = arith.constant 31 : i32
      %add3A_35 = arith.constant 2400 : i32
      %add3A_36 = arith.addi %add3A_27, %add3A_35 : i32
      %dma_wait3A_37 = arith.constant 0 : i32
      %dma_wait3A_38 = tpu.memref_slice %arg8[%add3A_36, %dma_wait3A_37] : memref<79360x128xi32, #tpu.memory_space<hbm>> -> memref<40x128xi32, #tpu.memory_space<hbm>>
      %dma_wait3A_39 = arith.constant 0 : i32
      %dma_wait3A_40 = tpu.memref_slice %arg8[%add3A_36, %dma_wait3A_39] : memref<79360x128xi32, #tpu.memory_space<hbm>> -> memref<40x128xi32, #tpu.memory_space<hbm>>
      tpu.wait_dma2 semaphore(%arg17 : memref<!tpu.dma_semaphore, #tpu.memory_space<semaphore_mem>>) src(%arg13 : memref<40x128xi32, #tpu.memory_space<vmem>>) dst(%dma_wait3A_40 : memref<40x128xi32, #tpu.memory_space<hbm>>)
      %add3A_41 = arith.constant 2440 : i32
      %add3A_42 = arith.addi %add3A_27, %add3A_41 : i32
      %dma_wait3A_43 = arith.constant 0 : i32
      %dma_wait3A_44 = tpu.memref_slice %arg8[%add3A_42, %dma_wait3A_43] : memref<79360x128xi32, #tpu.memory_space<hbm>> -> memref<40x128xi32, #tpu.memory_space<hbm>>
      %dma_wait3A_45 = arith.constant 0 : i32
      %dma_wait3A_46 = tpu.memref_slice %arg8[%add3A_42, %dma_wait3A_45] : memref<79360x128xi32, #tpu.memory_space<hbm>> -> memref<40x128xi32, #tpu.memory_space<hbm>>
      tpu.wait_dma2 semaphore(%arg18 : memref<!tpu.dma_semaphore, #tpu.memory_space<semaphore_mem>>) src(%arg14 : memref<40x128xi32, #tpu.memory_space<vmem>>) dst(%dma_wait3A_46 : memref<40x128xi32, #tpu.memory_space<hbm>>)
    } else {
    }
    return
  }
}

#map = affine_map<(d0, d1) -> (0, 0)>
#map1 = affine_map<(d0, d1) -> (0, 0, 0)>
module attributes {stable_mosaic.version = 14 : i64} {
  func.func @_scatter_body(%arg0: i32, %arg1: i32, %arg2: memref<80640x512xf32, #tpu.memory_space<hbm>>, %arg3: memref<16x63x80xi32, #tpu.memory_space<hbm>>, %arg4: memref<10000x128xf32, #tpu.memory_space<hbm>>, %arg5: memref<3x10000x128xf32, #tpu.memory_space<hbm>>, %arg6: memref<10000x128xf32, #tpu.memory_space<hbm>>, %arg7: memref<3x10000x128xf32, #tpu.memory_space<hbm>>, %arg8: memref<63x80xi32, #tpu.memory_space<vmem>>, %arg9: memref<80x128xf32, #tpu.memory_space<vmem>>, %arg10: memref<80x128xf32, #tpu.memory_space<vmem>>, %arg11: memref<10000x128xf32, #tpu.memory_space<vmem_shared>>, %arg12: memref<!tpu.dma_semaphore, #tpu.memory_space<semaphore_mem>>, %arg13: memref<!tpu.dma_semaphore, #tpu.memory_space<semaphore_mem>>, %arg14: memref<!tpu.dma_semaphore, #tpu.memory_space<semaphore_mem>>, %arg15: memref<!tpu.dma_semaphore, #tpu.memory_space<semaphore_mem>>) attributes {dimension_semantics = [#tpu.dimension_semantics<core_parallel>, #tpu.dimension_semantics<subcore_parallel>], iteration_bounds = array<i64: 2, 16>, scalar_prefetch = 0 : i64, scratch_operands = 8 : i64, tpu.core_type = #tpu.core_type<sc_vector_subcore>, window_params = [{transform_indices = #map}, {transform_indices = #map1}, {transform_indices = #map}, {transform_indices = #map1}, {transform_indices = #map}, {transform_indices = #map1}]} {
    "tpu.region"() ({
      %run_scoped3A = tpu.sem_alloc : memref<!tpu.dma_semaphore, #tpu.memory_space<semaphore_mem>>
      %dma_start3A = arith.constant 0 : i32
      %dma_start3A_17 = arith.constant 0 : i32
      %dma_start3A_18 = tpu.memref_slice %arg3[%arg1, %dma_start3A, %dma_start3A_17] : memref<16x63x80xi32, #tpu.memory_space<hbm>> -> memref<1x63x80xi32, #tpu.memory_space<hbm>>
      %dma_start3A_19 = tpu.memref_squeeze %dma_start3A_18 : memref<1x63x80xi32, #tpu.memory_space<hbm>> -> memref<63x80xi32, #tpu.memory_space<hbm>>
      %dma_start3A_20 = arith.constant 0 : i32
      %dma_start3A_21 = arith.constant 0 : i32
      %dma_start3A_22 = tpu.memref_slice %arg3[%arg1, %dma_start3A_20, %dma_start3A_21] : memref<16x63x80xi32, #tpu.memory_space<hbm>> -> memref<1x63x80xi32, #tpu.memory_space<hbm>>
      %dma_start3A_23 = tpu.memref_squeeze %dma_start3A_22 : memref<1x63x80xi32, #tpu.memory_space<hbm>> -> memref<63x80xi32, #tpu.memory_space<hbm>>
      tpu.enqueue_dma source(%dma_start3A_23 : memref<63x80xi32, #tpu.memory_space<hbm>>) target(%arg8 : memref<63x80xi32, #tpu.memory_space<vmem>>) target_semaphore(%run_scoped3A : memref<!tpu.dma_semaphore, #tpu.memory_space<semaphore_mem>>)
      %dma_wait3A = arith.constant 0 : i32
      %dma_wait3A_24 = arith.constant 0 : i32
      %dma_wait3A_25 = tpu.memref_slice %arg3[%arg1, %dma_wait3A, %dma_wait3A_24] : memref<16x63x80xi32, #tpu.memory_space<hbm>> -> memref<1x63x80xi32, #tpu.memory_space<hbm>>
      %dma_wait3A_26 = tpu.memref_squeeze %dma_wait3A_25 : memref<1x63x80xi32, #tpu.memory_space<hbm>> -> memref<63x80xi32, #tpu.memory_space<hbm>>
      %dma_wait3A_27 = arith.constant 0 : i32
      %dma_wait3A_28 = arith.constant 0 : i32
      %dma_wait3A_29 = tpu.memref_slice %arg3[%arg1, %dma_wait3A_27, %dma_wait3A_28] : memref<16x63x80xi32, #tpu.memory_space<hbm>> -> memref<1x63x80xi32, #tpu.memory_space<hbm>>
      %dma_wait3A_30 = tpu.memref_squeeze %dma_wait3A_29 : memref<1x63x80xi32, #tpu.memory_space<hbm>> -> memref<63x80xi32, #tpu.memory_space<hbm>>
      tpu.wait_dma2 semaphore(%run_scoped3A : memref<!tpu.dma_semaphore, #tpu.memory_space<semaphore_mem>>) src(%dma_wait3A_30 : memref<63x80xi32, #tpu.memory_space<hbm>>) dst(%arg8 : memref<63x80xi32, #tpu.memory_space<vmem>>)
      tpu.yield
    }) : () -> ()
    %eq3A = arith.constant 0 : i32
    %eq3A_0 = arith.cmpi eq, %arg0, %eq3A : i32
    %convert_element_type3A = arith.extui %eq3A_0 : i1 to i32
    %cond3A = arith.constant 0 : i32
    %cond3A_1 = arith.cmpi ne, %convert_element_type3A, %cond3A : i32
    scf.if %cond3A_1 {
      %barrier3A = arith.constant 0 : index
      tpu.barrier barrier_id(%barrier3A)
      %eq3A_17 = arith.constant 0 : i32
      %eq3A_18 = arith.cmpi eq, %arg1, %eq3A_17 : i32
      %convert_element_type3A_19 = arith.extui %eq3A_18 : i1 to i32
      %cond3A_20 = arith.constant 0 : i32
      %cond3A_21 = arith.cmpi ne, %convert_element_type3A_19, %cond3A_20 : i32
      scf.if %cond3A_21 {
        "tpu.region"() ({
          %run_scoped3A = tpu.sem_alloc : memref<!tpu.dma_semaphore, #tpu.memory_space<semaphore_mem>>
          tpu.enqueue_dma source(%arg4 : memref<10000x128xf32, #tpu.memory_space<hbm>>) target(%arg11 : memref<10000x128xf32, #tpu.memory_space<vmem_shared>>) target_semaphore(%run_scoped3A : memref<!tpu.dma_semaphore, #tpu.memory_space<semaphore_mem>>)
          tpu.wait_dma2 semaphore(%run_scoped3A : memref<!tpu.dma_semaphore, #tpu.memory_space<semaphore_mem>>) src(%arg4 : memref<10000x128xf32, #tpu.memory_space<hbm>>) dst(%arg11 : memref<10000x128xf32, #tpu.memory_space<vmem_shared>>)
          tpu.yield
        }) : () -> ()
      } else {
      }
      %barrier3A_22 = arith.constant 0 : index
      tpu.barrier barrier_id(%barrier3A_22)
      %mul3A = arith.constant 5040 : i32
      %mul3A_23 = arith.muli %arg1, %mul3A : i32
      %scan3A = arith.constant 0 : i32
      %scan3A_24 = arith.constant 31 : i32
      %scan3A_25 = arith.addi %scan3A, %scan3A_24 : i32
      %scan3A_26 = arith.constant 1 : i32
      scf.for %scan3A_69 = %scan3A to %scan3A_25 step %scan3A_26  : i32 {
        %mul3A_70 = arith.constant 1 : i32
        %mul3A_71 = arith.muli %scan3A_69, %mul3A_70 : i32
        %add3A_72 = arith.constant 0 : i32
        %add3A_73 = arith.addi %add3A_72, %mul3A_71 : i32
        %mul3A_74 = arith.constant 2 : i32
        %mul3A_75 = arith.muli %mul3A_74, %add3A_73 : i32
        %gt3A = arith.constant 0 : i32
        %gt3A_76 = arith.cmpi sgt, %add3A_73, %gt3A : i32
        %convert_element_type3A_77 = arith.extui %gt3A_76 : i1 to i32
        %cond3A_78 = arith.constant 0 : i32
        %cond3A_79 = arith.cmpi ne, %convert_element_type3A_77, %cond3A_78 : i32
        scf.if %cond3A_79 {
          %add3A_137 = arith.constant 0 : i32
          %add3A_138 = arith.addi %mul3A_75, %add3A_137 : i32
          %sub3A = arith.constant 2 : i32
          %sub3A_139 = arith.subi %add3A_138, %sub3A : i32
          %dma_wait3A_140 = arith.constant 0 : i32
          %dma_wait3A_141 = tpu.memref_slice %arg8[%sub3A_139, %dma_wait3A_140] : memref<63x80xi32, #tpu.memory_space<vmem>> -> memref<1x80xi32, #tpu.memory_space<vmem>>
          %dma_wait3A_142 = tpu.memref_squeeze %dma_wait3A_141 : memref<1x80xi32, #tpu.memory_space<vmem>> -> memref<80xi32, #tpu.memory_space<vmem>>
          %dma_wait3A_143 = arith.constant 0 : i32
          %dma_wait3A_144 = arith.constant 0 : i32
          %dma_wait3A_145 = tpu.memref_slice %arg11[%dma_wait3A_143, %dma_wait3A_144] : memref<10000x128xf32, #tpu.memory_space<vmem_shared>> -> memref<10000x128xf32, #tpu.memory_space<vmem_shared>>
          tpu.wait_indirect_dma semaphore(%arg14 : memref<!tpu.dma_semaphore, #tpu.memory_space<semaphore_mem>>) src(%arg9 : memref<80x128xf32, #tpu.memory_space<vmem>>) dst(%dma_wait3A_145 : memref<10000x128xf32, #tpu.memory_space<vmem_shared>>)
        } else {
        }
        %add3A_80 = arith.constant 0 : i32
        %add3A_81 = arith.addi %mul3A_75, %add3A_80 : i32
        %mul3A_82 = arith.constant 80 : i32
        %mul3A_83 = arith.muli %add3A_81, %mul3A_82 : i32
        %add3A_84 = arith.addi %mul3A_23, %mul3A_83 : i32
        %dma_start3A_85 = arith.constant 0 : i32
        %dma_start3A_86 = tpu.memref_slice %arg2[%add3A_84, %dma_start3A_85] : memref<80640x512xf32, #tpu.memory_space<hbm>> -> memref<80x128xf32, #tpu.memory_space<hbm>>
        %dma_start3A_87 = arith.constant 0 : i32
        %dma_start3A_88 = tpu.memref_slice %arg2[%add3A_84, %dma_start3A_87] : memref<80640x512xf32, #tpu.memory_space<hbm>> -> memref<80x128xf32, #tpu.memory_space<hbm>>
        tpu.enqueue_dma source(%dma_start3A_88 : memref<80x128xf32, #tpu.memory_space<hbm>>) target(%arg9 : memref<80x128xf32, #tpu.memory_space<vmem>>) target_semaphore(%arg12 : memref<!tpu.dma_semaphore, #tpu.memory_space<semaphore_mem>>)
        %gt3A_89 = arith.constant 0 : i32
        %gt3A_90 = arith.cmpi sgt, %add3A_73, %gt3A_89 : i32
        %convert_element_type3A_91 = arith.extui %gt3A_90 : i1 to i32
        %cond3A_92 = arith.constant 0 : i32
        %cond3A_93 = arith.cmpi ne, %convert_element_type3A_91, %cond3A_92 : i32
        scf.if %cond3A_93 {
          %add3A_137 = arith.constant 1 : i32
          %add3A_138 = arith.addi %mul3A_75, %add3A_137 : i32
          %sub3A = arith.constant 2 : i32
          %sub3A_139 = arith.subi %add3A_138, %sub3A : i32
          %dma_wait3A_140 = arith.constant 0 : i32
          %dma_wait3A_141 = tpu.memref_slice %arg8[%sub3A_139, %dma_wait3A_140] : memref<63x80xi32, #tpu.memory_space<vmem>> -> memref<1x80xi32, #tpu.memory_space<vmem>>
          %dma_wait3A_142 = tpu.memref_squeeze %dma_wait3A_141 : memref<1x80xi32, #tpu.memory_space<vmem>> -> memref<80xi32, #tpu.memory_space<vmem>>
          %dma_wait3A_143 = arith.constant 0 : i32
          %dma_wait3A_144 = arith.constant 0 : i32
          %dma_wait3A_145 = tpu.memref_slice %arg11[%dma_wait3A_143, %dma_wait3A_144] : memref<10000x128xf32, #tpu.memory_space<vmem_shared>> -> memref<10000x128xf32, #tpu.memory_space<vmem_shared>>
          tpu.wait_indirect_dma semaphore(%arg15 : memref<!tpu.dma_semaphore, #tpu.memory_space<semaphore_mem>>) src(%arg10 : memref<80x128xf32, #tpu.memory_space<vmem>>) dst(%dma_wait3A_145 : memref<10000x128xf32, #tpu.memory_space<vmem_shared>>)
        } else {
        }
        %add3A_94 = arith.constant 1 : i32
        %add3A_95 = arith.addi %mul3A_75, %add3A_94 : i32
        %mul3A_96 = arith.constant 80 : i32
        %mul3A_97 = arith.muli %add3A_95, %mul3A_96 : i32
        %add3A_98 = arith.addi %mul3A_23, %mul3A_97 : i32
        %dma_start3A_99 = arith.constant 0 : i32
        %dma_start3A_100 = tpu.memref_slice %arg2[%add3A_98, %dma_start3A_99] : memref<80640x512xf32, #tpu.memory_space<hbm>> -> memref<80x128xf32, #tpu.memory_space<hbm>>
        %dma_start3A_101 = arith.constant 0 : i32
        %dma_start3A_102 = tpu.memref_slice %arg2[%add3A_98, %dma_start3A_101] : memref<80640x512xf32, #tpu.memory_space<hbm>> -> memref<80x128xf32, #tpu.memory_space<hbm>>
        tpu.enqueue_dma source(%dma_start3A_102 : memref<80x128xf32, #tpu.memory_space<hbm>>) target(%arg10 : memref<80x128xf32, #tpu.memory_space<vmem>>) target_semaphore(%arg13 : memref<!tpu.dma_semaphore, #tpu.memory_space<semaphore_mem>>)
        %add3A_103 = arith.constant 0 : i32
        %add3A_104 = arith.addi %mul3A_75, %add3A_103 : i32
        %mul3A_105 = arith.constant 80 : i32
        %mul3A_106 = arith.muli %add3A_104, %mul3A_105 : i32
        %add3A_107 = arith.addi %mul3A_23, %mul3A_106 : i32
        %dma_wait3A_108 = arith.constant 0 : i32
        %dma_wait3A_109 = tpu.memref_slice %arg2[%add3A_107, %dma_wait3A_108] : memref<80640x512xf32, #tpu.memory_space<hbm>> -> memref<80x128xf32, #tpu.memory_space<hbm>>
        %dma_wait3A_110 = arith.constant 0 : i32
        %dma_wait3A_111 = tpu.memref_slice %arg2[%add3A_107, %dma_wait3A_110] : memref<80640x512xf32, #tpu.memory_space<hbm>> -> memref<80x128xf32, #tpu.memory_space<hbm>>
        tpu.wait_dma2 semaphore(%arg12 : memref<!tpu.dma_semaphore, #tpu.memory_space<semaphore_mem>>) src(%dma_wait3A_111 : memref<80x128xf32, #tpu.memory_space<hbm>>) dst(%arg9 : memref<80x128xf32, #tpu.memory_space<vmem>>)
        %add3A_112 = arith.constant 0 : i32
        %add3A_113 = arith.addi %mul3A_75, %add3A_112 : i32
        %dma_start3A_114 = arith.constant 0 : i32
        %dma_start3A_115 = tpu.memref_slice %arg8[%add3A_113, %dma_start3A_114] : memref<63x80xi32, #tpu.memory_space<vmem>> -> memref<1x80xi32, #tpu.memory_space<vmem>>
        %dma_start3A_116 = tpu.memref_squeeze %dma_start3A_115 : memref<1x80xi32, #tpu.memory_space<vmem>> -> memref<80xi32, #tpu.memory_space<vmem>>
        %dma_start3A_117 = arith.constant 0 : i32
        %dma_start3A_118 = arith.constant 0 : i32
        %dma_start3A_119 = tpu.memref_slice %arg11[%dma_start3A_117, %dma_start3A_118] : memref<10000x128xf32, #tpu.memory_space<vmem_shared>> -> memref<10000x128xf32, #tpu.memory_space<vmem_shared>>
        tpu.enqueue_indirect_dma source(%arg9 : memref<80x128xf32, #tpu.memory_space<vmem>>) target(%dma_start3A_119 : memref<10000x128xf32, #tpu.memory_space<vmem_shared>>) offsets(%dma_start3A_116 : memref<80xi32, #tpu.memory_space<vmem>>) semaphore(%arg14 : memref<!tpu.dma_semaphore, #tpu.memory_space<semaphore_mem>>) {add = true}
        %add3A_120 = arith.constant 1 : i32
        %add3A_121 = arith.addi %mul3A_75, %add3A_120 : i32
        %mul3A_122 = arith.constant 80 : i32
        %mul3A_123 = arith.muli %add3A_121, %mul3A_122 : i32
        %add3A_124 = arith.addi %mul3A_23, %mul3A_123 : i32
        %dma_wait3A_125 = arith.constant 0 : i32
        %dma_wait3A_126 = tpu.memref_slice %arg2[%add3A_124, %dma_wait3A_125] : memref<80640x512xf32, #tpu.memory_space<hbm>> -> memref<80x128xf32, #tpu.memory_space<hbm>>
        %dma_wait3A_127 = arith.constant 0 : i32
        %dma_wait3A_128 = tpu.memref_slice %arg2[%add3A_124, %dma_wait3A_127] : memref<80640x512xf32, #tpu.memory_space<hbm>> -> memref<80x128xf32, #tpu.memory_space<hbm>>
        tpu.wait_dma2 semaphore(%arg13 : memref<!tpu.dma_semaphore, #tpu.memory_space<semaphore_mem>>) src(%dma_wait3A_128 : memref<80x128xf32, #tpu.memory_space<hbm>>) dst(%arg10 : memref<80x128xf32, #tpu.memory_space<vmem>>)
        %add3A_129 = arith.constant 1 : i32
        %add3A_130 = arith.addi %mul3A_75, %add3A_129 : i32
        %dma_start3A_131 = arith.constant 0 : i32
        %dma_start3A_132 = tpu.memref_slice %arg8[%add3A_130, %dma_start3A_131] : memref<63x80xi32, #tpu.memory_space<vmem>> -> memref<1x80xi32, #tpu.memory_space<vmem>>
        %dma_start3A_133 = tpu.memref_squeeze %dma_start3A_132 : memref<1x80xi32, #tpu.memory_space<vmem>> -> memref<80xi32, #tpu.memory_space<vmem>>
        %dma_start3A_134 = arith.constant 0 : i32
        %dma_start3A_135 = arith.constant 0 : i32
        %dma_start3A_136 = tpu.memref_slice %arg11[%dma_start3A_134, %dma_start3A_135] : memref<10000x128xf32, #tpu.memory_space<vmem_shared>> -> memref<10000x128xf32, #tpu.memory_space<vmem_shared>>
        tpu.enqueue_indirect_dma source(%arg10 : memref<80x128xf32, #tpu.memory_space<vmem>>) target(%dma_start3A_136 : memref<10000x128xf32, #tpu.memory_space<vmem_shared>>) offsets(%dma_start3A_133 : memref<80xi32, #tpu.memory_space<vmem>>) semaphore(%arg15 : memref<!tpu.dma_semaphore, #tpu.memory_space<semaphore_mem>>) {add = true}
      }
      %scan3A_27 = arith.constant 31 : i32
      %dma_wait3A = arith.constant 60 : i32
      %dma_wait3A_28 = arith.constant 0 : i32
      %dma_wait3A_29 = tpu.memref_slice %arg8[%dma_wait3A, %dma_wait3A_28] : memref<63x80xi32, #tpu.memory_space<vmem>> -> memref<1x80xi32, #tpu.memory_space<vmem>>
      %dma_wait3A_30 = tpu.memref_squeeze %dma_wait3A_29 : memref<1x80xi32, #tpu.memory_space<vmem>> -> memref<80xi32, #tpu.memory_space<vmem>>
      %dma_wait3A_31 = arith.constant 0 : i32
      %dma_wait3A_32 = arith.constant 0 : i32
      %dma_wait3A_33 = tpu.memref_slice %arg11[%dma_wait3A_31, %dma_wait3A_32] : memref<10000x128xf32, #tpu.memory_space<vmem_shared>> -> memref<10000x128xf32, #tpu.memory_space<vmem_shared>>
      tpu.wait_indirect_dma semaphore(%arg14 : memref<!tpu.dma_semaphore, #tpu.memory_space<semaphore_mem>>) src(%arg9 : memref<80x128xf32, #tpu.memory_space<vmem>>) dst(%dma_wait3A_33 : memref<10000x128xf32, #tpu.memory_space<vmem_shared>>)
      %add3A = arith.constant 4960 : i32
      %add3A_34 = arith.addi %mul3A_23, %add3A : i32
      %dma_start3A = arith.constant 0 : i32
      %dma_start3A_35 = tpu.memref_slice %arg2[%add3A_34, %dma_start3A] : memref<80640x512xf32, #tpu.memory_space<hbm>> -> memref<80x128xf32, #tpu.memory_space<hbm>>
      %dma_start3A_36 = arith.constant 0 : i32
      %dma_start3A_37 = tpu.memref_slice %arg2[%add3A_34, %dma_start3A_36] : memref<80640x512xf32, #tpu.memory_space<hbm>> -> memref<80x128xf32, #tpu.memory_space<hbm>>
      tpu.enqueue_dma source(%dma_start3A_37 : memref<80x128xf32, #tpu.memory_space<hbm>>) target(%arg9 : memref<80x128xf32, #tpu.memory_space<vmem>>) target_semaphore(%arg12 : memref<!tpu.dma_semaphore, #tpu.memory_space<semaphore_mem>>)
      %dma_wait3A_38 = arith.constant 0 : i32
      %dma_wait3A_39 = tpu.memref_slice %arg2[%add3A_34, %dma_wait3A_38] : memref<80640x512xf32, #tpu.memory_space<hbm>> -> memref<80x128xf32, #tpu.memory_space<hbm>>
      %dma_wait3A_40 = arith.constant 0 : i32
      %dma_wait3A_41 = tpu.memref_slice %arg2[%add3A_34, %dma_wait3A_40] : memref<80640x512xf32, #tpu.memory_space<hbm>> -> memref<80x128xf32, #tpu.memory_space<hbm>>
      tpu.wait_dma2 semaphore(%arg12 : memref<!tpu.dma_semaphore, #tpu.memory_space<semaphore_mem>>) src(%dma_wait3A_41 : memref<80x128xf32, #tpu.memory_space<hbm>>) dst(%arg9 : memref<80x128xf32, #tpu.memory_space<vmem>>)
      %dma_start3A_42 = arith.constant 62 : i32
      %dma_start3A_43 = arith.constant 0 : i32
      %dma_start3A_44 = tpu.memref_slice %arg8[%dma_start3A_42, %dma_start3A_43] : memref<63x80xi32, #tpu.memory_space<vmem>> -> memref<1x80xi32, #tpu.memory_space<vmem>>
      %dma_start3A_45 = tpu.memref_squeeze %dma_start3A_44 : memref<1x80xi32, #tpu.memory_space<vmem>> -> memref<80xi32, #tpu.memory_space<vmem>>
      %dma_start3A_46 = arith.constant 0 : i32
      %dma_start3A_47 = arith.constant 0 : i32
      %dma_start3A_48 = tpu.memref_slice %arg11[%dma_start3A_46, %dma_start3A_47] : memref<10000x128xf32, #tpu.memory_space<vmem_shared>> -> memref<10000x128xf32, #tpu.memory_space<vmem_shared>>
      tpu.enqueue_indirect_dma source(%arg9 : memref<80x128xf32, #tpu.memory_space<vmem>>) target(%dma_start3A_48 : memref<10000x128xf32, #tpu.memory_space<vmem_shared>>) offsets(%dma_start3A_45 : memref<80xi32, #tpu.memory_space<vmem>>) semaphore(%arg14 : memref<!tpu.dma_semaphore, #tpu.memory_space<semaphore_mem>>) {add = true}
      %dma_wait3A_49 = arith.constant 62 : i32
      %dma_wait3A_50 = arith.constant 0 : i32
      %dma_wait3A_51 = tpu.memref_slice %arg8[%dma_wait3A_49, %dma_wait3A_50] : memref<63x80xi32, #tpu.memory_space<vmem>> -> memref<1x80xi32, #tpu.memory_space<vmem>>
      %dma_wait3A_52 = tpu.memref_squeeze %dma_wait3A_51 : memref<1x80xi32, #tpu.memory_space<vmem>> -> memref<80xi32, #tpu.memory_space<vmem>>
      %dma_wait3A_53 = arith.constant 0 : i32
      %dma_wait3A_54 = arith.constant 0 : i32
      %dma_wait3A_55 = tpu.memref_slice %arg11[%dma_wait3A_53, %dma_wait3A_54] : memref<10000x128xf32, #tpu.memory_space<vmem_shared>> -> memref<10000x128xf32, #tpu.memory_space<vmem_shared>>
      tpu.wait_indirect_dma semaphore(%arg14 : memref<!tpu.dma_semaphore, #tpu.memory_space<semaphore_mem>>) src(%arg9 : memref<80x128xf32, #tpu.memory_space<vmem>>) dst(%dma_wait3A_55 : memref<10000x128xf32, #tpu.memory_space<vmem_shared>>)
      %dma_wait3A_56 = arith.constant 61 : i32
      %dma_wait3A_57 = arith.constant 0 : i32
      %dma_wait3A_58 = tpu.memref_slice %arg8[%dma_wait3A_56, %dma_wait3A_57] : memref<63x80xi32, #tpu.memory_space<vmem>> -> memref<1x80xi32, #tpu.memory_space<vmem>>
      %dma_wait3A_59 = tpu.memref_squeeze %dma_wait3A_58 : memref<1x80xi32, #tpu.memory_space<vmem>> -> memref<80xi32, #tpu.memory_space<vmem>>
      %dma_wait3A_60 = arith.constant 0 : i32
      %dma_wait3A_61 = arith.constant 0 : i32
      %dma_wait3A_62 = tpu.memref_slice %arg11[%dma_wait3A_60, %dma_wait3A_61] : memref<10000x128xf32, #tpu.memory_space<vmem_shared>> -> memref<10000x128xf32, #tpu.memory_space<vmem_shared>>
      tpu.wait_indirect_dma semaphore(%arg15 : memref<!tpu.dma_semaphore, #tpu.memory_space<semaphore_mem>>) src(%arg10 : memref<80x128xf32, #tpu.memory_space<vmem>>) dst(%dma_wait3A_62 : memref<10000x128xf32, #tpu.memory_space<vmem_shared>>)
      %barrier3A_63 = arith.constant 0 : index
      tpu.barrier barrier_id(%barrier3A_63)
      %eq3A_64 = arith.constant 0 : i32
      %eq3A_65 = arith.cmpi eq, %arg1, %eq3A_64 : i32
      %convert_element_type3A_66 = arith.extui %eq3A_65 : i1 to i32
      %cond3A_67 = arith.constant 0 : i32
      %cond3A_68 = arith.cmpi ne, %convert_element_type3A_66, %cond3A_67 : i32
      scf.if %cond3A_68 {
        "tpu.region"() ({
          %run_scoped3A = tpu.sem_alloc : memref<!tpu.dma_semaphore, #tpu.memory_space<semaphore_mem>>
          tpu.enqueue_dma source(%arg11 : memref<10000x128xf32, #tpu.memory_space<vmem_shared>>) target(%arg6 : memref<10000x128xf32, #tpu.memory_space<hbm>>) target_semaphore(%run_scoped3A : memref<!tpu.dma_semaphore, #tpu.memory_space<semaphore_mem>>)
          tpu.wait_dma2 semaphore(%run_scoped3A : memref<!tpu.dma_semaphore, #tpu.memory_space<semaphore_mem>>) src(%arg11 : memref<10000x128xf32, #tpu.memory_space<vmem_shared>>) dst(%arg6 : memref<10000x128xf32, #tpu.memory_space<hbm>>)
          tpu.yield
        }) : () -> ()
      } else {
      }
    } else {
    }
    %eq3A_2 = arith.constant 1 : i32
    %eq3A_3 = arith.cmpi eq, %arg0, %eq3A_2 : i32
    %convert_element_type3A_4 = arith.extui %eq3A_3 : i1 to i32
    %cond3A_5 = arith.constant 0 : i32
    %cond3A_6 = arith.cmpi ne, %convert_element_type3A_4, %cond3A_5 : i32
    scf.if %cond3A_6 {
      %barrier3A = arith.constant 0 : index
      tpu.barrier barrier_id(%barrier3A)
      %eq3A_17 = arith.constant 0 : i32
      %eq3A_18 = arith.cmpi eq, %arg1, %eq3A_17 : i32
      %convert_element_type3A_19 = arith.extui %eq3A_18 : i1 to i32
      %cond3A_20 = arith.constant 0 : i32
      %cond3A_21 = arith.cmpi ne, %convert_element_type3A_19, %cond3A_20 : i32
      scf.if %cond3A_21 {
        %run_scoped3A = arith.constant 0 : i32
        "tpu.region"() ({
          %run_scoped3A_69 = tpu.sem_alloc : memref<!tpu.dma_semaphore, #tpu.memory_space<semaphore_mem>>
          %dma_start3A_70 = arith.constant 0 : i32
          %dma_start3A_71 = arith.constant 0 : i32
          %dma_start3A_72 = tpu.memref_slice %arg5[%run_scoped3A, %dma_start3A_70, %dma_start3A_71] : memref<3x10000x128xf32, #tpu.memory_space<hbm>> -> memref<1x10000x128xf32, #tpu.memory_space<hbm>>
          %dma_start3A_73 = tpu.memref_squeeze %dma_start3A_72 : memref<1x10000x128xf32, #tpu.memory_space<hbm>> -> memref<10000x128xf32, #tpu.memory_space<hbm>>
          tpu.enqueue_dma source(%dma_start3A_73 : memref<10000x128xf32, #tpu.memory_space<hbm>>) target(%arg11 : memref<10000x128xf32, #tpu.memory_space<vmem_shared>>) target_semaphore(%run_scoped3A_69 : memref<!tpu.dma_semaphore, #tpu.memory_space<semaphore_mem>>)
          %dma_wait3A_74 = arith.constant 0 : i32
          %dma_wait3A_75 = arith.constant 0 : i32
          %dma_wait3A_76 = tpu.memref_slice %arg5[%run_scoped3A, %dma_wait3A_74, %dma_wait3A_75] : memref<3x10000x128xf32, #tpu.memory_space<hbm>> -> memref<1x10000x128xf32, #tpu.memory_space<hbm>>
          %dma_wait3A_77 = tpu.memref_squeeze %dma_wait3A_76 : memref<1x10000x128xf32, #tpu.memory_space<hbm>> -> memref<10000x128xf32, #tpu.memory_space<hbm>>
          tpu.wait_dma2 semaphore(%run_scoped3A_69 : memref<!tpu.dma_semaphore, #tpu.memory_space<semaphore_mem>>) src(%dma_wait3A_77 : memref<10000x128xf32, #tpu.memory_space<hbm>>) dst(%arg11 : memref<10000x128xf32, #tpu.memory_space<vmem_shared>>)
          tpu.yield
        }) : () -> ()
      } else {
      }
      %barrier3A_22 = arith.constant 0 : index
      tpu.barrier barrier_id(%barrier3A_22)
      %mul3A = arith.constant 5040 : i32
      %mul3A_23 = arith.muli %arg1, %mul3A : i32
      %scan3A = arith.constant 0 : i32
      %scan3A_24 = arith.constant 31 : i32
      %scan3A_25 = arith.addi %scan3A, %scan3A_24 : i32
      %scan3A_26 = arith.constant 1 : i32
      scf.for %scan3A_69 = %scan3A to %scan3A_25 step %scan3A_26  : i32 {
        %mul3A_70 = arith.constant 1 : i32
        %mul3A_71 = arith.muli %scan3A_69, %mul3A_70 : i32
        %add3A_72 = arith.constant 0 : i32
        %add3A_73 = arith.addi %add3A_72, %mul3A_71 : i32
        %mul3A_74 = arith.constant 2 : i32
        %mul3A_75 = arith.muli %mul3A_74, %add3A_73 : i32
        %gt3A = arith.constant 0 : i32
        %gt3A_76 = arith.cmpi sgt, %add3A_73, %gt3A : i32
        %convert_element_type3A_77 = arith.extui %gt3A_76 : i1 to i32
        %cond3A_78 = arith.constant 0 : i32
        %cond3A_79 = arith.cmpi ne, %convert_element_type3A_77, %cond3A_78 : i32
        scf.if %cond3A_79 {
          %add3A_137 = arith.constant 0 : i32
          %add3A_138 = arith.addi %mul3A_75, %add3A_137 : i32
          %sub3A = arith.constant 2 : i32
          %sub3A_139 = arith.subi %add3A_138, %sub3A : i32
          %dma_wait3A_140 = arith.constant 0 : i32
          %dma_wait3A_141 = tpu.memref_slice %arg8[%sub3A_139, %dma_wait3A_140] : memref<63x80xi32, #tpu.memory_space<vmem>> -> memref<1x80xi32, #tpu.memory_space<vmem>>
          %dma_wait3A_142 = tpu.memref_squeeze %dma_wait3A_141 : memref<1x80xi32, #tpu.memory_space<vmem>> -> memref<80xi32, #tpu.memory_space<vmem>>
          %dma_wait3A_143 = arith.constant 0 : i32
          %dma_wait3A_144 = arith.constant 0 : i32
          %dma_wait3A_145 = tpu.memref_slice %arg11[%dma_wait3A_143, %dma_wait3A_144] : memref<10000x128xf32, #tpu.memory_space<vmem_shared>> -> memref<10000x128xf32, #tpu.memory_space<vmem_shared>>
          tpu.wait_indirect_dma semaphore(%arg14 : memref<!tpu.dma_semaphore, #tpu.memory_space<semaphore_mem>>) src(%arg9 : memref<80x128xf32, #tpu.memory_space<vmem>>) dst(%dma_wait3A_145 : memref<10000x128xf32, #tpu.memory_space<vmem_shared>>)
        } else {
        }
        %add3A_80 = arith.constant 0 : i32
        %add3A_81 = arith.addi %mul3A_75, %add3A_80 : i32
        %mul3A_82 = arith.constant 80 : i32
        %mul3A_83 = arith.muli %add3A_81, %mul3A_82 : i32
        %add3A_84 = arith.addi %mul3A_23, %mul3A_83 : i32
        %dma_start3A_85 = arith.constant 128 : i32
        %dma_start3A_86 = tpu.memref_slice %arg2[%add3A_84, %dma_start3A_85] : memref<80640x512xf32, #tpu.memory_space<hbm>> -> memref<80x128xf32, #tpu.memory_space<hbm>>
        %dma_start3A_87 = arith.constant 128 : i32
        %dma_start3A_88 = tpu.memref_slice %arg2[%add3A_84, %dma_start3A_87] : memref<80640x512xf32, #tpu.memory_space<hbm>> -> memref<80x128xf32, #tpu.memory_space<hbm>>
        tpu.enqueue_dma source(%dma_start3A_88 : memref<80x128xf32, #tpu.memory_space<hbm>>) target(%arg9 : memref<80x128xf32, #tpu.memory_space<vmem>>) target_semaphore(%arg12 : memref<!tpu.dma_semaphore, #tpu.memory_space<semaphore_mem>>)
        %gt3A_89 = arith.constant 0 : i32
        %gt3A_90 = arith.cmpi sgt, %add3A_73, %gt3A_89 : i32
        %convert_element_type3A_91 = arith.extui %gt3A_90 : i1 to i32
        %cond3A_92 = arith.constant 0 : i32
        %cond3A_93 = arith.cmpi ne, %convert_element_type3A_91, %cond3A_92 : i32
        scf.if %cond3A_93 {
          %add3A_137 = arith.constant 1 : i32
          %add3A_138 = arith.addi %mul3A_75, %add3A_137 : i32
          %sub3A = arith.constant 2 : i32
          %sub3A_139 = arith.subi %add3A_138, %sub3A : i32
          %dma_wait3A_140 = arith.constant 0 : i32
          %dma_wait3A_141 = tpu.memref_slice %arg8[%sub3A_139, %dma_wait3A_140] : memref<63x80xi32, #tpu.memory_space<vmem>> -> memref<1x80xi32, #tpu.memory_space<vmem>>
          %dma_wait3A_142 = tpu.memref_squeeze %dma_wait3A_141 : memref<1x80xi32, #tpu.memory_space<vmem>> -> memref<80xi32, #tpu.memory_space<vmem>>
          %dma_wait3A_143 = arith.constant 0 : i32
          %dma_wait3A_144 = arith.constant 0 : i32
          %dma_wait3A_145 = tpu.memref_slice %arg11[%dma_wait3A_143, %dma_wait3A_144] : memref<10000x128xf32, #tpu.memory_space<vmem_shared>> -> memref<10000x128xf32, #tpu.memory_space<vmem_shared>>
          tpu.wait_indirect_dma semaphore(%arg15 : memref<!tpu.dma_semaphore, #tpu.memory_space<semaphore_mem>>) src(%arg10 : memref<80x128xf32, #tpu.memory_space<vmem>>) dst(%dma_wait3A_145 : memref<10000x128xf32, #tpu.memory_space<vmem_shared>>)
        } else {
        }
        %add3A_94 = arith.constant 1 : i32
        %add3A_95 = arith.addi %mul3A_75, %add3A_94 : i32
        %mul3A_96 = arith.constant 80 : i32
        %mul3A_97 = arith.muli %add3A_95, %mul3A_96 : i32
        %add3A_98 = arith.addi %mul3A_23, %mul3A_97 : i32
        %dma_start3A_99 = arith.constant 128 : i32
        %dma_start3A_100 = tpu.memref_slice %arg2[%add3A_98, %dma_start3A_99] : memref<80640x512xf32, #tpu.memory_space<hbm>> -> memref<80x128xf32, #tpu.memory_space<hbm>>
        %dma_start3A_101 = arith.constant 128 : i32
        %dma_start3A_102 = tpu.memref_slice %arg2[%add3A_98, %dma_start3A_101] : memref<80640x512xf32, #tpu.memory_space<hbm>> -> memref<80x128xf32, #tpu.memory_space<hbm>>
        tpu.enqueue_dma source(%dma_start3A_102 : memref<80x128xf32, #tpu.memory_space<hbm>>) target(%arg10 : memref<80x128xf32, #tpu.memory_space<vmem>>) target_semaphore(%arg13 : memref<!tpu.dma_semaphore, #tpu.memory_space<semaphore_mem>>)
        %add3A_103 = arith.constant 0 : i32
        %add3A_104 = arith.addi %mul3A_75, %add3A_103 : i32
        %mul3A_105 = arith.constant 80 : i32
        %mul3A_106 = arith.muli %add3A_104, %mul3A_105 : i32
        %add3A_107 = arith.addi %mul3A_23, %mul3A_106 : i32
        %dma_wait3A_108 = arith.constant 128 : i32
        %dma_wait3A_109 = tpu.memref_slice %arg2[%add3A_107, %dma_wait3A_108] : memref<80640x512xf32, #tpu.memory_space<hbm>> -> memref<80x128xf32, #tpu.memory_space<hbm>>
        %dma_wait3A_110 = arith.constant 128 : i32
        %dma_wait3A_111 = tpu.memref_slice %arg2[%add3A_107, %dma_wait3A_110] : memref<80640x512xf32, #tpu.memory_space<hbm>> -> memref<80x128xf32, #tpu.memory_space<hbm>>
        tpu.wait_dma2 semaphore(%arg12 : memref<!tpu.dma_semaphore, #tpu.memory_space<semaphore_mem>>) src(%dma_wait3A_111 : memref<80x128xf32, #tpu.memory_space<hbm>>) dst(%arg9 : memref<80x128xf32, #tpu.memory_space<vmem>>)
        %add3A_112 = arith.constant 0 : i32
        %add3A_113 = arith.addi %mul3A_75, %add3A_112 : i32
        %dma_start3A_114 = arith.constant 0 : i32
        %dma_start3A_115 = tpu.memref_slice %arg8[%add3A_113, %dma_start3A_114] : memref<63x80xi32, #tpu.memory_space<vmem>> -> memref<1x80xi32, #tpu.memory_space<vmem>>
        %dma_start3A_116 = tpu.memref_squeeze %dma_start3A_115 : memref<1x80xi32, #tpu.memory_space<vmem>> -> memref<80xi32, #tpu.memory_space<vmem>>
        %dma_start3A_117 = arith.constant 0 : i32
        %dma_start3A_118 = arith.constant 0 : i32
        %dma_start3A_119 = tpu.memref_slice %arg11[%dma_start3A_117, %dma_start3A_118] : memref<10000x128xf32, #tpu.memory_space<vmem_shared>> -> memref<10000x128xf32, #tpu.memory_space<vmem_shared>>
        tpu.enqueue_indirect_dma source(%arg9 : memref<80x128xf32, #tpu.memory_space<vmem>>) target(%dma_start3A_119 : memref<10000x128xf32, #tpu.memory_space<vmem_shared>>) offsets(%dma_start3A_116 : memref<80xi32, #tpu.memory_space<vmem>>) semaphore(%arg14 : memref<!tpu.dma_semaphore, #tpu.memory_space<semaphore_mem>>) {add = true}
        %add3A_120 = arith.constant 1 : i32
        %add3A_121 = arith.addi %mul3A_75, %add3A_120 : i32
        %mul3A_122 = arith.constant 80 : i32
        %mul3A_123 = arith.muli %add3A_121, %mul3A_122 : i32
        %add3A_124 = arith.addi %mul3A_23, %mul3A_123 : i32
        %dma_wait3A_125 = arith.constant 128 : i32
        %dma_wait3A_126 = tpu.memref_slice %arg2[%add3A_124, %dma_wait3A_125] : memref<80640x512xf32, #tpu.memory_space<hbm>> -> memref<80x128xf32, #tpu.memory_space<hbm>>
        %dma_wait3A_127 = arith.constant 128 : i32
        %dma_wait3A_128 = tpu.memref_slice %arg2[%add3A_124, %dma_wait3A_127] : memref<80640x512xf32, #tpu.memory_space<hbm>> -> memref<80x128xf32, #tpu.memory_space<hbm>>
        tpu.wait_dma2 semaphore(%arg13 : memref<!tpu.dma_semaphore, #tpu.memory_space<semaphore_mem>>) src(%dma_wait3A_128 : memref<80x128xf32, #tpu.memory_space<hbm>>) dst(%arg10 : memref<80x128xf32, #tpu.memory_space<vmem>>)
        %add3A_129 = arith.constant 1 : i32
        %add3A_130 = arith.addi %mul3A_75, %add3A_129 : i32
        %dma_start3A_131 = arith.constant 0 : i32
        %dma_start3A_132 = tpu.memref_slice %arg8[%add3A_130, %dma_start3A_131] : memref<63x80xi32, #tpu.memory_space<vmem>> -> memref<1x80xi32, #tpu.memory_space<vmem>>
        %dma_start3A_133 = tpu.memref_squeeze %dma_start3A_132 : memref<1x80xi32, #tpu.memory_space<vmem>> -> memref<80xi32, #tpu.memory_space<vmem>>
        %dma_start3A_134 = arith.constant 0 : i32
        %dma_start3A_135 = arith.constant 0 : i32
        %dma_start3A_136 = tpu.memref_slice %arg11[%dma_start3A_134, %dma_start3A_135] : memref<10000x128xf32, #tpu.memory_space<vmem_shared>> -> memref<10000x128xf32, #tpu.memory_space<vmem_shared>>
        tpu.enqueue_indirect_dma source(%arg10 : memref<80x128xf32, #tpu.memory_space<vmem>>) target(%dma_start3A_136 : memref<10000x128xf32, #tpu.memory_space<vmem_shared>>) offsets(%dma_start3A_133 : memref<80xi32, #tpu.memory_space<vmem>>) semaphore(%arg15 : memref<!tpu.dma_semaphore, #tpu.memory_space<semaphore_mem>>) {add = true}
      }
      %scan3A_27 = arith.constant 31 : i32
      %dma_wait3A = arith.constant 60 : i32
      %dma_wait3A_28 = arith.constant 0 : i32
      %dma_wait3A_29 = tpu.memref_slice %arg8[%dma_wait3A, %dma_wait3A_28] : memref<63x80xi32, #tpu.memory_space<vmem>> -> memref<1x80xi32, #tpu.memory_space<vmem>>
      %dma_wait3A_30 = tpu.memref_squeeze %dma_wait3A_29 : memref<1x80xi32, #tpu.memory_space<vmem>> -> memref<80xi32, #tpu.memory_space<vmem>>
      %dma_wait3A_31 = arith.constant 0 : i32
      %dma_wait3A_32 = arith.constant 0 : i32
      %dma_wait3A_33 = tpu.memref_slice %arg11[%dma_wait3A_31, %dma_wait3A_32] : memref<10000x128xf32, #tpu.memory_space<vmem_shared>> -> memref<10000x128xf32, #tpu.memory_space<vmem_shared>>
      tpu.wait_indirect_dma semaphore(%arg14 : memref<!tpu.dma_semaphore, #tpu.memory_space<semaphore_mem>>) src(%arg9 : memref<80x128xf32, #tpu.memory_space<vmem>>) dst(%dma_wait3A_33 : memref<10000x128xf32, #tpu.memory_space<vmem_shared>>)
      %add3A = arith.constant 4960 : i32
      %add3A_34 = arith.addi %mul3A_23, %add3A : i32
      %dma_start3A = arith.constant 128 : i32
      %dma_start3A_35 = tpu.memref_slice %arg2[%add3A_34, %dma_start3A] : memref<80640x512xf32, #tpu.memory_space<hbm>> -> memref<80x128xf32, #tpu.memory_space<hbm>>
      %dma_start3A_36 = arith.constant 128 : i32
      %dma_start3A_37 = tpu.memref_slice %arg2[%add3A_34, %dma_start3A_36] : memref<80640x512xf32, #tpu.memory_space<hbm>> -> memref<80x128xf32, #tpu.memory_space<hbm>>
      tpu.enqueue_dma source(%dma_start3A_37 : memref<80x128xf32, #tpu.memory_space<hbm>>) target(%arg9 : memref<80x128xf32, #tpu.memory_space<vmem>>) target_semaphore(%arg12 : memref<!tpu.dma_semaphore, #tpu.memory_space<semaphore_mem>>)
      %dma_wait3A_38 = arith.constant 128 : i32
      %dma_wait3A_39 = tpu.memref_slice %arg2[%add3A_34, %dma_wait3A_38] : memref<80640x512xf32, #tpu.memory_space<hbm>> -> memref<80x128xf32, #tpu.memory_space<hbm>>
      %dma_wait3A_40 = arith.constant 128 : i32
      %dma_wait3A_41 = tpu.memref_slice %arg2[%add3A_34, %dma_wait3A_40] : memref<80640x512xf32, #tpu.memory_space<hbm>> -> memref<80x128xf32, #tpu.memory_space<hbm>>
      tpu.wait_dma2 semaphore(%arg12 : memref<!tpu.dma_semaphore, #tpu.memory_space<semaphore_mem>>) src(%dma_wait3A_41 : memref<80x128xf32, #tpu.memory_space<hbm>>) dst(%arg9 : memref<80x128xf32, #tpu.memory_space<vmem>>)
      %dma_start3A_42 = arith.constant 62 : i32
      %dma_start3A_43 = arith.constant 0 : i32
      %dma_start3A_44 = tpu.memref_slice %arg8[%dma_start3A_42, %dma_start3A_43] : memref<63x80xi32, #tpu.memory_space<vmem>> -> memref<1x80xi32, #tpu.memory_space<vmem>>
      %dma_start3A_45 = tpu.memref_squeeze %dma_start3A_44 : memref<1x80xi32, #tpu.memory_space<vmem>> -> memref<80xi32, #tpu.memory_space<vmem>>
      %dma_start3A_46 = arith.constant 0 : i32
      %dma_start3A_47 = arith.constant 0 : i32
      %dma_start3A_48 = tpu.memref_slice %arg11[%dma_start3A_46, %dma_start3A_47] : memref<10000x128xf32, #tpu.memory_space<vmem_shared>> -> memref<10000x128xf32, #tpu.memory_space<vmem_shared>>
      tpu.enqueue_indirect_dma source(%arg9 : memref<80x128xf32, #tpu.memory_space<vmem>>) target(%dma_start3A_48 : memref<10000x128xf32, #tpu.memory_space<vmem_shared>>) offsets(%dma_start3A_45 : memref<80xi32, #tpu.memory_space<vmem>>) semaphore(%arg14 : memref<!tpu.dma_semaphore, #tpu.memory_space<semaphore_mem>>) {add = true}
      %dma_wait3A_49 = arith.constant 62 : i32
      %dma_wait3A_50 = arith.constant 0 : i32
      %dma_wait3A_51 = tpu.memref_slice %arg8[%dma_wait3A_49, %dma_wait3A_50] : memref<63x80xi32, #tpu.memory_space<vmem>> -> memref<1x80xi32, #tpu.memory_space<vmem>>
      %dma_wait3A_52 = tpu.memref_squeeze %dma_wait3A_51 : memref<1x80xi32, #tpu.memory_space<vmem>> -> memref<80xi32, #tpu.memory_space<vmem>>
      %dma_wait3A_53 = arith.constant 0 : i32
      %dma_wait3A_54 = arith.constant 0 : i32
      %dma_wait3A_55 = tpu.memref_slice %arg11[%dma_wait3A_53, %dma_wait3A_54] : memref<10000x128xf32, #tpu.memory_space<vmem_shared>> -> memref<10000x128xf32, #tpu.memory_space<vmem_shared>>
      tpu.wait_indirect_dma semaphore(%arg14 : memref<!tpu.dma_semaphore, #tpu.memory_space<semaphore_mem>>) src(%arg9 : memref<80x128xf32, #tpu.memory_space<vmem>>) dst(%dma_wait3A_55 : memref<10000x128xf32, #tpu.memory_space<vmem_shared>>)
      %dma_wait3A_56 = arith.constant 61 : i32
      %dma_wait3A_57 = arith.constant 0 : i32
      %dma_wait3A_58 = tpu.memref_slice %arg8[%dma_wait3A_56, %dma_wait3A_57] : memref<63x80xi32, #tpu.memory_space<vmem>> -> memref<1x80xi32, #tpu.memory_space<vmem>>
      %dma_wait3A_59 = tpu.memref_squeeze %dma_wait3A_58 : memref<1x80xi32, #tpu.memory_space<vmem>> -> memref<80xi32, #tpu.memory_space<vmem>>
      %dma_wait3A_60 = arith.constant 0 : i32
      %dma_wait3A_61 = arith.constant 0 : i32
      %dma_wait3A_62 = tpu.memref_slice %arg11[%dma_wait3A_60, %dma_wait3A_61] : memref<10000x128xf32, #tpu.memory_space<vmem_shared>> -> memref<10000x128xf32, #tpu.memory_space<vmem_shared>>
      tpu.wait_indirect_dma semaphore(%arg15 : memref<!tpu.dma_semaphore, #tpu.memory_space<semaphore_mem>>) src(%arg10 : memref<80x128xf32, #tpu.memory_space<vmem>>) dst(%dma_wait3A_62 : memref<10000x128xf32, #tpu.memory_space<vmem_shared>>)
      %barrier3A_63 = arith.constant 0 : index
      tpu.barrier barrier_id(%barrier3A_63)
      %eq3A_64 = arith.constant 0 : i32
      %eq3A_65 = arith.cmpi eq, %arg1, %eq3A_64 : i32
      %convert_element_type3A_66 = arith.extui %eq3A_65 : i1 to i32
      %cond3A_67 = arith.constant 0 : i32
      %cond3A_68 = arith.cmpi ne, %convert_element_type3A_66, %cond3A_67 : i32
      scf.if %cond3A_68 {
        %run_scoped3A = arith.constant 0 : i32
        "tpu.region"() ({
          %run_scoped3A_69 = tpu.sem_alloc : memref<!tpu.dma_semaphore, #tpu.memory_space<semaphore_mem>>
          %dma_start3A_70 = arith.constant 0 : i32
          %dma_start3A_71 = arith.constant 0 : i32
          %dma_start3A_72 = tpu.memref_slice %arg7[%run_scoped3A, %dma_start3A_70, %dma_start3A_71] : memref<3x10000x128xf32, #tpu.memory_space<hbm>> -> memref<1x10000x128xf32, #tpu.memory_space<hbm>>
          %dma_start3A_73 = tpu.memref_squeeze %dma_start3A_72 : memref<1x10000x128xf32, #tpu.memory_space<hbm>> -> memref<10000x128xf32, #tpu.memory_space<hbm>>
          tpu.enqueue_dma source(%arg11 : memref<10000x128xf32, #tpu.memory_space<vmem_shared>>) target(%dma_start3A_73 : memref<10000x128xf32, #tpu.memory_space<hbm>>) target_semaphore(%run_scoped3A_69 : memref<!tpu.dma_semaphore, #tpu.memory_space<semaphore_mem>>)
          %dma_wait3A_74 = arith.constant 0 : i32
          %dma_wait3A_75 = arith.constant 0 : i32
          %dma_wait3A_76 = tpu.memref_slice %arg7[%run_scoped3A, %dma_wait3A_74, %dma_wait3A_75] : memref<3x10000x128xf32, #tpu.memory_space<hbm>> -> memref<1x10000x128xf32, #tpu.memory_space<hbm>>
          %dma_wait3A_77 = tpu.memref_squeeze %dma_wait3A_76 : memref<1x10000x128xf32, #tpu.memory_space<hbm>> -> memref<10000x128xf32, #tpu.memory_space<hbm>>
          tpu.wait_dma2 semaphore(%run_scoped3A_69 : memref<!tpu.dma_semaphore, #tpu.memory_space<semaphore_mem>>) src(%arg11 : memref<10000x128xf32, #tpu.memory_space<vmem_shared>>) dst(%dma_wait3A_77 : memref<10000x128xf32, #tpu.memory_space<hbm>>)
          tpu.yield
        }) : () -> ()
      } else {
      }
    } else {
    }
    %eq3A_7 = arith.constant 0 : i32
    %eq3A_8 = arith.cmpi eq, %arg0, %eq3A_7 : i32
    %convert_element_type3A_9 = arith.extui %eq3A_8 : i1 to i32
    %cond3A_10 = arith.constant 0 : i32
    %cond3A_11 = arith.cmpi ne, %convert_element_type3A_9, %cond3A_10 : i32
    scf.if %cond3A_11 {
      %barrier3A = arith.constant 0 : index
      tpu.barrier barrier_id(%barrier3A)
      %eq3A_17 = arith.constant 0 : i32
      %eq3A_18 = arith.cmpi eq, %arg1, %eq3A_17 : i32
      %convert_element_type3A_19 = arith.extui %eq3A_18 : i1 to i32
      %cond3A_20 = arith.constant 0 : i32
      %cond3A_21 = arith.cmpi ne, %convert_element_type3A_19, %cond3A_20 : i32
      scf.if %cond3A_21 {
        %run_scoped3A = arith.constant 1 : i32
        "tpu.region"() ({
          %run_scoped3A_69 = tpu.sem_alloc : memref<!tpu.dma_semaphore, #tpu.memory_space<semaphore_mem>>
          %dma_start3A_70 = arith.constant 0 : i32
          %dma_start3A_71 = arith.constant 0 : i32
          %dma_start3A_72 = tpu.memref_slice %arg5[%run_scoped3A, %dma_start3A_70, %dma_start3A_71] : memref<3x10000x128xf32, #tpu.memory_space<hbm>> -> memref<1x10000x128xf32, #tpu.memory_space<hbm>>
          %dma_start3A_73 = tpu.memref_squeeze %dma_start3A_72 : memref<1x10000x128xf32, #tpu.memory_space<hbm>> -> memref<10000x128xf32, #tpu.memory_space<hbm>>
          tpu.enqueue_dma source(%dma_start3A_73 : memref<10000x128xf32, #tpu.memory_space<hbm>>) target(%arg11 : memref<10000x128xf32, #tpu.memory_space<vmem_shared>>) target_semaphore(%run_scoped3A_69 : memref<!tpu.dma_semaphore, #tpu.memory_space<semaphore_mem>>)
          %dma_wait3A_74 = arith.constant 0 : i32
          %dma_wait3A_75 = arith.constant 0 : i32
          %dma_wait3A_76 = tpu.memref_slice %arg5[%run_scoped3A, %dma_wait3A_74, %dma_wait3A_75] : memref<3x10000x128xf32, #tpu.memory_space<hbm>> -> memref<1x10000x128xf32, #tpu.memory_space<hbm>>
          %dma_wait3A_77 = tpu.memref_squeeze %dma_wait3A_76 : memref<1x10000x128xf32, #tpu.memory_space<hbm>> -> memref<10000x128xf32, #tpu.memory_space<hbm>>
          tpu.wait_dma2 semaphore(%run_scoped3A_69 : memref<!tpu.dma_semaphore, #tpu.memory_space<semaphore_mem>>) src(%dma_wait3A_77 : memref<10000x128xf32, #tpu.memory_space<hbm>>) dst(%arg11 : memref<10000x128xf32, #tpu.memory_space<vmem_shared>>)
          tpu.yield
        }) : () -> ()
      } else {
      }
      %barrier3A_22 = arith.constant 0 : index
      tpu.barrier barrier_id(%barrier3A_22)
      %mul3A = arith.constant 5040 : i32
      %mul3A_23 = arith.muli %arg1, %mul3A : i32
      %scan3A = arith.constant 0 : i32
      %scan3A_24 = arith.constant 31 : i32
      %scan3A_25 = arith.addi %scan3A, %scan3A_24 : i32
      %scan3A_26 = arith.constant 1 : i32
      scf.for %scan3A_69 = %scan3A to %scan3A_25 step %scan3A_26  : i32 {
        %mul3A_70 = arith.constant 1 : i32
        %mul3A_71 = arith.muli %scan3A_69, %mul3A_70 : i32
        %add3A_72 = arith.constant 0 : i32
        %add3A_73 = arith.addi %add3A_72, %mul3A_71 : i32
        %mul3A_74 = arith.constant 2 : i32
        %mul3A_75 = arith.muli %mul3A_74, %add3A_73 : i32
        %gt3A = arith.constant 0 : i32
        %gt3A_76 = arith.cmpi sgt, %add3A_73, %gt3A : i32
        %convert_element_type3A_77 = arith.extui %gt3A_76 : i1 to i32
        %cond3A_78 = arith.constant 0 : i32
        %cond3A_79 = arith.cmpi ne, %convert_element_type3A_77, %cond3A_78 : i32
        scf.if %cond3A_79 {
          %add3A_137 = arith.constant 0 : i32
          %add3A_138 = arith.addi %mul3A_75, %add3A_137 : i32
          %sub3A = arith.constant 2 : i32
          %sub3A_139 = arith.subi %add3A_138, %sub3A : i32
          %dma_wait3A_140 = arith.constant 0 : i32
          %dma_wait3A_141 = tpu.memref_slice %arg8[%sub3A_139, %dma_wait3A_140] : memref<63x80xi32, #tpu.memory_space<vmem>> -> memref<1x80xi32, #tpu.memory_space<vmem>>
          %dma_wait3A_142 = tpu.memref_squeeze %dma_wait3A_141 : memref<1x80xi32, #tpu.memory_space<vmem>> -> memref<80xi32, #tpu.memory_space<vmem>>
          %dma_wait3A_143 = arith.constant 0 : i32
          %dma_wait3A_144 = arith.constant 0 : i32
          %dma_wait3A_145 = tpu.memref_slice %arg11[%dma_wait3A_143, %dma_wait3A_144] : memref<10000x128xf32, #tpu.memory_space<vmem_shared>> -> memref<10000x128xf32, #tpu.memory_space<vmem_shared>>
          tpu.wait_indirect_dma semaphore(%arg14 : memref<!tpu.dma_semaphore, #tpu.memory_space<semaphore_mem>>) src(%arg9 : memref<80x128xf32, #tpu.memory_space<vmem>>) dst(%dma_wait3A_145 : memref<10000x128xf32, #tpu.memory_space<vmem_shared>>)
        } else {
        }
        %add3A_80 = arith.constant 0 : i32
        %add3A_81 = arith.addi %mul3A_75, %add3A_80 : i32
        %mul3A_82 = arith.constant 80 : i32
        %mul3A_83 = arith.muli %add3A_81, %mul3A_82 : i32
        %add3A_84 = arith.addi %mul3A_23, %mul3A_83 : i32
        %dma_start3A_85 = arith.constant 256 : i32
        %dma_start3A_86 = tpu.memref_slice %arg2[%add3A_84, %dma_start3A_85] : memref<80640x512xf32, #tpu.memory_space<hbm>> -> memref<80x128xf32, #tpu.memory_space<hbm>>
        %dma_start3A_87 = arith.constant 256 : i32
        %dma_start3A_88 = tpu.memref_slice %arg2[%add3A_84, %dma_start3A_87] : memref<80640x512xf32, #tpu.memory_space<hbm>> -> memref<80x128xf32, #tpu.memory_space<hbm>>
        tpu.enqueue_dma source(%dma_start3A_88 : memref<80x128xf32, #tpu.memory_space<hbm>>) target(%arg9 : memref<80x128xf32, #tpu.memory_space<vmem>>) target_semaphore(%arg12 : memref<!tpu.dma_semaphore, #tpu.memory_space<semaphore_mem>>)
        %gt3A_89 = arith.constant 0 : i32
        %gt3A_90 = arith.cmpi sgt, %add3A_73, %gt3A_89 : i32
        %convert_element_type3A_91 = arith.extui %gt3A_90 : i1 to i32
        %cond3A_92 = arith.constant 0 : i32
        %cond3A_93 = arith.cmpi ne, %convert_element_type3A_91, %cond3A_92 : i32
        scf.if %cond3A_93 {
          %add3A_137 = arith.constant 1 : i32
          %add3A_138 = arith.addi %mul3A_75, %add3A_137 : i32
          %sub3A = arith.constant 2 : i32
          %sub3A_139 = arith.subi %add3A_138, %sub3A : i32
          %dma_wait3A_140 = arith.constant 0 : i32
          %dma_wait3A_141 = tpu.memref_slice %arg8[%sub3A_139, %dma_wait3A_140] : memref<63x80xi32, #tpu.memory_space<vmem>> -> memref<1x80xi32, #tpu.memory_space<vmem>>
          %dma_wait3A_142 = tpu.memref_squeeze %dma_wait3A_141 : memref<1x80xi32, #tpu.memory_space<vmem>> -> memref<80xi32, #tpu.memory_space<vmem>>
          %dma_wait3A_143 = arith.constant 0 : i32
          %dma_wait3A_144 = arith.constant 0 : i32
          %dma_wait3A_145 = tpu.memref_slice %arg11[%dma_wait3A_143, %dma_wait3A_144] : memref<10000x128xf32, #tpu.memory_space<vmem_shared>> -> memref<10000x128xf32, #tpu.memory_space<vmem_shared>>
          tpu.wait_indirect_dma semaphore(%arg15 : memref<!tpu.dma_semaphore, #tpu.memory_space<semaphore_mem>>) src(%arg10 : memref<80x128xf32, #tpu.memory_space<vmem>>) dst(%dma_wait3A_145 : memref<10000x128xf32, #tpu.memory_space<vmem_shared>>)
        } else {
        }
        %add3A_94 = arith.constant 1 : i32
        %add3A_95 = arith.addi %mul3A_75, %add3A_94 : i32
        %mul3A_96 = arith.constant 80 : i32
        %mul3A_97 = arith.muli %add3A_95, %mul3A_96 : i32
        %add3A_98 = arith.addi %mul3A_23, %mul3A_97 : i32
        %dma_start3A_99 = arith.constant 256 : i32
        %dma_start3A_100 = tpu.memref_slice %arg2[%add3A_98, %dma_start3A_99] : memref<80640x512xf32, #tpu.memory_space<hbm>> -> memref<80x128xf32, #tpu.memory_space<hbm>>
        %dma_start3A_101 = arith.constant 256 : i32
        %dma_start3A_102 = tpu.memref_slice %arg2[%add3A_98, %dma_start3A_101] : memref<80640x512xf32, #tpu.memory_space<hbm>> -> memref<80x128xf32, #tpu.memory_space<hbm>>
        tpu.enqueue_dma source(%dma_start3A_102 : memref<80x128xf32, #tpu.memory_space<hbm>>) target(%arg10 : memref<80x128xf32, #tpu.memory_space<vmem>>) target_semaphore(%arg13 : memref<!tpu.dma_semaphore, #tpu.memory_space<semaphore_mem>>)
        %add3A_103 = arith.constant 0 : i32
        %add3A_104 = arith.addi %mul3A_75, %add3A_103 : i32
        %mul3A_105 = arith.constant 80 : i32
        %mul3A_106 = arith.muli %add3A_104, %mul3A_105 : i32
        %add3A_107 = arith.addi %mul3A_23, %mul3A_106 : i32
        %dma_wait3A_108 = arith.constant 256 : i32
        %dma_wait3A_109 = tpu.memref_slice %arg2[%add3A_107, %dma_wait3A_108] : memref<80640x512xf32, #tpu.memory_space<hbm>> -> memref<80x128xf32, #tpu.memory_space<hbm>>
        %dma_wait3A_110 = arith.constant 256 : i32
        %dma_wait3A_111 = tpu.memref_slice %arg2[%add3A_107, %dma_wait3A_110] : memref<80640x512xf32, #tpu.memory_space<hbm>> -> memref<80x128xf32, #tpu.memory_space<hbm>>
        tpu.wait_dma2 semaphore(%arg12 : memref<!tpu.dma_semaphore, #tpu.memory_space<semaphore_mem>>) src(%dma_wait3A_111 : memref<80x128xf32, #tpu.memory_space<hbm>>) dst(%arg9 : memref<80x128xf32, #tpu.memory_space<vmem>>)
        %add3A_112 = arith.constant 0 : i32
        %add3A_113 = arith.addi %mul3A_75, %add3A_112 : i32
        %dma_start3A_114 = arith.constant 0 : i32
        %dma_start3A_115 = tpu.memref_slice %arg8[%add3A_113, %dma_start3A_114] : memref<63x80xi32, #tpu.memory_space<vmem>> -> memref<1x80xi32, #tpu.memory_space<vmem>>
        %dma_start3A_116 = tpu.memref_squeeze %dma_start3A_115 : memref<1x80xi32, #tpu.memory_space<vmem>> -> memref<80xi32, #tpu.memory_space<vmem>>
        %dma_start3A_117 = arith.constant 0 : i32
        %dma_start3A_118 = arith.constant 0 : i32
        %dma_start3A_119 = tpu.memref_slice %arg11[%dma_start3A_117, %dma_start3A_118] : memref<10000x128xf32, #tpu.memory_space<vmem_shared>> -> memref<10000x128xf32, #tpu.memory_space<vmem_shared>>
        tpu.enqueue_indirect_dma source(%arg9 : memref<80x128xf32, #tpu.memory_space<vmem>>) target(%dma_start3A_119 : memref<10000x128xf32, #tpu.memory_space<vmem_shared>>) offsets(%dma_start3A_116 : memref<80xi32, #tpu.memory_space<vmem>>) semaphore(%arg14 : memref<!tpu.dma_semaphore, #tpu.memory_space<semaphore_mem>>) {add = true}
        %add3A_120 = arith.constant 1 : i32
        %add3A_121 = arith.addi %mul3A_75, %add3A_120 : i32
        %mul3A_122 = arith.constant 80 : i32
        %mul3A_123 = arith.muli %add3A_121, %mul3A_122 : i32
        %add3A_124 = arith.addi %mul3A_23, %mul3A_123 : i32
        %dma_wait3A_125 = arith.constant 256 : i32
        %dma_wait3A_126 = tpu.memref_slice %arg2[%add3A_124, %dma_wait3A_125] : memref<80640x512xf32, #tpu.memory_space<hbm>> -> memref<80x128xf32, #tpu.memory_space<hbm>>
        %dma_wait3A_127 = arith.constant 256 : i32
        %dma_wait3A_128 = tpu.memref_slice %arg2[%add3A_124, %dma_wait3A_127] : memref<80640x512xf32, #tpu.memory_space<hbm>> -> memref<80x128xf32, #tpu.memory_space<hbm>>
        tpu.wait_dma2 semaphore(%arg13 : memref<!tpu.dma_semaphore, #tpu.memory_space<semaphore_mem>>) src(%dma_wait3A_128 : memref<80x128xf32, #tpu.memory_space<hbm>>) dst(%arg10 : memref<80x128xf32, #tpu.memory_space<vmem>>)
        %add3A_129 = arith.constant 1 : i32
        %add3A_130 = arith.addi %mul3A_75, %add3A_129 : i32
        %dma_start3A_131 = arith.constant 0 : i32
        %dma_start3A_132 = tpu.memref_slice %arg8[%add3A_130, %dma_start3A_131] : memref<63x80xi32, #tpu.memory_space<vmem>> -> memref<1x80xi32, #tpu.memory_space<vmem>>
        %dma_start3A_133 = tpu.memref_squeeze %dma_start3A_132 : memref<1x80xi32, #tpu.memory_space<vmem>> -> memref<80xi32, #tpu.memory_space<vmem>>
        %dma_start3A_134 = arith.constant 0 : i32
        %dma_start3A_135 = arith.constant 0 : i32
        %dma_start3A_136 = tpu.memref_slice %arg11[%dma_start3A_134, %dma_start3A_135] : memref<10000x128xf32, #tpu.memory_space<vmem_shared>> -> memref<10000x128xf32, #tpu.memory_space<vmem_shared>>
        tpu.enqueue_indirect_dma source(%arg10 : memref<80x128xf32, #tpu.memory_space<vmem>>) target(%dma_start3A_136 : memref<10000x128xf32, #tpu.memory_space<vmem_shared>>) offsets(%dma_start3A_133 : memref<80xi32, #tpu.memory_space<vmem>>) semaphore(%arg15 : memref<!tpu.dma_semaphore, #tpu.memory_space<semaphore_mem>>) {add = true}
      }
      %scan3A_27 = arith.constant 31 : i32
      %dma_wait3A = arith.constant 60 : i32
      %dma_wait3A_28 = arith.constant 0 : i32
      %dma_wait3A_29 = tpu.memref_slice %arg8[%dma_wait3A, %dma_wait3A_28] : memref<63x80xi32, #tpu.memory_space<vmem>> -> memref<1x80xi32, #tpu.memory_space<vmem>>
      %dma_wait3A_30 = tpu.memref_squeeze %dma_wait3A_29 : memref<1x80xi32, #tpu.memory_space<vmem>> -> memref<80xi32, #tpu.memory_space<vmem>>
      %dma_wait3A_31 = arith.constant 0 : i32
      %dma_wait3A_32 = arith.constant 0 : i32
      %dma_wait3A_33 = tpu.memref_slice %arg11[%dma_wait3A_31, %dma_wait3A_32] : memref<10000x128xf32, #tpu.memory_space<vmem_shared>> -> memref<10000x128xf32, #tpu.memory_space<vmem_shared>>
      tpu.wait_indirect_dma semaphore(%arg14 : memref<!tpu.dma_semaphore, #tpu.memory_space<semaphore_mem>>) src(%arg9 : memref<80x128xf32, #tpu.memory_space<vmem>>) dst(%dma_wait3A_33 : memref<10000x128xf32, #tpu.memory_space<vmem_shared>>)
      %add3A = arith.constant 4960 : i32
      %add3A_34 = arith.addi %mul3A_23, %add3A : i32
      %dma_start3A = arith.constant 256 : i32
      %dma_start3A_35 = tpu.memref_slice %arg2[%add3A_34, %dma_start3A] : memref<80640x512xf32, #tpu.memory_space<hbm>> -> memref<80x128xf32, #tpu.memory_space<hbm>>
      %dma_start3A_36 = arith.constant 256 : i32
      %dma_start3A_37 = tpu.memref_slice %arg2[%add3A_34, %dma_start3A_36] : memref<80640x512xf32, #tpu.memory_space<hbm>> -> memref<80x128xf32, #tpu.memory_space<hbm>>
      tpu.enqueue_dma source(%dma_start3A_37 : memref<80x128xf32, #tpu.memory_space<hbm>>) target(%arg9 : memref<80x128xf32, #tpu.memory_space<vmem>>) target_semaphore(%arg12 : memref<!tpu.dma_semaphore, #tpu.memory_space<semaphore_mem>>)
      %dma_wait3A_38 = arith.constant 256 : i32
      %dma_wait3A_39 = tpu.memref_slice %arg2[%add3A_34, %dma_wait3A_38] : memref<80640x512xf32, #tpu.memory_space<hbm>> -> memref<80x128xf32, #tpu.memory_space<hbm>>
      %dma_wait3A_40 = arith.constant 256 : i32
      %dma_wait3A_41 = tpu.memref_slice %arg2[%add3A_34, %dma_wait3A_40] : memref<80640x512xf32, #tpu.memory_space<hbm>> -> memref<80x128xf32, #tpu.memory_space<hbm>>
      tpu.wait_dma2 semaphore(%arg12 : memref<!tpu.dma_semaphore, #tpu.memory_space<semaphore_mem>>) src(%dma_wait3A_41 : memref<80x128xf32, #tpu.memory_space<hbm>>) dst(%arg9 : memref<80x128xf32, #tpu.memory_space<vmem>>)
      %dma_start3A_42 = arith.constant 62 : i32
      %dma_start3A_43 = arith.constant 0 : i32
      %dma_start3A_44 = tpu.memref_slice %arg8[%dma_start3A_42, %dma_start3A_43] : memref<63x80xi32, #tpu.memory_space<vmem>> -> memref<1x80xi32, #tpu.memory_space<vmem>>
      %dma_start3A_45 = tpu.memref_squeeze %dma_start3A_44 : memref<1x80xi32, #tpu.memory_space<vmem>> -> memref<80xi32, #tpu.memory_space<vmem>>
      %dma_start3A_46 = arith.constant 0 : i32
      %dma_start3A_47 = arith.constant 0 : i32
      %dma_start3A_48 = tpu.memref_slice %arg11[%dma_start3A_46, %dma_start3A_47] : memref<10000x128xf32, #tpu.memory_space<vmem_shared>> -> memref<10000x128xf32, #tpu.memory_space<vmem_shared>>
      tpu.enqueue_indirect_dma source(%arg9 : memref<80x128xf32, #tpu.memory_space<vmem>>) target(%dma_start3A_48 : memref<10000x128xf32, #tpu.memory_space<vmem_shared>>) offsets(%dma_start3A_45 : memref<80xi32, #tpu.memory_space<vmem>>) semaphore(%arg14 : memref<!tpu.dma_semaphore, #tpu.memory_space<semaphore_mem>>) {add = true}
      %dma_wait3A_49 = arith.constant 62 : i32
      %dma_wait3A_50 = arith.constant 0 : i32
      %dma_wait3A_51 = tpu.memref_slice %arg8[%dma_wait3A_49, %dma_wait3A_50] : memref<63x80xi32, #tpu.memory_space<vmem>> -> memref<1x80xi32, #tpu.memory_space<vmem>>
      %dma_wait3A_52 = tpu.memref_squeeze %dma_wait3A_51 : memref<1x80xi32, #tpu.memory_space<vmem>> -> memref<80xi32, #tpu.memory_space<vmem>>
      %dma_wait3A_53 = arith.constant 0 : i32
      %dma_wait3A_54 = arith.constant 0 : i32
      %dma_wait3A_55 = tpu.memref_slice %arg11[%dma_wait3A_53, %dma_wait3A_54] : memref<10000x128xf32, #tpu.memory_space<vmem_shared>> -> memref<10000x128xf32, #tpu.memory_space<vmem_shared>>
      tpu.wait_indirect_dma semaphore(%arg14 : memref<!tpu.dma_semaphore, #tpu.memory_space<semaphore_mem>>) src(%arg9 : memref<80x128xf32, #tpu.memory_space<vmem>>) dst(%dma_wait3A_55 : memref<10000x128xf32, #tpu.memory_space<vmem_shared>>)
      %dma_wait3A_56 = arith.constant 61 : i32
      %dma_wait3A_57 = arith.constant 0 : i32
      %dma_wait3A_58 = tpu.memref_slice %arg8[%dma_wait3A_56, %dma_wait3A_57] : memref<63x80xi32, #tpu.memory_space<vmem>> -> memref<1x80xi32, #tpu.memory_space<vmem>>
      %dma_wait3A_59 = tpu.memref_squeeze %dma_wait3A_58 : memref<1x80xi32, #tpu.memory_space<vmem>> -> memref<80xi32, #tpu.memory_space<vmem>>
      %dma_wait3A_60 = arith.constant 0 : i32
      %dma_wait3A_61 = arith.constant 0 : i32
      %dma_wait3A_62 = tpu.memref_slice %arg11[%dma_wait3A_60, %dma_wait3A_61] : memref<10000x128xf32, #tpu.memory_space<vmem_shared>> -> memref<10000x128xf32, #tpu.memory_space<vmem_shared>>
      tpu.wait_indirect_dma semaphore(%arg15 : memref<!tpu.dma_semaphore, #tpu.memory_space<semaphore_mem>>) src(%arg10 : memref<80x128xf32, #tpu.memory_space<vmem>>) dst(%dma_wait3A_62 : memref<10000x128xf32, #tpu.memory_space<vmem_shared>>)
      %barrier3A_63 = arith.constant 0 : index
      tpu.barrier barrier_id(%barrier3A_63)
      %eq3A_64 = arith.constant 0 : i32
      %eq3A_65 = arith.cmpi eq, %arg1, %eq3A_64 : i32
      %convert_element_type3A_66 = arith.extui %eq3A_65 : i1 to i32
      %cond3A_67 = arith.constant 0 : i32
      %cond3A_68 = arith.cmpi ne, %convert_element_type3A_66, %cond3A_67 : i32
      scf.if %cond3A_68 {
        %run_scoped3A = arith.constant 1 : i32
        "tpu.region"() ({
          %run_scoped3A_69 = tpu.sem_alloc : memref<!tpu.dma_semaphore, #tpu.memory_space<semaphore_mem>>
          %dma_start3A_70 = arith.constant 0 : i32
          %dma_start3A_71 = arith.constant 0 : i32
          %dma_start3A_72 = tpu.memref_slice %arg7[%run_scoped3A, %dma_start3A_70, %dma_start3A_71] : memref<3x10000x128xf32, #tpu.memory_space<hbm>> -> memref<1x10000x128xf32, #tpu.memory_space<hbm>>
          %dma_start3A_73 = tpu.memref_squeeze %dma_start3A_72 : memref<1x10000x128xf32, #tpu.memory_space<hbm>> -> memref<10000x128xf32, #tpu.memory_space<hbm>>
          tpu.enqueue_dma source(%arg11 : memref<10000x128xf32, #tpu.memory_space<vmem_shared>>) target(%dma_start3A_73 : memref<10000x128xf32, #tpu.memory_space<hbm>>) target_semaphore(%run_scoped3A_69 : memref<!tpu.dma_semaphore, #tpu.memory_space<semaphore_mem>>)
          %dma_wait3A_74 = arith.constant 0 : i32
          %dma_wait3A_75 = arith.constant 0 : i32
          %dma_wait3A_76 = tpu.memref_slice %arg7[%run_scoped3A, %dma_wait3A_74, %dma_wait3A_75] : memref<3x10000x128xf32, #tpu.memory_space<hbm>> -> memref<1x10000x128xf32, #tpu.memory_space<hbm>>
          %dma_wait3A_77 = tpu.memref_squeeze %dma_wait3A_76 : memref<1x10000x128xf32, #tpu.memory_space<hbm>> -> memref<10000x128xf32, #tpu.memory_space<hbm>>
          tpu.wait_dma2 semaphore(%run_scoped3A_69 : memref<!tpu.dma_semaphore, #tpu.memory_space<semaphore_mem>>) src(%arg11 : memref<10000x128xf32, #tpu.memory_space<vmem_shared>>) dst(%dma_wait3A_77 : memref<10000x128xf32, #tpu.memory_space<hbm>>)
          tpu.yield
        }) : () -> ()
      } else {
      }
    } else {
    }
    %eq3A_12 = arith.constant 1 : i32
    %eq3A_13 = arith.cmpi eq, %arg0, %eq3A_12 : i32
    %convert_element_type3A_14 = arith.extui %eq3A_13 : i1 to i32
    %cond3A_15 = arith.constant 0 : i32
    %cond3A_16 = arith.cmpi ne, %convert_element_type3A_14, %cond3A_15 : i32
    scf.if %cond3A_16 {
      %barrier3A = arith.constant 0 : index
      tpu.barrier barrier_id(%barrier3A)
      %eq3A_17 = arith.constant 0 : i32
      %eq3A_18 = arith.cmpi eq, %arg1, %eq3A_17 : i32
      %convert_element_type3A_19 = arith.extui %eq3A_18 : i1 to i32
      %cond3A_20 = arith.constant 0 : i32
      %cond3A_21 = arith.cmpi ne, %convert_element_type3A_19, %cond3A_20 : i32
      scf.if %cond3A_21 {
        %run_scoped3A = arith.constant 2 : i32
        "tpu.region"() ({
          %run_scoped3A_69 = tpu.sem_alloc : memref<!tpu.dma_semaphore, #tpu.memory_space<semaphore_mem>>
          %dma_start3A_70 = arith.constant 0 : i32
          %dma_start3A_71 = arith.constant 0 : i32
          %dma_start3A_72 = tpu.memref_slice %arg5[%run_scoped3A, %dma_start3A_70, %dma_start3A_71] : memref<3x10000x128xf32, #tpu.memory_space<hbm>> -> memref<1x10000x128xf32, #tpu.memory_space<hbm>>
          %dma_start3A_73 = tpu.memref_squeeze %dma_start3A_72 : memref<1x10000x128xf32, #tpu.memory_space<hbm>> -> memref<10000x128xf32, #tpu.memory_space<hbm>>
          tpu.enqueue_dma source(%dma_start3A_73 : memref<10000x128xf32, #tpu.memory_space<hbm>>) target(%arg11 : memref<10000x128xf32, #tpu.memory_space<vmem_shared>>) target_semaphore(%run_scoped3A_69 : memref<!tpu.dma_semaphore, #tpu.memory_space<semaphore_mem>>)
          %dma_wait3A_74 = arith.constant 0 : i32
          %dma_wait3A_75 = arith.constant 0 : i32
          %dma_wait3A_76 = tpu.memref_slice %arg5[%run_scoped3A, %dma_wait3A_74, %dma_wait3A_75] : memref<3x10000x128xf32, #tpu.memory_space<hbm>> -> memref<1x10000x128xf32, #tpu.memory_space<hbm>>
          %dma_wait3A_77 = tpu.memref_squeeze %dma_wait3A_76 : memref<1x10000x128xf32, #tpu.memory_space<hbm>> -> memref<10000x128xf32, #tpu.memory_space<hbm>>
          tpu.wait_dma2 semaphore(%run_scoped3A_69 : memref<!tpu.dma_semaphore, #tpu.memory_space<semaphore_mem>>) src(%dma_wait3A_77 : memref<10000x128xf32, #tpu.memory_space<hbm>>) dst(%arg11 : memref<10000x128xf32, #tpu.memory_space<vmem_shared>>)
          tpu.yield
        }) : () -> ()
      } else {
      }
      %barrier3A_22 = arith.constant 0 : index
      tpu.barrier barrier_id(%barrier3A_22)
      %mul3A = arith.constant 5040 : i32
      %mul3A_23 = arith.muli %arg1, %mul3A : i32
      %scan3A = arith.constant 0 : i32
      %scan3A_24 = arith.constant 31 : i32
      %scan3A_25 = arith.addi %scan3A, %scan3A_24 : i32
      %scan3A_26 = arith.constant 1 : i32
      scf.for %scan3A_69 = %scan3A to %scan3A_25 step %scan3A_26  : i32 {
        %mul3A_70 = arith.constant 1 : i32
        %mul3A_71 = arith.muli %scan3A_69, %mul3A_70 : i32
        %add3A_72 = arith.constant 0 : i32
        %add3A_73 = arith.addi %add3A_72, %mul3A_71 : i32
        %mul3A_74 = arith.constant 2 : i32
        %mul3A_75 = arith.muli %mul3A_74, %add3A_73 : i32
        %gt3A = arith.constant 0 : i32
        %gt3A_76 = arith.cmpi sgt, %add3A_73, %gt3A : i32
        %convert_element_type3A_77 = arith.extui %gt3A_76 : i1 to i32
        %cond3A_78 = arith.constant 0 : i32
        %cond3A_79 = arith.cmpi ne, %convert_element_type3A_77, %cond3A_78 : i32
        scf.if %cond3A_79 {
          %add3A_137 = arith.constant 0 : i32
          %add3A_138 = arith.addi %mul3A_75, %add3A_137 : i32
          %sub3A = arith.constant 2 : i32
          %sub3A_139 = arith.subi %add3A_138, %sub3A : i32
          %dma_wait3A_140 = arith.constant 0 : i32
          %dma_wait3A_141 = tpu.memref_slice %arg8[%sub3A_139, %dma_wait3A_140] : memref<63x80xi32, #tpu.memory_space<vmem>> -> memref<1x80xi32, #tpu.memory_space<vmem>>
          %dma_wait3A_142 = tpu.memref_squeeze %dma_wait3A_141 : memref<1x80xi32, #tpu.memory_space<vmem>> -> memref<80xi32, #tpu.memory_space<vmem>>
          %dma_wait3A_143 = arith.constant 0 : i32
          %dma_wait3A_144 = arith.constant 0 : i32
          %dma_wait3A_145 = tpu.memref_slice %arg11[%dma_wait3A_143, %dma_wait3A_144] : memref<10000x128xf32, #tpu.memory_space<vmem_shared>> -> memref<10000x128xf32, #tpu.memory_space<vmem_shared>>
          tpu.wait_indirect_dma semaphore(%arg14 : memref<!tpu.dma_semaphore, #tpu.memory_space<semaphore_mem>>) src(%arg9 : memref<80x128xf32, #tpu.memory_space<vmem>>) dst(%dma_wait3A_145 : memref<10000x128xf32, #tpu.memory_space<vmem_shared>>)
        } else {
        }
        %add3A_80 = arith.constant 0 : i32
        %add3A_81 = arith.addi %mul3A_75, %add3A_80 : i32
        %mul3A_82 = arith.constant 80 : i32
        %mul3A_83 = arith.muli %add3A_81, %mul3A_82 : i32
        %add3A_84 = arith.addi %mul3A_23, %mul3A_83 : i32
        %dma_start3A_85 = arith.constant 384 : i32
        %dma_start3A_86 = tpu.memref_slice %arg2[%add3A_84, %dma_start3A_85] : memref<80640x512xf32, #tpu.memory_space<hbm>> -> memref<80x128xf32, #tpu.memory_space<hbm>>
        %dma_start3A_87 = arith.constant 384 : i32
        %dma_start3A_88 = tpu.memref_slice %arg2[%add3A_84, %dma_start3A_87] : memref<80640x512xf32, #tpu.memory_space<hbm>> -> memref<80x128xf32, #tpu.memory_space<hbm>>
        tpu.enqueue_dma source(%dma_start3A_88 : memref<80x128xf32, #tpu.memory_space<hbm>>) target(%arg9 : memref<80x128xf32, #tpu.memory_space<vmem>>) target_semaphore(%arg12 : memref<!tpu.dma_semaphore, #tpu.memory_space<semaphore_mem>>)
        %gt3A_89 = arith.constant 0 : i32
        %gt3A_90 = arith.cmpi sgt, %add3A_73, %gt3A_89 : i32
        %convert_element_type3A_91 = arith.extui %gt3A_90 : i1 to i32
        %cond3A_92 = arith.constant 0 : i32
        %cond3A_93 = arith.cmpi ne, %convert_element_type3A_91, %cond3A_92 : i32
        scf.if %cond3A_93 {
          %add3A_137 = arith.constant 1 : i32
          %add3A_138 = arith.addi %mul3A_75, %add3A_137 : i32
          %sub3A = arith.constant 2 : i32
          %sub3A_139 = arith.subi %add3A_138, %sub3A : i32
          %dma_wait3A_140 = arith.constant 0 : i32
          %dma_wait3A_141 = tpu.memref_slice %arg8[%sub3A_139, %dma_wait3A_140] : memref<63x80xi32, #tpu.memory_space<vmem>> -> memref<1x80xi32, #tpu.memory_space<vmem>>
          %dma_wait3A_142 = tpu.memref_squeeze %dma_wait3A_141 : memref<1x80xi32, #tpu.memory_space<vmem>> -> memref<80xi32, #tpu.memory_space<vmem>>
          %dma_wait3A_143 = arith.constant 0 : i32
          %dma_wait3A_144 = arith.constant 0 : i32
          %dma_wait3A_145 = tpu.memref_slice %arg11[%dma_wait3A_143, %dma_wait3A_144] : memref<10000x128xf32, #tpu.memory_space<vmem_shared>> -> memref<10000x128xf32, #tpu.memory_space<vmem_shared>>
          tpu.wait_indirect_dma semaphore(%arg15 : memref<!tpu.dma_semaphore, #tpu.memory_space<semaphore_mem>>) src(%arg10 : memref<80x128xf32, #tpu.memory_space<vmem>>) dst(%dma_wait3A_145 : memref<10000x128xf32, #tpu.memory_space<vmem_shared>>)
        } else {
        }
        %add3A_94 = arith.constant 1 : i32
        %add3A_95 = arith.addi %mul3A_75, %add3A_94 : i32
        %mul3A_96 = arith.constant 80 : i32
        %mul3A_97 = arith.muli %add3A_95, %mul3A_96 : i32
        %add3A_98 = arith.addi %mul3A_23, %mul3A_97 : i32
        %dma_start3A_99 = arith.constant 384 : i32
        %dma_start3A_100 = tpu.memref_slice %arg2[%add3A_98, %dma_start3A_99] : memref<80640x512xf32, #tpu.memory_space<hbm>> -> memref<80x128xf32, #tpu.memory_space<hbm>>
        %dma_start3A_101 = arith.constant 384 : i32
        %dma_start3A_102 = tpu.memref_slice %arg2[%add3A_98, %dma_start3A_101] : memref<80640x512xf32, #tpu.memory_space<hbm>> -> memref<80x128xf32, #tpu.memory_space<hbm>>
        tpu.enqueue_dma source(%dma_start3A_102 : memref<80x128xf32, #tpu.memory_space<hbm>>) target(%arg10 : memref<80x128xf32, #tpu.memory_space<vmem>>) target_semaphore(%arg13 : memref<!tpu.dma_semaphore, #tpu.memory_space<semaphore_mem>>)
        %add3A_103 = arith.constant 0 : i32
        %add3A_104 = arith.addi %mul3A_75, %add3A_103 : i32
        %mul3A_105 = arith.constant 80 : i32
        %mul3A_106 = arith.muli %add3A_104, %mul3A_105 : i32
        %add3A_107 = arith.addi %mul3A_23, %mul3A_106 : i32
        %dma_wait3A_108 = arith.constant 384 : i32
        %dma_wait3A_109 = tpu.memref_slice %arg2[%add3A_107, %dma_wait3A_108] : memref<80640x512xf32, #tpu.memory_space<hbm>> -> memref<80x128xf32, #tpu.memory_space<hbm>>
        %dma_wait3A_110 = arith.constant 384 : i32
        %dma_wait3A_111 = tpu.memref_slice %arg2[%add3A_107, %dma_wait3A_110] : memref<80640x512xf32, #tpu.memory_space<hbm>> -> memref<80x128xf32, #tpu.memory_space<hbm>>
        tpu.wait_dma2 semaphore(%arg12 : memref<!tpu.dma_semaphore, #tpu.memory_space<semaphore_mem>>) src(%dma_wait3A_111 : memref<80x128xf32, #tpu.memory_space<hbm>>) dst(%arg9 : memref<80x128xf32, #tpu.memory_space<vmem>>)
        %add3A_112 = arith.constant 0 : i32
        %add3A_113 = arith.addi %mul3A_75, %add3A_112 : i32
        %dma_start3A_114 = arith.constant 0 : i32
        %dma_start3A_115 = tpu.memref_slice %arg8[%add3A_113, %dma_start3A_114] : memref<63x80xi32, #tpu.memory_space<vmem>> -> memref<1x80xi32, #tpu.memory_space<vmem>>
        %dma_start3A_116 = tpu.memref_squeeze %dma_start3A_115 : memref<1x80xi32, #tpu.memory_space<vmem>> -> memref<80xi32, #tpu.memory_space<vmem>>
        %dma_start3A_117 = arith.constant 0 : i32
        %dma_start3A_118 = arith.constant 0 : i32
        %dma_start3A_119 = tpu.memref_slice %arg11[%dma_start3A_117, %dma_start3A_118] : memref<10000x128xf32, #tpu.memory_space<vmem_shared>> -> memref<10000x128xf32, #tpu.memory_space<vmem_shared>>
        tpu.enqueue_indirect_dma source(%arg9 : memref<80x128xf32, #tpu.memory_space<vmem>>) target(%dma_start3A_119 : memref<10000x128xf32, #tpu.memory_space<vmem_shared>>) offsets(%dma_start3A_116 : memref<80xi32, #tpu.memory_space<vmem>>) semaphore(%arg14 : memref<!tpu.dma_semaphore, #tpu.memory_space<semaphore_mem>>) {add = true}
        %add3A_120 = arith.constant 1 : i32
        %add3A_121 = arith.addi %mul3A_75, %add3A_120 : i32
        %mul3A_122 = arith.constant 80 : i32
        %mul3A_123 = arith.muli %add3A_121, %mul3A_122 : i32
        %add3A_124 = arith.addi %mul3A_23, %mul3A_123 : i32
        %dma_wait3A_125 = arith.constant 384 : i32
        %dma_wait3A_126 = tpu.memref_slice %arg2[%add3A_124, %dma_wait3A_125] : memref<80640x512xf32, #tpu.memory_space<hbm>> -> memref<80x128xf32, #tpu.memory_space<hbm>>
        %dma_wait3A_127 = arith.constant 384 : i32
        %dma_wait3A_128 = tpu.memref_slice %arg2[%add3A_124, %dma_wait3A_127] : memref<80640x512xf32, #tpu.memory_space<hbm>> -> memref<80x128xf32, #tpu.memory_space<hbm>>
        tpu.wait_dma2 semaphore(%arg13 : memref<!tpu.dma_semaphore, #tpu.memory_space<semaphore_mem>>) src(%dma_wait3A_128 : memref<80x128xf32, #tpu.memory_space<hbm>>) dst(%arg10 : memref<80x128xf32, #tpu.memory_space<vmem>>)
        %add3A_129 = arith.constant 1 : i32
        %add3A_130 = arith.addi %mul3A_75, %add3A_129 : i32
        %dma_start3A_131 = arith.constant 0 : i32
        %dma_start3A_132 = tpu.memref_slice %arg8[%add3A_130, %dma_start3A_131] : memref<63x80xi32, #tpu.memory_space<vmem>> -> memref<1x80xi32, #tpu.memory_space<vmem>>
        %dma_start3A_133 = tpu.memref_squeeze %dma_start3A_132 : memref<1x80xi32, #tpu.memory_space<vmem>> -> memref<80xi32, #tpu.memory_space<vmem>>
        %dma_start3A_134 = arith.constant 0 : i32
        %dma_start3A_135 = arith.constant 0 : i32
        %dma_start3A_136 = tpu.memref_slice %arg11[%dma_start3A_134, %dma_start3A_135] : memref<10000x128xf32, #tpu.memory_space<vmem_shared>> -> memref<10000x128xf32, #tpu.memory_space<vmem_shared>>
        tpu.enqueue_indirect_dma source(%arg10 : memref<80x128xf32, #tpu.memory_space<vmem>>) target(%dma_start3A_136 : memref<10000x128xf32, #tpu.memory_space<vmem_shared>>) offsets(%dma_start3A_133 : memref<80xi32, #tpu.memory_space<vmem>>) semaphore(%arg15 : memref<!tpu.dma_semaphore, #tpu.memory_space<semaphore_mem>>) {add = true}
      }
      %scan3A_27 = arith.constant 31 : i32
      %dma_wait3A = arith.constant 60 : i32
      %dma_wait3A_28 = arith.constant 0 : i32
      %dma_wait3A_29 = tpu.memref_slice %arg8[%dma_wait3A, %dma_wait3A_28] : memref<63x80xi32, #tpu.memory_space<vmem>> -> memref<1x80xi32, #tpu.memory_space<vmem>>
      %dma_wait3A_30 = tpu.memref_squeeze %dma_wait3A_29 : memref<1x80xi32, #tpu.memory_space<vmem>> -> memref<80xi32, #tpu.memory_space<vmem>>
      %dma_wait3A_31 = arith.constant 0 : i32
      %dma_wait3A_32 = arith.constant 0 : i32
      %dma_wait3A_33 = tpu.memref_slice %arg11[%dma_wait3A_31, %dma_wait3A_32] : memref<10000x128xf32, #tpu.memory_space<vmem_shared>> -> memref<10000x128xf32, #tpu.memory_space<vmem_shared>>
      tpu.wait_indirect_dma semaphore(%arg14 : memref<!tpu.dma_semaphore, #tpu.memory_space<semaphore_mem>>) src(%arg9 : memref<80x128xf32, #tpu.memory_space<vmem>>) dst(%dma_wait3A_33 : memref<10000x128xf32, #tpu.memory_space<vmem_shared>>)
      %add3A = arith.constant 4960 : i32
      %add3A_34 = arith.addi %mul3A_23, %add3A : i32
      %dma_start3A = arith.constant 384 : i32
      %dma_start3A_35 = tpu.memref_slice %arg2[%add3A_34, %dma_start3A] : memref<80640x512xf32, #tpu.memory_space<hbm>> -> memref<80x128xf32, #tpu.memory_space<hbm>>
      %dma_start3A_36 = arith.constant 384 : i32
      %dma_start3A_37 = tpu.memref_slice %arg2[%add3A_34, %dma_start3A_36] : memref<80640x512xf32, #tpu.memory_space<hbm>> -> memref<80x128xf32, #tpu.memory_space<hbm>>
      tpu.enqueue_dma source(%dma_start3A_37 : memref<80x128xf32, #tpu.memory_space<hbm>>) target(%arg9 : memref<80x128xf32, #tpu.memory_space<vmem>>) target_semaphore(%arg12 : memref<!tpu.dma_semaphore, #tpu.memory_space<semaphore_mem>>)
      %dma_wait3A_38 = arith.constant 384 : i32
      %dma_wait3A_39 = tpu.memref_slice %arg2[%add3A_34, %dma_wait3A_38] : memref<80640x512xf32, #tpu.memory_space<hbm>> -> memref<80x128xf32, #tpu.memory_space<hbm>>
      %dma_wait3A_40 = arith.constant 384 : i32
      %dma_wait3A_41 = tpu.memref_slice %arg2[%add3A_34, %dma_wait3A_40] : memref<80640x512xf32, #tpu.memory_space<hbm>> -> memref<80x128xf32, #tpu.memory_space<hbm>>
      tpu.wait_dma2 semaphore(%arg12 : memref<!tpu.dma_semaphore, #tpu.memory_space<semaphore_mem>>) src(%dma_wait3A_41 : memref<80x128xf32, #tpu.memory_space<hbm>>) dst(%arg9 : memref<80x128xf32, #tpu.memory_space<vmem>>)
      %dma_start3A_42 = arith.constant 62 : i32
      %dma_start3A_43 = arith.constant 0 : i32
      %dma_start3A_44 = tpu.memref_slice %arg8[%dma_start3A_42, %dma_start3A_43] : memref<63x80xi32, #tpu.memory_space<vmem>> -> memref<1x80xi32, #tpu.memory_space<vmem>>
      %dma_start3A_45 = tpu.memref_squeeze %dma_start3A_44 : memref<1x80xi32, #tpu.memory_space<vmem>> -> memref<80xi32, #tpu.memory_space<vmem>>
      %dma_start3A_46 = arith.constant 0 : i32
      %dma_start3A_47 = arith.constant 0 : i32
      %dma_start3A_48 = tpu.memref_slice %arg11[%dma_start3A_46, %dma_start3A_47] : memref<10000x128xf32, #tpu.memory_space<vmem_shared>> -> memref<10000x128xf32, #tpu.memory_space<vmem_shared>>
      tpu.enqueue_indirect_dma source(%arg9 : memref<80x128xf32, #tpu.memory_space<vmem>>) target(%dma_start3A_48 : memref<10000x128xf32, #tpu.memory_space<vmem_shared>>) offsets(%dma_start3A_45 : memref<80xi32, #tpu.memory_space<vmem>>) semaphore(%arg14 : memref<!tpu.dma_semaphore, #tpu.memory_space<semaphore_mem>>) {add = true}
      %dma_wait3A_49 = arith.constant 62 : i32
      %dma_wait3A_50 = arith.constant 0 : i32
      %dma_wait3A_51 = tpu.memref_slice %arg8[%dma_wait3A_49, %dma_wait3A_50] : memref<63x80xi32, #tpu.memory_space<vmem>> -> memref<1x80xi32, #tpu.memory_space<vmem>>
      %dma_wait3A_52 = tpu.memref_squeeze %dma_wait3A_51 : memref<1x80xi32, #tpu.memory_space<vmem>> -> memref<80xi32, #tpu.memory_space<vmem>>
      %dma_wait3A_53 = arith.constant 0 : i32
      %dma_wait3A_54 = arith.constant 0 : i32
      %dma_wait3A_55 = tpu.memref_slice %arg11[%dma_wait3A_53, %dma_wait3A_54] : memref<10000x128xf32, #tpu.memory_space<vmem_shared>> -> memref<10000x128xf32, #tpu.memory_space<vmem_shared>>
      tpu.wait_indirect_dma semaphore(%arg14 : memref<!tpu.dma_semaphore, #tpu.memory_space<semaphore_mem>>) src(%arg9 : memref<80x128xf32, #tpu.memory_space<vmem>>) dst(%dma_wait3A_55 : memref<10000x128xf32, #tpu.memory_space<vmem_shared>>)
      %dma_wait3A_56 = arith.constant 61 : i32
      %dma_wait3A_57 = arith.constant 0 : i32
      %dma_wait3A_58 = tpu.memref_slice %arg8[%dma_wait3A_56, %dma_wait3A_57] : memref<63x80xi32, #tpu.memory_space<vmem>> -> memref<1x80xi32, #tpu.memory_space<vmem>>
      %dma_wait3A_59 = tpu.memref_squeeze %dma_wait3A_58 : memref<1x80xi32, #tpu.memory_space<vmem>> -> memref<80xi32, #tpu.memory_space<vmem>>
      %dma_wait3A_60 = arith.constant 0 : i32
      %dma_wait3A_61 = arith.constant 0 : i32
      %dma_wait3A_62 = tpu.memref_slice %arg11[%dma_wait3A_60, %dma_wait3A_61] : memref<10000x128xf32, #tpu.memory_space<vmem_shared>> -> memref<10000x128xf32, #tpu.memory_space<vmem_shared>>
      tpu.wait_indirect_dma semaphore(%arg15 : memref<!tpu.dma_semaphore, #tpu.memory_space<semaphore_mem>>) src(%arg10 : memref<80x128xf32, #tpu.memory_space<vmem>>) dst(%dma_wait3A_62 : memref<10000x128xf32, #tpu.memory_space<vmem_shared>>)
      %barrier3A_63 = arith.constant 0 : index
      tpu.barrier barrier_id(%barrier3A_63)
      %eq3A_64 = arith.constant 0 : i32
      %eq3A_65 = arith.cmpi eq, %arg1, %eq3A_64 : i32
      %convert_element_type3A_66 = arith.extui %eq3A_65 : i1 to i32
      %cond3A_67 = arith.constant 0 : i32
      %cond3A_68 = arith.cmpi ne, %convert_element_type3A_66, %cond3A_67 : i32
      scf.if %cond3A_68 {
        %run_scoped3A = arith.constant 2 : i32
        "tpu.region"() ({
          %run_scoped3A_69 = tpu.sem_alloc : memref<!tpu.dma_semaphore, #tpu.memory_space<semaphore_mem>>
          %dma_start3A_70 = arith.constant 0 : i32
          %dma_start3A_71 = arith.constant 0 : i32
          %dma_start3A_72 = tpu.memref_slice %arg7[%run_scoped3A, %dma_start3A_70, %dma_start3A_71] : memref<3x10000x128xf32, #tpu.memory_space<hbm>> -> memref<1x10000x128xf32, #tpu.memory_space<hbm>>
          %dma_start3A_73 = tpu.memref_squeeze %dma_start3A_72 : memref<1x10000x128xf32, #tpu.memory_space<hbm>> -> memref<10000x128xf32, #tpu.memory_space<hbm>>
          tpu.enqueue_dma source(%arg11 : memref<10000x128xf32, #tpu.memory_space<vmem_shared>>) target(%dma_start3A_73 : memref<10000x128xf32, #tpu.memory_space<hbm>>) target_semaphore(%run_scoped3A_69 : memref<!tpu.dma_semaphore, #tpu.memory_space<semaphore_mem>>)
          %dma_wait3A_74 = arith.constant 0 : i32
          %dma_wait3A_75 = arith.constant 0 : i32
          %dma_wait3A_76 = tpu.memref_slice %arg7[%run_scoped3A, %dma_wait3A_74, %dma_wait3A_75] : memref<3x10000x128xf32, #tpu.memory_space<hbm>> -> memref<1x10000x128xf32, #tpu.memory_space<hbm>>
          %dma_wait3A_77 = tpu.memref_squeeze %dma_wait3A_76 : memref<1x10000x128xf32, #tpu.memory_space<hbm>> -> memref<10000x128xf32, #tpu.memory_space<hbm>>
          tpu.wait_dma2 semaphore(%run_scoped3A_69 : memref<!tpu.dma_semaphore, #tpu.memory_space<semaphore_mem>>) src(%arg11 : memref<10000x128xf32, #tpu.memory_space<vmem_shared>>) dst(%dma_wait3A_77 : memref<10000x128xf32, #tpu.memory_space<hbm>>)
          tpu.yield
        }) : () -> ()
      } else {
      }
    } else {
    }
    return
  }
}

#map = affine_map<(d0, d1) -> (0, 0)>
#map1 = affine_map<(d0, d1) -> (0, 0, 0)>
module attributes {stable_mosaic.version = 14 : i64} {
  func.func @_scatter_body(%arg0: i32, %arg1: i32, %arg2: memref<79360x512xf32, #tpu.memory_space<hbm>>, %arg3: memref<16x62x80xi32, #tpu.memory_space<hbm>>, %arg4: memref<10000x128xf32, #tpu.memory_space<hbm>>, %arg5: memref<3x10000x128xf32, #tpu.memory_space<hbm>>, %arg6: memref<10000x128xf32, #tpu.memory_space<hbm>>, %arg7: memref<3x10000x128xf32, #tpu.memory_space<hbm>>, %arg8: memref<62x80xi32, #tpu.memory_space<vmem>>, %arg9: memref<80x128xf32, #tpu.memory_space<vmem>>, %arg10: memref<80x128xf32, #tpu.memory_space<vmem>>, %arg11: memref<10000x128xf32, #tpu.memory_space<vmem_shared>>, %arg12: memref<!tpu.dma_semaphore, #tpu.memory_space<semaphore_mem>>, %arg13: memref<!tpu.dma_semaphore, #tpu.memory_space<semaphore_mem>>, %arg14: memref<!tpu.dma_semaphore, #tpu.memory_space<semaphore_mem>>, %arg15: memref<!tpu.dma_semaphore, #tpu.memory_space<semaphore_mem>>) attributes {dimension_semantics = [#tpu.dimension_semantics<core_parallel>, #tpu.dimension_semantics<subcore_parallel>], iteration_bounds = array<i64: 2, 16>, scalar_prefetch = 0 : i64, scratch_operands = 8 : i64, tpu.core_type = #tpu.core_type<sc_vector_subcore>, window_params = [{transform_indices = #map}, {transform_indices = #map1}, {transform_indices = #map}, {transform_indices = #map1}, {transform_indices = #map}, {transform_indices = #map1}]} {
    "tpu.region"() ({
      %run_scoped3A = tpu.sem_alloc : memref<!tpu.dma_semaphore, #tpu.memory_space<semaphore_mem>>
      %dma_start3A = arith.constant 0 : i32
      %dma_start3A_17 = arith.constant 0 : i32
      %dma_start3A_18 = tpu.memref_slice %arg3[%arg1, %dma_start3A, %dma_start3A_17] : memref<16x62x80xi32, #tpu.memory_space<hbm>> -> memref<1x62x80xi32, #tpu.memory_space<hbm>>
      %dma_start3A_19 = tpu.memref_squeeze %dma_start3A_18 : memref<1x62x80xi32, #tpu.memory_space<hbm>> -> memref<62x80xi32, #tpu.memory_space<hbm>>
      %dma_start3A_20 = arith.constant 0 : i32
      %dma_start3A_21 = arith.constant 0 : i32
      %dma_start3A_22 = tpu.memref_slice %arg3[%arg1, %dma_start3A_20, %dma_start3A_21] : memref<16x62x80xi32, #tpu.memory_space<hbm>> -> memref<1x62x80xi32, #tpu.memory_space<hbm>>
      %dma_start3A_23 = tpu.memref_squeeze %dma_start3A_22 : memref<1x62x80xi32, #tpu.memory_space<hbm>> -> memref<62x80xi32, #tpu.memory_space<hbm>>
      tpu.enqueue_dma source(%dma_start3A_23 : memref<62x80xi32, #tpu.memory_space<hbm>>) target(%arg8 : memref<62x80xi32, #tpu.memory_space<vmem>>) target_semaphore(%run_scoped3A : memref<!tpu.dma_semaphore, #tpu.memory_space<semaphore_mem>>)
      %dma_wait3A = arith.constant 0 : i32
      %dma_wait3A_24 = arith.constant 0 : i32
      %dma_wait3A_25 = tpu.memref_slice %arg3[%arg1, %dma_wait3A, %dma_wait3A_24] : memref<16x62x80xi32, #tpu.memory_space<hbm>> -> memref<1x62x80xi32, #tpu.memory_space<hbm>>
      %dma_wait3A_26 = tpu.memref_squeeze %dma_wait3A_25 : memref<1x62x80xi32, #tpu.memory_space<hbm>> -> memref<62x80xi32, #tpu.memory_space<hbm>>
      %dma_wait3A_27 = arith.constant 0 : i32
      %dma_wait3A_28 = arith.constant 0 : i32
      %dma_wait3A_29 = tpu.memref_slice %arg3[%arg1, %dma_wait3A_27, %dma_wait3A_28] : memref<16x62x80xi32, #tpu.memory_space<hbm>> -> memref<1x62x80xi32, #tpu.memory_space<hbm>>
      %dma_wait3A_30 = tpu.memref_squeeze %dma_wait3A_29 : memref<1x62x80xi32, #tpu.memory_space<hbm>> -> memref<62x80xi32, #tpu.memory_space<hbm>>
      tpu.wait_dma2 semaphore(%run_scoped3A : memref<!tpu.dma_semaphore, #tpu.memory_space<semaphore_mem>>) src(%dma_wait3A_30 : memref<62x80xi32, #tpu.memory_space<hbm>>) dst(%arg8 : memref<62x80xi32, #tpu.memory_space<vmem>>)
      tpu.yield
    }) : () -> ()
    %eq3A = arith.constant 0 : i32
    %eq3A_0 = arith.cmpi eq, %arg0, %eq3A : i32
    %convert_element_type3A = arith.extui %eq3A_0 : i1 to i32
    %cond3A = arith.constant 0 : i32
    %cond3A_1 = arith.cmpi ne, %convert_element_type3A, %cond3A : i32
    scf.if %cond3A_1 {
      %barrier3A = arith.constant 0 : index
      tpu.barrier barrier_id(%barrier3A)
      %eq3A_17 = arith.constant 0 : i32
      %eq3A_18 = arith.cmpi eq, %arg1, %eq3A_17 : i32
      %convert_element_type3A_19 = arith.extui %eq3A_18 : i1 to i32
      %cond3A_20 = arith.constant 0 : i32
      %cond3A_21 = arith.cmpi ne, %convert_element_type3A_19, %cond3A_20 : i32
      scf.if %cond3A_21 {
        "tpu.region"() ({
          %run_scoped3A = tpu.sem_alloc : memref<!tpu.dma_semaphore, #tpu.memory_space<semaphore_mem>>
          tpu.enqueue_dma source(%arg4 : memref<10000x128xf32, #tpu.memory_space<hbm>>) target(%arg11 : memref<10000x128xf32, #tpu.memory_space<vmem_shared>>) target_semaphore(%run_scoped3A : memref<!tpu.dma_semaphore, #tpu.memory_space<semaphore_mem>>)
          tpu.wait_dma2 semaphore(%run_scoped3A : memref<!tpu.dma_semaphore, #tpu.memory_space<semaphore_mem>>) src(%arg4 : memref<10000x128xf32, #tpu.memory_space<hbm>>) dst(%arg11 : memref<10000x128xf32, #tpu.memory_space<vmem_shared>>)
          tpu.yield
        }) : () -> ()
      } else {
      }
      %barrier3A_22 = arith.constant 0 : index
      tpu.barrier barrier_id(%barrier3A_22)
      %mul3A = arith.constant 4960 : i32
      %mul3A_23 = arith.muli %arg1, %mul3A : i32
      %scan3A = arith.constant 0 : i32
      %scan3A_24 = arith.constant 31 : i32
      %scan3A_25 = arith.addi %scan3A, %scan3A_24 : i32
      %scan3A_26 = arith.constant 1 : i32
      scf.for %scan3A_47 = %scan3A to %scan3A_25 step %scan3A_26  : i32 {
        %mul3A_48 = arith.constant 1 : i32
        %mul3A_49 = arith.muli %scan3A_47, %mul3A_48 : i32
        %add3A = arith.constant 0 : i32
        %add3A_50 = arith.addi %add3A, %mul3A_49 : i32
        %mul3A_51 = arith.constant 2 : i32
        %mul3A_52 = arith.muli %mul3A_51, %add3A_50 : i32
        %gt3A = arith.constant 0 : i32
        %gt3A_53 = arith.cmpi sgt, %add3A_50, %gt3A : i32
        %convert_element_type3A_54 = arith.extui %gt3A_53 : i1 to i32
        %cond3A_55 = arith.constant 0 : i32
        %cond3A_56 = arith.cmpi ne, %convert_element_type3A_54, %cond3A_55 : i32
        scf.if %cond3A_56 {
          %add3A_113 = arith.constant 0 : i32
          %add3A_114 = arith.addi %mul3A_52, %add3A_113 : i32
          %sub3A = arith.constant 2 : i32
          %sub3A_115 = arith.subi %add3A_114, %sub3A : i32
          %dma_wait3A_116 = arith.constant 0 : i32
          %dma_wait3A_117 = tpu.memref_slice %arg8[%sub3A_115, %dma_wait3A_116] : memref<62x80xi32, #tpu.memory_space<vmem>> -> memref<1x80xi32, #tpu.memory_space<vmem>>
          %dma_wait3A_118 = tpu.memref_squeeze %dma_wait3A_117 : memref<1x80xi32, #tpu.memory_space<vmem>> -> memref<80xi32, #tpu.memory_space<vmem>>
          %dma_wait3A_119 = arith.constant 0 : i32
          %dma_wait3A_120 = arith.constant 0 : i32
          %dma_wait3A_121 = tpu.memref_slice %arg11[%dma_wait3A_119, %dma_wait3A_120] : memref<10000x128xf32, #tpu.memory_space<vmem_shared>> -> memref<10000x128xf32, #tpu.memory_space<vmem_shared>>
          tpu.wait_indirect_dma semaphore(%arg14 : memref<!tpu.dma_semaphore, #tpu.memory_space<semaphore_mem>>) src(%arg9 : memref<80x128xf32, #tpu.memory_space<vmem>>) dst(%dma_wait3A_121 : memref<10000x128xf32, #tpu.memory_space<vmem_shared>>)
        } else {
        }
        %add3A_57 = arith.constant 0 : i32
        %add3A_58 = arith.addi %mul3A_52, %add3A_57 : i32
        %mul3A_59 = arith.constant 80 : i32
        %mul3A_60 = arith.muli %add3A_58, %mul3A_59 : i32
        %add3A_61 = arith.addi %mul3A_23, %mul3A_60 : i32
        %dma_start3A = arith.constant 0 : i32
        %dma_start3A_62 = tpu.memref_slice %arg2[%add3A_61, %dma_start3A] : memref<79360x512xf32, #tpu.memory_space<hbm>> -> memref<80x128xf32, #tpu.memory_space<hbm>>
        %dma_start3A_63 = arith.constant 0 : i32
        %dma_start3A_64 = tpu.memref_slice %arg2[%add3A_61, %dma_start3A_63] : memref<79360x512xf32, #tpu.memory_space<hbm>> -> memref<80x128xf32, #tpu.memory_space<hbm>>
        tpu.enqueue_dma source(%dma_start3A_64 : memref<80x128xf32, #tpu.memory_space<hbm>>) target(%arg9 : memref<80x128xf32, #tpu.memory_space<vmem>>) target_semaphore(%arg12 : memref<!tpu.dma_semaphore, #tpu.memory_space<semaphore_mem>>)
        %gt3A_65 = arith.constant 0 : i32
        %gt3A_66 = arith.cmpi sgt, %add3A_50, %gt3A_65 : i32
        %convert_element_type3A_67 = arith.extui %gt3A_66 : i1 to i32
        %cond3A_68 = arith.constant 0 : i32
        %cond3A_69 = arith.cmpi ne, %convert_element_type3A_67, %cond3A_68 : i32
        scf.if %cond3A_69 {
          %add3A_113 = arith.constant 1 : i32
          %add3A_114 = arith.addi %mul3A_52, %add3A_113 : i32
          %sub3A = arith.constant 2 : i32
          %sub3A_115 = arith.subi %add3A_114, %sub3A : i32
          %dma_wait3A_116 = arith.constant 0 : i32
          %dma_wait3A_117 = tpu.memref_slice %arg8[%sub3A_115, %dma_wait3A_116] : memref<62x80xi32, #tpu.memory_space<vmem>> -> memref<1x80xi32, #tpu.memory_space<vmem>>
          %dma_wait3A_118 = tpu.memref_squeeze %dma_wait3A_117 : memref<1x80xi32, #tpu.memory_space<vmem>> -> memref<80xi32, #tpu.memory_space<vmem>>
          %dma_wait3A_119 = arith.constant 0 : i32
          %dma_wait3A_120 = arith.constant 0 : i32
          %dma_wait3A_121 = tpu.memref_slice %arg11[%dma_wait3A_119, %dma_wait3A_120] : memref<10000x128xf32, #tpu.memory_space<vmem_shared>> -> memref<10000x128xf32, #tpu.memory_space<vmem_shared>>
          tpu.wait_indirect_dma semaphore(%arg15 : memref<!tpu.dma_semaphore, #tpu.memory_space<semaphore_mem>>) src(%arg10 : memref<80x128xf32, #tpu.memory_space<vmem>>) dst(%dma_wait3A_121 : memref<10000x128xf32, #tpu.memory_space<vmem_shared>>)
        } else {
        }
        %add3A_70 = arith.constant 1 : i32
        %add3A_71 = arith.addi %mul3A_52, %add3A_70 : i32
        %mul3A_72 = arith.constant 80 : i32
        %mul3A_73 = arith.muli %add3A_71, %mul3A_72 : i32
        %add3A_74 = arith.addi %mul3A_23, %mul3A_73 : i32
        %dma_start3A_75 = arith.constant 0 : i32
        %dma_start3A_76 = tpu.memref_slice %arg2[%add3A_74, %dma_start3A_75] : memref<79360x512xf32, #tpu.memory_space<hbm>> -> memref<80x128xf32, #tpu.memory_space<hbm>>
        %dma_start3A_77 = arith.constant 0 : i32
        %dma_start3A_78 = tpu.memref_slice %arg2[%add3A_74, %dma_start3A_77] : memref<79360x512xf32, #tpu.memory_space<hbm>> -> memref<80x128xf32, #tpu.memory_space<hbm>>
        tpu.enqueue_dma source(%dma_start3A_78 : memref<80x128xf32, #tpu.memory_space<hbm>>) target(%arg10 : memref<80x128xf32, #tpu.memory_space<vmem>>) target_semaphore(%arg13 : memref<!tpu.dma_semaphore, #tpu.memory_space<semaphore_mem>>)
        %add3A_79 = arith.constant 0 : i32
        %add3A_80 = arith.addi %mul3A_52, %add3A_79 : i32
        %mul3A_81 = arith.constant 80 : i32
        %mul3A_82 = arith.muli %add3A_80, %mul3A_81 : i32
        %add3A_83 = arith.addi %mul3A_23, %mul3A_82 : i32
        %dma_wait3A_84 = arith.constant 0 : i32
        %dma_wait3A_85 = tpu.memref_slice %arg2[%add3A_83, %dma_wait3A_84] : memref<79360x512xf32, #tpu.memory_space<hbm>> -> memref<80x128xf32, #tpu.memory_space<hbm>>
        %dma_wait3A_86 = arith.constant 0 : i32
        %dma_wait3A_87 = tpu.memref_slice %arg2[%add3A_83, %dma_wait3A_86] : memref<79360x512xf32, #tpu.memory_space<hbm>> -> memref<80x128xf32, #tpu.memory_space<hbm>>
        tpu.wait_dma2 semaphore(%arg12 : memref<!tpu.dma_semaphore, #tpu.memory_space<semaphore_mem>>) src(%dma_wait3A_87 : memref<80x128xf32, #tpu.memory_space<hbm>>) dst(%arg9 : memref<80x128xf32, #tpu.memory_space<vmem>>)
        %add3A_88 = arith.constant 0 : i32
        %add3A_89 = arith.addi %mul3A_52, %add3A_88 : i32
        %dma_start3A_90 = arith.constant 0 : i32
        %dma_start3A_91 = tpu.memref_slice %arg8[%add3A_89, %dma_start3A_90] : memref<62x80xi32, #tpu.memory_space<vmem>> -> memref<1x80xi32, #tpu.memory_space<vmem>>
        %dma_start3A_92 = tpu.memref_squeeze %dma_start3A_91 : memref<1x80xi32, #tpu.memory_space<vmem>> -> memref<80xi32, #tpu.memory_space<vmem>>
        %dma_start3A_93 = arith.constant 0 : i32
        %dma_start3A_94 = arith.constant 0 : i32
        %dma_start3A_95 = tpu.memref_slice %arg11[%dma_start3A_93, %dma_start3A_94] : memref<10000x128xf32, #tpu.memory_space<vmem_shared>> -> memref<10000x128xf32, #tpu.memory_space<vmem_shared>>
        tpu.enqueue_indirect_dma source(%arg9 : memref<80x128xf32, #tpu.memory_space<vmem>>) target(%dma_start3A_95 : memref<10000x128xf32, #tpu.memory_space<vmem_shared>>) offsets(%dma_start3A_92 : memref<80xi32, #tpu.memory_space<vmem>>) semaphore(%arg14 : memref<!tpu.dma_semaphore, #tpu.memory_space<semaphore_mem>>) {add = true}
        %add3A_96 = arith.constant 1 : i32
        %add3A_97 = arith.addi %mul3A_52, %add3A_96 : i32
        %mul3A_98 = arith.constant 80 : i32
        %mul3A_99 = arith.muli %add3A_97, %mul3A_98 : i32
        %add3A_100 = arith.addi %mul3A_23, %mul3A_99 : i32
        %dma_wait3A_101 = arith.constant 0 : i32
        %dma_wait3A_102 = tpu.memref_slice %arg2[%add3A_100, %dma_wait3A_101] : memref<79360x512xf32, #tpu.memory_space<hbm>> -> memref<80x128xf32, #tpu.memory_space<hbm>>
        %dma_wait3A_103 = arith.constant 0 : i32
        %dma_wait3A_104 = tpu.memref_slice %arg2[%add3A_100, %dma_wait3A_103] : memref<79360x512xf32, #tpu.memory_space<hbm>> -> memref<80x128xf32, #tpu.memory_space<hbm>>
        tpu.wait_dma2 semaphore(%arg13 : memref<!tpu.dma_semaphore, #tpu.memory_space<semaphore_mem>>) src(%dma_wait3A_104 : memref<80x128xf32, #tpu.memory_space<hbm>>) dst(%arg10 : memref<80x128xf32, #tpu.memory_space<vmem>>)
        %add3A_105 = arith.constant 1 : i32
        %add3A_106 = arith.addi %mul3A_52, %add3A_105 : i32
        %dma_start3A_107 = arith.constant 0 : i32
        %dma_start3A_108 = tpu.memref_slice %arg8[%add3A_106, %dma_start3A_107] : memref<62x80xi32, #tpu.memory_space<vmem>> -> memref<1x80xi32, #tpu.memory_space<vmem>>
        %dma_start3A_109 = tpu.memref_squeeze %dma_start3A_108 : memref<1x80xi32, #tpu.memory_space<vmem>> -> memref<80xi32, #tpu.memory_space<vmem>>
        %dma_start3A_110 = arith.constant 0 : i32
        %dma_start3A_111 = arith.constant 0 : i32
        %dma_start3A_112 = tpu.memref_slice %arg11[%dma_start3A_110, %dma_start3A_111] : memref<10000x128xf32, #tpu.memory_space<vmem_shared>> -> memref<10000x128xf32, #tpu.memory_space<vmem_shared>>
        tpu.enqueue_indirect_dma source(%arg10 : memref<80x128xf32, #tpu.memory_space<vmem>>) target(%dma_start3A_112 : memref<10000x128xf32, #tpu.memory_space<vmem_shared>>) offsets(%dma_start3A_109 : memref<80xi32, #tpu.memory_space<vmem>>) semaphore(%arg15 : memref<!tpu.dma_semaphore, #tpu.memory_space<semaphore_mem>>) {add = true}
      }
      %scan3A_27 = arith.constant 31 : i32
      %dma_wait3A = arith.constant 60 : i32
      %dma_wait3A_28 = arith.constant 0 : i32
      %dma_wait3A_29 = tpu.memref_slice %arg8[%dma_wait3A, %dma_wait3A_28] : memref<62x80xi32, #tpu.memory_space<vmem>> -> memref<1x80xi32, #tpu.memory_space<vmem>>
      %dma_wait3A_30 = tpu.memref_squeeze %dma_wait3A_29 : memref<1x80xi32, #tpu.memory_space<vmem>> -> memref<80xi32, #tpu.memory_space<vmem>>
      %dma_wait3A_31 = arith.constant 0 : i32
      %dma_wait3A_32 = arith.constant 0 : i32
      %dma_wait3A_33 = tpu.memref_slice %arg11[%dma_wait3A_31, %dma_wait3A_32] : memref<10000x128xf32, #tpu.memory_space<vmem_shared>> -> memref<10000x128xf32, #tpu.memory_space<vmem_shared>>
      tpu.wait_indirect_dma semaphore(%arg14 : memref<!tpu.dma_semaphore, #tpu.memory_space<semaphore_mem>>) src(%arg9 : memref<80x128xf32, #tpu.memory_space<vmem>>) dst(%dma_wait3A_33 : memref<10000x128xf32, #tpu.memory_space<vmem_shared>>)
      %dma_wait3A_34 = arith.constant 61 : i32
      %dma_wait3A_35 = arith.constant 0 : i32
      %dma_wait3A_36 = tpu.memref_slice %arg8[%dma_wait3A_34, %dma_wait3A_35] : memref<62x80xi32, #tpu.memory_space<vmem>> -> memref<1x80xi32, #tpu.memory_space<vmem>>
      %dma_wait3A_37 = tpu.memref_squeeze %dma_wait3A_36 : memref<1x80xi32, #tpu.memory_space<vmem>> -> memref<80xi32, #tpu.memory_space<vmem>>
      %dma_wait3A_38 = arith.constant 0 : i32
      %dma_wait3A_39 = arith.constant 0 : i32
      %dma_wait3A_40 = tpu.memref_slice %arg11[%dma_wait3A_38, %dma_wait3A_39] : memref<10000x128xf32, #tpu.memory_space<vmem_shared>> -> memref<10000x128xf32, #tpu.memory_space<vmem_shared>>
      tpu.wait_indirect_dma semaphore(%arg15 : memref<!tpu.dma_semaphore, #tpu.memory_space<semaphore_mem>>) src(%arg10 : memref<80x128xf32, #tpu.memory_space<vmem>>) dst(%dma_wait3A_40 : memref<10000x128xf32, #tpu.memory_space<vmem_shared>>)
      %barrier3A_41 = arith.constant 0 : index
      tpu.barrier barrier_id(%barrier3A_41)
      %eq3A_42 = arith.constant 0 : i32
      %eq3A_43 = arith.cmpi eq, %arg1, %eq3A_42 : i32
      %convert_element_type3A_44 = arith.extui %eq3A_43 : i1 to i32
      %cond3A_45 = arith.constant 0 : i32
      %cond3A_46 = arith.cmpi ne, %convert_element_type3A_44, %cond3A_45 : i32
      scf.if %cond3A_46 {
        "tpu.region"() ({
          %run_scoped3A = tpu.sem_alloc : memref<!tpu.dma_semaphore, #tpu.memory_space<semaphore_mem>>
          tpu.enqueue_dma source(%arg11 : memref<10000x128xf32, #tpu.memory_space<vmem_shared>>) target(%arg6 : memref<10000x128xf32, #tpu.memory_space<hbm>>) target_semaphore(%run_scoped3A : memref<!tpu.dma_semaphore, #tpu.memory_space<semaphore_mem>>)
          tpu.wait_dma2 semaphore(%run_scoped3A : memref<!tpu.dma_semaphore, #tpu.memory_space<semaphore_mem>>) src(%arg11 : memref<10000x128xf32, #tpu.memory_space<vmem_shared>>) dst(%arg6 : memref<10000x128xf32, #tpu.memory_space<hbm>>)
          tpu.yield
        }) : () -> ()
      } else {
      }
    } else {
    }
    %eq3A_2 = arith.constant 1 : i32
    %eq3A_3 = arith.cmpi eq, %arg0, %eq3A_2 : i32
    %convert_element_type3A_4 = arith.extui %eq3A_3 : i1 to i32
    %cond3A_5 = arith.constant 0 : i32
    %cond3A_6 = arith.cmpi ne, %convert_element_type3A_4, %cond3A_5 : i32
    scf.if %cond3A_6 {
      %barrier3A = arith.constant 0 : index
      tpu.barrier barrier_id(%barrier3A)
      %eq3A_17 = arith.constant 0 : i32
      %eq3A_18 = arith.cmpi eq, %arg1, %eq3A_17 : i32
      %convert_element_type3A_19 = arith.extui %eq3A_18 : i1 to i32
      %cond3A_20 = arith.constant 0 : i32
      %cond3A_21 = arith.cmpi ne, %convert_element_type3A_19, %cond3A_20 : i32
      scf.if %cond3A_21 {
        %run_scoped3A = arith.constant 0 : i32
        "tpu.region"() ({
          %run_scoped3A_47 = tpu.sem_alloc : memref<!tpu.dma_semaphore, #tpu.memory_space<semaphore_mem>>
          %dma_start3A = arith.constant 0 : i32
          %dma_start3A_48 = arith.constant 0 : i32
          %dma_start3A_49 = tpu.memref_slice %arg5[%run_scoped3A, %dma_start3A, %dma_start3A_48] : memref<3x10000x128xf32, #tpu.memory_space<hbm>> -> memref<1x10000x128xf32, #tpu.memory_space<hbm>>
          %dma_start3A_50 = tpu.memref_squeeze %dma_start3A_49 : memref<1x10000x128xf32, #tpu.memory_space<hbm>> -> memref<10000x128xf32, #tpu.memory_space<hbm>>
          tpu.enqueue_dma source(%dma_start3A_50 : memref<10000x128xf32, #tpu.memory_space<hbm>>) target(%arg11 : memref<10000x128xf32, #tpu.memory_space<vmem_shared>>) target_semaphore(%run_scoped3A_47 : memref<!tpu.dma_semaphore, #tpu.memory_space<semaphore_mem>>)
          %dma_wait3A_51 = arith.constant 0 : i32
          %dma_wait3A_52 = arith.constant 0 : i32
          %dma_wait3A_53 = tpu.memref_slice %arg5[%run_scoped3A, %dma_wait3A_51, %dma_wait3A_52] : memref<3x10000x128xf32, #tpu.memory_space<hbm>> -> memref<1x10000x128xf32, #tpu.memory_space<hbm>>
          %dma_wait3A_54 = tpu.memref_squeeze %dma_wait3A_53 : memref<1x10000x128xf32, #tpu.memory_space<hbm>> -> memref<10000x128xf32, #tpu.memory_space<hbm>>
          tpu.wait_dma2 semaphore(%run_scoped3A_47 : memref<!tpu.dma_semaphore, #tpu.memory_space<semaphore_mem>>) src(%dma_wait3A_54 : memref<10000x128xf32, #tpu.memory_space<hbm>>) dst(%arg11 : memref<10000x128xf32, #tpu.memory_space<vmem_shared>>)
          tpu.yield
        }) : () -> ()
      } else {
      }
      %barrier3A_22 = arith.constant 0 : index
      tpu.barrier barrier_id(%barrier3A_22)
      %mul3A = arith.constant 4960 : i32
      %mul3A_23 = arith.muli %arg1, %mul3A : i32
      %scan3A = arith.constant 0 : i32
      %scan3A_24 = arith.constant 31 : i32
      %scan3A_25 = arith.addi %scan3A, %scan3A_24 : i32
      %scan3A_26 = arith.constant 1 : i32
      scf.for %scan3A_47 = %scan3A to %scan3A_25 step %scan3A_26  : i32 {
        %mul3A_48 = arith.constant 1 : i32
        %mul3A_49 = arith.muli %scan3A_47, %mul3A_48 : i32
        %add3A = arith.constant 0 : i32
        %add3A_50 = arith.addi %add3A, %mul3A_49 : i32
        %mul3A_51 = arith.constant 2 : i32
        %mul3A_52 = arith.muli %mul3A_51, %add3A_50 : i32
        %gt3A = arith.constant 0 : i32
        %gt3A_53 = arith.cmpi sgt, %add3A_50, %gt3A : i32
        %convert_element_type3A_54 = arith.extui %gt3A_53 : i1 to i32
        %cond3A_55 = arith.constant 0 : i32
        %cond3A_56 = arith.cmpi ne, %convert_element_type3A_54, %cond3A_55 : i32
        scf.if %cond3A_56 {
          %add3A_113 = arith.constant 0 : i32
          %add3A_114 = arith.addi %mul3A_52, %add3A_113 : i32
          %sub3A = arith.constant 2 : i32
          %sub3A_115 = arith.subi %add3A_114, %sub3A : i32
          %dma_wait3A_116 = arith.constant 0 : i32
          %dma_wait3A_117 = tpu.memref_slice %arg8[%sub3A_115, %dma_wait3A_116] : memref<62x80xi32, #tpu.memory_space<vmem>> -> memref<1x80xi32, #tpu.memory_space<vmem>>
          %dma_wait3A_118 = tpu.memref_squeeze %dma_wait3A_117 : memref<1x80xi32, #tpu.memory_space<vmem>> -> memref<80xi32, #tpu.memory_space<vmem>>
          %dma_wait3A_119 = arith.constant 0 : i32
          %dma_wait3A_120 = arith.constant 0 : i32
          %dma_wait3A_121 = tpu.memref_slice %arg11[%dma_wait3A_119, %dma_wait3A_120] : memref<10000x128xf32, #tpu.memory_space<vmem_shared>> -> memref<10000x128xf32, #tpu.memory_space<vmem_shared>>
          tpu.wait_indirect_dma semaphore(%arg14 : memref<!tpu.dma_semaphore, #tpu.memory_space<semaphore_mem>>) src(%arg9 : memref<80x128xf32, #tpu.memory_space<vmem>>) dst(%dma_wait3A_121 : memref<10000x128xf32, #tpu.memory_space<vmem_shared>>)
        } else {
        }
        %add3A_57 = arith.constant 0 : i32
        %add3A_58 = arith.addi %mul3A_52, %add3A_57 : i32
        %mul3A_59 = arith.constant 80 : i32
        %mul3A_60 = arith.muli %add3A_58, %mul3A_59 : i32
        %add3A_61 = arith.addi %mul3A_23, %mul3A_60 : i32
        %dma_start3A = arith.constant 128 : i32
        %dma_start3A_62 = tpu.memref_slice %arg2[%add3A_61, %dma_start3A] : memref<79360x512xf32, #tpu.memory_space<hbm>> -> memref<80x128xf32, #tpu.memory_space<hbm>>
        %dma_start3A_63 = arith.constant 128 : i32
        %dma_start3A_64 = tpu.memref_slice %arg2[%add3A_61, %dma_start3A_63] : memref<79360x512xf32, #tpu.memory_space<hbm>> -> memref<80x128xf32, #tpu.memory_space<hbm>>
        tpu.enqueue_dma source(%dma_start3A_64 : memref<80x128xf32, #tpu.memory_space<hbm>>) target(%arg9 : memref<80x128xf32, #tpu.memory_space<vmem>>) target_semaphore(%arg12 : memref<!tpu.dma_semaphore, #tpu.memory_space<semaphore_mem>>)
        %gt3A_65 = arith.constant 0 : i32
        %gt3A_66 = arith.cmpi sgt, %add3A_50, %gt3A_65 : i32
        %convert_element_type3A_67 = arith.extui %gt3A_66 : i1 to i32
        %cond3A_68 = arith.constant 0 : i32
        %cond3A_69 = arith.cmpi ne, %convert_element_type3A_67, %cond3A_68 : i32
        scf.if %cond3A_69 {
          %add3A_113 = arith.constant 1 : i32
          %add3A_114 = arith.addi %mul3A_52, %add3A_113 : i32
          %sub3A = arith.constant 2 : i32
          %sub3A_115 = arith.subi %add3A_114, %sub3A : i32
          %dma_wait3A_116 = arith.constant 0 : i32
          %dma_wait3A_117 = tpu.memref_slice %arg8[%sub3A_115, %dma_wait3A_116] : memref<62x80xi32, #tpu.memory_space<vmem>> -> memref<1x80xi32, #tpu.memory_space<vmem>>
          %dma_wait3A_118 = tpu.memref_squeeze %dma_wait3A_117 : memref<1x80xi32, #tpu.memory_space<vmem>> -> memref<80xi32, #tpu.memory_space<vmem>>
          %dma_wait3A_119 = arith.constant 0 : i32
          %dma_wait3A_120 = arith.constant 0 : i32
          %dma_wait3A_121 = tpu.memref_slice %arg11[%dma_wait3A_119, %dma_wait3A_120] : memref<10000x128xf32, #tpu.memory_space<vmem_shared>> -> memref<10000x128xf32, #tpu.memory_space<vmem_shared>>
          tpu.wait_indirect_dma semaphore(%arg15 : memref<!tpu.dma_semaphore, #tpu.memory_space<semaphore_mem>>) src(%arg10 : memref<80x128xf32, #tpu.memory_space<vmem>>) dst(%dma_wait3A_121 : memref<10000x128xf32, #tpu.memory_space<vmem_shared>>)
        } else {
        }
        %add3A_70 = arith.constant 1 : i32
        %add3A_71 = arith.addi %mul3A_52, %add3A_70 : i32
        %mul3A_72 = arith.constant 80 : i32
        %mul3A_73 = arith.muli %add3A_71, %mul3A_72 : i32
        %add3A_74 = arith.addi %mul3A_23, %mul3A_73 : i32
        %dma_start3A_75 = arith.constant 128 : i32
        %dma_start3A_76 = tpu.memref_slice %arg2[%add3A_74, %dma_start3A_75] : memref<79360x512xf32, #tpu.memory_space<hbm>> -> memref<80x128xf32, #tpu.memory_space<hbm>>
        %dma_start3A_77 = arith.constant 128 : i32
        %dma_start3A_78 = tpu.memref_slice %arg2[%add3A_74, %dma_start3A_77] : memref<79360x512xf32, #tpu.memory_space<hbm>> -> memref<80x128xf32, #tpu.memory_space<hbm>>
        tpu.enqueue_dma source(%dma_start3A_78 : memref<80x128xf32, #tpu.memory_space<hbm>>) target(%arg10 : memref<80x128xf32, #tpu.memory_space<vmem>>) target_semaphore(%arg13 : memref<!tpu.dma_semaphore, #tpu.memory_space<semaphore_mem>>)
        %add3A_79 = arith.constant 0 : i32
        %add3A_80 = arith.addi %mul3A_52, %add3A_79 : i32
        %mul3A_81 = arith.constant 80 : i32
        %mul3A_82 = arith.muli %add3A_80, %mul3A_81 : i32
        %add3A_83 = arith.addi %mul3A_23, %mul3A_82 : i32
        %dma_wait3A_84 = arith.constant 128 : i32
        %dma_wait3A_85 = tpu.memref_slice %arg2[%add3A_83, %dma_wait3A_84] : memref<79360x512xf32, #tpu.memory_space<hbm>> -> memref<80x128xf32, #tpu.memory_space<hbm>>
        %dma_wait3A_86 = arith.constant 128 : i32
        %dma_wait3A_87 = tpu.memref_slice %arg2[%add3A_83, %dma_wait3A_86] : memref<79360x512xf32, #tpu.memory_space<hbm>> -> memref<80x128xf32, #tpu.memory_space<hbm>>
        tpu.wait_dma2 semaphore(%arg12 : memref<!tpu.dma_semaphore, #tpu.memory_space<semaphore_mem>>) src(%dma_wait3A_87 : memref<80x128xf32, #tpu.memory_space<hbm>>) dst(%arg9 : memref<80x128xf32, #tpu.memory_space<vmem>>)
        %add3A_88 = arith.constant 0 : i32
        %add3A_89 = arith.addi %mul3A_52, %add3A_88 : i32
        %dma_start3A_90 = arith.constant 0 : i32
        %dma_start3A_91 = tpu.memref_slice %arg8[%add3A_89, %dma_start3A_90] : memref<62x80xi32, #tpu.memory_space<vmem>> -> memref<1x80xi32, #tpu.memory_space<vmem>>
        %dma_start3A_92 = tpu.memref_squeeze %dma_start3A_91 : memref<1x80xi32, #tpu.memory_space<vmem>> -> memref<80xi32, #tpu.memory_space<vmem>>
        %dma_start3A_93 = arith.constant 0 : i32
        %dma_start3A_94 = arith.constant 0 : i32
        %dma_start3A_95 = tpu.memref_slice %arg11[%dma_start3A_93, %dma_start3A_94] : memref<10000x128xf32, #tpu.memory_space<vmem_shared>> -> memref<10000x128xf32, #tpu.memory_space<vmem_shared>>
        tpu.enqueue_indirect_dma source(%arg9 : memref<80x128xf32, #tpu.memory_space<vmem>>) target(%dma_start3A_95 : memref<10000x128xf32, #tpu.memory_space<vmem_shared>>) offsets(%dma_start3A_92 : memref<80xi32, #tpu.memory_space<vmem>>) semaphore(%arg14 : memref<!tpu.dma_semaphore, #tpu.memory_space<semaphore_mem>>) {add = true}
        %add3A_96 = arith.constant 1 : i32
        %add3A_97 = arith.addi %mul3A_52, %add3A_96 : i32
        %mul3A_98 = arith.constant 80 : i32
        %mul3A_99 = arith.muli %add3A_97, %mul3A_98 : i32
        %add3A_100 = arith.addi %mul3A_23, %mul3A_99 : i32
        %dma_wait3A_101 = arith.constant 128 : i32
        %dma_wait3A_102 = tpu.memref_slice %arg2[%add3A_100, %dma_wait3A_101] : memref<79360x512xf32, #tpu.memory_space<hbm>> -> memref<80x128xf32, #tpu.memory_space<hbm>>
        %dma_wait3A_103 = arith.constant 128 : i32
        %dma_wait3A_104 = tpu.memref_slice %arg2[%add3A_100, %dma_wait3A_103] : memref<79360x512xf32, #tpu.memory_space<hbm>> -> memref<80x128xf32, #tpu.memory_space<hbm>>
        tpu.wait_dma2 semaphore(%arg13 : memref<!tpu.dma_semaphore, #tpu.memory_space<semaphore_mem>>) src(%dma_wait3A_104 : memref<80x128xf32, #tpu.memory_space<hbm>>) dst(%arg10 : memref<80x128xf32, #tpu.memory_space<vmem>>)
        %add3A_105 = arith.constant 1 : i32
        %add3A_106 = arith.addi %mul3A_52, %add3A_105 : i32
        %dma_start3A_107 = arith.constant 0 : i32
        %dma_start3A_108 = tpu.memref_slice %arg8[%add3A_106, %dma_start3A_107] : memref<62x80xi32, #tpu.memory_space<vmem>> -> memref<1x80xi32, #tpu.memory_space<vmem>>
        %dma_start3A_109 = tpu.memref_squeeze %dma_start3A_108 : memref<1x80xi32, #tpu.memory_space<vmem>> -> memref<80xi32, #tpu.memory_space<vmem>>
        %dma_start3A_110 = arith.constant 0 : i32
        %dma_start3A_111 = arith.constant 0 : i32
        %dma_start3A_112 = tpu.memref_slice %arg11[%dma_start3A_110, %dma_start3A_111] : memref<10000x128xf32, #tpu.memory_space<vmem_shared>> -> memref<10000x128xf32, #tpu.memory_space<vmem_shared>>
        tpu.enqueue_indirect_dma source(%arg10 : memref<80x128xf32, #tpu.memory_space<vmem>>) target(%dma_start3A_112 : memref<10000x128xf32, #tpu.memory_space<vmem_shared>>) offsets(%dma_start3A_109 : memref<80xi32, #tpu.memory_space<vmem>>) semaphore(%arg15 : memref<!tpu.dma_semaphore, #tpu.memory_space<semaphore_mem>>) {add = true}
      }
      %scan3A_27 = arith.constant 31 : i32
      %dma_wait3A = arith.constant 60 : i32
      %dma_wait3A_28 = arith.constant 0 : i32
      %dma_wait3A_29 = tpu.memref_slice %arg8[%dma_wait3A, %dma_wait3A_28] : memref<62x80xi32, #tpu.memory_space<vmem>> -> memref<1x80xi32, #tpu.memory_space<vmem>>
      %dma_wait3A_30 = tpu.memref_squeeze %dma_wait3A_29 : memref<1x80xi32, #tpu.memory_space<vmem>> -> memref<80xi32, #tpu.memory_space<vmem>>
      %dma_wait3A_31 = arith.constant 0 : i32
      %dma_wait3A_32 = arith.constant 0 : i32
      %dma_wait3A_33 = tpu.memref_slice %arg11[%dma_wait3A_31, %dma_wait3A_32] : memref<10000x128xf32, #tpu.memory_space<vmem_shared>> -> memref<10000x128xf32, #tpu.memory_space<vmem_shared>>
      tpu.wait_indirect_dma semaphore(%arg14 : memref<!tpu.dma_semaphore, #tpu.memory_space<semaphore_mem>>) src(%arg9 : memref<80x128xf32, #tpu.memory_space<vmem>>) dst(%dma_wait3A_33 : memref<10000x128xf32, #tpu.memory_space<vmem_shared>>)
      %dma_wait3A_34 = arith.constant 61 : i32
      %dma_wait3A_35 = arith.constant 0 : i32
      %dma_wait3A_36 = tpu.memref_slice %arg8[%dma_wait3A_34, %dma_wait3A_35] : memref<62x80xi32, #tpu.memory_space<vmem>> -> memref<1x80xi32, #tpu.memory_space<vmem>>
      %dma_wait3A_37 = tpu.memref_squeeze %dma_wait3A_36 : memref<1x80xi32, #tpu.memory_space<vmem>> -> memref<80xi32, #tpu.memory_space<vmem>>
      %dma_wait3A_38 = arith.constant 0 : i32
      %dma_wait3A_39 = arith.constant 0 : i32
      %dma_wait3A_40 = tpu.memref_slice %arg11[%dma_wait3A_38, %dma_wait3A_39] : memref<10000x128xf32, #tpu.memory_space<vmem_shared>> -> memref<10000x128xf32, #tpu.memory_space<vmem_shared>>
      tpu.wait_indirect_dma semaphore(%arg15 : memref<!tpu.dma_semaphore, #tpu.memory_space<semaphore_mem>>) src(%arg10 : memref<80x128xf32, #tpu.memory_space<vmem>>) dst(%dma_wait3A_40 : memref<10000x128xf32, #tpu.memory_space<vmem_shared>>)
      %barrier3A_41 = arith.constant 0 : index
      tpu.barrier barrier_id(%barrier3A_41)
      %eq3A_42 = arith.constant 0 : i32
      %eq3A_43 = arith.cmpi eq, %arg1, %eq3A_42 : i32
      %convert_element_type3A_44 = arith.extui %eq3A_43 : i1 to i32
      %cond3A_45 = arith.constant 0 : i32
      %cond3A_46 = arith.cmpi ne, %convert_element_type3A_44, %cond3A_45 : i32
      scf.if %cond3A_46 {
        %run_scoped3A = arith.constant 0 : i32
        "tpu.region"() ({
          %run_scoped3A_47 = tpu.sem_alloc : memref<!tpu.dma_semaphore, #tpu.memory_space<semaphore_mem>>
          %dma_start3A = arith.constant 0 : i32
          %dma_start3A_48 = arith.constant 0 : i32
          %dma_start3A_49 = tpu.memref_slice %arg7[%run_scoped3A, %dma_start3A, %dma_start3A_48] : memref<3x10000x128xf32, #tpu.memory_space<hbm>> -> memref<1x10000x128xf32, #tpu.memory_space<hbm>>
          %dma_start3A_50 = tpu.memref_squeeze %dma_start3A_49 : memref<1x10000x128xf32, #tpu.memory_space<hbm>> -> memref<10000x128xf32, #tpu.memory_space<hbm>>
          tpu.enqueue_dma source(%arg11 : memref<10000x128xf32, #tpu.memory_space<vmem_shared>>) target(%dma_start3A_50 : memref<10000x128xf32, #tpu.memory_space<hbm>>) target_semaphore(%run_scoped3A_47 : memref<!tpu.dma_semaphore, #tpu.memory_space<semaphore_mem>>)
          %dma_wait3A_51 = arith.constant 0 : i32
          %dma_wait3A_52 = arith.constant 0 : i32
          %dma_wait3A_53 = tpu.memref_slice %arg7[%run_scoped3A, %dma_wait3A_51, %dma_wait3A_52] : memref<3x10000x128xf32, #tpu.memory_space<hbm>> -> memref<1x10000x128xf32, #tpu.memory_space<hbm>>
          %dma_wait3A_54 = tpu.memref_squeeze %dma_wait3A_53 : memref<1x10000x128xf32, #tpu.memory_space<hbm>> -> memref<10000x128xf32, #tpu.memory_space<hbm>>
          tpu.wait_dma2 semaphore(%run_scoped3A_47 : memref<!tpu.dma_semaphore, #tpu.memory_space<semaphore_mem>>) src(%arg11 : memref<10000x128xf32, #tpu.memory_space<vmem_shared>>) dst(%dma_wait3A_54 : memref<10000x128xf32, #tpu.memory_space<hbm>>)
          tpu.yield
        }) : () -> ()
      } else {
      }
    } else {
    }
    %eq3A_7 = arith.constant 0 : i32
    %eq3A_8 = arith.cmpi eq, %arg0, %eq3A_7 : i32
    %convert_element_type3A_9 = arith.extui %eq3A_8 : i1 to i32
    %cond3A_10 = arith.constant 0 : i32
    %cond3A_11 = arith.cmpi ne, %convert_element_type3A_9, %cond3A_10 : i32
    scf.if %cond3A_11 {
      %barrier3A = arith.constant 0 : index
      tpu.barrier barrier_id(%barrier3A)
      %eq3A_17 = arith.constant 0 : i32
      %eq3A_18 = arith.cmpi eq, %arg1, %eq3A_17 : i32
      %convert_element_type3A_19 = arith.extui %eq3A_18 : i1 to i32
      %cond3A_20 = arith.constant 0 : i32
      %cond3A_21 = arith.cmpi ne, %convert_element_type3A_19, %cond3A_20 : i32
      scf.if %cond3A_21 {
        %run_scoped3A = arith.constant 1 : i32
        "tpu.region"() ({
          %run_scoped3A_47 = tpu.sem_alloc : memref<!tpu.dma_semaphore, #tpu.memory_space<semaphore_mem>>
          %dma_start3A = arith.constant 0 : i32
          %dma_start3A_48 = arith.constant 0 : i32
          %dma_start3A_49 = tpu.memref_slice %arg5[%run_scoped3A, %dma_start3A, %dma_start3A_48] : memref<3x10000x128xf32, #tpu.memory_space<hbm>> -> memref<1x10000x128xf32, #tpu.memory_space<hbm>>
          %dma_start3A_50 = tpu.memref_squeeze %dma_start3A_49 : memref<1x10000x128xf32, #tpu.memory_space<hbm>> -> memref<10000x128xf32, #tpu.memory_space<hbm>>
          tpu.enqueue_dma source(%dma_start3A_50 : memref<10000x128xf32, #tpu.memory_space<hbm>>) target(%arg11 : memref<10000x128xf32, #tpu.memory_space<vmem_shared>>) target_semaphore(%run_scoped3A_47 : memref<!tpu.dma_semaphore, #tpu.memory_space<semaphore_mem>>)
          %dma_wait3A_51 = arith.constant 0 : i32
          %dma_wait3A_52 = arith.constant 0 : i32
          %dma_wait3A_53 = tpu.memref_slice %arg5[%run_scoped3A, %dma_wait3A_51, %dma_wait3A_52] : memref<3x10000x128xf32, #tpu.memory_space<hbm>> -> memref<1x10000x128xf32, #tpu.memory_space<hbm>>
          %dma_wait3A_54 = tpu.memref_squeeze %dma_wait3A_53 : memref<1x10000x128xf32, #tpu.memory_space<hbm>> -> memref<10000x128xf32, #tpu.memory_space<hbm>>
          tpu.wait_dma2 semaphore(%run_scoped3A_47 : memref<!tpu.dma_semaphore, #tpu.memory_space<semaphore_mem>>) src(%dma_wait3A_54 : memref<10000x128xf32, #tpu.memory_space<hbm>>) dst(%arg11 : memref<10000x128xf32, #tpu.memory_space<vmem_shared>>)
          tpu.yield
        }) : () -> ()
      } else {
      }
      %barrier3A_22 = arith.constant 0 : index
      tpu.barrier barrier_id(%barrier3A_22)
      %mul3A = arith.constant 4960 : i32
      %mul3A_23 = arith.muli %arg1, %mul3A : i32
      %scan3A = arith.constant 0 : i32
      %scan3A_24 = arith.constant 31 : i32
      %scan3A_25 = arith.addi %scan3A, %scan3A_24 : i32
      %scan3A_26 = arith.constant 1 : i32
      scf.for %scan3A_47 = %scan3A to %scan3A_25 step %scan3A_26  : i32 {
        %mul3A_48 = arith.constant 1 : i32
        %mul3A_49 = arith.muli %scan3A_47, %mul3A_48 : i32
        %add3A = arith.constant 0 : i32
        %add3A_50 = arith.addi %add3A, %mul3A_49 : i32
        %mul3A_51 = arith.constant 2 : i32
        %mul3A_52 = arith.muli %mul3A_51, %add3A_50 : i32
        %gt3A = arith.constant 0 : i32
        %gt3A_53 = arith.cmpi sgt, %add3A_50, %gt3A : i32
        %convert_element_type3A_54 = arith.extui %gt3A_53 : i1 to i32
        %cond3A_55 = arith.constant 0 : i32
        %cond3A_56 = arith.cmpi ne, %convert_element_type3A_54, %cond3A_55 : i32
        scf.if %cond3A_56 {
          %add3A_113 = arith.constant 0 : i32
          %add3A_114 = arith.addi %mul3A_52, %add3A_113 : i32
          %sub3A = arith.constant 2 : i32
          %sub3A_115 = arith.subi %add3A_114, %sub3A : i32
          %dma_wait3A_116 = arith.constant 0 : i32
          %dma_wait3A_117 = tpu.memref_slice %arg8[%sub3A_115, %dma_wait3A_116] : memref<62x80xi32, #tpu.memory_space<vmem>> -> memref<1x80xi32, #tpu.memory_space<vmem>>
          %dma_wait3A_118 = tpu.memref_squeeze %dma_wait3A_117 : memref<1x80xi32, #tpu.memory_space<vmem>> -> memref<80xi32, #tpu.memory_space<vmem>>
          %dma_wait3A_119 = arith.constant 0 : i32
          %dma_wait3A_120 = arith.constant 0 : i32
          %dma_wait3A_121 = tpu.memref_slice %arg11[%dma_wait3A_119, %dma_wait3A_120] : memref<10000x128xf32, #tpu.memory_space<vmem_shared>> -> memref<10000x128xf32, #tpu.memory_space<vmem_shared>>
          tpu.wait_indirect_dma semaphore(%arg14 : memref<!tpu.dma_semaphore, #tpu.memory_space<semaphore_mem>>) src(%arg9 : memref<80x128xf32, #tpu.memory_space<vmem>>) dst(%dma_wait3A_121 : memref<10000x128xf32, #tpu.memory_space<vmem_shared>>)
        } else {
        }
        %add3A_57 = arith.constant 0 : i32
        %add3A_58 = arith.addi %mul3A_52, %add3A_57 : i32
        %mul3A_59 = arith.constant 80 : i32
        %mul3A_60 = arith.muli %add3A_58, %mul3A_59 : i32
        %add3A_61 = arith.addi %mul3A_23, %mul3A_60 : i32
        %dma_start3A = arith.constant 256 : i32
        %dma_start3A_62 = tpu.memref_slice %arg2[%add3A_61, %dma_start3A] : memref<79360x512xf32, #tpu.memory_space<hbm>> -> memref<80x128xf32, #tpu.memory_space<hbm>>
        %dma_start3A_63 = arith.constant 256 : i32
        %dma_start3A_64 = tpu.memref_slice %arg2[%add3A_61, %dma_start3A_63] : memref<79360x512xf32, #tpu.memory_space<hbm>> -> memref<80x128xf32, #tpu.memory_space<hbm>>
        tpu.enqueue_dma source(%dma_start3A_64 : memref<80x128xf32, #tpu.memory_space<hbm>>) target(%arg9 : memref<80x128xf32, #tpu.memory_space<vmem>>) target_semaphore(%arg12 : memref<!tpu.dma_semaphore, #tpu.memory_space<semaphore_mem>>)
        %gt3A_65 = arith.constant 0 : i32
        %gt3A_66 = arith.cmpi sgt, %add3A_50, %gt3A_65 : i32
        %convert_element_type3A_67 = arith.extui %gt3A_66 : i1 to i32
        %cond3A_68 = arith.constant 0 : i32
        %cond3A_69 = arith.cmpi ne, %convert_element_type3A_67, %cond3A_68 : i32
        scf.if %cond3A_69 {
          %add3A_113 = arith.constant 1 : i32
          %add3A_114 = arith.addi %mul3A_52, %add3A_113 : i32
          %sub3A = arith.constant 2 : i32
          %sub3A_115 = arith.subi %add3A_114, %sub3A : i32
          %dma_wait3A_116 = arith.constant 0 : i32
          %dma_wait3A_117 = tpu.memref_slice %arg8[%sub3A_115, %dma_wait3A_116] : memref<62x80xi32, #tpu.memory_space<vmem>> -> memref<1x80xi32, #tpu.memory_space<vmem>>
          %dma_wait3A_118 = tpu.memref_squeeze %dma_wait3A_117 : memref<1x80xi32, #tpu.memory_space<vmem>> -> memref<80xi32, #tpu.memory_space<vmem>>
          %dma_wait3A_119 = arith.constant 0 : i32
          %dma_wait3A_120 = arith.constant 0 : i32
          %dma_wait3A_121 = tpu.memref_slice %arg11[%dma_wait3A_119, %dma_wait3A_120] : memref<10000x128xf32, #tpu.memory_space<vmem_shared>> -> memref<10000x128xf32, #tpu.memory_space<vmem_shared>>
          tpu.wait_indirect_dma semaphore(%arg15 : memref<!tpu.dma_semaphore, #tpu.memory_space<semaphore_mem>>) src(%arg10 : memref<80x128xf32, #tpu.memory_space<vmem>>) dst(%dma_wait3A_121 : memref<10000x128xf32, #tpu.memory_space<vmem_shared>>)
        } else {
        }
        %add3A_70 = arith.constant 1 : i32
        %add3A_71 = arith.addi %mul3A_52, %add3A_70 : i32
        %mul3A_72 = arith.constant 80 : i32
        %mul3A_73 = arith.muli %add3A_71, %mul3A_72 : i32
        %add3A_74 = arith.addi %mul3A_23, %mul3A_73 : i32
        %dma_start3A_75 = arith.constant 256 : i32
        %dma_start3A_76 = tpu.memref_slice %arg2[%add3A_74, %dma_start3A_75] : memref<79360x512xf32, #tpu.memory_space<hbm>> -> memref<80x128xf32, #tpu.memory_space<hbm>>
        %dma_start3A_77 = arith.constant 256 : i32
        %dma_start3A_78 = tpu.memref_slice %arg2[%add3A_74, %dma_start3A_77] : memref<79360x512xf32, #tpu.memory_space<hbm>> -> memref<80x128xf32, #tpu.memory_space<hbm>>
        tpu.enqueue_dma source(%dma_start3A_78 : memref<80x128xf32, #tpu.memory_space<hbm>>) target(%arg10 : memref<80x128xf32, #tpu.memory_space<vmem>>) target_semaphore(%arg13 : memref<!tpu.dma_semaphore, #tpu.memory_space<semaphore_mem>>)
        %add3A_79 = arith.constant 0 : i32
        %add3A_80 = arith.addi %mul3A_52, %add3A_79 : i32
        %mul3A_81 = arith.constant 80 : i32
        %mul3A_82 = arith.muli %add3A_80, %mul3A_81 : i32
        %add3A_83 = arith.addi %mul3A_23, %mul3A_82 : i32
        %dma_wait3A_84 = arith.constant 256 : i32
        %dma_wait3A_85 = tpu.memref_slice %arg2[%add3A_83, %dma_wait3A_84] : memref<79360x512xf32, #tpu.memory_space<hbm>> -> memref<80x128xf32, #tpu.memory_space<hbm>>
        %dma_wait3A_86 = arith.constant 256 : i32
        %dma_wait3A_87 = tpu.memref_slice %arg2[%add3A_83, %dma_wait3A_86] : memref<79360x512xf32, #tpu.memory_space<hbm>> -> memref<80x128xf32, #tpu.memory_space<hbm>>
        tpu.wait_dma2 semaphore(%arg12 : memref<!tpu.dma_semaphore, #tpu.memory_space<semaphore_mem>>) src(%dma_wait3A_87 : memref<80x128xf32, #tpu.memory_space<hbm>>) dst(%arg9 : memref<80x128xf32, #tpu.memory_space<vmem>>)
        %add3A_88 = arith.constant 0 : i32
        %add3A_89 = arith.addi %mul3A_52, %add3A_88 : i32
        %dma_start3A_90 = arith.constant 0 : i32
        %dma_start3A_91 = tpu.memref_slice %arg8[%add3A_89, %dma_start3A_90] : memref<62x80xi32, #tpu.memory_space<vmem>> -> memref<1x80xi32, #tpu.memory_space<vmem>>
        %dma_start3A_92 = tpu.memref_squeeze %dma_start3A_91 : memref<1x80xi32, #tpu.memory_space<vmem>> -> memref<80xi32, #tpu.memory_space<vmem>>
        %dma_start3A_93 = arith.constant 0 : i32
        %dma_start3A_94 = arith.constant 0 : i32
        %dma_start3A_95 = tpu.memref_slice %arg11[%dma_start3A_93, %dma_start3A_94] : memref<10000x128xf32, #tpu.memory_space<vmem_shared>> -> memref<10000x128xf32, #tpu.memory_space<vmem_shared>>
        tpu.enqueue_indirect_dma source(%arg9 : memref<80x128xf32, #tpu.memory_space<vmem>>) target(%dma_start3A_95 : memref<10000x128xf32, #tpu.memory_space<vmem_shared>>) offsets(%dma_start3A_92 : memref<80xi32, #tpu.memory_space<vmem>>) semaphore(%arg14 : memref<!tpu.dma_semaphore, #tpu.memory_space<semaphore_mem>>) {add = true}
        %add3A_96 = arith.constant 1 : i32
        %add3A_97 = arith.addi %mul3A_52, %add3A_96 : i32
        %mul3A_98 = arith.constant 80 : i32
        %mul3A_99 = arith.muli %add3A_97, %mul3A_98 : i32
        %add3A_100 = arith.addi %mul3A_23, %mul3A_99 : i32
        %dma_wait3A_101 = arith.constant 256 : i32
        %dma_wait3A_102 = tpu.memref_slice %arg2[%add3A_100, %dma_wait3A_101] : memref<79360x512xf32, #tpu.memory_space<hbm>> -> memref<80x128xf32, #tpu.memory_space<hbm>>
        %dma_wait3A_103 = arith.constant 256 : i32
        %dma_wait3A_104 = tpu.memref_slice %arg2[%add3A_100, %dma_wait3A_103] : memref<79360x512xf32, #tpu.memory_space<hbm>> -> memref<80x128xf32, #tpu.memory_space<hbm>>
        tpu.wait_dma2 semaphore(%arg13 : memref<!tpu.dma_semaphore, #tpu.memory_space<semaphore_mem>>) src(%dma_wait3A_104 : memref<80x128xf32, #tpu.memory_space<hbm>>) dst(%arg10 : memref<80x128xf32, #tpu.memory_space<vmem>>)
        %add3A_105 = arith.constant 1 : i32
        %add3A_106 = arith.addi %mul3A_52, %add3A_105 : i32
        %dma_start3A_107 = arith.constant 0 : i32
        %dma_start3A_108 = tpu.memref_slice %arg8[%add3A_106, %dma_start3A_107] : memref<62x80xi32, #tpu.memory_space<vmem>> -> memref<1x80xi32, #tpu.memory_space<vmem>>
        %dma_start3A_109 = tpu.memref_squeeze %dma_start3A_108 : memref<1x80xi32, #tpu.memory_space<vmem>> -> memref<80xi32, #tpu.memory_space<vmem>>
        %dma_start3A_110 = arith.constant 0 : i32
        %dma_start3A_111 = arith.constant 0 : i32
        %dma_start3A_112 = tpu.memref_slice %arg11[%dma_start3A_110, %dma_start3A_111] : memref<10000x128xf32, #tpu.memory_space<vmem_shared>> -> memref<10000x128xf32, #tpu.memory_space<vmem_shared>>
        tpu.enqueue_indirect_dma source(%arg10 : memref<80x128xf32, #tpu.memory_space<vmem>>) target(%dma_start3A_112 : memref<10000x128xf32, #tpu.memory_space<vmem_shared>>) offsets(%dma_start3A_109 : memref<80xi32, #tpu.memory_space<vmem>>) semaphore(%arg15 : memref<!tpu.dma_semaphore, #tpu.memory_space<semaphore_mem>>) {add = true}
      }
      %scan3A_27 = arith.constant 31 : i32
      %dma_wait3A = arith.constant 60 : i32
      %dma_wait3A_28 = arith.constant 0 : i32
      %dma_wait3A_29 = tpu.memref_slice %arg8[%dma_wait3A, %dma_wait3A_28] : memref<62x80xi32, #tpu.memory_space<vmem>> -> memref<1x80xi32, #tpu.memory_space<vmem>>
      %dma_wait3A_30 = tpu.memref_squeeze %dma_wait3A_29 : memref<1x80xi32, #tpu.memory_space<vmem>> -> memref<80xi32, #tpu.memory_space<vmem>>
      %dma_wait3A_31 = arith.constant 0 : i32
      %dma_wait3A_32 = arith.constant 0 : i32
      %dma_wait3A_33 = tpu.memref_slice %arg11[%dma_wait3A_31, %dma_wait3A_32] : memref<10000x128xf32, #tpu.memory_space<vmem_shared>> -> memref<10000x128xf32, #tpu.memory_space<vmem_shared>>
      tpu.wait_indirect_dma semaphore(%arg14 : memref<!tpu.dma_semaphore, #tpu.memory_space<semaphore_mem>>) src(%arg9 : memref<80x128xf32, #tpu.memory_space<vmem>>) dst(%dma_wait3A_33 : memref<10000x128xf32, #tpu.memory_space<vmem_shared>>)
      %dma_wait3A_34 = arith.constant 61 : i32
      %dma_wait3A_35 = arith.constant 0 : i32
      %dma_wait3A_36 = tpu.memref_slice %arg8[%dma_wait3A_34, %dma_wait3A_35] : memref<62x80xi32, #tpu.memory_space<vmem>> -> memref<1x80xi32, #tpu.memory_space<vmem>>
      %dma_wait3A_37 = tpu.memref_squeeze %dma_wait3A_36 : memref<1x80xi32, #tpu.memory_space<vmem>> -> memref<80xi32, #tpu.memory_space<vmem>>
      %dma_wait3A_38 = arith.constant 0 : i32
      %dma_wait3A_39 = arith.constant 0 : i32
      %dma_wait3A_40 = tpu.memref_slice %arg11[%dma_wait3A_38, %dma_wait3A_39] : memref<10000x128xf32, #tpu.memory_space<vmem_shared>> -> memref<10000x128xf32, #tpu.memory_space<vmem_shared>>
      tpu.wait_indirect_dma semaphore(%arg15 : memref<!tpu.dma_semaphore, #tpu.memory_space<semaphore_mem>>) src(%arg10 : memref<80x128xf32, #tpu.memory_space<vmem>>) dst(%dma_wait3A_40 : memref<10000x128xf32, #tpu.memory_space<vmem_shared>>)
      %barrier3A_41 = arith.constant 0 : index
      tpu.barrier barrier_id(%barrier3A_41)
      %eq3A_42 = arith.constant 0 : i32
      %eq3A_43 = arith.cmpi eq, %arg1, %eq3A_42 : i32
      %convert_element_type3A_44 = arith.extui %eq3A_43 : i1 to i32
      %cond3A_45 = arith.constant 0 : i32
      %cond3A_46 = arith.cmpi ne, %convert_element_type3A_44, %cond3A_45 : i32
      scf.if %cond3A_46 {
        %run_scoped3A = arith.constant 1 : i32
        "tpu.region"() ({
          %run_scoped3A_47 = tpu.sem_alloc : memref<!tpu.dma_semaphore, #tpu.memory_space<semaphore_mem>>
          %dma_start3A = arith.constant 0 : i32
          %dma_start3A_48 = arith.constant 0 : i32
          %dma_start3A_49 = tpu.memref_slice %arg7[%run_scoped3A, %dma_start3A, %dma_start3A_48] : memref<3x10000x128xf32, #tpu.memory_space<hbm>> -> memref<1x10000x128xf32, #tpu.memory_space<hbm>>
          %dma_start3A_50 = tpu.memref_squeeze %dma_start3A_49 : memref<1x10000x128xf32, #tpu.memory_space<hbm>> -> memref<10000x128xf32, #tpu.memory_space<hbm>>
          tpu.enqueue_dma source(%arg11 : memref<10000x128xf32, #tpu.memory_space<vmem_shared>>) target(%dma_start3A_50 : memref<10000x128xf32, #tpu.memory_space<hbm>>) target_semaphore(%run_scoped3A_47 : memref<!tpu.dma_semaphore, #tpu.memory_space<semaphore_mem>>)
          %dma_wait3A_51 = arith.constant 0 : i32
          %dma_wait3A_52 = arith.constant 0 : i32
          %dma_wait3A_53 = tpu.memref_slice %arg7[%run_scoped3A, %dma_wait3A_51, %dma_wait3A_52] : memref<3x10000x128xf32, #tpu.memory_space<hbm>> -> memref<1x10000x128xf32, #tpu.memory_space<hbm>>
          %dma_wait3A_54 = tpu.memref_squeeze %dma_wait3A_53 : memref<1x10000x128xf32, #tpu.memory_space<hbm>> -> memref<10000x128xf32, #tpu.memory_space<hbm>>
          tpu.wait_dma2 semaphore(%run_scoped3A_47 : memref<!tpu.dma_semaphore, #tpu.memory_space<semaphore_mem>>) src(%arg11 : memref<10000x128xf32, #tpu.memory_space<vmem_shared>>) dst(%dma_wait3A_54 : memref<10000x128xf32, #tpu.memory_space<hbm>>)
          tpu.yield
        }) : () -> ()
      } else {
      }
    } else {
    }
    %eq3A_12 = arith.constant 1 : i32
    %eq3A_13 = arith.cmpi eq, %arg0, %eq3A_12 : i32
    %convert_element_type3A_14 = arith.extui %eq3A_13 : i1 to i32
    %cond3A_15 = arith.constant 0 : i32
    %cond3A_16 = arith.cmpi ne, %convert_element_type3A_14, %cond3A_15 : i32
    scf.if %cond3A_16 {
      %barrier3A = arith.constant 0 : index
      tpu.barrier barrier_id(%barrier3A)
      %eq3A_17 = arith.constant 0 : i32
      %eq3A_18 = arith.cmpi eq, %arg1, %eq3A_17 : i32
      %convert_element_type3A_19 = arith.extui %eq3A_18 : i1 to i32
      %cond3A_20 = arith.constant 0 : i32
      %cond3A_21 = arith.cmpi ne, %convert_element_type3A_19, %cond3A_20 : i32
      scf.if %cond3A_21 {
        %run_scoped3A = arith.constant 2 : i32
        "tpu.region"() ({
          %run_scoped3A_47 = tpu.sem_alloc : memref<!tpu.dma_semaphore, #tpu.memory_space<semaphore_mem>>
          %dma_start3A = arith.constant 0 : i32
          %dma_start3A_48 = arith.constant 0 : i32
          %dma_start3A_49 = tpu.memref_slice %arg5[%run_scoped3A, %dma_start3A, %dma_start3A_48] : memref<3x10000x128xf32, #tpu.memory_space<hbm>> -> memref<1x10000x128xf32, #tpu.memory_space<hbm>>
          %dma_start3A_50 = tpu.memref_squeeze %dma_start3A_49 : memref<1x10000x128xf32, #tpu.memory_space<hbm>> -> memref<10000x128xf32, #tpu.memory_space<hbm>>
          tpu.enqueue_dma source(%dma_start3A_50 : memref<10000x128xf32, #tpu.memory_space<hbm>>) target(%arg11 : memref<10000x128xf32, #tpu.memory_space<vmem_shared>>) target_semaphore(%run_scoped3A_47 : memref<!tpu.dma_semaphore, #tpu.memory_space<semaphore_mem>>)
          %dma_wait3A_51 = arith.constant 0 : i32
          %dma_wait3A_52 = arith.constant 0 : i32
          %dma_wait3A_53 = tpu.memref_slice %arg5[%run_scoped3A, %dma_wait3A_51, %dma_wait3A_52] : memref<3x10000x128xf32, #tpu.memory_space<hbm>> -> memref<1x10000x128xf32, #tpu.memory_space<hbm>>
          %dma_wait3A_54 = tpu.memref_squeeze %dma_wait3A_53 : memref<1x10000x128xf32, #tpu.memory_space<hbm>> -> memref<10000x128xf32, #tpu.memory_space<hbm>>
          tpu.wait_dma2 semaphore(%run_scoped3A_47 : memref<!tpu.dma_semaphore, #tpu.memory_space<semaphore_mem>>) src(%dma_wait3A_54 : memref<10000x128xf32, #tpu.memory_space<hbm>>) dst(%arg11 : memref<10000x128xf32, #tpu.memory_space<vmem_shared>>)
          tpu.yield
        }) : () -> ()
      } else {
      }
      %barrier3A_22 = arith.constant 0 : index
      tpu.barrier barrier_id(%barrier3A_22)
      %mul3A = arith.constant 4960 : i32
      %mul3A_23 = arith.muli %arg1, %mul3A : i32
      %scan3A = arith.constant 0 : i32
      %scan3A_24 = arith.constant 31 : i32
      %scan3A_25 = arith.addi %scan3A, %scan3A_24 : i32
      %scan3A_26 = arith.constant 1 : i32
      scf.for %scan3A_47 = %scan3A to %scan3A_25 step %scan3A_26  : i32 {
        %mul3A_48 = arith.constant 1 : i32
        %mul3A_49 = arith.muli %scan3A_47, %mul3A_48 : i32
        %add3A = arith.constant 0 : i32
        %add3A_50 = arith.addi %add3A, %mul3A_49 : i32
        %mul3A_51 = arith.constant 2 : i32
        %mul3A_52 = arith.muli %mul3A_51, %add3A_50 : i32
        %gt3A = arith.constant 0 : i32
        %gt3A_53 = arith.cmpi sgt, %add3A_50, %gt3A : i32
        %convert_element_type3A_54 = arith.extui %gt3A_53 : i1 to i32
        %cond3A_55 = arith.constant 0 : i32
        %cond3A_56 = arith.cmpi ne, %convert_element_type3A_54, %cond3A_55 : i32
        scf.if %cond3A_56 {
          %add3A_113 = arith.constant 0 : i32
          %add3A_114 = arith.addi %mul3A_52, %add3A_113 : i32
          %sub3A = arith.constant 2 : i32
          %sub3A_115 = arith.subi %add3A_114, %sub3A : i32
          %dma_wait3A_116 = arith.constant 0 : i32
          %dma_wait3A_117 = tpu.memref_slice %arg8[%sub3A_115, %dma_wait3A_116] : memref<62x80xi32, #tpu.memory_space<vmem>> -> memref<1x80xi32, #tpu.memory_space<vmem>>
          %dma_wait3A_118 = tpu.memref_squeeze %dma_wait3A_117 : memref<1x80xi32, #tpu.memory_space<vmem>> -> memref<80xi32, #tpu.memory_space<vmem>>
          %dma_wait3A_119 = arith.constant 0 : i32
          %dma_wait3A_120 = arith.constant 0 : i32
          %dma_wait3A_121 = tpu.memref_slice %arg11[%dma_wait3A_119, %dma_wait3A_120] : memref<10000x128xf32, #tpu.memory_space<vmem_shared>> -> memref<10000x128xf32, #tpu.memory_space<vmem_shared>>
          tpu.wait_indirect_dma semaphore(%arg14 : memref<!tpu.dma_semaphore, #tpu.memory_space<semaphore_mem>>) src(%arg9 : memref<80x128xf32, #tpu.memory_space<vmem>>) dst(%dma_wait3A_121 : memref<10000x128xf32, #tpu.memory_space<vmem_shared>>)
        } else {
        }
        %add3A_57 = arith.constant 0 : i32
        %add3A_58 = arith.addi %mul3A_52, %add3A_57 : i32
        %mul3A_59 = arith.constant 80 : i32
        %mul3A_60 = arith.muli %add3A_58, %mul3A_59 : i32
        %add3A_61 = arith.addi %mul3A_23, %mul3A_60 : i32
        %dma_start3A = arith.constant 384 : i32
        %dma_start3A_62 = tpu.memref_slice %arg2[%add3A_61, %dma_start3A] : memref<79360x512xf32, #tpu.memory_space<hbm>> -> memref<80x128xf32, #tpu.memory_space<hbm>>
        %dma_start3A_63 = arith.constant 384 : i32
        %dma_start3A_64 = tpu.memref_slice %arg2[%add3A_61, %dma_start3A_63] : memref<79360x512xf32, #tpu.memory_space<hbm>> -> memref<80x128xf32, #tpu.memory_space<hbm>>
        tpu.enqueue_dma source(%dma_start3A_64 : memref<80x128xf32, #tpu.memory_space<hbm>>) target(%arg9 : memref<80x128xf32, #tpu.memory_space<vmem>>) target_semaphore(%arg12 : memref<!tpu.dma_semaphore, #tpu.memory_space<semaphore_mem>>)
        %gt3A_65 = arith.constant 0 : i32
        %gt3A_66 = arith.cmpi sgt, %add3A_50, %gt3A_65 : i32
        %convert_element_type3A_67 = arith.extui %gt3A_66 : i1 to i32
        %cond3A_68 = arith.constant 0 : i32
        %cond3A_69 = arith.cmpi ne, %convert_element_type3A_67, %cond3A_68 : i32
        scf.if %cond3A_69 {
          %add3A_113 = arith.constant 1 : i32
          %add3A_114 = arith.addi %mul3A_52, %add3A_113 : i32
          %sub3A = arith.constant 2 : i32
          %sub3A_115 = arith.subi %add3A_114, %sub3A : i32
          %dma_wait3A_116 = arith.constant 0 : i32
          %dma_wait3A_117 = tpu.memref_slice %arg8[%sub3A_115, %dma_wait3A_116] : memref<62x80xi32, #tpu.memory_space<vmem>> -> memref<1x80xi32, #tpu.memory_space<vmem>>
          %dma_wait3A_118 = tpu.memref_squeeze %dma_wait3A_117 : memref<1x80xi32, #tpu.memory_space<vmem>> -> memref<80xi32, #tpu.memory_space<vmem>>
          %dma_wait3A_119 = arith.constant 0 : i32
          %dma_wait3A_120 = arith.constant 0 : i32
          %dma_wait3A_121 = tpu.memref_slice %arg11[%dma_wait3A_119, %dma_wait3A_120] : memref<10000x128xf32, #tpu.memory_space<vmem_shared>> -> memref<10000x128xf32, #tpu.memory_space<vmem_shared>>
          tpu.wait_indirect_dma semaphore(%arg15 : memref<!tpu.dma_semaphore, #tpu.memory_space<semaphore_mem>>) src(%arg10 : memref<80x128xf32, #tpu.memory_space<vmem>>) dst(%dma_wait3A_121 : memref<10000x128xf32, #tpu.memory_space<vmem_shared>>)
        } else {
        }
        %add3A_70 = arith.constant 1 : i32
        %add3A_71 = arith.addi %mul3A_52, %add3A_70 : i32
        %mul3A_72 = arith.constant 80 : i32
        %mul3A_73 = arith.muli %add3A_71, %mul3A_72 : i32
        %add3A_74 = arith.addi %mul3A_23, %mul3A_73 : i32
        %dma_start3A_75 = arith.constant 384 : i32
        %dma_start3A_76 = tpu.memref_slice %arg2[%add3A_74, %dma_start3A_75] : memref<79360x512xf32, #tpu.memory_space<hbm>> -> memref<80x128xf32, #tpu.memory_space<hbm>>
        %dma_start3A_77 = arith.constant 384 : i32
        %dma_start3A_78 = tpu.memref_slice %arg2[%add3A_74, %dma_start3A_77] : memref<79360x512xf32, #tpu.memory_space<hbm>> -> memref<80x128xf32, #tpu.memory_space<hbm>>
        tpu.enqueue_dma source(%dma_start3A_78 : memref<80x128xf32, #tpu.memory_space<hbm>>) target(%arg10 : memref<80x128xf32, #tpu.memory_space<vmem>>) target_semaphore(%arg13 : memref<!tpu.dma_semaphore, #tpu.memory_space<semaphore_mem>>)
        %add3A_79 = arith.constant 0 : i32
        %add3A_80 = arith.addi %mul3A_52, %add3A_79 : i32
        %mul3A_81 = arith.constant 80 : i32
        %mul3A_82 = arith.muli %add3A_80, %mul3A_81 : i32
        %add3A_83 = arith.addi %mul3A_23, %mul3A_82 : i32
        %dma_wait3A_84 = arith.constant 384 : i32
        %dma_wait3A_85 = tpu.memref_slice %arg2[%add3A_83, %dma_wait3A_84] : memref<79360x512xf32, #tpu.memory_space<hbm>> -> memref<80x128xf32, #tpu.memory_space<hbm>>
        %dma_wait3A_86 = arith.constant 384 : i32
        %dma_wait3A_87 = tpu.memref_slice %arg2[%add3A_83, %dma_wait3A_86] : memref<79360x512xf32, #tpu.memory_space<hbm>> -> memref<80x128xf32, #tpu.memory_space<hbm>>
        tpu.wait_dma2 semaphore(%arg12 : memref<!tpu.dma_semaphore, #tpu.memory_space<semaphore_mem>>) src(%dma_wait3A_87 : memref<80x128xf32, #tpu.memory_space<hbm>>) dst(%arg9 : memref<80x128xf32, #tpu.memory_space<vmem>>)
        %add3A_88 = arith.constant 0 : i32
        %add3A_89 = arith.addi %mul3A_52, %add3A_88 : i32
        %dma_start3A_90 = arith.constant 0 : i32
        %dma_start3A_91 = tpu.memref_slice %arg8[%add3A_89, %dma_start3A_90] : memref<62x80xi32, #tpu.memory_space<vmem>> -> memref<1x80xi32, #tpu.memory_space<vmem>>
        %dma_start3A_92 = tpu.memref_squeeze %dma_start3A_91 : memref<1x80xi32, #tpu.memory_space<vmem>> -> memref<80xi32, #tpu.memory_space<vmem>>
        %dma_start3A_93 = arith.constant 0 : i32
        %dma_start3A_94 = arith.constant 0 : i32
        %dma_start3A_95 = tpu.memref_slice %arg11[%dma_start3A_93, %dma_start3A_94] : memref<10000x128xf32, #tpu.memory_space<vmem_shared>> -> memref<10000x128xf32, #tpu.memory_space<vmem_shared>>
        tpu.enqueue_indirect_dma source(%arg9 : memref<80x128xf32, #tpu.memory_space<vmem>>) target(%dma_start3A_95 : memref<10000x128xf32, #tpu.memory_space<vmem_shared>>) offsets(%dma_start3A_92 : memref<80xi32, #tpu.memory_space<vmem>>) semaphore(%arg14 : memref<!tpu.dma_semaphore, #tpu.memory_space<semaphore_mem>>) {add = true}
        %add3A_96 = arith.constant 1 : i32
        %add3A_97 = arith.addi %mul3A_52, %add3A_96 : i32
        %mul3A_98 = arith.constant 80 : i32
        %mul3A_99 = arith.muli %add3A_97, %mul3A_98 : i32
        %add3A_100 = arith.addi %mul3A_23, %mul3A_99 : i32
        %dma_wait3A_101 = arith.constant 384 : i32
        %dma_wait3A_102 = tpu.memref_slice %arg2[%add3A_100, %dma_wait3A_101] : memref<79360x512xf32, #tpu.memory_space<hbm>> -> memref<80x128xf32, #tpu.memory_space<hbm>>
        %dma_wait3A_103 = arith.constant 384 : i32
        %dma_wait3A_104 = tpu.memref_slice %arg2[%add3A_100, %dma_wait3A_103] : memref<79360x512xf32, #tpu.memory_space<hbm>> -> memref<80x128xf32, #tpu.memory_space<hbm>>
        tpu.wait_dma2 semaphore(%arg13 : memref<!tpu.dma_semaphore, #tpu.memory_space<semaphore_mem>>) src(%dma_wait3A_104 : memref<80x128xf32, #tpu.memory_space<hbm>>) dst(%arg10 : memref<80x128xf32, #tpu.memory_space<vmem>>)
        %add3A_105 = arith.constant 1 : i32
        %add3A_106 = arith.addi %mul3A_52, %add3A_105 : i32
        %dma_start3A_107 = arith.constant 0 : i32
        %dma_start3A_108 = tpu.memref_slice %arg8[%add3A_106, %dma_start3A_107] : memref<62x80xi32, #tpu.memory_space<vmem>> -> memref<1x80xi32, #tpu.memory_space<vmem>>
        %dma_start3A_109 = tpu.memref_squeeze %dma_start3A_108 : memref<1x80xi32, #tpu.memory_space<vmem>> -> memref<80xi32, #tpu.memory_space<vmem>>
        %dma_start3A_110 = arith.constant 0 : i32
        %dma_start3A_111 = arith.constant 0 : i32
        %dma_start3A_112 = tpu.memref_slice %arg11[%dma_start3A_110, %dma_start3A_111] : memref<10000x128xf32, #tpu.memory_space<vmem_shared>> -> memref<10000x128xf32, #tpu.memory_space<vmem_shared>>
        tpu.enqueue_indirect_dma source(%arg10 : memref<80x128xf32, #tpu.memory_space<vmem>>) target(%dma_start3A_112 : memref<10000x128xf32, #tpu.memory_space<vmem_shared>>) offsets(%dma_start3A_109 : memref<80xi32, #tpu.memory_space<vmem>>) semaphore(%arg15 : memref<!tpu.dma_semaphore, #tpu.memory_space<semaphore_mem>>) {add = true}
      }
      %scan3A_27 = arith.constant 31 : i32
      %dma_wait3A = arith.constant 60 : i32
      %dma_wait3A_28 = arith.constant 0 : i32
      %dma_wait3A_29 = tpu.memref_slice %arg8[%dma_wait3A, %dma_wait3A_28] : memref<62x80xi32, #tpu.memory_space<vmem>> -> memref<1x80xi32, #tpu.memory_space<vmem>>
      %dma_wait3A_30 = tpu.memref_squeeze %dma_wait3A_29 : memref<1x80xi32, #tpu.memory_space<vmem>> -> memref<80xi32, #tpu.memory_space<vmem>>
      %dma_wait3A_31 = arith.constant 0 : i32
      %dma_wait3A_32 = arith.constant 0 : i32
      %dma_wait3A_33 = tpu.memref_slice %arg11[%dma_wait3A_31, %dma_wait3A_32] : memref<10000x128xf32, #tpu.memory_space<vmem_shared>> -> memref<10000x128xf32, #tpu.memory_space<vmem_shared>>
      tpu.wait_indirect_dma semaphore(%arg14 : memref<!tpu.dma_semaphore, #tpu.memory_space<semaphore_mem>>) src(%arg9 : memref<80x128xf32, #tpu.memory_space<vmem>>) dst(%dma_wait3A_33 : memref<10000x128xf32, #tpu.memory_space<vmem_shared>>)
      %dma_wait3A_34 = arith.constant 61 : i32
      %dma_wait3A_35 = arith.constant 0 : i32
      %dma_wait3A_36 = tpu.memref_slice %arg8[%dma_wait3A_34, %dma_wait3A_35] : memref<62x80xi32, #tpu.memory_space<vmem>> -> memref<1x80xi32, #tpu.memory_space<vmem>>
      %dma_wait3A_37 = tpu.memref_squeeze %dma_wait3A_36 : memref<1x80xi32, #tpu.memory_space<vmem>> -> memref<80xi32, #tpu.memory_space<vmem>>
      %dma_wait3A_38 = arith.constant 0 : i32
      %dma_wait3A_39 = arith.constant 0 : i32
      %dma_wait3A_40 = tpu.memref_slice %arg11[%dma_wait3A_38, %dma_wait3A_39] : memref<10000x128xf32, #tpu.memory_space<vmem_shared>> -> memref<10000x128xf32, #tpu.memory_space<vmem_shared>>
      tpu.wait_indirect_dma semaphore(%arg15 : memref<!tpu.dma_semaphore, #tpu.memory_space<semaphore_mem>>) src(%arg10 : memref<80x128xf32, #tpu.memory_space<vmem>>) dst(%dma_wait3A_40 : memref<10000x128xf32, #tpu.memory_space<vmem_shared>>)
      %barrier3A_41 = arith.constant 0 : index
      tpu.barrier barrier_id(%barrier3A_41)
      %eq3A_42 = arith.constant 0 : i32
      %eq3A_43 = arith.cmpi eq, %arg1, %eq3A_42 : i32
      %convert_element_type3A_44 = arith.extui %eq3A_43 : i1 to i32
      %cond3A_45 = arith.constant 0 : i32
      %cond3A_46 = arith.cmpi ne, %convert_element_type3A_44, %cond3A_45 : i32
      scf.if %cond3A_46 {
        %run_scoped3A = arith.constant 2 : i32
        "tpu.region"() ({
          %run_scoped3A_47 = tpu.sem_alloc : memref<!tpu.dma_semaphore, #tpu.memory_space<semaphore_mem>>
          %dma_start3A = arith.constant 0 : i32
          %dma_start3A_48 = arith.constant 0 : i32
          %dma_start3A_49 = tpu.memref_slice %arg7[%run_scoped3A, %dma_start3A, %dma_start3A_48] : memref<3x10000x128xf32, #tpu.memory_space<hbm>> -> memref<1x10000x128xf32, #tpu.memory_space<hbm>>
          %dma_start3A_50 = tpu.memref_squeeze %dma_start3A_49 : memref<1x10000x128xf32, #tpu.memory_space<hbm>> -> memref<10000x128xf32, #tpu.memory_space<hbm>>
          tpu.enqueue_dma source(%arg11 : memref<10000x128xf32, #tpu.memory_space<vmem_shared>>) target(%dma_start3A_50 : memref<10000x128xf32, #tpu.memory_space<hbm>>) target_semaphore(%run_scoped3A_47 : memref<!tpu.dma_semaphore, #tpu.memory_space<semaphore_mem>>)
          %dma_wait3A_51 = arith.constant 0 : i32
          %dma_wait3A_52 = arith.constant 0 : i32
          %dma_wait3A_53 = tpu.memref_slice %arg7[%run_scoped3A, %dma_wait3A_51, %dma_wait3A_52] : memref<3x10000x128xf32, #tpu.memory_space<hbm>> -> memref<1x10000x128xf32, #tpu.memory_space<hbm>>
          %dma_wait3A_54 = tpu.memref_squeeze %dma_wait3A_53 : memref<1x10000x128xf32, #tpu.memory_space<hbm>> -> memref<10000x128xf32, #tpu.memory_space<hbm>>
          tpu.wait_dma2 semaphore(%run_scoped3A_47 : memref<!tpu.dma_semaphore, #tpu.memory_space<semaphore_mem>>) src(%arg11 : memref<10000x128xf32, #tpu.memory_space<vmem_shared>>) dst(%dma_wait3A_54 : memref<10000x128xf32, #tpu.memory_space<hbm>>)
          tpu.yield
        }) : () -> ()
      } else {
      }
    } else {
    }
    return
  }
}

#map = affine_map<(d0, d1) -> (0, 0)>
#map1 = affine_map<(d0, d1) -> (0)>
module attributes {stable_mosaic.version = 14 : i64} {
  func.func @_gather_body(%arg0: i32, %arg1: i32, %arg2: memref<10000x128xi32, #tpu.memory_space<hbm>>, %arg3: memref<10000x128xi32, #tpu.memory_space<hbm>>, %arg4: memref<10000x128xi32, #tpu.memory_space<hbm>>, %arg5: memref<160000xi32, #tpu.memory_space<hbm>>, %arg6: memref<80640x128xi32, #tpu.memory_space<hbm>>, %arg7: memref<80640x128xi32, #tpu.memory_space<hbm>>, %arg8: memref<80640x128xi32, #tpu.memory_space<hbm>>, %arg9: memref<5040xi32, #tpu.memory_space<vmem>>, %arg10: memref<2520xi32, #tpu.memory_space<vmem>>, %arg11: memref<80x128xi32, #tpu.memory_space<vmem>>, %arg12: memref<80x128xi32, #tpu.memory_space<vmem>>, %arg13: memref<40x128xi32, #tpu.memory_space<vmem>>, %arg14: memref<40x128xi32, #tpu.memory_space<vmem>>, %arg15: memref<!tpu.dma_semaphore, #tpu.memory_space<semaphore_mem>>, %arg16: memref<!tpu.dma_semaphore, #tpu.memory_space<semaphore_mem>>, %arg17: memref<!tpu.dma_semaphore, #tpu.memory_space<semaphore_mem>>, %arg18: memref<!tpu.dma_semaphore, #tpu.memory_space<semaphore_mem>>) attributes {dimension_semantics = [#tpu.dimension_semantics<core_parallel>, #tpu.dimension_semantics<subcore_parallel>], iteration_bounds = array<i64: 2, 16>, scalar_prefetch = 0 : i64, scratch_operands = 10 : i64, tpu.core_type = #tpu.core_type<sc_vector_subcore>, window_params = [{transform_indices = #map}, {transform_indices = #map}, {transform_indices = #map}, {transform_indices = #map1}, {transform_indices = #map}, {transform_indices = #map}, {transform_indices = #map}]} {
    %mul3A = arith.constant 5040 : i32
    %mul3A_0 = arith.muli %arg1, %mul3A : i32
    %add3A = arith.constant 79360 : i32
    %add3A_1 = arith.addi %add3A, %mul3A_0 : i32
    "tpu.region"() ({
      %run_scoped3A = tpu.sem_alloc : memref<!tpu.dma_semaphore, #tpu.memory_space<semaphore_mem>>
      %dma_start3A = tpu.memref_slice %arg5[%add3A_1] : memref<160000xi32, #tpu.memory_space<hbm>> -> memref<5040xi32, #tpu.memory_space<hbm>>
      %dma_start3A_9 = tpu.memref_slice %arg5[%add3A_1] : memref<160000xi32, #tpu.memory_space<hbm>> -> memref<5040xi32, #tpu.memory_space<hbm>>
      tpu.enqueue_dma source(%dma_start3A_9 : memref<5040xi32, #tpu.memory_space<hbm>>) target(%arg9 : memref<5040xi32, #tpu.memory_space<vmem>>) target_semaphore(%run_scoped3A : memref<!tpu.dma_semaphore, #tpu.memory_space<semaphore_mem>>)
      %dma_wait3A = tpu.memref_slice %arg5[%add3A_1] : memref<160000xi32, #tpu.memory_space<hbm>> -> memref<5040xi32, #tpu.memory_space<hbm>>
      %dma_wait3A_10 = tpu.memref_slice %arg5[%add3A_1] : memref<160000xi32, #tpu.memory_space<hbm>> -> memref<5040xi32, #tpu.memory_space<hbm>>
      tpu.wait_dma2 semaphore(%run_scoped3A : memref<!tpu.dma_semaphore, #tpu.memory_space<semaphore_mem>>) src(%dma_wait3A_10 : memref<5040xi32, #tpu.memory_space<hbm>>) dst(%arg9 : memref<5040xi32, #tpu.memory_space<vmem>>)
      tpu.yield
    }) : () -> ()
    %eq3A = arith.constant 0 : i32
    %eq3A_2 = arith.cmpi eq, %arg0, %eq3A : i32
    %convert_element_type3A = arith.extui %eq3A_2 : i1 to i32
    %cond3A = arith.constant 0 : i32
    %cond3A_3 = arith.cmpi ne, %convert_element_type3A, %cond3A : i32
    scf.if %cond3A_3 {
      %scan3A = arith.constant 0 : i32
      %scan3A_9 = arith.constant 31 : i32
      %scan3A_10 = arith.addi %scan3A, %scan3A_9 : i32
      %scan3A_11 = arith.constant 1 : i32
      scf.for %scan3A_88 = %scan3A to %scan3A_10 step %scan3A_11  : i32 {
        %mul3A_89 = arith.constant 1 : i32
        %mul3A_90 = arith.muli %scan3A_88, %mul3A_89 : i32
        %add3A_91 = arith.constant 0 : i32
        %add3A_92 = arith.addi %add3A_91, %mul3A_90 : i32
        %mul3A_93 = arith.constant 2 : i32
        %mul3A_94 = arith.muli %mul3A_93, %add3A_92 : i32
        %gt3A = arith.constant 0 : i32
        %gt3A_95 = arith.cmpi sgt, %add3A_92, %gt3A : i32
        %convert_element_type3A_96 = arith.extui %gt3A_95 : i1 to i32
        %cond3A_97 = arith.constant 0 : i32
        %cond3A_98 = arith.cmpi ne, %convert_element_type3A_96, %cond3A_97 : i32
        scf.if %cond3A_98 {
          %add3A_154 = arith.constant 0 : i32
          %add3A_155 = arith.addi %mul3A_94, %add3A_154 : i32
          %sub3A = arith.constant 2 : i32
          %sub3A_156 = arith.subi %add3A_155, %sub3A : i32
          %mul3A_157 = arith.constant 80 : i32
          %mul3A_158 = arith.muli %sub3A_156, %mul3A_157 : i32
          %add3A_159 = arith.addi %mul3A_0, %mul3A_158 : i32
          %dma_wait3A_160 = arith.constant 0 : i32
          %dma_wait3A_161 = tpu.memref_slice %arg6[%add3A_159, %dma_wait3A_160] : memref<80640x128xi32, #tpu.memory_space<hbm>> -> memref<80x128xi32, #tpu.memory_space<hbm>>
          %dma_wait3A_162 = arith.constant 0 : i32
          %dma_wait3A_163 = tpu.memref_slice %arg6[%add3A_159, %dma_wait3A_162] : memref<80640x128xi32, #tpu.memory_space<hbm>> -> memref<80x128xi32, #tpu.memory_space<hbm>>
          tpu.wait_dma2 semaphore(%arg17 : memref<!tpu.dma_semaphore, #tpu.memory_space<semaphore_mem>>) src(%arg11 : memref<80x128xi32, #tpu.memory_space<vmem>>) dst(%dma_wait3A_163 : memref<80x128xi32, #tpu.memory_space<hbm>>)
        } else {
        }
        %add3A_99 = arith.constant 0 : i32
        %add3A_100 = arith.addi %mul3A_94, %add3A_99 : i32
        %mul3A_101 = arith.constant 80 : i32
        %mul3A_102 = arith.muli %add3A_100, %mul3A_101 : i32
        %dma_start3A_103 = tpu.memref_slice %arg9[%mul3A_102] : memref<5040xi32, #tpu.memory_space<vmem>> -> memref<80xi32, #tpu.memory_space<vmem>>
        %dma_start3A_104 = arith.constant 0 : i32
        %dma_start3A_105 = arith.constant 0 : i32
        %dma_start3A_106 = tpu.memref_slice %arg2[%dma_start3A_104, %dma_start3A_105] : memref<10000x128xi32, #tpu.memory_space<hbm>> -> memref<10000x128xi32, #tpu.memory_space<hbm>>
        tpu.enqueue_indirect_dma source(%dma_start3A_106 : memref<10000x128xi32, #tpu.memory_space<hbm>>) target(%arg11 : memref<80x128xi32, #tpu.memory_space<vmem>>) offsets(%dma_start3A_103 : memref<80xi32, #tpu.memory_space<vmem>>) semaphore(%arg15 : memref<!tpu.dma_semaphore, #tpu.memory_space<semaphore_mem>>)
        %gt3A_107 = arith.constant 0 : i32
        %gt3A_108 = arith.cmpi sgt, %add3A_92, %gt3A_107 : i32
        %convert_element_type3A_109 = arith.extui %gt3A_108 : i1 to i32
        %cond3A_110 = arith.constant 0 : i32
        %cond3A_111 = arith.cmpi ne, %convert_element_type3A_109, %cond3A_110 : i32
        scf.if %cond3A_111 {
          %add3A_154 = arith.constant 1 : i32
          %add3A_155 = arith.addi %mul3A_94, %add3A_154 : i32
          %sub3A = arith.constant 2 : i32
          %sub3A_156 = arith.subi %add3A_155, %sub3A : i32
          %mul3A_157 = arith.constant 80 : i32
          %mul3A_158 = arith.muli %sub3A_156, %mul3A_157 : i32
          %add3A_159 = arith.addi %mul3A_0, %mul3A_158 : i32
          %dma_wait3A_160 = arith.constant 0 : i32
          %dma_wait3A_161 = tpu.memref_slice %arg6[%add3A_159, %dma_wait3A_160] : memref<80640x128xi32, #tpu.memory_space<hbm>> -> memref<80x128xi32, #tpu.memory_space<hbm>>
          %dma_wait3A_162 = arith.constant 0 : i32
          %dma_wait3A_163 = tpu.memref_slice %arg6[%add3A_159, %dma_wait3A_162] : memref<80640x128xi32, #tpu.memory_space<hbm>> -> memref<80x128xi32, #tpu.memory_space<hbm>>
          tpu.wait_dma2 semaphore(%arg18 : memref<!tpu.dma_semaphore, #tpu.memory_space<semaphore_mem>>) src(%arg12 : memref<80x128xi32, #tpu.memory_space<vmem>>) dst(%dma_wait3A_163 : memref<80x128xi32, #tpu.memory_space<hbm>>)
        } else {
        }
        %add3A_112 = arith.constant 1 : i32
        %add3A_113 = arith.addi %mul3A_94, %add3A_112 : i32
        %mul3A_114 = arith.constant 80 : i32
        %mul3A_115 = arith.muli %add3A_113, %mul3A_114 : i32
        %dma_start3A_116 = tpu.memref_slice %arg9[%mul3A_115] : memref<5040xi32, #tpu.memory_space<vmem>> -> memref<80xi32, #tpu.memory_space<vmem>>
        %dma_start3A_117 = arith.constant 0 : i32
        %dma_start3A_118 = arith.constant 0 : i32
        %dma_start3A_119 = tpu.memref_slice %arg2[%dma_start3A_117, %dma_start3A_118] : memref<10000x128xi32, #tpu.memory_space<hbm>> -> memref<10000x128xi32, #tpu.memory_space<hbm>>
        tpu.enqueue_indirect_dma source(%dma_start3A_119 : memref<10000x128xi32, #tpu.memory_space<hbm>>) target(%arg12 : memref<80x128xi32, #tpu.memory_space<vmem>>) offsets(%dma_start3A_116 : memref<80xi32, #tpu.memory_space<vmem>>) semaphore(%arg16 : memref<!tpu.dma_semaphore, #tpu.memory_space<semaphore_mem>>)
        %add3A_120 = arith.constant 0 : i32
        %add3A_121 = arith.addi %mul3A_94, %add3A_120 : i32
        %mul3A_122 = arith.constant 80 : i32
        %mul3A_123 = arith.muli %add3A_121, %mul3A_122 : i32
        %dma_wait3A_124 = tpu.memref_slice %arg9[%mul3A_123] : memref<5040xi32, #tpu.memory_space<vmem>> -> memref<80xi32, #tpu.memory_space<vmem>>
        %dma_wait3A_125 = arith.constant 0 : i32
        %dma_wait3A_126 = arith.constant 0 : i32
        %dma_wait3A_127 = tpu.memref_slice %arg2[%dma_wait3A_125, %dma_wait3A_126] : memref<10000x128xi32, #tpu.memory_space<hbm>> -> memref<10000x128xi32, #tpu.memory_space<hbm>>
        tpu.wait_indirect_dma semaphore(%arg15 : memref<!tpu.dma_semaphore, #tpu.memory_space<semaphore_mem>>) src(%dma_wait3A_127 : memref<10000x128xi32, #tpu.memory_space<hbm>>) dst(%arg11 : memref<80x128xi32, #tpu.memory_space<vmem>>)
        %add3A_128 = arith.constant 0 : i32
        %add3A_129 = arith.addi %mul3A_94, %add3A_128 : i32
        %mul3A_130 = arith.constant 80 : i32
        %mul3A_131 = arith.muli %add3A_129, %mul3A_130 : i32
        %add3A_132 = arith.addi %mul3A_0, %mul3A_131 : i32
        %dma_start3A_133 = arith.constant 0 : i32
        %dma_start3A_134 = tpu.memref_slice %arg6[%add3A_132, %dma_start3A_133] : memref<80640x128xi32, #tpu.memory_space<hbm>> -> memref<80x128xi32, #tpu.memory_space<hbm>>
        %dma_start3A_135 = arith.constant 0 : i32
        %dma_start3A_136 = tpu.memref_slice %arg6[%add3A_132, %dma_start3A_135] : memref<80640x128xi32, #tpu.memory_space<hbm>> -> memref<80x128xi32, #tpu.memory_space<hbm>>
        tpu.enqueue_dma source(%arg11 : memref<80x128xi32, #tpu.memory_space<vmem>>) target(%dma_start3A_136 : memref<80x128xi32, #tpu.memory_space<hbm>>) target_semaphore(%arg17 : memref<!tpu.dma_semaphore, #tpu.memory_space<semaphore_mem>>)
        %add3A_137 = arith.constant 1 : i32
        %add3A_138 = arith.addi %mul3A_94, %add3A_137 : i32
        %mul3A_139 = arith.constant 80 : i32
        %mul3A_140 = arith.muli %add3A_138, %mul3A_139 : i32
        %dma_wait3A_141 = tpu.memref_slice %arg9[%mul3A_140] : memref<5040xi32, #tpu.memory_space<vmem>> -> memref<80xi32, #tpu.memory_space<vmem>>
        %dma_wait3A_142 = arith.constant 0 : i32
        %dma_wait3A_143 = arith.constant 0 : i32
        %dma_wait3A_144 = tpu.memref_slice %arg2[%dma_wait3A_142, %dma_wait3A_143] : memref<10000x128xi32, #tpu.memory_space<hbm>> -> memref<10000x128xi32, #tpu.memory_space<hbm>>
        tpu.wait_indirect_dma semaphore(%arg16 : memref<!tpu.dma_semaphore, #tpu.memory_space<semaphore_mem>>) src(%dma_wait3A_144 : memref<10000x128xi32, #tpu.memory_space<hbm>>) dst(%arg12 : memref<80x128xi32, #tpu.memory_space<vmem>>)
        %add3A_145 = arith.constant 1 : i32
        %add3A_146 = arith.addi %mul3A_94, %add3A_145 : i32
        %mul3A_147 = arith.constant 80 : i32
        %mul3A_148 = arith.muli %add3A_146, %mul3A_147 : i32
        %add3A_149 = arith.addi %mul3A_0, %mul3A_148 : i32
        %dma_start3A_150 = arith.constant 0 : i32
        %dma_start3A_151 = tpu.memref_slice %arg6[%add3A_149, %dma_start3A_150] : memref<80640x128xi32, #tpu.memory_space<hbm>> -> memref<80x128xi32, #tpu.memory_space<hbm>>
        %dma_start3A_152 = arith.constant 0 : i32
        %dma_start3A_153 = tpu.memref_slice %arg6[%add3A_149, %dma_start3A_152] : memref<80640x128xi32, #tpu.memory_space<hbm>> -> memref<80x128xi32, #tpu.memory_space<hbm>>
        tpu.enqueue_dma source(%arg12 : memref<80x128xi32, #tpu.memory_space<vmem>>) target(%dma_start3A_153 : memref<80x128xi32, #tpu.memory_space<hbm>>) target_semaphore(%arg18 : memref<!tpu.dma_semaphore, #tpu.memory_space<semaphore_mem>>)
      }
      %scan3A_12 = arith.constant 31 : i32
      %add3A_13 = arith.constant 4800 : i32
      %add3A_14 = arith.addi %mul3A_0, %add3A_13 : i32
      %dma_wait3A = arith.constant 0 : i32
      %dma_wait3A_15 = tpu.memref_slice %arg6[%add3A_14, %dma_wait3A] : memref<80640x128xi32, #tpu.memory_space<hbm>> -> memref<80x128xi32, #tpu.memory_space<hbm>>
      %dma_wait3A_16 = arith.constant 0 : i32
      %dma_wait3A_17 = tpu.memref_slice %arg6[%add3A_14, %dma_wait3A_16] : memref<80640x128xi32, #tpu.memory_space<hbm>> -> memref<80x128xi32, #tpu.memory_space<hbm>>
      tpu.wait_dma2 semaphore(%arg17 : memref<!tpu.dma_semaphore, #tpu.memory_space<semaphore_mem>>) src(%arg11 : memref<80x128xi32, #tpu.memory_space<vmem>>) dst(%dma_wait3A_17 : memref<80x128xi32, #tpu.memory_space<hbm>>)
      %dma_start3A = arith.constant 4960 : i32
      %dma_start3A_18 = tpu.memref_slice %arg9[%dma_start3A] : memref<5040xi32, #tpu.memory_space<vmem>> -> memref<80xi32, #tpu.memory_space<vmem>>
      %dma_start3A_19 = arith.constant 0 : i32
      %dma_start3A_20 = arith.constant 0 : i32
      %dma_start3A_21 = tpu.memref_slice %arg2[%dma_start3A_19, %dma_start3A_20] : memref<10000x128xi32, #tpu.memory_space<hbm>> -> memref<10000x128xi32, #tpu.memory_space<hbm>>
      tpu.enqueue_indirect_dma source(%dma_start3A_21 : memref<10000x128xi32, #tpu.memory_space<hbm>>) target(%arg11 : memref<80x128xi32, #tpu.memory_space<vmem>>) offsets(%dma_start3A_18 : memref<80xi32, #tpu.memory_space<vmem>>) semaphore(%arg15 : memref<!tpu.dma_semaphore, #tpu.memory_space<semaphore_mem>>)
      %dma_wait3A_22 = arith.constant 4960 : i32
      %dma_wait3A_23 = tpu.memref_slice %arg9[%dma_wait3A_22] : memref<5040xi32, #tpu.memory_space<vmem>> -> memref<80xi32, #tpu.memory_space<vmem>>
      %dma_wait3A_24 = arith.constant 0 : i32
      %dma_wait3A_25 = arith.constant 0 : i32
      %dma_wait3A_26 = tpu.memref_slice %arg2[%dma_wait3A_24, %dma_wait3A_25] : memref<10000x128xi32, #tpu.memory_space<hbm>> -> memref<10000x128xi32, #tpu.memory_space<hbm>>
      tpu.wait_indirect_dma semaphore(%arg15 : memref<!tpu.dma_semaphore, #tpu.memory_space<semaphore_mem>>) src(%dma_wait3A_26 : memref<10000x128xi32, #tpu.memory_space<hbm>>) dst(%arg11 : memref<80x128xi32, #tpu.memory_space<vmem>>)
      %add3A_27 = arith.constant 4960 : i32
      %add3A_28 = arith.addi %mul3A_0, %add3A_27 : i32
      %dma_start3A_29 = arith.constant 0 : i32
      %dma_start3A_30 = tpu.memref_slice %arg6[%add3A_28, %dma_start3A_29] : memref<80640x128xi32, #tpu.memory_space<hbm>> -> memref<80x128xi32, #tpu.memory_space<hbm>>
      %dma_start3A_31 = arith.constant 0 : i32
      %dma_start3A_32 = tpu.memref_slice %arg6[%add3A_28, %dma_start3A_31] : memref<80640x128xi32, #tpu.memory_space<hbm>> -> memref<80x128xi32, #tpu.memory_space<hbm>>
      tpu.enqueue_dma source(%arg11 : memref<80x128xi32, #tpu.memory_space<vmem>>) target(%dma_start3A_32 : memref<80x128xi32, #tpu.memory_space<hbm>>) target_semaphore(%arg17 : memref<!tpu.dma_semaphore, #tpu.memory_space<semaphore_mem>>)
      %add3A_33 = arith.constant 4960 : i32
      %add3A_34 = arith.addi %mul3A_0, %add3A_33 : i32
      %dma_wait3A_35 = arith.constant 0 : i32
      %dma_wait3A_36 = tpu.memref_slice %arg6[%add3A_34, %dma_wait3A_35] : memref<80640x128xi32, #tpu.memory_space<hbm>> -> memref<80x128xi32, #tpu.memory_space<hbm>>
      %dma_wait3A_37 = arith.constant 0 : i32
      %dma_wait3A_38 = tpu.memref_slice %arg6[%add3A_34, %dma_wait3A_37] : memref<80640x128xi32, #tpu.memory_space<hbm>> -> memref<80x128xi32, #tpu.memory_space<hbm>>
      tpu.wait_dma2 semaphore(%arg17 : memref<!tpu.dma_semaphore, #tpu.memory_space<semaphore_mem>>) src(%arg11 : memref<80x128xi32, #tpu.memory_space<vmem>>) dst(%dma_wait3A_38 : memref<80x128xi32, #tpu.memory_space<hbm>>)
      %add3A_39 = arith.constant 4880 : i32
      %add3A_40 = arith.addi %mul3A_0, %add3A_39 : i32
      %dma_wait3A_41 = arith.constant 0 : i32
      %dma_wait3A_42 = tpu.memref_slice %arg6[%add3A_40, %dma_wait3A_41] : memref<80640x128xi32, #tpu.memory_space<hbm>> -> memref<80x128xi32, #tpu.memory_space<hbm>>
      %dma_wait3A_43 = arith.constant 0 : i32
      %dma_wait3A_44 = tpu.memref_slice %arg6[%add3A_40, %dma_wait3A_43] : memref<80640x128xi32, #tpu.memory_space<hbm>> -> memref<80x128xi32, #tpu.memory_space<hbm>>
      tpu.wait_dma2 semaphore(%arg18 : memref<!tpu.dma_semaphore, #tpu.memory_space<semaphore_mem>>) src(%arg12 : memref<80x128xi32, #tpu.memory_space<vmem>>) dst(%dma_wait3A_44 : memref<80x128xi32, #tpu.memory_space<hbm>>)
      %mul3A_45 = arith.constant 2520 : i32
      %mul3A_46 = arith.muli %arg1, %mul3A_45 : i32
      %add3A_47 = arith.constant 79360 : i32
      %add3A_48 = arith.addi %add3A_47, %mul3A_46 : i32
      "tpu.region"() ({
        %run_scoped3A = tpu.sem_alloc : memref<!tpu.dma_semaphore, #tpu.memory_space<semaphore_mem>>
        %dma_start3A_88 = tpu.memref_slice %arg5[%add3A_48] : memref<160000xi32, #tpu.memory_space<hbm>> -> memref<2520xi32, #tpu.memory_space<hbm>>
        %dma_start3A_89 = tpu.memref_slice %arg5[%add3A_48] : memref<160000xi32, #tpu.memory_space<hbm>> -> memref<2520xi32, #tpu.memory_space<hbm>>
        tpu.enqueue_dma source(%dma_start3A_89 : memref<2520xi32, #tpu.memory_space<hbm>>) target(%arg10 : memref<2520xi32, #tpu.memory_space<vmem>>) target_semaphore(%run_scoped3A : memref<!tpu.dma_semaphore, #tpu.memory_space<semaphore_mem>>)
        %dma_wait3A_90 = tpu.memref_slice %arg5[%add3A_48] : memref<160000xi32, #tpu.memory_space<hbm>> -> memref<2520xi32, #tpu.memory_space<hbm>>
        %dma_wait3A_91 = tpu.memref_slice %arg5[%add3A_48] : memref<160000xi32, #tpu.memory_space<hbm>> -> memref<2520xi32, #tpu.memory_space<hbm>>
        tpu.wait_dma2 semaphore(%run_scoped3A : memref<!tpu.dma_semaphore, #tpu.memory_space<semaphore_mem>>) src(%dma_wait3A_91 : memref<2520xi32, #tpu.memory_space<hbm>>) dst(%arg10 : memref<2520xi32, #tpu.memory_space<vmem>>)
        tpu.yield
      }) : () -> ()
      %scan3A_49 = arith.constant 0 : i32
      %scan3A_50 = arith.constant 31 : i32
      %scan3A_51 = arith.addi %scan3A_49, %scan3A_50 : i32
      %scan3A_52 = arith.constant 1 : i32
      scf.for %scan3A_88 = %scan3A_49 to %scan3A_51 step %scan3A_52  : i32 {
        %mul3A_89 = arith.constant 1 : i32
        %mul3A_90 = arith.muli %scan3A_88, %mul3A_89 : i32
        %add3A_91 = arith.constant 0 : i32
        %add3A_92 = arith.addi %add3A_91, %mul3A_90 : i32
        %mul3A_93 = arith.constant 2 : i32
        %mul3A_94 = arith.muli %mul3A_93, %add3A_92 : i32
        %gt3A = arith.constant 0 : i32
        %gt3A_95 = arith.cmpi sgt, %add3A_92, %gt3A : i32
        %convert_element_type3A_96 = arith.extui %gt3A_95 : i1 to i32
        %cond3A_97 = arith.constant 0 : i32
        %cond3A_98 = arith.cmpi ne, %convert_element_type3A_96, %cond3A_97 : i32
        scf.if %cond3A_98 {
          %add3A_154 = arith.constant 0 : i32
          %add3A_155 = arith.addi %mul3A_94, %add3A_154 : i32
          %sub3A = arith.constant 2 : i32
          %sub3A_156 = arith.subi %add3A_155, %sub3A : i32
          %mul3A_157 = arith.constant 40 : i32
          %mul3A_158 = arith.muli %sub3A_156, %mul3A_157 : i32
          %add3A_159 = arith.addi %mul3A_46, %mul3A_158 : i32
          %dma_wait3A_160 = arith.constant 0 : i32
          %dma_wait3A_161 = tpu.memref_slice %arg8[%add3A_159, %dma_wait3A_160] : memref<80640x128xi32, #tpu.memory_space<hbm>> -> memref<40x128xi32, #tpu.memory_space<hbm>>
          %dma_wait3A_162 = arith.constant 0 : i32
          %dma_wait3A_163 = tpu.memref_slice %arg8[%add3A_159, %dma_wait3A_162] : memref<80640x128xi32, #tpu.memory_space<hbm>> -> memref<40x128xi32, #tpu.memory_space<hbm>>
          tpu.wait_dma2 semaphore(%arg17 : memref<!tpu.dma_semaphore, #tpu.memory_space<semaphore_mem>>) src(%arg13 : memref<40x128xi32, #tpu.memory_space<vmem>>) dst(%dma_wait3A_163 : memref<40x128xi32, #tpu.memory_space<hbm>>)
        } else {
        }
        %add3A_99 = arith.constant 0 : i32
        %add3A_100 = arith.addi %mul3A_94, %add3A_99 : i32
        %mul3A_101 = arith.constant 40 : i32
        %mul3A_102 = arith.muli %add3A_100, %mul3A_101 : i32
        %dma_start3A_103 = tpu.memref_slice %arg10[%mul3A_102] : memref<2520xi32, #tpu.memory_space<vmem>> -> memref<40xi32, #tpu.memory_space<vmem>>
        %dma_start3A_104 = arith.constant 0 : i32
        %dma_start3A_105 = arith.constant 0 : i32
        %dma_start3A_106 = tpu.memref_slice %arg4[%dma_start3A_104, %dma_start3A_105] : memref<10000x128xi32, #tpu.memory_space<hbm>> -> memref<10000x128xi32, #tpu.memory_space<hbm>>
        tpu.enqueue_indirect_dma source(%dma_start3A_106 : memref<10000x128xi32, #tpu.memory_space<hbm>>) target(%arg13 : memref<40x128xi32, #tpu.memory_space<vmem>>) offsets(%dma_start3A_103 : memref<40xi32, #tpu.memory_space<vmem>>) semaphore(%arg15 : memref<!tpu.dma_semaphore, #tpu.memory_space<semaphore_mem>>)
        %gt3A_107 = arith.constant 0 : i32
        %gt3A_108 = arith.cmpi sgt, %add3A_92, %gt3A_107 : i32
        %convert_element_type3A_109 = arith.extui %gt3A_108 : i1 to i32
        %cond3A_110 = arith.constant 0 : i32
        %cond3A_111 = arith.cmpi ne, %convert_element_type3A_109, %cond3A_110 : i32
        scf.if %cond3A_111 {
          %add3A_154 = arith.constant 1 : i32
          %add3A_155 = arith.addi %mul3A_94, %add3A_154 : i32
          %sub3A = arith.constant 2 : i32
          %sub3A_156 = arith.subi %add3A_155, %sub3A : i32
          %mul3A_157 = arith.constant 40 : i32
          %mul3A_158 = arith.muli %sub3A_156, %mul3A_157 : i32
          %add3A_159 = arith.addi %mul3A_46, %mul3A_158 : i32
          %dma_wait3A_160 = arith.constant 0 : i32
          %dma_wait3A_161 = tpu.memref_slice %arg8[%add3A_159, %dma_wait3A_160] : memref<80640x128xi32, #tpu.memory_space<hbm>> -> memref<40x128xi32, #tpu.memory_space<hbm>>
          %dma_wait3A_162 = arith.constant 0 : i32
          %dma_wait3A_163 = tpu.memref_slice %arg8[%add3A_159, %dma_wait3A_162] : memref<80640x128xi32, #tpu.memory_space<hbm>> -> memref<40x128xi32, #tpu.memory_space<hbm>>
          tpu.wait_dma2 semaphore(%arg18 : memref<!tpu.dma_semaphore, #tpu.memory_space<semaphore_mem>>) src(%arg14 : memref<40x128xi32, #tpu.memory_space<vmem>>) dst(%dma_wait3A_163 : memref<40x128xi32, #tpu.memory_space<hbm>>)
        } else {
        }
        %add3A_112 = arith.constant 1 : i32
        %add3A_113 = arith.addi %mul3A_94, %add3A_112 : i32
        %mul3A_114 = arith.constant 40 : i32
        %mul3A_115 = arith.muli %add3A_113, %mul3A_114 : i32
        %dma_start3A_116 = tpu.memref_slice %arg10[%mul3A_115] : memref<2520xi32, #tpu.memory_space<vmem>> -> memref<40xi32, #tpu.memory_space<vmem>>
        %dma_start3A_117 = arith.constant 0 : i32
        %dma_start3A_118 = arith.constant 0 : i32
        %dma_start3A_119 = tpu.memref_slice %arg4[%dma_start3A_117, %dma_start3A_118] : memref<10000x128xi32, #tpu.memory_space<hbm>> -> memref<10000x128xi32, #tpu.memory_space<hbm>>
        tpu.enqueue_indirect_dma source(%dma_start3A_119 : memref<10000x128xi32, #tpu.memory_space<hbm>>) target(%arg14 : memref<40x128xi32, #tpu.memory_space<vmem>>) offsets(%dma_start3A_116 : memref<40xi32, #tpu.memory_space<vmem>>) semaphore(%arg16 : memref<!tpu.dma_semaphore, #tpu.memory_space<semaphore_mem>>)
        %add3A_120 = arith.constant 0 : i32
        %add3A_121 = arith.addi %mul3A_94, %add3A_120 : i32
        %mul3A_122 = arith.constant 40 : i32
        %mul3A_123 = arith.muli %add3A_121, %mul3A_122 : i32
        %dma_wait3A_124 = tpu.memref_slice %arg10[%mul3A_123] : memref<2520xi32, #tpu.memory_space<vmem>> -> memref<40xi32, #tpu.memory_space<vmem>>
        %dma_wait3A_125 = arith.constant 0 : i32
        %dma_wait3A_126 = arith.constant 0 : i32
        %dma_wait3A_127 = tpu.memref_slice %arg4[%dma_wait3A_125, %dma_wait3A_126] : memref<10000x128xi32, #tpu.memory_space<hbm>> -> memref<10000x128xi32, #tpu.memory_space<hbm>>
        tpu.wait_indirect_dma semaphore(%arg15 : memref<!tpu.dma_semaphore, #tpu.memory_space<semaphore_mem>>) src(%dma_wait3A_127 : memref<10000x128xi32, #tpu.memory_space<hbm>>) dst(%arg13 : memref<40x128xi32, #tpu.memory_space<vmem>>)
        %add3A_128 = arith.constant 0 : i32
        %add3A_129 = arith.addi %mul3A_94, %add3A_128 : i32
        %mul3A_130 = arith.constant 40 : i32
        %mul3A_131 = arith.muli %add3A_129, %mul3A_130 : i32
        %add3A_132 = arith.addi %mul3A_46, %mul3A_131 : i32
        %dma_start3A_133 = arith.constant 0 : i32
        %dma_start3A_134 = tpu.memref_slice %arg8[%add3A_132, %dma_start3A_133] : memref<80640x128xi32, #tpu.memory_space<hbm>> -> memref<40x128xi32, #tpu.memory_space<hbm>>
        %dma_start3A_135 = arith.constant 0 : i32
        %dma_start3A_136 = tpu.memref_slice %arg8[%add3A_132, %dma_start3A_135] : memref<80640x128xi32, #tpu.memory_space<hbm>> -> memref<40x128xi32, #tpu.memory_space<hbm>>
        tpu.enqueue_dma source(%arg13 : memref<40x128xi32, #tpu.memory_space<vmem>>) target(%dma_start3A_136 : memref<40x128xi32, #tpu.memory_space<hbm>>) target_semaphore(%arg17 : memref<!tpu.dma_semaphore, #tpu.memory_space<semaphore_mem>>)
        %add3A_137 = arith.constant 1 : i32
        %add3A_138 = arith.addi %mul3A_94, %add3A_137 : i32
        %mul3A_139 = arith.constant 40 : i32
        %mul3A_140 = arith.muli %add3A_138, %mul3A_139 : i32
        %dma_wait3A_141 = tpu.memref_slice %arg10[%mul3A_140] : memref<2520xi32, #tpu.memory_space<vmem>> -> memref<40xi32, #tpu.memory_space<vmem>>
        %dma_wait3A_142 = arith.constant 0 : i32
        %dma_wait3A_143 = arith.constant 0 : i32
        %dma_wait3A_144 = tpu.memref_slice %arg4[%dma_wait3A_142, %dma_wait3A_143] : memref<10000x128xi32, #tpu.memory_space<hbm>> -> memref<10000x128xi32, #tpu.memory_space<hbm>>
        tpu.wait_indirect_dma semaphore(%arg16 : memref<!tpu.dma_semaphore, #tpu.memory_space<semaphore_mem>>) src(%dma_wait3A_144 : memref<10000x128xi32, #tpu.memory_space<hbm>>) dst(%arg14 : memref<40x128xi32, #tpu.memory_space<vmem>>)
        %add3A_145 = arith.constant 1 : i32
        %add3A_146 = arith.addi %mul3A_94, %add3A_145 : i32
        %mul3A_147 = arith.constant 40 : i32
        %mul3A_148 = arith.muli %add3A_146, %mul3A_147 : i32
        %add3A_149 = arith.addi %mul3A_46, %mul3A_148 : i32
        %dma_start3A_150 = arith.constant 0 : i32
        %dma_start3A_151 = tpu.memref_slice %arg8[%add3A_149, %dma_start3A_150] : memref<80640x128xi32, #tpu.memory_space<hbm>> -> memref<40x128xi32, #tpu.memory_space<hbm>>
        %dma_start3A_152 = arith.constant 0 : i32
        %dma_start3A_153 = tpu.memref_slice %arg8[%add3A_149, %dma_start3A_152] : memref<80640x128xi32, #tpu.memory_space<hbm>> -> memref<40x128xi32, #tpu.memory_space<hbm>>
        tpu.enqueue_dma source(%arg14 : memref<40x128xi32, #tpu.memory_space<vmem>>) target(%dma_start3A_153 : memref<40x128xi32, #tpu.memory_space<hbm>>) target_semaphore(%arg18 : memref<!tpu.dma_semaphore, #tpu.memory_space<semaphore_mem>>)
      }
      %scan3A_53 = arith.constant 31 : i32
      %add3A_54 = arith.constant 2400 : i32
      %add3A_55 = arith.addi %mul3A_46, %add3A_54 : i32
      %dma_wait3A_56 = arith.constant 0 : i32
      %dma_wait3A_57 = tpu.memref_slice %arg8[%add3A_55, %dma_wait3A_56] : memref<80640x128xi32, #tpu.memory_space<hbm>> -> memref<40x128xi32, #tpu.memory_space<hbm>>
      %dma_wait3A_58 = arith.constant 0 : i32
      %dma_wait3A_59 = tpu.memref_slice %arg8[%add3A_55, %dma_wait3A_58] : memref<80640x128xi32, #tpu.memory_space<hbm>> -> memref<40x128xi32, #tpu.memory_space<hbm>>
      tpu.wait_dma2 semaphore(%arg17 : memref<!tpu.dma_semaphore, #tpu.memory_space<semaphore_mem>>) src(%arg13 : memref<40x128xi32, #tpu.memory_space<vmem>>) dst(%dma_wait3A_59 : memref<40x128xi32, #tpu.memory_space<hbm>>)
      %dma_start3A_60 = arith.constant 2480 : i32
      %dma_start3A_61 = tpu.memref_slice %arg10[%dma_start3A_60] : memref<2520xi32, #tpu.memory_space<vmem>> -> memref<40xi32, #tpu.memory_space<vmem>>
      %dma_start3A_62 = arith.constant 0 : i32
      %dma_start3A_63 = arith.constant 0 : i32
      %dma_start3A_64 = tpu.memref_slice %arg4[%dma_start3A_62, %dma_start3A_63] : memref<10000x128xi32, #tpu.memory_space<hbm>> -> memref<10000x128xi32, #tpu.memory_space<hbm>>
      tpu.enqueue_indirect_dma source(%dma_start3A_64 : memref<10000x128xi32, #tpu.memory_space<hbm>>) target(%arg13 : memref<40x128xi32, #tpu.memory_space<vmem>>) offsets(%dma_start3A_61 : memref<40xi32, #tpu.memory_space<vmem>>) semaphore(%arg15 : memref<!tpu.dma_semaphore, #tpu.memory_space<semaphore_mem>>)
      %dma_wait3A_65 = arith.constant 2480 : i32
      %dma_wait3A_66 = tpu.memref_slice %arg10[%dma_wait3A_65] : memref<2520xi32, #tpu.memory_space<vmem>> -> memref<40xi32, #tpu.memory_space<vmem>>
      %dma_wait3A_67 = arith.constant 0 : i32
      %dma_wait3A_68 = arith.constant 0 : i32
      %dma_wait3A_69 = tpu.memref_slice %arg4[%dma_wait3A_67, %dma_wait3A_68] : memref<10000x128xi32, #tpu.memory_space<hbm>> -> memref<10000x128xi32, #tpu.memory_space<hbm>>
      tpu.wait_indirect_dma semaphore(%arg15 : memref<!tpu.dma_semaphore, #tpu.memory_space<semaphore_mem>>) src(%dma_wait3A_69 : memref<10000x128xi32, #tpu.memory_space<hbm>>) dst(%arg13 : memref<40x128xi32, #tpu.memory_space<vmem>>)
      %add3A_70 = arith.constant 2480 : i32
      %add3A_71 = arith.addi %mul3A_46, %add3A_70 : i32
      %dma_start3A_72 = arith.constant 0 : i32
      %dma_start3A_73 = tpu.memref_slice %arg8[%add3A_71, %dma_start3A_72] : memref<80640x128xi32, #tpu.memory_space<hbm>> -> memref<40x128xi32, #tpu.memory_space<hbm>>
      %dma_start3A_74 = arith.constant 0 : i32
      %dma_start3A_75 = tpu.memref_slice %arg8[%add3A_71, %dma_start3A_74] : memref<80640x128xi32, #tpu.memory_space<hbm>> -> memref<40x128xi32, #tpu.memory_space<hbm>>
      tpu.enqueue_dma source(%arg13 : memref<40x128xi32, #tpu.memory_space<vmem>>) target(%dma_start3A_75 : memref<40x128xi32, #tpu.memory_space<hbm>>) target_semaphore(%arg17 : memref<!tpu.dma_semaphore, #tpu.memory_space<semaphore_mem>>)
      %add3A_76 = arith.constant 2480 : i32
      %add3A_77 = arith.addi %mul3A_46, %add3A_76 : i32
      %dma_wait3A_78 = arith.constant 0 : i32
      %dma_wait3A_79 = tpu.memref_slice %arg8[%add3A_77, %dma_wait3A_78] : memref<80640x128xi32, #tpu.memory_space<hbm>> -> memref<40x128xi32, #tpu.memory_space<hbm>>
      %dma_wait3A_80 = arith.constant 0 : i32
      %dma_wait3A_81 = tpu.memref_slice %arg8[%add3A_77, %dma_wait3A_80] : memref<80640x128xi32, #tpu.memory_space<hbm>> -> memref<40x128xi32, #tpu.memory_space<hbm>>
      tpu.wait_dma2 semaphore(%arg17 : memref<!tpu.dma_semaphore, #tpu.memory_space<semaphore_mem>>) src(%arg13 : memref<40x128xi32, #tpu.memory_space<vmem>>) dst(%dma_wait3A_81 : memref<40x128xi32, #tpu.memory_space<hbm>>)
      %add3A_82 = arith.constant 2440 : i32
      %add3A_83 = arith.addi %mul3A_46, %add3A_82 : i32
      %dma_wait3A_84 = arith.constant 0 : i32
      %dma_wait3A_85 = tpu.memref_slice %arg8[%add3A_83, %dma_wait3A_84] : memref<80640x128xi32, #tpu.memory_space<hbm>> -> memref<40x128xi32, #tpu.memory_space<hbm>>
      %dma_wait3A_86 = arith.constant 0 : i32
      %dma_wait3A_87 = tpu.memref_slice %arg8[%add3A_83, %dma_wait3A_86] : memref<80640x128xi32, #tpu.memory_space<hbm>> -> memref<40x128xi32, #tpu.memory_space<hbm>>
      tpu.wait_dma2 semaphore(%arg18 : memref<!tpu.dma_semaphore, #tpu.memory_space<semaphore_mem>>) src(%arg14 : memref<40x128xi32, #tpu.memory_space<vmem>>) dst(%dma_wait3A_87 : memref<40x128xi32, #tpu.memory_space<hbm>>)
    } else {
    }
    %eq3A_4 = arith.constant 1 : i32
    %eq3A_5 = arith.cmpi eq, %arg0, %eq3A_4 : i32
    %convert_element_type3A_6 = arith.extui %eq3A_5 : i1 to i32
    %cond3A_7 = arith.constant 0 : i32
    %cond3A_8 = arith.cmpi ne, %convert_element_type3A_6, %cond3A_7 : i32
    scf.if %cond3A_8 {
      %scan3A = arith.constant 0 : i32
      %scan3A_9 = arith.constant 31 : i32
      %scan3A_10 = arith.addi %scan3A, %scan3A_9 : i32
      %scan3A_11 = arith.constant 1 : i32
      scf.for %scan3A_90 = %scan3A to %scan3A_10 step %scan3A_11  : i32 {
        %mul3A_91 = arith.constant 1 : i32
        %mul3A_92 = arith.muli %scan3A_90, %mul3A_91 : i32
        %add3A_93 = arith.constant 0 : i32
        %add3A_94 = arith.addi %add3A_93, %mul3A_92 : i32
        %mul3A_95 = arith.constant 2 : i32
        %mul3A_96 = arith.muli %mul3A_95, %add3A_94 : i32
        %gt3A = arith.constant 0 : i32
        %gt3A_97 = arith.cmpi sgt, %add3A_94, %gt3A : i32
        %convert_element_type3A_98 = arith.extui %gt3A_97 : i1 to i32
        %cond3A_99 = arith.constant 0 : i32
        %cond3A_100 = arith.cmpi ne, %convert_element_type3A_98, %cond3A_99 : i32
        scf.if %cond3A_100 {
          %add3A_156 = arith.constant 0 : i32
          %add3A_157 = arith.addi %mul3A_96, %add3A_156 : i32
          %sub3A = arith.constant 2 : i32
          %sub3A_158 = arith.subi %add3A_157, %sub3A : i32
          %mul3A_159 = arith.constant 80 : i32
          %mul3A_160 = arith.muli %sub3A_158, %mul3A_159 : i32
          %add3A_161 = arith.addi %mul3A_0, %mul3A_160 : i32
          %dma_wait3A_162 = arith.constant 0 : i32
          %dma_wait3A_163 = tpu.memref_slice %arg7[%add3A_161, %dma_wait3A_162] : memref<80640x128xi32, #tpu.memory_space<hbm>> -> memref<80x128xi32, #tpu.memory_space<hbm>>
          %dma_wait3A_164 = arith.constant 0 : i32
          %dma_wait3A_165 = tpu.memref_slice %arg7[%add3A_161, %dma_wait3A_164] : memref<80640x128xi32, #tpu.memory_space<hbm>> -> memref<80x128xi32, #tpu.memory_space<hbm>>
          tpu.wait_dma2 semaphore(%arg17 : memref<!tpu.dma_semaphore, #tpu.memory_space<semaphore_mem>>) src(%arg11 : memref<80x128xi32, #tpu.memory_space<vmem>>) dst(%dma_wait3A_165 : memref<80x128xi32, #tpu.memory_space<hbm>>)
        } else {
        }
        %add3A_101 = arith.constant 0 : i32
        %add3A_102 = arith.addi %mul3A_96, %add3A_101 : i32
        %mul3A_103 = arith.constant 80 : i32
        %mul3A_104 = arith.muli %add3A_102, %mul3A_103 : i32
        %dma_start3A_105 = tpu.memref_slice %arg9[%mul3A_104] : memref<5040xi32, #tpu.memory_space<vmem>> -> memref<80xi32, #tpu.memory_space<vmem>>
        %dma_start3A_106 = arith.constant 0 : i32
        %dma_start3A_107 = arith.constant 0 : i32
        %dma_start3A_108 = tpu.memref_slice %arg3[%dma_start3A_106, %dma_start3A_107] : memref<10000x128xi32, #tpu.memory_space<hbm>> -> memref<10000x128xi32, #tpu.memory_space<hbm>>
        tpu.enqueue_indirect_dma source(%dma_start3A_108 : memref<10000x128xi32, #tpu.memory_space<hbm>>) target(%arg11 : memref<80x128xi32, #tpu.memory_space<vmem>>) offsets(%dma_start3A_105 : memref<80xi32, #tpu.memory_space<vmem>>) semaphore(%arg15 : memref<!tpu.dma_semaphore, #tpu.memory_space<semaphore_mem>>)
        %gt3A_109 = arith.constant 0 : i32
        %gt3A_110 = arith.cmpi sgt, %add3A_94, %gt3A_109 : i32
        %convert_element_type3A_111 = arith.extui %gt3A_110 : i1 to i32
        %cond3A_112 = arith.constant 0 : i32
        %cond3A_113 = arith.cmpi ne, %convert_element_type3A_111, %cond3A_112 : i32
        scf.if %cond3A_113 {
          %add3A_156 = arith.constant 1 : i32
          %add3A_157 = arith.addi %mul3A_96, %add3A_156 : i32
          %sub3A = arith.constant 2 : i32
          %sub3A_158 = arith.subi %add3A_157, %sub3A : i32
          %mul3A_159 = arith.constant 80 : i32
          %mul3A_160 = arith.muli %sub3A_158, %mul3A_159 : i32
          %add3A_161 = arith.addi %mul3A_0, %mul3A_160 : i32
          %dma_wait3A_162 = arith.constant 0 : i32
          %dma_wait3A_163 = tpu.memref_slice %arg7[%add3A_161, %dma_wait3A_162] : memref<80640x128xi32, #tpu.memory_space<hbm>> -> memref<80x128xi32, #tpu.memory_space<hbm>>
          %dma_wait3A_164 = arith.constant 0 : i32
          %dma_wait3A_165 = tpu.memref_slice %arg7[%add3A_161, %dma_wait3A_164] : memref<80640x128xi32, #tpu.memory_space<hbm>> -> memref<80x128xi32, #tpu.memory_space<hbm>>
          tpu.wait_dma2 semaphore(%arg18 : memref<!tpu.dma_semaphore, #tpu.memory_space<semaphore_mem>>) src(%arg12 : memref<80x128xi32, #tpu.memory_space<vmem>>) dst(%dma_wait3A_165 : memref<80x128xi32, #tpu.memory_space<hbm>>)
        } else {
        }
        %add3A_114 = arith.constant 1 : i32
        %add3A_115 = arith.addi %mul3A_96, %add3A_114 : i32
        %mul3A_116 = arith.constant 80 : i32
        %mul3A_117 = arith.muli %add3A_115, %mul3A_116 : i32
        %dma_start3A_118 = tpu.memref_slice %arg9[%mul3A_117] : memref<5040xi32, #tpu.memory_space<vmem>> -> memref<80xi32, #tpu.memory_space<vmem>>
        %dma_start3A_119 = arith.constant 0 : i32
        %dma_start3A_120 = arith.constant 0 : i32
        %dma_start3A_121 = tpu.memref_slice %arg3[%dma_start3A_119, %dma_start3A_120] : memref<10000x128xi32, #tpu.memory_space<hbm>> -> memref<10000x128xi32, #tpu.memory_space<hbm>>
        tpu.enqueue_indirect_dma source(%dma_start3A_121 : memref<10000x128xi32, #tpu.memory_space<hbm>>) target(%arg12 : memref<80x128xi32, #tpu.memory_space<vmem>>) offsets(%dma_start3A_118 : memref<80xi32, #tpu.memory_space<vmem>>) semaphore(%arg16 : memref<!tpu.dma_semaphore, #tpu.memory_space<semaphore_mem>>)
        %add3A_122 = arith.constant 0 : i32
        %add3A_123 = arith.addi %mul3A_96, %add3A_122 : i32
        %mul3A_124 = arith.constant 80 : i32
        %mul3A_125 = arith.muli %add3A_123, %mul3A_124 : i32
        %dma_wait3A_126 = tpu.memref_slice %arg9[%mul3A_125] : memref<5040xi32, #tpu.memory_space<vmem>> -> memref<80xi32, #tpu.memory_space<vmem>>
        %dma_wait3A_127 = arith.constant 0 : i32
        %dma_wait3A_128 = arith.constant 0 : i32
        %dma_wait3A_129 = tpu.memref_slice %arg3[%dma_wait3A_127, %dma_wait3A_128] : memref<10000x128xi32, #tpu.memory_space<hbm>> -> memref<10000x128xi32, #tpu.memory_space<hbm>>
        tpu.wait_indirect_dma semaphore(%arg15 : memref<!tpu.dma_semaphore, #tpu.memory_space<semaphore_mem>>) src(%dma_wait3A_129 : memref<10000x128xi32, #tpu.memory_space<hbm>>) dst(%arg11 : memref<80x128xi32, #tpu.memory_space<vmem>>)
        %add3A_130 = arith.constant 0 : i32
        %add3A_131 = arith.addi %mul3A_96, %add3A_130 : i32
        %mul3A_132 = arith.constant 80 : i32
        %mul3A_133 = arith.muli %add3A_131, %mul3A_132 : i32
        %add3A_134 = arith.addi %mul3A_0, %mul3A_133 : i32
        %dma_start3A_135 = arith.constant 0 : i32
        %dma_start3A_136 = tpu.memref_slice %arg7[%add3A_134, %dma_start3A_135] : memref<80640x128xi32, #tpu.memory_space<hbm>> -> memref<80x128xi32, #tpu.memory_space<hbm>>
        %dma_start3A_137 = arith.constant 0 : i32
        %dma_start3A_138 = tpu.memref_slice %arg7[%add3A_134, %dma_start3A_137] : memref<80640x128xi32, #tpu.memory_space<hbm>> -> memref<80x128xi32, #tpu.memory_space<hbm>>
        tpu.enqueue_dma source(%arg11 : memref<80x128xi32, #tpu.memory_space<vmem>>) target(%dma_start3A_138 : memref<80x128xi32, #tpu.memory_space<hbm>>) target_semaphore(%arg17 : memref<!tpu.dma_semaphore, #tpu.memory_space<semaphore_mem>>)
        %add3A_139 = arith.constant 1 : i32
        %add3A_140 = arith.addi %mul3A_96, %add3A_139 : i32
        %mul3A_141 = arith.constant 80 : i32
        %mul3A_142 = arith.muli %add3A_140, %mul3A_141 : i32
        %dma_wait3A_143 = tpu.memref_slice %arg9[%mul3A_142] : memref<5040xi32, #tpu.memory_space<vmem>> -> memref<80xi32, #tpu.memory_space<vmem>>
        %dma_wait3A_144 = arith.constant 0 : i32
        %dma_wait3A_145 = arith.constant 0 : i32
        %dma_wait3A_146 = tpu.memref_slice %arg3[%dma_wait3A_144, %dma_wait3A_145] : memref<10000x128xi32, #tpu.memory_space<hbm>> -> memref<10000x128xi32, #tpu.memory_space<hbm>>
        tpu.wait_indirect_dma semaphore(%arg16 : memref<!tpu.dma_semaphore, #tpu.memory_space<semaphore_mem>>) src(%dma_wait3A_146 : memref<10000x128xi32, #tpu.memory_space<hbm>>) dst(%arg12 : memref<80x128xi32, #tpu.memory_space<vmem>>)
        %add3A_147 = arith.constant 1 : i32
        %add3A_148 = arith.addi %mul3A_96, %add3A_147 : i32
        %mul3A_149 = arith.constant 80 : i32
        %mul3A_150 = arith.muli %add3A_148, %mul3A_149 : i32
        %add3A_151 = arith.addi %mul3A_0, %mul3A_150 : i32
        %dma_start3A_152 = arith.constant 0 : i32
        %dma_start3A_153 = tpu.memref_slice %arg7[%add3A_151, %dma_start3A_152] : memref<80640x128xi32, #tpu.memory_space<hbm>> -> memref<80x128xi32, #tpu.memory_space<hbm>>
        %dma_start3A_154 = arith.constant 0 : i32
        %dma_start3A_155 = tpu.memref_slice %arg7[%add3A_151, %dma_start3A_154] : memref<80640x128xi32, #tpu.memory_space<hbm>> -> memref<80x128xi32, #tpu.memory_space<hbm>>
        tpu.enqueue_dma source(%arg12 : memref<80x128xi32, #tpu.memory_space<vmem>>) target(%dma_start3A_155 : memref<80x128xi32, #tpu.memory_space<hbm>>) target_semaphore(%arg18 : memref<!tpu.dma_semaphore, #tpu.memory_space<semaphore_mem>>)
      }
      %scan3A_12 = arith.constant 31 : i32
      %add3A_13 = arith.constant 4800 : i32
      %add3A_14 = arith.addi %mul3A_0, %add3A_13 : i32
      %dma_wait3A = arith.constant 0 : i32
      %dma_wait3A_15 = tpu.memref_slice %arg7[%add3A_14, %dma_wait3A] : memref<80640x128xi32, #tpu.memory_space<hbm>> -> memref<80x128xi32, #tpu.memory_space<hbm>>
      %dma_wait3A_16 = arith.constant 0 : i32
      %dma_wait3A_17 = tpu.memref_slice %arg7[%add3A_14, %dma_wait3A_16] : memref<80640x128xi32, #tpu.memory_space<hbm>> -> memref<80x128xi32, #tpu.memory_space<hbm>>
      tpu.wait_dma2 semaphore(%arg17 : memref<!tpu.dma_semaphore, #tpu.memory_space<semaphore_mem>>) src(%arg11 : memref<80x128xi32, #tpu.memory_space<vmem>>) dst(%dma_wait3A_17 : memref<80x128xi32, #tpu.memory_space<hbm>>)
      %dma_start3A = arith.constant 4960 : i32
      %dma_start3A_18 = tpu.memref_slice %arg9[%dma_start3A] : memref<5040xi32, #tpu.memory_space<vmem>> -> memref<80xi32, #tpu.memory_space<vmem>>
      %dma_start3A_19 = arith.constant 0 : i32
      %dma_start3A_20 = arith.constant 0 : i32
      %dma_start3A_21 = tpu.memref_slice %arg3[%dma_start3A_19, %dma_start3A_20] : memref<10000x128xi32, #tpu.memory_space<hbm>> -> memref<10000x128xi32, #tpu.memory_space<hbm>>
      tpu.enqueue_indirect_dma source(%dma_start3A_21 : memref<10000x128xi32, #tpu.memory_space<hbm>>) target(%arg11 : memref<80x128xi32, #tpu.memory_space<vmem>>) offsets(%dma_start3A_18 : memref<80xi32, #tpu.memory_space<vmem>>) semaphore(%arg15 : memref<!tpu.dma_semaphore, #tpu.memory_space<semaphore_mem>>)
      %dma_wait3A_22 = arith.constant 4960 : i32
      %dma_wait3A_23 = tpu.memref_slice %arg9[%dma_wait3A_22] : memref<5040xi32, #tpu.memory_space<vmem>> -> memref<80xi32, #tpu.memory_space<vmem>>
      %dma_wait3A_24 = arith.constant 0 : i32
      %dma_wait3A_25 = arith.constant 0 : i32
      %dma_wait3A_26 = tpu.memref_slice %arg3[%dma_wait3A_24, %dma_wait3A_25] : memref<10000x128xi32, #tpu.memory_space<hbm>> -> memref<10000x128xi32, #tpu.memory_space<hbm>>
      tpu.wait_indirect_dma semaphore(%arg15 : memref<!tpu.dma_semaphore, #tpu.memory_space<semaphore_mem>>) src(%dma_wait3A_26 : memref<10000x128xi32, #tpu.memory_space<hbm>>) dst(%arg11 : memref<80x128xi32, #tpu.memory_space<vmem>>)
      %add3A_27 = arith.constant 4960 : i32
      %add3A_28 = arith.addi %mul3A_0, %add3A_27 : i32
      %dma_start3A_29 = arith.constant 0 : i32
      %dma_start3A_30 = tpu.memref_slice %arg7[%add3A_28, %dma_start3A_29] : memref<80640x128xi32, #tpu.memory_space<hbm>> -> memref<80x128xi32, #tpu.memory_space<hbm>>
      %dma_start3A_31 = arith.constant 0 : i32
      %dma_start3A_32 = tpu.memref_slice %arg7[%add3A_28, %dma_start3A_31] : memref<80640x128xi32, #tpu.memory_space<hbm>> -> memref<80x128xi32, #tpu.memory_space<hbm>>
      tpu.enqueue_dma source(%arg11 : memref<80x128xi32, #tpu.memory_space<vmem>>) target(%dma_start3A_32 : memref<80x128xi32, #tpu.memory_space<hbm>>) target_semaphore(%arg17 : memref<!tpu.dma_semaphore, #tpu.memory_space<semaphore_mem>>)
      %add3A_33 = arith.constant 4960 : i32
      %add3A_34 = arith.addi %mul3A_0, %add3A_33 : i32
      %dma_wait3A_35 = arith.constant 0 : i32
      %dma_wait3A_36 = tpu.memref_slice %arg7[%add3A_34, %dma_wait3A_35] : memref<80640x128xi32, #tpu.memory_space<hbm>> -> memref<80x128xi32, #tpu.memory_space<hbm>>
      %dma_wait3A_37 = arith.constant 0 : i32
      %dma_wait3A_38 = tpu.memref_slice %arg7[%add3A_34, %dma_wait3A_37] : memref<80640x128xi32, #tpu.memory_space<hbm>> -> memref<80x128xi32, #tpu.memory_space<hbm>>
      tpu.wait_dma2 semaphore(%arg17 : memref<!tpu.dma_semaphore, #tpu.memory_space<semaphore_mem>>) src(%arg11 : memref<80x128xi32, #tpu.memory_space<vmem>>) dst(%dma_wait3A_38 : memref<80x128xi32, #tpu.memory_space<hbm>>)
      %add3A_39 = arith.constant 4880 : i32
      %add3A_40 = arith.addi %mul3A_0, %add3A_39 : i32
      %dma_wait3A_41 = arith.constant 0 : i32
      %dma_wait3A_42 = tpu.memref_slice %arg7[%add3A_40, %dma_wait3A_41] : memref<80640x128xi32, #tpu.memory_space<hbm>> -> memref<80x128xi32, #tpu.memory_space<hbm>>
      %dma_wait3A_43 = arith.constant 0 : i32
      %dma_wait3A_44 = tpu.memref_slice %arg7[%add3A_40, %dma_wait3A_43] : memref<80640x128xi32, #tpu.memory_space<hbm>> -> memref<80x128xi32, #tpu.memory_space<hbm>>
      tpu.wait_dma2 semaphore(%arg18 : memref<!tpu.dma_semaphore, #tpu.memory_space<semaphore_mem>>) src(%arg12 : memref<80x128xi32, #tpu.memory_space<vmem>>) dst(%dma_wait3A_44 : memref<80x128xi32, #tpu.memory_space<hbm>>)
      %mul3A_45 = arith.constant 2520 : i32
      %mul3A_46 = arith.muli %arg1, %mul3A_45 : i32
      %add3A_47 = arith.constant 40320 : i32
      %add3A_48 = arith.addi %add3A_47, %mul3A_46 : i32
      %add3A_49 = arith.constant 79360 : i32
      %add3A_50 = arith.addi %add3A_49, %add3A_48 : i32
      "tpu.region"() ({
        %run_scoped3A = tpu.sem_alloc : memref<!tpu.dma_semaphore, #tpu.memory_space<semaphore_mem>>
        %dma_start3A_90 = tpu.memref_slice %arg5[%add3A_50] : memref<160000xi32, #tpu.memory_space<hbm>> -> memref<2520xi32, #tpu.memory_space<hbm>>
        %dma_start3A_91 = tpu.memref_slice %arg5[%add3A_50] : memref<160000xi32, #tpu.memory_space<hbm>> -> memref<2520xi32, #tpu.memory_space<hbm>>
        tpu.enqueue_dma source(%dma_start3A_91 : memref<2520xi32, #tpu.memory_space<hbm>>) target(%arg10 : memref<2520xi32, #tpu.memory_space<vmem>>) target_semaphore(%run_scoped3A : memref<!tpu.dma_semaphore, #tpu.memory_space<semaphore_mem>>)
        %dma_wait3A_92 = tpu.memref_slice %arg5[%add3A_50] : memref<160000xi32, #tpu.memory_space<hbm>> -> memref<2520xi32, #tpu.memory_space<hbm>>
        %dma_wait3A_93 = tpu.memref_slice %arg5[%add3A_50] : memref<160000xi32, #tpu.memory_space<hbm>> -> memref<2520xi32, #tpu.memory_space<hbm>>
        tpu.wait_dma2 semaphore(%run_scoped3A : memref<!tpu.dma_semaphore, #tpu.memory_space<semaphore_mem>>) src(%dma_wait3A_93 : memref<2520xi32, #tpu.memory_space<hbm>>) dst(%arg10 : memref<2520xi32, #tpu.memory_space<vmem>>)
        tpu.yield
      }) : () -> ()
      %scan3A_51 = arith.constant 0 : i32
      %scan3A_52 = arith.constant 31 : i32
      %scan3A_53 = arith.addi %scan3A_51, %scan3A_52 : i32
      %scan3A_54 = arith.constant 1 : i32
      scf.for %scan3A_90 = %scan3A_51 to %scan3A_53 step %scan3A_54  : i32 {
        %mul3A_91 = arith.constant 1 : i32
        %mul3A_92 = arith.muli %scan3A_90, %mul3A_91 : i32
        %add3A_93 = arith.constant 0 : i32
        %add3A_94 = arith.addi %add3A_93, %mul3A_92 : i32
        %mul3A_95 = arith.constant 2 : i32
        %mul3A_96 = arith.muli %mul3A_95, %add3A_94 : i32
        %gt3A = arith.constant 0 : i32
        %gt3A_97 = arith.cmpi sgt, %add3A_94, %gt3A : i32
        %convert_element_type3A_98 = arith.extui %gt3A_97 : i1 to i32
        %cond3A_99 = arith.constant 0 : i32
        %cond3A_100 = arith.cmpi ne, %convert_element_type3A_98, %cond3A_99 : i32
        scf.if %cond3A_100 {
          %add3A_156 = arith.constant 0 : i32
          %add3A_157 = arith.addi %mul3A_96, %add3A_156 : i32
          %sub3A = arith.constant 2 : i32
          %sub3A_158 = arith.subi %add3A_157, %sub3A : i32
          %mul3A_159 = arith.constant 40 : i32
          %mul3A_160 = arith.muli %sub3A_158, %mul3A_159 : i32
          %add3A_161 = arith.addi %add3A_48, %mul3A_160 : i32
          %dma_wait3A_162 = arith.constant 0 : i32
          %dma_wait3A_163 = tpu.memref_slice %arg8[%add3A_161, %dma_wait3A_162] : memref<80640x128xi32, #tpu.memory_space<hbm>> -> memref<40x128xi32, #tpu.memory_space<hbm>>
          %dma_wait3A_164 = arith.constant 0 : i32
          %dma_wait3A_165 = tpu.memref_slice %arg8[%add3A_161, %dma_wait3A_164] : memref<80640x128xi32, #tpu.memory_space<hbm>> -> memref<40x128xi32, #tpu.memory_space<hbm>>
          tpu.wait_dma2 semaphore(%arg17 : memref<!tpu.dma_semaphore, #tpu.memory_space<semaphore_mem>>) src(%arg13 : memref<40x128xi32, #tpu.memory_space<vmem>>) dst(%dma_wait3A_165 : memref<40x128xi32, #tpu.memory_space<hbm>>)
        } else {
        }
        %add3A_101 = arith.constant 0 : i32
        %add3A_102 = arith.addi %mul3A_96, %add3A_101 : i32
        %mul3A_103 = arith.constant 40 : i32
        %mul3A_104 = arith.muli %add3A_102, %mul3A_103 : i32
        %dma_start3A_105 = tpu.memref_slice %arg10[%mul3A_104] : memref<2520xi32, #tpu.memory_space<vmem>> -> memref<40xi32, #tpu.memory_space<vmem>>
        %dma_start3A_106 = arith.constant 0 : i32
        %dma_start3A_107 = arith.constant 0 : i32
        %dma_start3A_108 = tpu.memref_slice %arg4[%dma_start3A_106, %dma_start3A_107] : memref<10000x128xi32, #tpu.memory_space<hbm>> -> memref<10000x128xi32, #tpu.memory_space<hbm>>
        tpu.enqueue_indirect_dma source(%dma_start3A_108 : memref<10000x128xi32, #tpu.memory_space<hbm>>) target(%arg13 : memref<40x128xi32, #tpu.memory_space<vmem>>) offsets(%dma_start3A_105 : memref<40xi32, #tpu.memory_space<vmem>>) semaphore(%arg15 : memref<!tpu.dma_semaphore, #tpu.memory_space<semaphore_mem>>)
        %gt3A_109 = arith.constant 0 : i32
        %gt3A_110 = arith.cmpi sgt, %add3A_94, %gt3A_109 : i32
        %convert_element_type3A_111 = arith.extui %gt3A_110 : i1 to i32
        %cond3A_112 = arith.constant 0 : i32
        %cond3A_113 = arith.cmpi ne, %convert_element_type3A_111, %cond3A_112 : i32
        scf.if %cond3A_113 {
          %add3A_156 = arith.constant 1 : i32
          %add3A_157 = arith.addi %mul3A_96, %add3A_156 : i32
          %sub3A = arith.constant 2 : i32
          %sub3A_158 = arith.subi %add3A_157, %sub3A : i32
          %mul3A_159 = arith.constant 40 : i32
          %mul3A_160 = arith.muli %sub3A_158, %mul3A_159 : i32
          %add3A_161 = arith.addi %add3A_48, %mul3A_160 : i32
          %dma_wait3A_162 = arith.constant 0 : i32
          %dma_wait3A_163 = tpu.memref_slice %arg8[%add3A_161, %dma_wait3A_162] : memref<80640x128xi32, #tpu.memory_space<hbm>> -> memref<40x128xi32, #tpu.memory_space<hbm>>
          %dma_wait3A_164 = arith.constant 0 : i32
          %dma_wait3A_165 = tpu.memref_slice %arg8[%add3A_161, %dma_wait3A_164] : memref<80640x128xi32, #tpu.memory_space<hbm>> -> memref<40x128xi32, #tpu.memory_space<hbm>>
          tpu.wait_dma2 semaphore(%arg18 : memref<!tpu.dma_semaphore, #tpu.memory_space<semaphore_mem>>) src(%arg14 : memref<40x128xi32, #tpu.memory_space<vmem>>) dst(%dma_wait3A_165 : memref<40x128xi32, #tpu.memory_space<hbm>>)
        } else {
        }
        %add3A_114 = arith.constant 1 : i32
        %add3A_115 = arith.addi %mul3A_96, %add3A_114 : i32
        %mul3A_116 = arith.constant 40 : i32
        %mul3A_117 = arith.muli %add3A_115, %mul3A_116 : i32
        %dma_start3A_118 = tpu.memref_slice %arg10[%mul3A_117] : memref<2520xi32, #tpu.memory_space<vmem>> -> memref<40xi32, #tpu.memory_space<vmem>>
        %dma_start3A_119 = arith.constant 0 : i32
        %dma_start3A_120 = arith.constant 0 : i32
        %dma_start3A_121 = tpu.memref_slice %arg4[%dma_start3A_119, %dma_start3A_120] : memref<10000x128xi32, #tpu.memory_space<hbm>> -> memref<10000x128xi32, #tpu.memory_space<hbm>>
        tpu.enqueue_indirect_dma source(%dma_start3A_121 : memref<10000x128xi32, #tpu.memory_space<hbm>>) target(%arg14 : memref<40x128xi32, #tpu.memory_space<vmem>>) offsets(%dma_start3A_118 : memref<40xi32, #tpu.memory_space<vmem>>) semaphore(%arg16 : memref<!tpu.dma_semaphore, #tpu.memory_space<semaphore_mem>>)
        %add3A_122 = arith.constant 0 : i32
        %add3A_123 = arith.addi %mul3A_96, %add3A_122 : i32
        %mul3A_124 = arith.constant 40 : i32
        %mul3A_125 = arith.muli %add3A_123, %mul3A_124 : i32
        %dma_wait3A_126 = tpu.memref_slice %arg10[%mul3A_125] : memref<2520xi32, #tpu.memory_space<vmem>> -> memref<40xi32, #tpu.memory_space<vmem>>
        %dma_wait3A_127 = arith.constant 0 : i32
        %dma_wait3A_128 = arith.constant 0 : i32
        %dma_wait3A_129 = tpu.memref_slice %arg4[%dma_wait3A_127, %dma_wait3A_128] : memref<10000x128xi32, #tpu.memory_space<hbm>> -> memref<10000x128xi32, #tpu.memory_space<hbm>>
        tpu.wait_indirect_dma semaphore(%arg15 : memref<!tpu.dma_semaphore, #tpu.memory_space<semaphore_mem>>) src(%dma_wait3A_129 : memref<10000x128xi32, #tpu.memory_space<hbm>>) dst(%arg13 : memref<40x128xi32, #tpu.memory_space<vmem>>)
        %add3A_130 = arith.constant 0 : i32
        %add3A_131 = arith.addi %mul3A_96, %add3A_130 : i32
        %mul3A_132 = arith.constant 40 : i32
        %mul3A_133 = arith.muli %add3A_131, %mul3A_132 : i32
        %add3A_134 = arith.addi %add3A_48, %mul3A_133 : i32
        %dma_start3A_135 = arith.constant 0 : i32
        %dma_start3A_136 = tpu.memref_slice %arg8[%add3A_134, %dma_start3A_135] : memref<80640x128xi32, #tpu.memory_space<hbm>> -> memref<40x128xi32, #tpu.memory_space<hbm>>
        %dma_start3A_137 = arith.constant 0 : i32
        %dma_start3A_138 = tpu.memref_slice %arg8[%add3A_134, %dma_start3A_137] : memref<80640x128xi32, #tpu.memory_space<hbm>> -> memref<40x128xi32, #tpu.memory_space<hbm>>
        tpu.enqueue_dma source(%arg13 : memref<40x128xi32, #tpu.memory_space<vmem>>) target(%dma_start3A_138 : memref<40x128xi32, #tpu.memory_space<hbm>>) target_semaphore(%arg17 : memref<!tpu.dma_semaphore, #tpu.memory_space<semaphore_mem>>)
        %add3A_139 = arith.constant 1 : i32
        %add3A_140 = arith.addi %mul3A_96, %add3A_139 : i32
        %mul3A_141 = arith.constant 40 : i32
        %mul3A_142 = arith.muli %add3A_140, %mul3A_141 : i32
        %dma_wait3A_143 = tpu.memref_slice %arg10[%mul3A_142] : memref<2520xi32, #tpu.memory_space<vmem>> -> memref<40xi32, #tpu.memory_space<vmem>>
        %dma_wait3A_144 = arith.constant 0 : i32
        %dma_wait3A_145 = arith.constant 0 : i32
        %dma_wait3A_146 = tpu.memref_slice %arg4[%dma_wait3A_144, %dma_wait3A_145] : memref<10000x128xi32, #tpu.memory_space<hbm>> -> memref<10000x128xi32, #tpu.memory_space<hbm>>
        tpu.wait_indirect_dma semaphore(%arg16 : memref<!tpu.dma_semaphore, #tpu.memory_space<semaphore_mem>>) src(%dma_wait3A_146 : memref<10000x128xi32, #tpu.memory_space<hbm>>) dst(%arg14 : memref<40x128xi32, #tpu.memory_space<vmem>>)
        %add3A_147 = arith.constant 1 : i32
        %add3A_148 = arith.addi %mul3A_96, %add3A_147 : i32
        %mul3A_149 = arith.constant 40 : i32
        %mul3A_150 = arith.muli %add3A_148, %mul3A_149 : i32
        %add3A_151 = arith.addi %add3A_48, %mul3A_150 : i32
        %dma_start3A_152 = arith.constant 0 : i32
        %dma_start3A_153 = tpu.memref_slice %arg8[%add3A_151, %dma_start3A_152] : memref<80640x128xi32, #tpu.memory_space<hbm>> -> memref<40x128xi32, #tpu.memory_space<hbm>>
        %dma_start3A_154 = arith.constant 0 : i32
        %dma_start3A_155 = tpu.memref_slice %arg8[%add3A_151, %dma_start3A_154] : memref<80640x128xi32, #tpu.memory_space<hbm>> -> memref<40x128xi32, #tpu.memory_space<hbm>>
        tpu.enqueue_dma source(%arg14 : memref<40x128xi32, #tpu.memory_space<vmem>>) target(%dma_start3A_155 : memref<40x128xi32, #tpu.memory_space<hbm>>) target_semaphore(%arg18 : memref<!tpu.dma_semaphore, #tpu.memory_space<semaphore_mem>>)
      }
      %scan3A_55 = arith.constant 31 : i32
      %add3A_56 = arith.constant 2400 : i32
      %add3A_57 = arith.addi %add3A_48, %add3A_56 : i32
      %dma_wait3A_58 = arith.constant 0 : i32
      %dma_wait3A_59 = tpu.memref_slice %arg8[%add3A_57, %dma_wait3A_58] : memref<80640x128xi32, #tpu.memory_space<hbm>> -> memref<40x128xi32, #tpu.memory_space<hbm>>
      %dma_wait3A_60 = arith.constant 0 : i32
      %dma_wait3A_61 = tpu.memref_slice %arg8[%add3A_57, %dma_wait3A_60] : memref<80640x128xi32, #tpu.memory_space<hbm>> -> memref<40x128xi32, #tpu.memory_space<hbm>>
      tpu.wait_dma2 semaphore(%arg17 : memref<!tpu.dma_semaphore, #tpu.memory_space<semaphore_mem>>) src(%arg13 : memref<40x128xi32, #tpu.memory_space<vmem>>) dst(%dma_wait3A_61 : memref<40x128xi32, #tpu.memory_space<hbm>>)
      %dma_start3A_62 = arith.constant 2480 : i32
      %dma_start3A_63 = tpu.memref_slice %arg10[%dma_start3A_62] : memref<2520xi32, #tpu.memory_space<vmem>> -> memref<40xi32, #tpu.memory_space<vmem>>
      %dma_start3A_64 = arith.constant 0 : i32
      %dma_start3A_65 = arith.constant 0 : i32
      %dma_start3A_66 = tpu.memref_slice %arg4[%dma_start3A_64, %dma_start3A_65] : memref<10000x128xi32, #tpu.memory_space<hbm>> -> memref<10000x128xi32, #tpu.memory_space<hbm>>
      tpu.enqueue_indirect_dma source(%dma_start3A_66 : memref<10000x128xi32, #tpu.memory_space<hbm>>) target(%arg13 : memref<40x128xi32, #tpu.memory_space<vmem>>) offsets(%dma_start3A_63 : memref<40xi32, #tpu.memory_space<vmem>>) semaphore(%arg15 : memref<!tpu.dma_semaphore, #tpu.memory_space<semaphore_mem>>)
      %dma_wait3A_67 = arith.constant 2480 : i32
      %dma_wait3A_68 = tpu.memref_slice %arg10[%dma_wait3A_67] : memref<2520xi32, #tpu.memory_space<vmem>> -> memref<40xi32, #tpu.memory_space<vmem>>
      %dma_wait3A_69 = arith.constant 0 : i32
      %dma_wait3A_70 = arith.constant 0 : i32
      %dma_wait3A_71 = tpu.memref_slice %arg4[%dma_wait3A_69, %dma_wait3A_70] : memref<10000x128xi32, #tpu.memory_space<hbm>> -> memref<10000x128xi32, #tpu.memory_space<hbm>>
      tpu.wait_indirect_dma semaphore(%arg15 : memref<!tpu.dma_semaphore, #tpu.memory_space<semaphore_mem>>) src(%dma_wait3A_71 : memref<10000x128xi32, #tpu.memory_space<hbm>>) dst(%arg13 : memref<40x128xi32, #tpu.memory_space<vmem>>)
      %add3A_72 = arith.constant 2480 : i32
      %add3A_73 = arith.addi %add3A_48, %add3A_72 : i32
      %dma_start3A_74 = arith.constant 0 : i32
      %dma_start3A_75 = tpu.memref_slice %arg8[%add3A_73, %dma_start3A_74] : memref<80640x128xi32, #tpu.memory_space<hbm>> -> memref<40x128xi32, #tpu.memory_space<hbm>>
      %dma_start3A_76 = arith.constant 0 : i32
      %dma_start3A_77 = tpu.memref_slice %arg8[%add3A_73, %dma_start3A_76] : memref<80640x128xi32, #tpu.memory_space<hbm>> -> memref<40x128xi32, #tpu.memory_space<hbm>>
      tpu.enqueue_dma source(%arg13 : memref<40x128xi32, #tpu.memory_space<vmem>>) target(%dma_start3A_77 : memref<40x128xi32, #tpu.memory_space<hbm>>) target_semaphore(%arg17 : memref<!tpu.dma_semaphore, #tpu.memory_space<semaphore_mem>>)
      %add3A_78 = arith.constant 2480 : i32
      %add3A_79 = arith.addi %add3A_48, %add3A_78 : i32
      %dma_wait3A_80 = arith.constant 0 : i32
      %dma_wait3A_81 = tpu.memref_slice %arg8[%add3A_79, %dma_wait3A_80] : memref<80640x128xi32, #tpu.memory_space<hbm>> -> memref<40x128xi32, #tpu.memory_space<hbm>>
      %dma_wait3A_82 = arith.constant 0 : i32
      %dma_wait3A_83 = tpu.memref_slice %arg8[%add3A_79, %dma_wait3A_82] : memref<80640x128xi32, #tpu.memory_space<hbm>> -> memref<40x128xi32, #tpu.memory_space<hbm>>
      tpu.wait_dma2 semaphore(%arg17 : memref<!tpu.dma_semaphore, #tpu.memory_space<semaphore_mem>>) src(%arg13 : memref<40x128xi32, #tpu.memory_space<vmem>>) dst(%dma_wait3A_83 : memref<40x128xi32, #tpu.memory_space<hbm>>)
      %add3A_84 = arith.constant 2440 : i32
      %add3A_85 = arith.addi %add3A_48, %add3A_84 : i32
      %dma_wait3A_86 = arith.constant 0 : i32
      %dma_wait3A_87 = tpu.memref_slice %arg8[%add3A_85, %dma_wait3A_86] : memref<80640x128xi32, #tpu.memory_space<hbm>> -> memref<40x128xi32, #tpu.memory_space<hbm>>
      %dma_wait3A_88 = arith.constant 0 : i32
      %dma_wait3A_89 = tpu.memref_slice %arg8[%add3A_85, %dma_wait3A_88] : memref<80640x128xi32, #tpu.memory_space<hbm>> -> memref<40x128xi32, #tpu.memory_space<hbm>>
      tpu.wait_dma2 semaphore(%arg18 : memref<!tpu.dma_semaphore, #tpu.memory_space<semaphore_mem>>) src(%arg14 : memref<40x128xi32, #tpu.memory_space<vmem>>) dst(%dma_wait3A_89 : memref<40x128xi32, #tpu.memory_space<hbm>>)
    } else {
    }
    return
  }
}

module attributes {stable_mosaic.version = 14 : i64} {
  func.func @_phi_body(%arg0: i32, %arg1: memref<1000x128xf32, #tpu.memory_space<vmem>>, %arg2: memref<1000x384xf32, #tpu.memory_space<vmem>>, %arg3: memref<128x128xf32, #tpu.memory_space<vmem>>, %arg4: memref<1x128xf32, #tpu.memory_space<vmem>>, %arg5: memref<128x384xf32, #tpu.memory_space<vmem>>, %arg6: memref<1x384xf32, #tpu.memory_space<vmem>>, %arg7: memref<1000x128xi32, #tpu.memory_space<vmem>>, %arg8: memref<1000x128xi32, #tpu.memory_space<vmem>>, %arg9: memref<1000x128xi32, #tpu.memory_space<vmem>>) attributes {dimension_semantics = [#tpu.dimension_semantics<parallel>], iteration_bounds = array<i64: 10>, scalar_prefetch = 0 : i64, scratch_operands = 0 : i64, tpu.core_type = #tpu.core_type<tc>, window_params = [{transform_indices = @transform_0, window_bounds = array<i64: 1000, 128>}, {transform_indices = @transform_1, window_bounds = array<i64: 1000, 384>}, {pipeline_mode = #tpu.pipeline_mode<synchronous>, transform_indices = @transform_2, window_bounds = array<i64: 128, 128>}, {pipeline_mode = #tpu.pipeline_mode<synchronous>, transform_indices = @transform_3, window_bounds = array<i64: 1, 128>}, {pipeline_mode = #tpu.pipeline_mode<synchronous>, transform_indices = @transform_4, window_bounds = array<i64: 128, 384>}, {pipeline_mode = #tpu.pipeline_mode<synchronous>, transform_indices = @transform_5, window_bounds = array<i64: 1, 384>}, {transform_indices = @transform_6, window_bounds = array<i64: 1000, 128>}, {transform_indices = @transform_7, window_bounds = array<i64: 1000, 128>}, {transform_indices = @transform_8, window_bounds = array<i64: 1000, 128>}]} {
    %get3A = arith.constant 0 : index
    %get3A_0 = arith.constant 0 : index
    %get3A_1 = vector.load %arg1[%get3A, %get3A_0] : memref<1000x128xf32, #tpu.memory_space<vmem>>, vector<1000x128xf32>
    %get3A_2 = arith.constant 0 : index
    %get3A_3 = arith.constant 0 : index
    %get3A_4 = vector.load %arg3[%get3A_2, %get3A_3] : memref<128x128xf32, #tpu.memory_space<vmem>>, vector<128x128xf32>
    %dot_general3A = arith.constant dense<0.000000e+00> : vector<1000x128xf32>
    %dot_general3A_5 = tpu.matmul %get3A_1, %get3A_4, %dot_general3A {dimension_numbers = #tpu.dot_dimension_numbers<[1], [0], [0], [1], [0, 0, 1, 1], [], []>, transpose_lhs_hint = false} : vector<1000x128xf32>, vector<128x128xf32>, vector<1000x128xf32> -> vector<1000x128xf32>
    %get3A_6 = arith.constant 0 : index
    %get3A_7 = arith.constant 0 : index
    %get3A_8 = vector.load %arg4[%get3A_6, %get3A_7] : memref<1x128xf32, #tpu.memory_space<vmem>>, vector<1x128xf32>
    %add3A = vector.broadcast %get3A_8 : vector<1x128xf32> to vector<1000x128xf32>
    %add3A_9 = arith.addf %dot_general3A_5, %add3A : vector<1000x128xf32>
    %logistic3A = arith.negf %add3A_9 : vector<1000x128xf32>
    %logistic3A_10 = math.exp %logistic3A : vector<1000x128xf32>
    %logistic3A_11 = arith.constant 1.000000e+00 : f32
    %logistic3A_12 = vector.broadcast %logistic3A_11 : f32 to vector<1000x128xf32>
    %logistic3A_13 = arith.addf %logistic3A_12, %logistic3A_10 : vector<1000x128xf32>
    %logistic3A_14 = arith.divf %logistic3A_12, %logistic3A_13 : vector<1000x128xf32>
    %mul3A = arith.mulf %add3A_9, %logistic3A_14 : vector<1000x128xf32>
    %get3A_15 = arith.constant 0 : index
    %get3A_16 = arith.constant 0 : index
    %get3A_17 = vector.load %arg5[%get3A_15, %get3A_16] : memref<128x384xf32, #tpu.memory_space<vmem>>, vector<128x384xf32>
    %dot_general3A_18 = arith.constant dense<0.000000e+00> : vector<1000x384xf32>
    %dot_general3A_19 = tpu.matmul %mul3A, %get3A_17, %dot_general3A_18 {dimension_numbers = #tpu.dot_dimension_numbers<[1], [0], [0], [1], [0, 0, 1, 1], [], []>, transpose_lhs_hint = false} : vector<1000x128xf32>, vector<128x384xf32>, vector<1000x384xf32> -> vector<1000x384xf32>
    %get3A_20 = arith.constant 0 : index
    %get3A_21 = arith.constant 0 : index
    %get3A_22 = vector.load %arg6[%get3A_20, %get3A_21] : memref<1x384xf32, #tpu.memory_space<vmem>>, vector<1x384xf32>
    %add3A_23 = vector.broadcast %get3A_22 : vector<1x384xf32> to vector<1000x384xf32>
    %add3A_24 = arith.addf %dot_general3A_19, %add3A_23 : vector<1000x384xf32>
    %get3A_25 = arith.constant 0 : index
    %get3A_26 = arith.constant 0 : index
    %get3A_27 = vector.load %arg2[%get3A_25, %get3A_26] : memref<1000x384xf32, #tpu.memory_space<vmem>>, vector<1000x384xf32>
    %slice3A = vector.extract_strided_slice %add3A_24 {offsets = [0, 128], sizes = [1000, 128], strides = [1, 1]} : vector<1000x384xf32> to vector<1000x128xf32>
    %slice3A_28 = vector.extract_strided_slice %add3A_24 {offsets = [0, 0], sizes = [1000, 128], strides = [1, 1]} : vector<1000x384xf32> to vector<1000x128xf32>
    %slice3A_29 = vector.extract_strided_slice %add3A_24 {offsets = [0, 256], sizes = [1000, 128], strides = [1, 1]} : vector<1000x384xf32> to vector<1000x128xf32>
    %bitcast_convert_type3A = tpu.bitcast %slice3A_28 : vector<1000x128xf32> -> vector<1000x128xi32>
    %add3A_30 = arith.constant 32768 : i32
    %add3A_31 = vector.broadcast %add3A_30 : i32 to vector<1000x128xi32>
    %add3A_32 = arith.addi %bitcast_convert_type3A, %add3A_31 : vector<1000x128xi32>
    %bitcast_convert_type3A_33 = tpu.bitcast %slice3A_29 : vector<1000x128xf32> -> vector<1000x128xi32>
    %add3A_34 = arith.constant 32768 : i32
    %add3A_35 = vector.broadcast %add3A_34 : i32 to vector<1000x128xi32>
    %add3A_36 = arith.addi %bitcast_convert_type3A_33, %add3A_35 : vector<1000x128xi32>
    %shift_right_logical3A = arith.constant 16 : i32
    %shift_right_logical3A_37 = vector.broadcast %shift_right_logical3A : i32 to vector<1000x128xi32>
    %shift_right_logical3A_38 = arith.shrui %add3A_32, %shift_right_logical3A_37 : vector<1000x128xi32>
    %and3A = arith.constant -65536 : i32
    %and3A_39 = vector.broadcast %and3A : i32 to vector<1000x128xi32>
    %and3A_40 = arith.andi %add3A_36, %and3A_39 : vector<1000x128xi32>
    %or3A = arith.ori %shift_right_logical3A_38, %and3A_40 : vector<1000x128xi32>
    %swap3A = arith.constant 0 : index
    %swap3A_41 = arith.constant 0 : index
    %swap3A_42 = vector.load %arg7[%swap3A, %swap3A_41] : memref<1000x128xi32, #tpu.memory_space<vmem>>, vector<1000x128xi32>
    tpu.vector_store %arg7[%swap3A, %swap3A_41], %or3A {strides = array<i32>} : memref<1000x128xi32, #tpu.memory_space<vmem>>, vector<1000x128xi32>,
    %slice3A_43 = vector.extract_strided_slice %get3A_27 {offsets = [0, 0], sizes = [1000, 128], strides = [1, 1]} : vector<1000x384xf32> to vector<1000x128xf32>
    %mul3A_44 = arith.mulf %slice3A, %slice3A_43 : vector<1000x128xf32>
    %slice3A_45 = vector.extract_strided_slice %get3A_27 {offsets = [0, 128], sizes = [1000, 128], strides = [1, 1]} : vector<1000x384xf32> to vector<1000x128xf32>
    %mul3A_46 = arith.mulf %slice3A, %slice3A_45 : vector<1000x128xf32>
    %bitcast_convert_type3A_47 = tpu.bitcast %mul3A_44 : vector<1000x128xf32> -> vector<1000x128xi32>
    %add3A_48 = arith.constant 32768 : i32
    %add3A_49 = vector.broadcast %add3A_48 : i32 to vector<1000x128xi32>
    %add3A_50 = arith.addi %bitcast_convert_type3A_47, %add3A_49 : vector<1000x128xi32>
    %bitcast_convert_type3A_51 = tpu.bitcast %mul3A_46 : vector<1000x128xf32> -> vector<1000x128xi32>
    %add3A_52 = arith.constant 32768 : i32
    %add3A_53 = vector.broadcast %add3A_52 : i32 to vector<1000x128xi32>
    %add3A_54 = arith.addi %bitcast_convert_type3A_51, %add3A_53 : vector<1000x128xi32>
    %shift_right_logical3A_55 = arith.constant 16 : i32
    %shift_right_logical3A_56 = vector.broadcast %shift_right_logical3A_55 : i32 to vector<1000x128xi32>
    %shift_right_logical3A_57 = arith.shrui %add3A_50, %shift_right_logical3A_56 : vector<1000x128xi32>
    %and3A_58 = arith.constant -65536 : i32
    %and3A_59 = vector.broadcast %and3A_58 : i32 to vector<1000x128xi32>
    %and3A_60 = arith.andi %add3A_54, %and3A_59 : vector<1000x128xi32>
    %or3A_61 = arith.ori %shift_right_logical3A_57, %and3A_60 : vector<1000x128xi32>
    %swap3A_62 = arith.constant 0 : index
    %swap3A_63 = arith.constant 0 : index
    %swap3A_64 = vector.load %arg8[%swap3A_62, %swap3A_63] : memref<1000x128xi32, #tpu.memory_space<vmem>>, vector<1000x128xi32>
    tpu.vector_store %arg8[%swap3A_62, %swap3A_63], %or3A_61 {strides = array<i32>} : memref<1000x128xi32, #tpu.memory_space<vmem>>, vector<1000x128xi32>,
    %slice3A_65 = vector.extract_strided_slice %get3A_27 {offsets = [0, 256], sizes = [1000, 128], strides = [1, 1]} : vector<1000x384xf32> to vector<1000x128xf32>
    %mul3A_66 = arith.mulf %slice3A, %slice3A_65 : vector<1000x128xf32>
    %bitcast_convert_type3A_67 = tpu.bitcast %mul3A_66 : vector<1000x128xf32> -> vector<1000x128xi32>
    %swap3A_68 = arith.constant 0 : index
    %swap3A_69 = arith.constant 0 : index
    %swap3A_70 = vector.load %arg9[%swap3A_68, %swap3A_69] : memref<1000x128xi32, #tpu.memory_space<vmem>>, vector<1000x128xi32>
    tpu.vector_store %arg9[%swap3A_68, %swap3A_69], %bitcast_convert_type3A_67 {strides = array<i32>} : memref<1000x128xi32, #tpu.memory_space<vmem>>, vector<1000x128xi32>,
    return
  }
  func.func @transform_0(%arg0: i32) -> (i32, i32) {
    %c0_i32 = arith.constant 0 : i32
    %c0_i32_0 = arith.constant 0 : i32
    return %arg0, %c0_i32 : i32, i32
  }
  func.func @transform_1(%arg0: i32) -> (i32, i32) {
    %c0_i32 = arith.constant 0 : i32
    %c0_i32_0 = arith.constant 0 : i32
    return %arg0, %c0_i32 : i32, i32
  }
  func.func @transform_2(%arg0: i32) -> (i32, i32) {
    %c0_i32 = arith.constant 0 : i32
    %c0_i32_0 = arith.constant 0 : i32
    %c0_i32_1 = arith.constant 0 : i32
    return %c0_i32, %c0_i32_0 : i32, i32
  }
  func.func @transform_3(%arg0: i32) -> (i32, i32) {
    %c0_i32 = arith.constant 0 : i32
    %c0_i32_0 = arith.constant 0 : i32
    %c0_i32_1 = arith.constant 0 : i32
    return %c0_i32, %c0_i32_0 : i32, i32
  }
  func.func @transform_4(%arg0: i32) -> (i32, i32) {
    %c0_i32 = arith.constant 0 : i32
    %c0_i32_0 = arith.constant 0 : i32
    %c0_i32_1 = arith.constant 0 : i32
    return %c0_i32, %c0_i32_0 : i32, i32
  }
  func.func @transform_5(%arg0: i32) -> (i32, i32) {
    %c0_i32 = arith.constant 0 : i32
    %c0_i32_0 = arith.constant 0 : i32
    %c0_i32_1 = arith.constant 0 : i32
    return %c0_i32, %c0_i32_0 : i32, i32
  }
  func.func @transform_6(%arg0: i32) -> (i32, i32) {
    %c0_i32 = arith.constant 0 : i32
    %c0_i32_0 = arith.constant 0 : i32
    return %arg0, %c0_i32 : i32, i32
  }
  func.func @transform_7(%arg0: i32) -> (i32, i32) {
    %c0_i32 = arith.constant 0 : i32
    %c0_i32_0 = arith.constant 0 : i32
    return %arg0, %c0_i32 : i32, i32
  }
  func.func @transform_8(%arg0: i32) -> (i32, i32) {
    %c0_i32 = arith.constant 0 : i32
    %c0_i32_0 = arith.constant 0 : i32
    return %arg0, %c0_i32 : i32, i32
  }
}

module attributes {stable_mosaic.version = 14 : i64} {
  func.func @_edge_body(%arg0: i32, %arg1: memref<1x1xf32, #tpu.memory_space<vmem>>, %arg2: memref<1280x128xi32, #tpu.memory_space<vmem>>, %arg3: memref<1280x128xi32, #tpu.memory_space<vmem>>, %arg4: memref<1280x128xi32, #tpu.memory_space<vmem>>, %arg5: memref<1280x16xf32, #tpu.memory_space<vmem>>, %arg6: memref<1280x4xf32, #tpu.memory_space<vmem>>, %arg7: memref<17x384xf32, #tpu.memory_space<vmem>>, %arg8: memref<1280x512xf32, #tpu.memory_space<vmem>>) attributes {dimension_semantics = [#tpu.dimension_semantics<parallel>], iteration_bounds = array<i64: 62>, scalar_prefetch = 0 : i64, scratch_operands = 0 : i64, tpu.core_type = #tpu.core_type<tc>, window_params = [{pipeline_mode = #tpu.pipeline_mode<synchronous>, transform_indices = @transform_0, window_bounds = array<i64: 1, 1>}, {transform_indices = @transform_1, window_bounds = array<i64: 1280, 128>}, {transform_indices = @transform_2, window_bounds = array<i64: 1280, 128>}, {transform_indices = @transform_3, window_bounds = array<i64: 1280, 128>}, {transform_indices = @transform_4, window_bounds = array<i64: 1280, 16>}, {transform_indices = @transform_5, window_bounds = array<i64: 1280, 4>}, {pipeline_mode = #tpu.pipeline_mode<synchronous>, transform_indices = @transform_6, window_bounds = array<i64: 17, 384>}, {transform_indices = @transform_7, window_bounds = array<i64: 1280, 512>}]} {
    %get3A = arith.constant 0 : index
    %get3A_0 = arith.constant 0 : index
    %get3A_1 = vector.load %arg1[%get3A, %get3A_0] : memref<1x1xf32, #tpu.memory_space<vmem>>, vector<1x1xf32>
    %get3A_2 = vector.extract %get3A_1[0, 0] : f32 from vector<1x1xf32>
    %get3A_3 = arith.constant 0 : index
    %get3A_4 = arith.constant 0 : index
    %get3A_5 = vector.load %arg6[%get3A_3, %get3A_4] : memref<1280x4xf32, #tpu.memory_space<vmem>>, vector<1280x1xf32>
    %mul3A = arith.constant 3.14159274 : f32
    %mul3A_6 = vector.broadcast %mul3A : f32 to vector<1280x1xf32>
    %mul3A_7 = arith.mulf %mul3A_6, %get3A_5 : vector<1280x1xf32>
    %div3A = vector.broadcast %get3A_2 : f32 to vector<1280x1xf32>
    %div3A_8 = arith.divf %mul3A_7, %div3A : vector<1280x1xf32>
    %cos3A = math.cos %div3A_8 : vector<1280x1xf32>
    %add3A = arith.constant 1.000000e+00 : f32
    %add3A_9 = vector.broadcast %add3A : f32 to vector<1280x1xf32>
    %add3A_10 = arith.addf %cos3A, %add3A_9 : vector<1280x1xf32>
    %mul3A_11 = arith.constant 5.000000e-01 : f32
    %mul3A_12 = vector.broadcast %mul3A_11 : f32 to vector<1280x1xf32>
    %mul3A_13 = arith.mulf %mul3A_12, %add3A_10 : vector<1280x1xf32>
    %lt3A = vector.broadcast %get3A_2 : f32 to vector<1280x1xf32>
    %lt3A_14 = arith.cmpf olt, %get3A_5, %lt3A : vector<1280x1xf32>
    %jit3A = arith.constant 0.000000e+00 : f32
    %broadcast_in_dim3A = vector.broadcast %jit3A : f32 to vector<1280x1xf32>
    %select_n3A = arith.select %lt3A_14, %mul3A_13, %broadcast_in_dim3A : vector<1280x1xi1>, vector<1280x1xf32>
    %get3A_15 = arith.constant 0 : index
    %get3A_16 = arith.constant 0 : index
    %get3A_17 = vector.load %arg5[%get3A_15, %get3A_16] : memref<1280x16xf32, #tpu.memory_space<vmem>>, vector<1280x16xf32>
    %mul3A_18 = vector.broadcast %select_n3A : vector<1280x1xf32> to vector<1280x16xf32>
    %mul3A_19 = arith.mulf %get3A_17, %mul3A_18 : vector<1280x16xf32>
    %concatenate3A = tpu.concatenate %mul3A_19, %select_n3A in 1 : vector<1280x16xf32>, vector<1280x1xf32> -> vector<1280x17xf32>
    %get3A_20 = arith.constant 0 : index
    %get3A_21 = arith.constant 0 : index
    %get3A_22 = vector.load %arg7[%get3A_20, %get3A_21] : memref<17x384xf32, #tpu.memory_space<vmem>>, vector<17x384xf32>
    %dot_general3A = arith.constant dense<0.000000e+00> : vector<1280x384xf32>
    %dot_general3A_23 = tpu.matmul %concatenate3A, %get3A_22, %dot_general3A {dimension_numbers = #tpu.dot_dimension_numbers<[1], [0], [0], [1], [0, 0, 1, 1], [], []>, transpose_lhs_hint = false} : vector<1280x17xf32>, vector<17x384xf32>, vector<1280x384xf32> -> vector<1280x384xf32>
    %get3A_24 = arith.constant 0 : index
    %get3A_25 = arith.constant 0 : index
    %get3A_26 = vector.load %arg2[%get3A_24, %get3A_25] : memref<1280x128xi32, #tpu.memory_space<vmem>>, vector<1280x128xi32>
    %shift_left3A = arith.constant 16 : i32
    %shift_left3A_27 = vector.broadcast %shift_left3A : i32 to vector<1280x128xi32>
    %shift_left3A_28 = arith.shli %get3A_26, %shift_left3A_27 : vector<1280x128xi32>
    %bitcast_convert_type3A = tpu.bitcast %shift_left3A_28 : vector<1280x128xi32> -> vector<1280x128xf32>
    %and3A = arith.constant -65536 : i32
    %and3A_29 = vector.broadcast %and3A : i32 to vector<1280x128xi32>
    %and3A_30 = arith.andi %get3A_26, %and3A_29 : vector<1280x128xi32>
    %bitcast_convert_type3A_31 = tpu.bitcast %and3A_30 : vector<1280x128xi32> -> vector<1280x128xf32>
    %get3A_32 = arith.constant 0 : index
    %get3A_33 = arith.constant 0 : index
    %get3A_34 = vector.load %arg3[%get3A_32, %get3A_33] : memref<1280x128xi32, #tpu.memory_space<vmem>>, vector<1280x128xi32>
    %shift_left3A_35 = arith.constant 16 : i32
    %shift_left3A_36 = vector.broadcast %shift_left3A_35 : i32 to vector<1280x128xi32>
    %shift_left3A_37 = arith.shli %get3A_34, %shift_left3A_36 : vector<1280x128xi32>
    %bitcast_convert_type3A_38 = tpu.bitcast %shift_left3A_37 : vector<1280x128xi32> -> vector<1280x128xf32>
    %and3A_39 = arith.constant -65536 : i32
    %and3A_40 = vector.broadcast %and3A_39 : i32 to vector<1280x128xi32>
    %and3A_41 = arith.andi %get3A_34, %and3A_40 : vector<1280x128xi32>
    %bitcast_convert_type3A_42 = tpu.bitcast %and3A_41 : vector<1280x128xi32> -> vector<1280x128xf32>
    %get3A_43 = arith.constant 0 : index
    %get3A_44 = arith.constant 0 : index
    %get3A_45 = vector.load %arg4[%get3A_43, %get3A_44] : memref<1280x128xi32, #tpu.memory_space<vmem>>, vector<1280x128xi32>
    %bitcast_convert_type3A_46 = tpu.bitcast %get3A_45 : vector<1280x128xi32> -> vector<1280x128xf32>
    %slice3A = vector.extract_strided_slice %dot_general3A_23 {offsets = [0, 128], sizes = [1280, 128], strides = [1, 1]} : vector<1280x384xf32> to vector<1280x128xf32>
    %slice3A_47 = vector.extract_strided_slice %dot_general3A_23 {offsets = [0, 256], sizes = [1280, 128], strides = [1, 1]} : vector<1280x384xf32> to vector<1280x128xf32>
    %mul3A_48 = arith.mulf %bitcast_convert_type3A_31, %slice3A_47 : vector<1280x128xf32>
    %div3A_49 = vector.broadcast %get3A_5 : vector<1280x1xf32> to vector<1280x128xf32>
    %div3A_50 = arith.divf %mul3A_48, %div3A_49 : vector<1280x128xf32>
    %slice3A_51 = vector.extract_strided_slice %dot_general3A_23 {offsets = [0, 0], sizes = [1280, 128], strides = [1, 1]} : vector<1280x384xf32> to vector<1280x128xf32>
    %mul3A_52 = arith.mulf %bitcast_convert_type3A, %slice3A_51 : vector<1280x128xf32>
    %mul3A_53 = arith.mulf %bitcast_convert_type3A_38, %slice3A : vector<1280x128xf32>
    %get3A_54 = arith.constant 0 : index
    %get3A_55 = arith.constant 1 : index
    %get3A_56 = vector.load %arg6[%get3A_54, %get3A_55] : memref<1280x4xf32, #tpu.memory_space<vmem>>, vector<1280x1xf32>
    %mul3A_57 = vector.broadcast %get3A_56 : vector<1280x1xf32> to vector<1280x128xf32>
    %mul3A_58 = arith.mulf %mul3A_57, %div3A_50 : vector<1280x128xf32>
    %add3A_59 = arith.addf %mul3A_53, %mul3A_58 : vector<1280x128xf32>
    %mul3A_60 = arith.mulf %bitcast_convert_type3A_42, %slice3A : vector<1280x128xf32>
    %get3A_61 = arith.constant 0 : index
    %get3A_62 = arith.constant 2 : index
    %get3A_63 = vector.load %arg6[%get3A_61, %get3A_62] : memref<1280x4xf32, #tpu.memory_space<vmem>>, vector<1280x1xf32>
    %mul3A_64 = vector.broadcast %get3A_63 : vector<1280x1xf32> to vector<1280x128xf32>
    %mul3A_65 = arith.mulf %mul3A_64, %div3A_50 : vector<1280x128xf32>
    %add3A_66 = arith.addf %mul3A_60, %mul3A_65 : vector<1280x128xf32>
    %mul3A_67 = arith.mulf %bitcast_convert_type3A_46, %slice3A : vector<1280x128xf32>
    %get3A_68 = arith.constant 0 : index
    %get3A_69 = arith.constant 3 : index
    %get3A_70 = vector.load %arg6[%get3A_68, %get3A_69] : memref<1280x4xf32, #tpu.memory_space<vmem>>, vector<1280x1xf32>
    %mul3A_71 = vector.broadcast %get3A_70 : vector<1280x1xf32> to vector<1280x128xf32>
    %mul3A_72 = arith.mulf %mul3A_71, %div3A_50 : vector<1280x128xf32>
    %add3A_73 = arith.addf %mul3A_67, %mul3A_72 : vector<1280x128xf32>
    %concatenate3A_74 = tpu.concatenate %mul3A_52, %add3A_59, %add3A_66, %add3A_73 in 1 : vector<1280x128xf32>, vector<1280x128xf32>, vector<1280x128xf32>, vector<1280x128xf32> -> vector<1280x512xf32>
    %swap3A = arith.constant 0 : index
    %swap3A_75 = arith.constant 0 : index
    %swap3A_76 = vector.load %arg8[%swap3A, %swap3A_75] : memref<1280x512xf32, #tpu.memory_space<vmem>>, vector<1280x512xf32>
    tpu.vector_store %arg8[%swap3A, %swap3A_75], %concatenate3A_74 {strides = array<i32>} : memref<1280x512xf32, #tpu.memory_space<vmem>>, vector<1280x512xf32>,
    return
  }
  func.func @transform_0(%arg0: i32) -> (i32, i32) {
    %c0_i32 = arith.constant 0 : i32
    %c0_i32_0 = arith.constant 0 : i32
    %c0_i32_1 = arith.constant 0 : i32
    return %c0_i32, %c0_i32_0 : i32, i32
  }
  func.func @transform_1(%arg0: i32) -> (i32, i32) {
    %c0_i32 = arith.constant 0 : i32
    %c0_i32_0 = arith.constant 0 : i32
    return %arg0, %c0_i32 : i32, i32
  }
  func.func @transform_2(%arg0: i32) -> (i32, i32) {
    %c0_i32 = arith.constant 0 : i32
    %c0_i32_0 = arith.constant 0 : i32
    return %arg0, %c0_i32 : i32, i32
  }
  func.func @transform_3(%arg0: i32) -> (i32, i32) {
    %c0_i32 = arith.constant 0 : i32
    %c0_i32_0 = arith.constant 0 : i32
    return %arg0, %c0_i32 : i32, i32
  }
  func.func @transform_4(%arg0: i32) -> (i32, i32) {
    %add3A = arith.constant 0 : i32
    %add3A_0 = arith.addi %arg0, %add3A : i32
    %c0_i32 = arith.constant 0 : i32
    %c0_i32_1 = arith.constant 0 : i32
    return %add3A_0, %c0_i32 : i32, i32
  }
  func.func @transform_5(%arg0: i32) -> (i32, i32) {
    %add3A = arith.constant 0 : i32
    %add3A_0 = arith.addi %arg0, %add3A : i32
    %c0_i32 = arith.constant 0 : i32
    %c0_i32_1 = arith.constant 0 : i32
    return %add3A_0, %c0_i32 : i32, i32
  }
  func.func @transform_6(%arg0: i32) -> (i32, i32) {
    %c0_i32 = arith.constant 0 : i32
    %c0_i32_0 = arith.constant 0 : i32
    %c0_i32_1 = arith.constant 0 : i32
    return %c0_i32, %c0_i32_0 : i32, i32
  }
  func.func @transform_7(%arg0: i32) -> (i32, i32) {
    %c0_i32 = arith.constant 0 : i32
    %c0_i32_0 = arith.constant 0 : i32
    return %arg0, %c0_i32 : i32, i32
  }
}

module attributes {stable_mosaic.version = 14 : i64} {
  func.func @_edge_body(%arg0: i32, %arg1: memref<1x1xf32, #tpu.memory_space<vmem>>, %arg2: memref<1280x128xi32, #tpu.memory_space<vmem>>, %arg3: memref<1280x128xi32, #tpu.memory_space<vmem>>, %arg4: memref<1280x128xi32, #tpu.memory_space<vmem>>, %arg5: memref<1280x16xf32, #tpu.memory_space<vmem>>, %arg6: memref<1280x4xf32, #tpu.memory_space<vmem>>, %arg7: memref<17x384xf32, #tpu.memory_space<vmem>>, %arg8: memref<1280x512xf32, #tpu.memory_space<vmem>>) attributes {dimension_semantics = [#tpu.dimension_semantics<parallel>], iteration_bounds = array<i64: 63>, scalar_prefetch = 0 : i64, scratch_operands = 0 : i64, tpu.core_type = #tpu.core_type<tc>, window_params = [{pipeline_mode = #tpu.pipeline_mode<synchronous>, transform_indices = @transform_0, window_bounds = array<i64: 1, 1>}, {transform_indices = @transform_1, window_bounds = array<i64: 1280, 128>}, {transform_indices = @transform_2, window_bounds = array<i64: 1280, 128>}, {transform_indices = @transform_3, window_bounds = array<i64: 1280, 128>}, {transform_indices = @transform_4, window_bounds = array<i64: 1280, 16>}, {transform_indices = @transform_5, window_bounds = array<i64: 1280, 4>}, {pipeline_mode = #tpu.pipeline_mode<synchronous>, transform_indices = @transform_6, window_bounds = array<i64: 17, 384>}, {transform_indices = @transform_7, window_bounds = array<i64: 1280, 512>}]} {
    %get3A = arith.constant 0 : index
    %get3A_0 = arith.constant 0 : index
    %get3A_1 = vector.load %arg1[%get3A, %get3A_0] : memref<1x1xf32, #tpu.memory_space<vmem>>, vector<1x1xf32>
    %get3A_2 = vector.extract %get3A_1[0, 0] : f32 from vector<1x1xf32>
    %get3A_3 = arith.constant 0 : index
    %get3A_4 = arith.constant 0 : index
    %get3A_5 = vector.load %arg6[%get3A_3, %get3A_4] : memref<1280x4xf32, #tpu.memory_space<vmem>>, vector<1280x1xf32>
    %mul3A = arith.constant 3.14159274 : f32
    %mul3A_6 = vector.broadcast %mul3A : f32 to vector<1280x1xf32>
    %mul3A_7 = arith.mulf %mul3A_6, %get3A_5 : vector<1280x1xf32>
    %div3A = vector.broadcast %get3A_2 : f32 to vector<1280x1xf32>
    %div3A_8 = arith.divf %mul3A_7, %div3A : vector<1280x1xf32>
    %cos3A = math.cos %div3A_8 : vector<1280x1xf32>
    %add3A = arith.constant 1.000000e+00 : f32
    %add3A_9 = vector.broadcast %add3A : f32 to vector<1280x1xf32>
    %add3A_10 = arith.addf %cos3A, %add3A_9 : vector<1280x1xf32>
    %mul3A_11 = arith.constant 5.000000e-01 : f32
    %mul3A_12 = vector.broadcast %mul3A_11 : f32 to vector<1280x1xf32>
    %mul3A_13 = arith.mulf %mul3A_12, %add3A_10 : vector<1280x1xf32>
    %lt3A = vector.broadcast %get3A_2 : f32 to vector<1280x1xf32>
    %lt3A_14 = arith.cmpf olt, %get3A_5, %lt3A : vector<1280x1xf32>
    %jit3A = arith.constant 0.000000e+00 : f32
    %broadcast_in_dim3A = vector.broadcast %jit3A : f32 to vector<1280x1xf32>
    %select_n3A = arith.select %lt3A_14, %mul3A_13, %broadcast_in_dim3A : vector<1280x1xi1>, vector<1280x1xf32>
    %get3A_15 = arith.constant 0 : index
    %get3A_16 = arith.constant 0 : index
    %get3A_17 = vector.load %arg5[%get3A_15, %get3A_16] : memref<1280x16xf32, #tpu.memory_space<vmem>>, vector<1280x16xf32>
    %mul3A_18 = vector.broadcast %select_n3A : vector<1280x1xf32> to vector<1280x16xf32>
    %mul3A_19 = arith.mulf %get3A_17, %mul3A_18 : vector<1280x16xf32>
    %concatenate3A = tpu.concatenate %mul3A_19, %select_n3A in 1 : vector<1280x16xf32>, vector<1280x1xf32> -> vector<1280x17xf32>
    %get3A_20 = arith.constant 0 : index
    %get3A_21 = arith.constant 0 : index
    %get3A_22 = vector.load %arg7[%get3A_20, %get3A_21] : memref<17x384xf32, #tpu.memory_space<vmem>>, vector<17x384xf32>
    %dot_general3A = arith.constant dense<0.000000e+00> : vector<1280x384xf32>
    %dot_general3A_23 = tpu.matmul %concatenate3A, %get3A_22, %dot_general3A {dimension_numbers = #tpu.dot_dimension_numbers<[1], [0], [0], [1], [0, 0, 1, 1], [], []>, transpose_lhs_hint = false} : vector<1280x17xf32>, vector<17x384xf32>, vector<1280x384xf32> -> vector<1280x384xf32>
    %get3A_24 = arith.constant 0 : index
    %get3A_25 = arith.constant 0 : index
    %get3A_26 = vector.load %arg2[%get3A_24, %get3A_25] : memref<1280x128xi32, #tpu.memory_space<vmem>>, vector<1280x128xi32>
    %shift_left3A = arith.constant 16 : i32
    %shift_left3A_27 = vector.broadcast %shift_left3A : i32 to vector<1280x128xi32>
    %shift_left3A_28 = arith.shli %get3A_26, %shift_left3A_27 : vector<1280x128xi32>
    %bitcast_convert_type3A = tpu.bitcast %shift_left3A_28 : vector<1280x128xi32> -> vector<1280x128xf32>
    %and3A = arith.constant -65536 : i32
    %and3A_29 = vector.broadcast %and3A : i32 to vector<1280x128xi32>
    %and3A_30 = arith.andi %get3A_26, %and3A_29 : vector<1280x128xi32>
    %bitcast_convert_type3A_31 = tpu.bitcast %and3A_30 : vector<1280x128xi32> -> vector<1280x128xf32>
    %get3A_32 = arith.constant 0 : index
    %get3A_33 = arith.constant 0 : index
    %get3A_34 = vector.load %arg3[%get3A_32, %get3A_33] : memref<1280x128xi32, #tpu.memory_space<vmem>>, vector<1280x128xi32>
    %shift_left3A_35 = arith.constant 16 : i32
    %shift_left3A_36 = vector.broadcast %shift_left3A_35 : i32 to vector<1280x128xi32>
    %shift_left3A_37 = arith.shli %get3A_34, %shift_left3A_36 : vector<1280x128xi32>
    %bitcast_convert_type3A_38 = tpu.bitcast %shift_left3A_37 : vector<1280x128xi32> -> vector<1280x128xf32>
    %and3A_39 = arith.constant -65536 : i32
    %and3A_40 = vector.broadcast %and3A_39 : i32 to vector<1280x128xi32>
    %and3A_41 = arith.andi %get3A_34, %and3A_40 : vector<1280x128xi32>
    %bitcast_convert_type3A_42 = tpu.bitcast %and3A_41 : vector<1280x128xi32> -> vector<1280x128xf32>
    %get3A_43 = arith.constant 0 : index
    %get3A_44 = arith.constant 0 : index
    %get3A_45 = vector.load %arg4[%get3A_43, %get3A_44] : memref<1280x128xi32, #tpu.memory_space<vmem>>, vector<1280x128xi32>
    %bitcast_convert_type3A_46 = tpu.bitcast %get3A_45 : vector<1280x128xi32> -> vector<1280x128xf32>
    %slice3A = vector.extract_strided_slice %dot_general3A_23 {offsets = [0, 128], sizes = [1280, 128], strides = [1, 1]} : vector<1280x384xf32> to vector<1280x128xf32>
    %slice3A_47 = vector.extract_strided_slice %dot_general3A_23 {offsets = [0, 256], sizes = [1280, 128], strides = [1, 1]} : vector<1280x384xf32> to vector<1280x128xf32>
    %mul3A_48 = arith.mulf %bitcast_convert_type3A_31, %slice3A_47 : vector<1280x128xf32>
    %div3A_49 = vector.broadcast %get3A_5 : vector<1280x1xf32> to vector<1280x128xf32>
    %div3A_50 = arith.divf %mul3A_48, %div3A_49 : vector<1280x128xf32>
    %slice3A_51 = vector.extract_strided_slice %dot_general3A_23 {offsets = [0, 0], sizes = [1280, 128], strides = [1, 1]} : vector<1280x384xf32> to vector<1280x128xf32>
    %mul3A_52 = arith.mulf %bitcast_convert_type3A, %slice3A_51 : vector<1280x128xf32>
    %mul3A_53 = arith.mulf %bitcast_convert_type3A_38, %slice3A : vector<1280x128xf32>
    %get3A_54 = arith.constant 0 : index
    %get3A_55 = arith.constant 1 : index
    %get3A_56 = vector.load %arg6[%get3A_54, %get3A_55] : memref<1280x4xf32, #tpu.memory_space<vmem>>, vector<1280x1xf32>
    %mul3A_57 = vector.broadcast %get3A_56 : vector<1280x1xf32> to vector<1280x128xf32>
    %mul3A_58 = arith.mulf %mul3A_57, %div3A_50 : vector<1280x128xf32>
    %add3A_59 = arith.addf %mul3A_53, %mul3A_58 : vector<1280x128xf32>
    %mul3A_60 = arith.mulf %bitcast_convert_type3A_42, %slice3A : vector<1280x128xf32>
    %get3A_61 = arith.constant 0 : index
    %get3A_62 = arith.constant 2 : index
    %get3A_63 = vector.load %arg6[%get3A_61, %get3A_62] : memref<1280x4xf32, #tpu.memory_space<vmem>>, vector<1280x1xf32>
    %mul3A_64 = vector.broadcast %get3A_63 : vector<1280x1xf32> to vector<1280x128xf32>
    %mul3A_65 = arith.mulf %mul3A_64, %div3A_50 : vector<1280x128xf32>
    %add3A_66 = arith.addf %mul3A_60, %mul3A_65 : vector<1280x128xf32>
    %mul3A_67 = arith.mulf %bitcast_convert_type3A_46, %slice3A : vector<1280x128xf32>
    %get3A_68 = arith.constant 0 : index
    %get3A_69 = arith.constant 3 : index
    %get3A_70 = vector.load %arg6[%get3A_68, %get3A_69] : memref<1280x4xf32, #tpu.memory_space<vmem>>, vector<1280x1xf32>
    %mul3A_71 = vector.broadcast %get3A_70 : vector<1280x1xf32> to vector<1280x128xf32>
    %mul3A_72 = arith.mulf %mul3A_71, %div3A_50 : vector<1280x128xf32>
    %add3A_73 = arith.addf %mul3A_67, %mul3A_72 : vector<1280x128xf32>
    %concatenate3A_74 = tpu.concatenate %mul3A_52, %add3A_59, %add3A_66, %add3A_73 in 1 : vector<1280x128xf32>, vector<1280x128xf32>, vector<1280x128xf32>, vector<1280x128xf32> -> vector<1280x512xf32>
    %swap3A = arith.constant 0 : index
    %swap3A_75 = arith.constant 0 : index
    %swap3A_76 = vector.load %arg8[%swap3A, %swap3A_75] : memref<1280x512xf32, #tpu.memory_space<vmem>>, vector<1280x512xf32>
    tpu.vector_store %arg8[%swap3A, %swap3A_75], %concatenate3A_74 {strides = array<i32>} : memref<1280x512xf32, #tpu.memory_space<vmem>>, vector<1280x512xf32>,
    return
  }
  func.func @transform_0(%arg0: i32) -> (i32, i32) {
    %c0_i32 = arith.constant 0 : i32
    %c0_i32_0 = arith.constant 0 : i32
    %c0_i32_1 = arith.constant 0 : i32
    return %c0_i32, %c0_i32_0 : i32, i32
  }
  func.func @transform_1(%arg0: i32) -> (i32, i32) {
    %c0_i32 = arith.constant 0 : i32
    %c0_i32_0 = arith.constant 0 : i32
    return %arg0, %c0_i32 : i32, i32
  }
  func.func @transform_2(%arg0: i32) -> (i32, i32) {
    %c0_i32 = arith.constant 0 : i32
    %c0_i32_0 = arith.constant 0 : i32
    return %arg0, %c0_i32 : i32, i32
  }
  func.func @transform_3(%arg0: i32) -> (i32, i32) {
    %c0_i32 = arith.constant 0 : i32
    %c0_i32_0 = arith.constant 0 : i32
    return %arg0, %c0_i32 : i32, i32
  }
  func.func @transform_4(%arg0: i32) -> (i32, i32) {
    %add3A = arith.constant 62 : i32
    %add3A_0 = arith.addi %arg0, %add3A : i32
    %c0_i32 = arith.constant 0 : i32
    %c0_i32_1 = arith.constant 0 : i32
    return %add3A_0, %c0_i32 : i32, i32
  }
  func.func @transform_5(%arg0: i32) -> (i32, i32) {
    %add3A = arith.constant 62 : i32
    %add3A_0 = arith.addi %arg0, %add3A : i32
    %c0_i32 = arith.constant 0 : i32
    %c0_i32_1 = arith.constant 0 : i32
    return %add3A_0, %c0_i32 : i32, i32
  }
  func.func @transform_6(%arg0: i32) -> (i32, i32) {
    %c0_i32 = arith.constant 0 : i32
    %c0_i32_0 = arith.constant 0 : i32
    %c0_i32_1 = arith.constant 0 : i32
    return %c0_i32, %c0_i32_0 : i32, i32
  }
  func.func @transform_7(%arg0: i32) -> (i32, i32) {
    %c0_i32 = arith.constant 0 : i32
    %c0_i32_0 = arith.constant 0 : i32
    return %arg0, %c0_i32 : i32, i32
  }
}

</mosaic_0001>

<sc_bundles>
// kernel: kernel.12.cloned.1.call-start
scs
__scs_entry_jumppad:
0x0: {  	(pc) =	sbr.rel $0x88, $3  }
0x1: {  	(tag) =	ssettag $0x0;
	lr =	simm.s32 $0x1  }
0x2: {  	[smem:$0x3F94] =	sst lr;
	_ =	strace $0xD0000000  }
0x3: {  	_ = 	snop  }
0x4: {  	_ = 	snop  }
0x5: {  	_ = 	snop  }
0x6: {  	_ = 	snop  }
0x7: {  	_ = 	snop  }
__scs_overlays_trampoline_lowered:
0x8: {  	[smem:$0x3FA3] =	sst s0  }
0x9: {  	[smem:$0x3FA4] =	sst s1  }
0xa: {  	[smem:$0x3FA5] =	sst s2  }
0xb: {  	[smem:$0x3FA6] =	sst s3  }
0xc: {  	[smem:$0x3FA7] =	sst s4  }
0xd: {  	[smem:$0x3FA8] =	sst s5  }
0xe: {  	[smem:$0x3FA9] =	sst s6  }
0xf: {  	[smem:$0x3FAA] =	sst s7  }
0x10: {  	[smem:$0x3FAB] =	sst s8  }
0x11: {  	[smem:$0x3FAC] =	sst s9;
	s0 =	simm.s32 @!p0 $0x0  }
0x12: {  	s1 =	sld [smem:$0x3F92];
	s0 =	simm.s32 @p0 $0x1  }
0x13: {  	[smem:$0x3FAD] =	sst s0;
	s0 =	simm.s32 @!p1 $0x0  }
0x14: {  	s2 =	sld [smem:$0x3F91];
	s0 =	simm.s32 @p1 $0x1  }
0x15: {  	[smem:$0x3FAE] =	sst s0;
	s0 =	simm.s32 @!p2 $0x0  }
0x16: {  	s3 =	sld [smem:$0x3FDB];
	s0 =	simm.s32 @p2 $0x1  }
0x17: {  	s4 =	simm.s32 $0x1BF5;
	[smem:$0x3FB0] =	sst s0  }
0x18: {  	s0 =	sld [smem:$0x3F93];
	_ =	swait.ge [sflag:s4], $0x0  }
0x19: {  	s7 =	sld [smem:$0x3F94]  }
0x1a: {  	s8 =	sadd.s32 $0xFFFFE003, lr  }
0x1b: {  	s9 =	sadd.s32 $0xFFFFFEF7, lr;
	s5 =	simm.s32 $0xFFFFFFFF;
	p2 =	slt.u32 s8, $0xFFFFF086  }
0x1c: {  	p1 =	slt.u32 s9, $0xF7A;
	s5 =	simm.s32 @!p2 $0x0  }
0x1d: {  	s5 =	simm.s32 @p1 $0x1;
	p0 =	seq.s32 s7, s2  }
0x1e: {  	s7 =	smul.u32 @!p0 $0xF7A, s2;
	p2 =	seq.s32 @!p0 s5, $0x0  }
0x1f: {  	s9 =	smul.u32 $0xF7A, s1;
	s8 =	simm.s32 @!p0 $0x1BF5;
	p2 =	por !p2, p0  }
0x20: {  	[sflag:s8] =	ssyncset.s32 @!p0 $0xFFFFF086;
	s6 =	sadd.s32 @!p0 s3, s7;
	s7 =	simm.s32 @!p0 $0x108  }
0x21: {  	s3 =	sadd.s32 s3, s9;
	s6 =	sadd.s32 @!p0 $0x88, s6;
	s7 =	simm.s32 @p2 $0x1082  }
0x22: {  	[simem:s7], [sflag:s8] =	dma.local @!p0 [hbm:s6], $0xF7A  }
0x23: {  	s9 =	sor.u32 $0xD0000000, s2;
	s6 =	simm.s32 $0x108;
	_ =	swait.ge @!p0 [sflag:s8], $0x0  }
0x24: {  	s3 =	sadd.s32 $0x88, s3;
	s6 =	simm.s32 @!p1 $0x1082;
	[sflag:s4] =	ssyncset.s32 $0xFFFFF086  }
0x25: {  	[simem:s6], [sflag:s4] =	dma.local [hbm:s3], $0xF7A  }
0x26: {  	[smem:$0x3F94] =	sst s1;
	(tag) =	ssettag s2;
	_ =	strace s9  }
0x27: {  	s1 =	sld [smem:$0x3FA4]  }
0x28: {  	s2 =	sld [smem:$0x3FA5]  }
0x29: {  	s4 =	sld [smem:$0x3FA7]  }
0x2a: {  	p0 =	seq.s32 s5, $0x0;
	s5 =	sld [smem:$0x3FA8]  }
0x2b: {  	s6 =	sld [smem:$0x3FA9]  }
0x2c: {  	s7 =	sld [smem:$0x3FAA]  }
0x2d: {  	s3 =	simm.s32 $0x108;
	s8 =	sld [smem:$0x3FAB]  }
0x2e: {  	s3 =	simm.s32 @!p0 $0x1082;
	s9 =	sld [smem:$0x3FAC]  }
0x2f: {  	lr =	sadd.s32 s0, s3;
	s0 =	sld [smem:$0x3FA3]  }
0x30: {  	s3 =	sld [smem:$0x3FA6]  }
0x31: {  	[smem:$0x3FAF] =	sst s10  }
0x32: {  	s10 =	sld [smem:$0x3FAD];
	_ =	sdelay $0x3  }
0x33: {  	p0 =	seq.s32 s10, $0x1;
	s10 =	sld [smem:$0x3FAF];
	_ =	sdelay $0x3  }
0x34: {  	[smem:$0x3FAF] =	sst s10  }
0x35: {  	s10 =	sld [smem:$0x3FAE];
	_ =	sdelay $0x3  }
0x36: {  	p1 =	seq.s32 s10, $0x1;
	s10 =	sld [smem:$0x3FAF];
	_ =	sdelay $0x3  }
0x37: {  	[smem:$0x3FAF] =	sst s10  }
0x38: {  	s10 =	sld [smem:$0x3FB0]  }
0x39: {  	_ = 	snop;
	(pc) =	sbr.ind lr, $3  }
0x3a: {  	_ = 	snop  }
0x3b: {  	_ = 	snop  }
0x3c: {  	p2 =	seq.s32 s10, $0x1;
	s10 =	sld [smem:$0x3FAF]  }
0x3d: {  	_ =	shalt  }
0x3e: {  	_ =	shalt  }
0x3f: {  	_ =	shalt  }
0x40: {  	_ =	shalt  }
0x41: {  	_ =	shalt  }
0x42: {  	_ =	shalt  }
0x43: {  	_ =	shalt  }
0x44: {  	_ =	shalt  }
0x45: {  	_ =	shalt  }
0x46: {  	_ =	shalt  }
0x47: {  	_ =	shalt  }
0x48: {  	_ =	shalt  }
0x49: {  	_ =	shalt  }
0x4a: {  	_ =	shalt  }
0x4b: {  	_ =	shalt  }
0x4c: {  	_ =	shalt  }
0x4d: {  	_ =	shalt  }
0x4e: {  	_ =	shalt  }
0x4f: {  	_ =	shalt  }
0x50: {  	_ =	shalt  }
0x51: {  	_ =	shalt  }
0x52: {  	_ =	shalt  }
0x53: {  	_ =	shalt  }
0x54: {  	_ =	shalt  }
0x55: {  	_ =	shalt  }
0x56: {  	_ =	shalt  }
0x57: {  	_ =	shalt  }
0x58: {  	_ =	shalt  }
0x59: {  	_ =	shalt  }
0x5a: {  	_ =	shalt  }
0x5b: {  	_ =	shalt  }
0x5c: {  	_ =	shalt  }
0x5d: {  	_ =	shalt  }
0x5e: {  	_ =	shalt  }
0x5f: {  	_ =	shalt  }
0x60: {  	_ =	shalt  }
0x61: {  	_ =	shalt  }
0x62: {  	_ =	shalt  }
0x63: {  	_ =	shalt  }
0x64: {  	_ =	shalt  }
0x65: {  	_ =	shalt  }
0x66: {  	_ =	shalt  }
0x67: {  	_ =	shalt  }
0x68: {  	_ =	shalt  }
0x69: {  	_ =	shalt  }
0x6a: {  	_ =	shalt  }
0x6b: {  	_ =	shalt  }
0x6c: {  	_ =	shalt  }
0x6d: {  	_ =	shalt  }
0x6e: {  	_ =	shalt  }
0x6f: {  	_ =	shalt  }
0x70: {  	_ =	shalt  }
0x71: {  	_ =	shalt  }
0x72: {  	_ =	shalt  }
0x73: {  	_ =	shalt  }
0x74: {  	_ =	shalt  }
0x75: {  	_ =	shalt  }
0x76: {  	_ =	shalt  }
0x77: {  	_ =	shalt  }
0x78: {  	_ =	shalt  }
0x79: {  	_ =	shalt  }
0x7a: {  	_ =	shalt  }
0x7b: {  	_ =	shalt  }
0x7c: {  	_ =	shalt  }
0x7d: {  	_ =	shalt  }
0x7e: {  	_ =	shalt  }
0x7f: {  	_ =	shalt  }
0x80: {  	_ =	shalt  }
0x81: {  	_ =	shalt  }
0x82: {  	_ =	shalt  }
0x83: {  	_ =	shalt  }
0x84: {  	_ =	shalt  }
0x85: {  	_ =	shalt  }
0x86: {  	_ =	shalt  }
0x87: {  	_ =	shalt  }
.Lfunc_end0:
.L_simem_size_0:
called_computation.1_lowered:
.L_overlay_start_0:
0x88: {  	s2 =	sld [smem:$0x3FD9]  }
0x89: {  	s3 =	sld [smem:$0x3FFE];
	_ =	sdelay $0x1  }
0x8a: {  	s1 =	srdreg.scid  }
0x8b: {  	s0 =	sand.u32 $0x1, s1  }
0x8c: {  	s15 =	sshll.u32 s0, $0xA;
	s2 =	sadd.s32 s3, s2  }
0x8d: {  	s2 =	sadd.s32 s2, s15  }
0x8e: {  	[smem:$0x3FBB] =	sst s2  }
0x8f: {  	_ = 	snop  }
0x90: {  	s2 =	sld [smem:$0x3FD0];
	_ =	sdelay $0x2  }
0x91: {  	s16 =	simm.s32 $0xB;
	s4 =	simm.s32 $0x10  }
0x92: {  	[smem:s4], [sflag:s16] =	dma.local [hbm:s2], $0x1  }
0x93: {  	_ =	swait.eq [sflag:s16], $0x1  }
0x94: {  	[sflag:s16] =	ssyncset.done $0x0  }
0x95: {  	[sflag:s16] =	ssyncadd.s32 $0xFFFFFFFF  }
0x96: {  	s17 =	sld [smem:$0x10];
	(tm) =	ssettm $0x1  }
0x97: {  	s18 =	sld [smem:$0x3FFB];
	_ =	sdelay $0x3  }
0x98: {  	_ =	strace s18  }
0x99: {  	s2 =	sld [smem:$0x3FFC];
	_ =	sdelay $0x3  }
0x9a: {  	_ =	strace s2  }
0x9b: {  	s2 =	sld [smem:$0x3FFD];
	_ =	sdelay $0x3  }
0x9c: {  	_ =	strace s2  }
0x9d: {  	_ =	strace $0x8FFFFFFF  }
0x9e: {  	s19 =	sld [smem:$0x3FDB];
	_ =	sdelay $0x1  }
0x9f: {  	s20 =	simm.s32 $_scs_section_size  }
0xa0: {  	s5 =	simm.s32 $_size__tile_overlayer_lowered;
	s6 =	simm.s32 $_tile_overlayer_lowered  }
0xa1: {  	s7 =	simm.s32 $0x1BFF;
	s21 =	sshll.u32 s6, $0x1;
	s4 =	sadd.s32 s20, s19  }
0xa2: {  	s22 =	simm.s32 $0x0;
	s5 =	sshll.u32 s5, $0x1;
	s6 =	sadd.s32 s21, s4  }
0xa3: {  	[timem:s22], [sflag:s7] =	dma.local [hbm:s6], s5  }
0xa4: {  	_ =	swait.ge [sflag:s7], s5  }
0xa5: {  	s5 =	ssub.s32 $0x0, s5;
	[sflag:s7] =	ssyncset.done $0x0  }
0xa6: {  	[sflag:s7] =	ssyncadd.s32 s5;
	_ =	sdelay $0x1  }
0xa7: {  	s23 =	simm.s32 $0x1B8B  }
0xa8: {  	_ =	swait.ge [sflag:s23], $0x1  }
0xa9: {  	[sflag:s23] =	ssyncset.done $0x0  }
0xaa: {  	[sflag:s23] =	ssyncadd.s32 $0xFFFFFFFF  }
0xab: {  	s5 =	sld [smem:$0x0]  }
0xac: {  	s6 =	sand.u32 $0xFFFFFFFE, s1  }
0xad: {  	p0 =	sne.s32 s1, s6  }
0xae: {  	s6 =	sshll.u32 @p0 s6, $0xE  }
0xaf: {  	s6 =	sadd.s32 @p0 $0x11B8D, s6;
	s7 =	sshll.u32 @p0 s5, $0x11  }
0xb0: {  	s6 =	sor.u32 @p0 s7, s6  }
0xb1: {  	[sflag:s6] =	ssyncadd.remote.s32 @p0 $0x1;
	_ =	sdelay $0x1  }
0xb2: {  	s6 =	simm.s32 @p0 $0x1B8D  }
0xb3: {  	_ =	swait.eq @p0 [sflag:s6], $0x1  }
0xb4: {  	[sflag:s6] =	ssyncadd.s32 @p0 $0xFFFFFFFF  }
0xb5: {  	s7 =	sshll.u32 @!p0 s1, $0xE  }
0xb6: {  	s7 =	sor.u32 @!p0 $0x4000, s7;
	s6 =	simm.s32 @!p0 $0x1B8D  }
0xb7: {  	s5 =	sshll.u32 @!p0 s5, $0x11;
	s7 =	sadd.s32 @!p0 $0x11B8D, s7;
	_ =	swait.eq @!p0 [sflag:s6], $0x1  }
0xb8: {  	s5 =	sor.u32 @!p0 s5, s7;
	[sflag:s6] =	ssyncadd.s32 @!p0 $0xFFFFFFFF  }
0xb9: {  	s25 =	simm.s32 $0x1B8E;
	s24 =	sld [smem:$0x3FFE];
	[sflag:s5] =	ssyncadd.remote.s32 @!p0 $0x1  }
0xba: {  	s26 =	simm.s32 $execute0_lowered;
	[smem:$0x3FD2] =	sst s25  }
0xbb: {  	s6 =	sshll.u32 s26, $0x1;
	_ =	strace $0x80000049;
	[dreg:$0x1] =	wrdreg $0xFFFFFFFF  }
0xbc: {  	s28 =	simm.s32 $_size_execute0_lowered;
	s4 =	sadd.s32 s4, s6;
	[dreg:$0x0] =	wrdreg $0x0  }
0xbd: {  	s6 =	sshll.u32 s28, $0x1;
	[dreg:$0x2] =	wrdreg s4  }
0xbe: {  	[dreg:$0x3] =	wrdreg s6  }
0xbf: {  	[dreg:$0x4] =	wrdreg $0xC0  }
0xc0: {  	_ =	task [dreg:s22], $0x5FFFF  }
0xc1: {  	[dreg:$0x1] =	wrdreg $0xFFFFFFFF  }
0xc2: {  	[dreg:$0x0] =	wrdreg $0x60  }
0xc3: {  	[dreg:$0x2] =	wrdreg s17  }
0xc4: {  	[dreg:$0x3] =	wrdreg s24  }
0xc5: {  	[dreg:$0x4] =	wrdreg $0x9  }
0xc6: {  	_ =	task.clear_ibuf [dreg:s22], $0x5FFFF;
	_ =	strace $0x90000049  }
0xc7: {  	s29 =	simm.s32 $0x9;
	_ =	strace $0x8000004B  }
0xc8: {  	_ =	swait.ge [sflag:s29], $0x1  }
0xc9: {  	[sflag:s29] =	ssyncadd.s32 $0xFFFFFFFF  }
0xca: {  	_ =	strace $0x9000004B  }
0xcb: {  	_ =	sfence  }
0xcc: {  	s30 =	sld [smem:$0x0];
	_ =	sdelay $0x2  }
0xcd: {  	s31 =	sshll.u32 s1, $0xD;
	s1 =	sshrl.u32 s1, $0x2  }
0xce: {  	s4 =	sand.u32 $0x4000, s31;
	s1 =	sadd.s32 s1, s30  }
0xcf: {  	s0 =	sor.u32 s4, s0;
	s1 =	sshll.u32 s1, $0x11  }
0xd0: {  	s0 =	sor.u32 s1, s0  }
0xd1: {  	s0 =	sadd.s32 $0x8F2B, s0  }
0xd2: {  	[sflag:s0] =	ssyncadd.remote.s32 $0x1  }
0xd3: {  	_ =	sfence.sel $0xFFFF  }
0xd4: {  	[dreg:$0x0] =	wrdreg $0xFFFFFFFF;
	(pc) =	sbr.abs _section_cstart, $3  }
0xd5: {  	[dreg:$0x1] =	wrdreg $0xFFFFFFFF  }
0xd6: {  	_ =	task.clear_ibuf [dreg:s22], $0x2FFFF;
	_ =	strace $0x9FFFFFFF  }
0xd7: {  	(tm) =	ssettm $0x7FFFFFFF  }
tec
execute0_lowered:
.L_overlay_start_1:
0x0: {  	(tag) =	ssettag $0x1  }
0x1: {  	s1 =	rddreg [dreg:$0x0]  }
0x2: {  	s0 =	rddreg [dreg:$0x1]  }
0x3: {  	s2 =	simm.s32 $0x0;
	s15 =	stileid.u32;
	s6 =	srdreg.scid  }
0x4: {  	s28 =	simm.s32 $0x1;
	s29 =	simm.s32 $0x2;
	s7 =	smul.u32 $0x13B0, s15  }
0x5: {  	s30 =	simm.s32 $0x3;
	s31 =	simm.s32 $0x4;
	s12 =	smul.u32 $0x9D800, s15  }
0x6: {  	[smem:$0x7FF] =	sst s2;
	s4 =	sadd.s32 $0xE600, s0;
	s14 =	smul.u32 $0x9D8, s15  }
0x7: {  	s5 =	sadd.s32 $0x35800, s0;
	s8 =	sadd.s32 $0x3FEA00, s0;
	s26 =	smul.u32 $0x4EC00, s15  }
0x8: {  	s3 =	sadd.s32 $0x9600, s0;
	s9 =	sadd.s32 $0x539A00, s0;
	s18 =	smul.u32 $0x13B00, s15  }
0x9: {  	s10 =	sand.u32 $0x1, s6;
	s6 =	sadd.s32 $0x674A00, s0;
	s20 =	smul.u32 $0x9D80, s15  }
0xa: {  	_ =	strace $0x8000004A;
	s11 =	ssub.s32 $0x2, s10;
	p0 =	seq.s32 s10, $0x1  }
0xb: {  	s21 =	sshrl.u32 s7, $0x3;
	s22 =	sshrl.u32 s11, $0x1;
	s24 =	sshrl.u32 s12, $0x3  }
0xc: {  	s25 =	sshrl.u32 s14, $0x3;
	s19 =	sadd.s32 $0x4D800, s26;
	s15 =	sadd.s32 s6, s20  }
0xd: {  	s12 =	simm.s32 $0x8200;
	s13 =	sadd.s32 s3, s21;
	s23 =	ssub.s32 s11, s22  }
0xe: {  	s10 =	sadd.s32 $0x13600, s24;
	s3 =	sadd.s32 s3, s25;
	[dreg:$0x5] =	wrdreg s19  }
0xf: {  	s21 =	sshll.u32 s14, $0x4;
	s22 =	sadd.s32 $0x539800, s26;
	s25 =	sadd.s32 $0x280, s15  }
0x10: {  	s19 =	sadd.s32 s9, s18;
	s11 =	simm.s32 $0x1428;
	s7 =	sadd.s32 $0x26C0, s13  }
0x11: {  	s16 =	sadd.s32 s8, s10;
	s17 =	sadd.s32 $0x26C0, s3;
	[dreg:$0x8] =	wrdreg s22  }
0x12: {  	s10 =	sadd.s32 s9, s10;
	s3 =	sadd.s32 $0x3A70, s3;
	[dreg:$0xa] =	wrdreg s25  }
0x13: {  	s14 =	smax.u32 s23, $0x1;
	s23 =	sadd.s32 $0x500, s18;
	[dreg:$0x3] =	wrdreg s16  }
0x14: {  	s26 =	sadd.s32 s6, s21;
	s22 =	sadd.s32 $0x9DA80, s15;
	[dreg:$0x4] =	wrdreg s17  }
0x15: {  	s25 =	simm.s32 $0x1E00;
	s13 =	simm.s32 $0x0;
	[dreg:$0x6] =	wrdreg s10  }
.Ltmp0:
0x16: {  	[dreg:$0x7] =	wrdreg s3;
	s16 =	sadd.s32 s8, s18;
	(pc) =	sbr.rel .LBB2_1-.Ltmp0, $4  }
0x17: {  	s24 =	sadd.s32 s8, s23;
	s0 =	sadd.s32 s9, s23;
	s21 =	sadd.s32 $0x9D800, s26  }
0x18: {  	s23 =	simm.s32 $0x5;
	s26 =	simm.s32 $0x4600;
	s3 =	simm.s32 $0x1400  }
0x19: {  	s8 =	simm.s32 $0x28;
	s9 =	simm.s32 $0x6E00;
	[dreg:$0x9] =	wrdreg s24  }
0x1a: {  	s10 =	simm.s32 $0x1DB0;
	[dreg:$0xb] =	wrdreg s0;
	s24 =	simm.s32 $0x50  }
.LBB2_11:
0x1b: {  	[hbm4b:s0+s2] =	stream.linear.scatter [tilespmem:s12], [sflag:$0x4], $0x1400, $0x38;
	[tilespmem:$0x9600] =	vst v63  }
0x1c: {  	s17 =	rddreg [dreg:$0x8]  }
.LBB2_12:
0x1d: {  	_ =	swait.ge [sflag:s30], $0x1400  }
0x1e: {  	[sflag:s30] =	ssyncset.done $0x0  }
0x1f: {  	[sflag:s30] =	ssyncadd.s32 $0xFFFFEC00  }
0x20: {  	[tilespmem:s9], [sflag:$0x1] =	stream.indirect.gather [hbm4b:s5+s8], $0x80, s10, s8, $0xb8;
	[tilespmem:$0x9600] =	vst v63  }
0x21: {  	_ =	swait.ge [sflag:s28], $0x1400  }
0x22: {  	s0 =	sshrl.u32 s17, $0x3;
	[sflag:s28] =	ssyncset.done $0x0  }
0x23: {  	s13 =	sadd.s32 $0x1, s13;
	s0 =	sadd.s32 s6, s0;
	[sflag:s28] =	ssyncadd.s32 $0xFFFFEC00  }
0x24: {  	[hbm4b:s0+s2] =	stream.linear.scatter [tilespmem:s9], [sflag:$0x3], $0x1400, $0x38;
	[tilespmem:$0x9600] =	vst v63  }
0x25: {  	p1 =	sne.s32 s13, s14;
	_ =	swait.ge [sflag:s30], $0x1400  }
.Ltmp1:
0x26: {  	[sflag:s30] =	ssyncset.done $0x0;
	(pc) =	sbr.rel @!p1 .LBB2_13-.Ltmp1, $4  }
0x27: {  	[sflag:s30] =	ssyncadd.s32 $0xFFFFEC00  }
0x28: {  	_ =	swait.ge [sflag:s31], $0x1400  }
0x29: {  	[sflag:s31] =	ssyncset.done $0x0  }
0x2a: {  	[sflag:s31] =	ssyncadd.s32 $0xFFFFEC00  }
.LBB2_1:
.Ltmp2:
0x2b: {  	(pc) =	sbr.rel @!p0 .LBB2_2-.Ltmp2, $4  }
0x2c: {  	[tilespmem:s2], [sflag:$0x5] =	stream.linear.gather [hbm4b:s7+s2], $0x13B0, $0x38;
	[tilespmem:$0x9600] =	vst v63  }
0x2d: {  	_ =	swait.ge [sflag:s23], $0x13B0  }
0x2e: {  	[sflag:s23] =	ssyncset.done $0x0  }
0x2f: {  	[sflag:s23] =	ssyncadd.s32 $0xFFFFEC50  }
0x30: {  	[tilespmem:s25], [sflag:$0x1] =	stream.indirect.gather [hbm4b:s4+s24], $0x80, s2, s24, $0xb8;
	[tilespmem:$0x9600] =	vst v63  }
0x31: {  	_ = 	snop  }
0x32: {  	[tilespmem:s26], [sflag:$0x2] =	stream.indirect.gather [hbm4b:s4+s24], $0x80, s24, s24, $0xb8;
	[tilespmem:$0x9600] =	vst v63  }
0x33: {  	_ =	swait.ge [sflag:s28], $0x2800  }
0x34: {  	[sflag:s28] =	ssyncset.done $0x0  }
0x35: {  	[sflag:s28] =	ssyncadd.s32 $0xFFFFD800  }
0x36: {  	[hbm4b:s19+s2] =	stream.linear.scatter [tilespmem:s25], [sflag:$0x3], $0x2800, $0x38;
	[tilespmem:$0x9600] =	vst v63  }
0x37: {  	_ =	swait.ge [sflag:s29], $0x2800  }
0x38: {  	[sflag:s29] =	ssyncset.done $0x0  }
0x39: {  	s0 =	rddreg [dreg:$0xb];
	[sflag:s29] =	ssyncadd.s32 $0xFFFFD800  }
0x3a: {  	[hbm4b:s0+s2] =	stream.linear.scatter [tilespmem:s26], [sflag:$0x4], $0x2800, $0x38;
	[tilespmem:$0x9600] =	vst v63  }
0x3b: {  	_ =	swait.ge [sflag:s30], $0x2800  }
0x3c: {  	[sflag:s30] =	ssyncset.done $0x0  }
0x3d: {  	s20 =	simm.s32 $0xA0;
	[sflag:s30] =	ssyncadd.s32 $0xFFFFD800  }
0x3e: {  	[tilespmem:s25], [sflag:$0x1] =	stream.indirect.gather [hbm4b:s4+s24], $0x80, s20, s24, $0xb8;
	[tilespmem:$0x9600] =	vst v63  }
0x3f: {  	_ =	swait.ge [sflag:s31], $0x2800  }
0x40: {  	[sflag:s31] =	ssyncset.done $0x0  }
0x41: {  	s17 =	simm.s32 $0xF0;
	[sflag:s31] =	ssyncadd.s32 $0xFFFFD800  }
0x42: {  	[tilespmem:s26], [sflag:$0x2] =	stream.indirect.gather [hbm4b:s4+s24], $0x80, s17, s24, $0xb8;
	[tilespmem:$0x9600] =	vst v63  }
0x43: {  	_ =	swait.ge [sflag:s28], $0x2800  }
0x44: {  	s18 =	sadd.s32 $0xFFFED400, s19;
	[sflag:s28] =	ssyncset.done $0x0  }
0x45: {  	s20 =	sadd.s32 $0x13600, s18;
	[sflag:s28] =	ssyncadd.s32 $0xFFFFD800  }
0x46: {  	[hbm4b:s20+s2] =	stream.linear.scatter [tilespmem:s25], [sflag:$0x3], $0x2800, $0x38;
	[tilespmem:$0x9600] =	vst v63  }
0x47: {  	_ =	swait.ge [sflag:s29], $0x2800  }
0x48: {  	s0 =	sadd.s32 $0x13B00, s18;
	[sflag:s29] =	ssyncset.done $0x0  }
0x49: {  	s18 =	simm.s32 $0x190;
	s17 =	simm.s32 $0xFFFEDE00;
	[sflag:s29] =	ssyncadd.s32 $0xFFFFD800  }
.LBB2_8:
0x4a: {  	[hbm4b:s0+s2] =	stream.linear.scatter [tilespmem:s26], [sflag:$0x4], $0x2800, $0x38;
	[tilespmem:$0x9600] =	vst v63  }
0x4b: {  	s0 =	smov.u32 s17  }
0x4c: {  	p1 =	sne.s32 s17, $0xFFFFF600;
	s17 =	sadd.s32 $0xA00, s17;
	_ =	swait.ge [sflag:s30], $0x2800  }
0x4d: {  	[sflag:s30] =	ssyncset.done $0x0  }
0x4e: {  	s20 =	sadd.s32 $0xFFFFFFB0, s18;
	[sflag:s30] =	ssyncadd.s32 $0xFFFFD800  }
0x4f: {  	[tilespmem:s25], [sflag:$0x1] =	stream.indirect.gather [hbm4b:s4+s24], $0x80, s20, s24, $0xb8;
	[tilespmem:$0x9600] =	vst v63  }
0x50: {  	_ =	swait.ge [sflag:s31], $0x2800  }
0x51: {  	[sflag:s31] =	ssyncset.done $0x0  }
0x52: {  	[sflag:s31] =	ssyncadd.s32 $0xFFFFD800  }
0x53: {  	[tilespmem:s26], [sflag:$0x2] =	stream.indirect.gather [hbm4b:s4+s24], $0x80, s18, s24, $0xb8;
	[tilespmem:$0x9600] =	vst v63  }
0x54: {  	_ =	swait.ge [sflag:s28], $0x2800  }
0x55: {  	s0 =	sadd.s32 s0, s19;
	[sflag:s28] =	ssyncset.done $0x0  }
.Ltmp3:
0x56: {  	s20 =	sadd.s32 $0x13600, s0;
	[sflag:s28] =	ssyncadd.s32 $0xFFFFD800;
	(pc) =	sbr.rel @p1 .LBB2_8-.Ltmp3, $4  }
0x57: {  	[hbm4b:s20+s2] =	stream.linear.scatter [tilespmem:s25], [sflag:$0x3], $0x2800, $0x38;
	[tilespmem:$0x9600] =	vst v63  }
0x58: {  	_ =	swait.ge [sflag:s29], $0x2800  }
0x59: {  	[sflag:s29] =	ssyncset.done $0x0  }
0x5a: {  	s0 =	sadd.s32 $0x13B00, s0;
	s18 =	sadd.s32 $0xA0, s18;
	[sflag:s29] =	ssyncadd.s32 $0xFFFFD800  }
0x5b: {  	[hbm4b:s0+s2] =	stream.linear.scatter [tilespmem:s26], [sflag:$0x4], $0x2800, $0x38;
	[tilespmem:$0x9600] =	vst v63  }
0x5c: {  	_ =	swait.ge [sflag:s30], $0x2800  }
0x5d: {  	[sflag:s30] =	ssyncset.done $0x0  }
0x5e: {  	s17 =	simm.s32 $0x1360;
	[sflag:s30] =	ssyncadd.s32 $0xFFFFD800  }
0x5f: {  	[tilespmem:s25], [sflag:$0x1] =	stream.indirect.gather [hbm4b:s4+s24], $0x80, s17, s24, $0xb8;
	[tilespmem:$0x9600] =	vst v63  }
0x60: {  	_ =	swait.ge [sflag:s28], $0x2800  }
0x61: {  	[sflag:s28] =	ssyncset.done $0x0  }
0x62: {  	s18 =	rddreg [dreg:$0x6];
	[sflag:s28] =	ssyncadd.s32 $0xFFFFD800  }
0x63: {  	[hbm4b:s18+s2] =	stream.linear.scatter [tilespmem:s25], [sflag:$0x3], $0x2800, $0x38;
	[tilespmem:$0x9600] =	vst v63  }
0x64: {  	_ =	swait.ge [sflag:s30], $0x2800  }
0x65: {  	[sflag:s30] =	ssyncset.done $0x0  }
0x66: {  	[sflag:s30] =	ssyncadd.s32 $0xFFFFD800  }
0x67: {  	_ =	swait.ge [sflag:s31], $0x2800  }
0x68: {  	[sflag:s31] =	ssyncset.done $0x0  }
0x69: {  	s20 =	rddreg [dreg:$0x7];
	[sflag:s31] =	ssyncadd.s32 $0xFFFFD800  }
0x6a: {  	[tilespmem:s3], [sflag:$0x5] =	stream.linear.gather [hbm4b:s20+s2], $0x9D8, $0x38;
	[tilespmem:$0x9600] =	vst v63  }
0x6b: {  	_ =	swait.ge [sflag:s23], $0x9D8  }
0x6c: {  	[sflag:s23] =	ssyncset.done $0x0  }
0x6d: {  	[sflag:s23] =	ssyncadd.s32 $0xFFFFF628  }
0x6e: {  	[tilespmem:s9], [sflag:$0x1] =	stream.indirect.gather [hbm4b:s5+s8], $0x80, s3, s8, $0xb8;
	[tilespmem:$0x9600] =	vst v63  }
0x6f: {  	_ = 	snop  }
0x70: {  	[tilespmem:s12], [sflag:$0x2] =	stream.indirect.gather [hbm4b:s5+s8], $0x80, s11, s8, $0xb8;
	[tilespmem:$0x9600] =	vst v63  }
0x71: {  	_ =	swait.ge [sflag:s28], $0x1400  }
0x72: {  	[sflag:s28] =	ssyncset.done $0x0  }
0x73: {  	[sflag:s28] =	ssyncadd.s32 $0xFFFFEC00  }
0x74: {  	[hbm4b:s21+s2] =	stream.linear.scatter [tilespmem:s9], [sflag:$0x3], $0x1400, $0x38;
	[tilespmem:$0x9600] =	vst v63  }
0x75: {  	_ =	swait.ge [sflag:s29], $0x1400  }
0x76: {  	[sflag:s29] =	ssyncset.done $0x0  }
0x77: {  	[sflag:s29] =	ssyncadd.s32 $0xFFFFEC00  }
0x78: {  	[hbm4b:s22+s2] =	stream.linear.scatter [tilespmem:s12], [sflag:$0x4], $0x1400, $0x38;
	[tilespmem:$0x9600] =	vst v63  }
0x79: {  	_ =	swait.ge [sflag:s30], $0x1400  }
0x7a: {  	[sflag:s30] =	ssyncset.done $0x0  }
0x7b: {  	s17 =	simm.s32 $0x1450;
	[sflag:s30] =	ssyncadd.s32 $0xFFFFEC00  }
0x7c: {  	[tilespmem:s9], [sflag:$0x1] =	stream.indirect.gather [hbm4b:s5+s8], $0x80, s17, s8, $0xb8;
	[tilespmem:$0x9600] =	vst v63  }
0x7d: {  	_ =	swait.ge [sflag:s31], $0x1400  }
0x7e: {  	[sflag:s31] =	ssyncset.done $0x0  }
0x7f: {  	s18 =	simm.s32 $0x1478;
	[sflag:s31] =	ssyncadd.s32 $0xFFFFEC00  }
0x80: {  	[tilespmem:s12], [sflag:$0x2] =	stream.indirect.gather [hbm4b:s5+s8], $0x80, s18, s8, $0xb8;
	[tilespmem:$0x9600] =	vst v63  }
0x81: {  	_ =	swait.ge [sflag:s28], $0x1400  }
0x82: {  	s20 =	sadd.s32 $0xFFFF6A00, s15;
	[sflag:s28] =	ssyncset.done $0x0  }
0x83: {  	s17 =	sadd.s32 $0xA7300, s20;
	[sflag:s28] =	ssyncadd.s32 $0xFFFFEC00  }
0x84: {  	[hbm4b:s17+s2] =	stream.linear.scatter [tilespmem:s9], [sflag:$0x3], $0x1400, $0x38;
	[tilespmem:$0x9600] =	vst v63  }
0x85: {  	_ =	swait.ge [sflag:s29], $0x1400  }
0x86: {  	s0 =	sadd.s32 $0xA7580, s20;
	[sflag:s29] =	ssyncset.done $0x0  }
0x87: {  	s18 =	simm.s32 $0x14C8;
	s17 =	simm.s32 $0xFFFF6F00;
	[sflag:s29] =	ssyncadd.s32 $0xFFFFEC00  }
.LBB2_10:
0x88: {  	[hbm4b:s0+s2] =	stream.linear.scatter [tilespmem:s12], [sflag:$0x4], $0x1400, $0x38;
	[tilespmem:$0x9600] =	vst v63  }
0x89: {  	s0 =	smov.u32 s17  }
0x8a: {  	p1 =	sne.s32 s17, $0xFFFFFB00;
	s17 =	sadd.s32 $0x500, s17;
	_ =	swait.ge [sflag:s30], $0x1400  }
0x8b: {  	[sflag:s30] =	ssyncset.done $0x0  }
0x8c: {  	s20 =	sadd.s32 $0xFFFFFFD8, s18;
	[sflag:s30] =	ssyncadd.s32 $0xFFFFEC00  }
0x8d: {  	[tilespmem:s9], [sflag:$0x1] =	stream.indirect.gather [hbm4b:s5+s8], $0x80, s20, s8, $0xb8;
	[tilespmem:$0x9600] =	vst v63  }
0x8e: {  	_ =	swait.ge [sflag:s31], $0x1400  }
0x8f: {  	[sflag:s31] =	ssyncset.done $0x0  }
0x90: {  	[sflag:s31] =	ssyncadd.s32 $0xFFFFEC00  }
0x91: {  	[tilespmem:s12], [sflag:$0x2] =	stream.indirect.gather [hbm4b:s5+s8], $0x80, s18, s8, $0xb8;
	[tilespmem:$0x9600] =	vst v63  }
0x92: {  	_ =	swait.ge [sflag:s28], $0x1400  }
0x93: {  	s0 =	sadd.s32 s0, s15;
	[sflag:s28] =	ssyncset.done $0x0  }
.Ltmp4:
0x94: {  	s20 =	sadd.s32 $0xA7300, s0;
	[sflag:s28] =	ssyncadd.s32 $0xFFFFEC00;
	(pc) =	sbr.rel @p1 .LBB2_10-.Ltmp4, $4  }
0x95: {  	[hbm4b:s20+s2] =	stream.linear.scatter [tilespmem:s9], [sflag:$0x3], $0x1400, $0x38;
	[tilespmem:$0x9600] =	vst v63  }
0x96: {  	_ =	swait.ge [sflag:s29], $0x1400  }
0x97: {  	[sflag:s29] =	ssyncset.done $0x0  }
0x98: {  	s0 =	sadd.s32 $0xA7580, s0;
	s18 =	sadd.s32 $0x50, s18;
	[sflag:s29] =	ssyncadd.s32 $0xFFFFEC00  }
.Ltmp5:
0x99: {  	_ = 	snop;
	(pc) =	sbr.rel .LBB2_11-.Ltmp5, $1  }
0x9a: {  	_ =	sdelay $0x3  }
.LBB2_2:
0x9b: {  	[tilespmem:s25], [sflag:$0x1] =	stream.indirect.gather [hbm4b:s1+s24], $0x80, s2, s24, $0xb8;
	[tilespmem:$0x9600] =	vst v63  }
0x9c: {  	_ = 	snop  }
0x9d: {  	[tilespmem:s26], [sflag:$0x2] =	stream.indirect.gather [hbm4b:s1+s24], $0x80, s24, s24, $0xb8;
	[tilespmem:$0x9600] =	vst v63  }
0x9e: {  	_ =	swait.ge [sflag:s28], $0x2800  }
0x9f: {  	[sflag:s28] =	ssyncset.done $0x0  }
0xa0: {  	[sflag:s28] =	ssyncadd.s32 $0xFFFFD800  }
0xa1: {  	[hbm4b:s16+s2] =	stream.linear.scatter [tilespmem:s25], [sflag:$0x3], $0x2800, $0x38;
	[tilespmem:$0x9600] =	vst v63  }
0xa2: {  	_ =	swait.ge [sflag:s29], $0x2800  }
0xa3: {  	[sflag:s29] =	ssyncset.done $0x0  }
0xa4: {  	s0 =	rddreg [dreg:$0x9];
	[sflag:s29] =	ssyncadd.s32 $0xFFFFD800  }
0xa5: {  	[hbm4b:s0+s2] =	stream.linear.scatter [tilespmem:s26], [sflag:$0x4], $0x2800, $0x38;
	[tilespmem:$0x9600] =	vst v63  }
0xa6: {  	_ =	swait.ge [sflag:s30], $0x2800  }
0xa7: {  	[sflag:s30] =	ssyncset.done $0x0  }
0xa8: {  	s20 =	simm.s32 $0xA0;
	[sflag:s30] =	ssyncadd.s32 $0xFFFFD800  }
0xa9: {  	[tilespmem:s25], [sflag:$0x1] =	stream.indirect.gather [hbm4b:s1+s24], $0x80, s20, s24, $0xb8;
	[tilespmem:$0x9600] =	vst v63  }
0xaa: {  	_ =	swait.ge [sflag:s31], $0x2800  }
0xab: {  	[sflag:s31] =	ssyncset.done $0x0  }
0xac: {  	s17 =	simm.s32 $0xF0;
	[sflag:s31] =	ssyncadd.s32 $0xFFFFD800  }
0xad: {  	[tilespmem:s26], [sflag:$0x2] =	stream.indirect.gather [hbm4b:s1+s24], $0x80, s17, s24, $0xb8;
	[tilespmem:$0x9600] =	vst v63  }
0xae: {  	_ =	swait.ge [sflag:s28], $0x2800  }
0xaf: {  	s18 =	sadd.s32 $0xFFFED400, s16;
	[sflag:s28] =	ssyncset.done $0x0  }
0xb0: {  	s20 =	sadd.s32 $0x13600, s18;
	[sflag:s28] =	ssyncadd.s32 $0xFFFFD800  }
0xb1: {  	[hbm4b:s20+s2] =	stream.linear.scatter [tilespmem:s25], [sflag:$0x3], $0x2800, $0x38;
	[tilespmem:$0x9600] =	vst v63  }
0xb2: {  	_ =	swait.ge [sflag:s29], $0x2800  }
0xb3: {  	s0 =	sadd.s32 $0x13B00, s18;
	[sflag:s29] =	ssyncset.done $0x0  }
0xb4: {  	s18 =	simm.s32 $0x190;
	s17 =	simm.s32 $0xFFFEDE00;
	[sflag:s29] =	ssyncadd.s32 $0xFFFFD800  }
.LBB2_3:
0xb5: {  	[hbm4b:s0+s2] =	stream.linear.scatter [tilespmem:s26], [sflag:$0x4], $0x2800, $0x38;
	[tilespmem:$0x9600] =	vst v63  }
0xb6: {  	s0 =	smov.u32 s17  }
0xb7: {  	p1 =	sne.s32 s17, $0xFFFFF600;
	s17 =	sadd.s32 $0xA00, s17;
	_ =	swait.ge [sflag:s30], $0x2800  }
0xb8: {  	[sflag:s30] =	ssyncset.done $0x0  }
0xb9: {  	s20 =	sadd.s32 $0xFFFFFFB0, s18;
	[sflag:s30] =	ssyncadd.s32 $0xFFFFD800  }
0xba: {  	[tilespmem:s25], [sflag:$0x1] =	stream.indirect.gather [hbm4b:s1+s24], $0x80, s20, s24, $0xb8;
	[tilespmem:$0x9600] =	vst v63  }
0xbb: {  	_ =	swait.ge [sflag:s31], $0x2800  }
0xbc: {  	[sflag:s31] =	ssyncset.done $0x0  }
0xbd: {  	[sflag:s31] =	ssyncadd.s32 $0xFFFFD800  }
0xbe: {  	[tilespmem:s26], [sflag:$0x2] =	stream.indirect.gather [hbm4b:s1+s24], $0x80, s18, s24, $0xb8;
	[tilespmem:$0x9600] =	vst v63  }
0xbf: {  	_ =	swait.ge [sflag:s28], $0x2800  }
0xc0: {  	s0 =	sadd.s32 s0, s16;
	[sflag:s28] =	ssyncset.done $0x0  }
.Ltmp6:
0xc1: {  	s20 =	sadd.s32 $0x13600, s0;
	[sflag:s28] =	ssyncadd.s32 $0xFFFFD800;
	(pc) =	sbr.rel @p1 .LBB2_3-.Ltmp6, $4  }
0xc2: {  	[hbm4b:s20+s2] =	stream.linear.scatter [tilespmem:s25], [sflag:$0x3], $0x2800, $0x38;
	[tilespmem:$0x9600] =	vst v63  }
0xc3: {  	_ =	swait.ge [sflag:s29], $0x2800  }
0xc4: {  	[sflag:s29] =	ssyncset.done $0x0  }
0xc5: {  	s0 =	sadd.s32 $0x13B00, s0;
	s18 =	sadd.s32 $0xA0, s18;
	[sflag:s29] =	ssyncadd.s32 $0xFFFFD800  }
0xc6: {  	[hbm4b:s0+s2] =	stream.linear.scatter [tilespmem:s26], [sflag:$0x4], $0x2800, $0x38;
	[tilespmem:$0x9600] =	vst v63  }
0xc7: {  	_ =	swait.ge [sflag:s30], $0x2800  }
0xc8: {  	[sflag:s30] =	ssyncset.done $0x0  }
0xc9: {  	s20 =	simm.s32 $0x1360;
	[sflag:s30] =	ssyncadd.s32 $0xFFFFD800  }
0xca: {  	[tilespmem:s25], [sflag:$0x1] =	stream.indirect.gather [hbm4b:s1+s24], $0x80, s20, s24, $0xb8;
	[tilespmem:$0x9600] =	vst v63  }
0xcb: {  	_ =	swait.ge [sflag:s28], $0x2800  }
0xcc: {  	[sflag:s28] =	ssyncset.done $0x0  }
0xcd: {  	s17 =	rddreg [dreg:$0x3];
	[sflag:s28] =	ssyncadd.s32 $0xFFFFD800  }
0xce: {  	[hbm4b:s17+s2] =	stream.linear.scatter [tilespmem:s25], [sflag:$0x3], $0x2800, $0x38;
	[tilespmem:$0x9600] =	vst v63  }
0xcf: {  	_ =	swait.ge [sflag:s30], $0x2800  }
0xd0: {  	[sflag:s30] =	ssyncset.done $0x0  }
0xd1: {  	[sflag:s30] =	ssyncadd.s32 $0xFFFFD800  }
0xd2: {  	_ =	swait.ge [sflag:s31], $0x2800  }
0xd3: {  	[sflag:s31] =	ssyncset.done $0x0  }
0xd4: {  	s18 =	rddreg [dreg:$0x4];
	[sflag:s31] =	ssyncadd.s32 $0xFFFFD800  }
0xd5: {  	[tilespmem:s3], [sflag:$0x5] =	stream.linear.gather [hbm4b:s18+s2], $0x9D8, $0x38;
	[tilespmem:$0x9600] =	vst v63  }
0xd6: {  	_ =	swait.ge [sflag:s23], $0x9D8  }
0xd7: {  	[sflag:s23] =	ssyncset.done $0x0  }
0xd8: {  	[sflag:s23] =	ssyncadd.s32 $0xFFFFF628  }
0xd9: {  	[tilespmem:s9], [sflag:$0x1] =	stream.indirect.gather [hbm4b:s5+s8], $0x80, s3, s8, $0xb8;
	[tilespmem:$0x9600] =	vst v63  }
0xda: {  	_ = 	snop  }
0xdb: {  	[tilespmem:s12], [sflag:$0x2] =	stream.indirect.gather [hbm4b:s5+s8], $0x80, s11, s8, $0xb8;
	[tilespmem:$0x9600] =	vst v63  }
0xdc: {  	_ =	swait.ge [sflag:s28], $0x1400  }
0xdd: {  	[sflag:s28] =	ssyncset.done $0x0  }
0xde: {  	[sflag:s28] =	ssyncadd.s32 $0xFFFFEC00  }
0xdf: {  	[hbm4b:s15+s2] =	stream.linear.scatter [tilespmem:s9], [sflag:$0x3], $0x1400, $0x38;
	[tilespmem:$0x9600] =	vst v63  }
0xe0: {  	_ =	swait.ge [sflag:s29], $0x1400  }
0xe1: {  	[sflag:s29] =	ssyncset.done $0x0  }
0xe2: {  	s20 =	rddreg [dreg:$0xa];
	[sflag:s29] =	ssyncadd.s32 $0xFFFFEC00  }
0xe3: {  	[hbm4b:s20+s2] =	stream.linear.scatter [tilespmem:s12], [sflag:$0x4], $0x1400, $0x38;
	[tilespmem:$0x9600] =	vst v63  }
0xe4: {  	_ =	swait.ge [sflag:s30], $0x1400  }
0xe5: {  	[sflag:s30] =	ssyncset.done $0x0  }
0xe6: {  	s17 =	simm.s32 $0x1450;
	[sflag:s30] =	ssyncadd.s32 $0xFFFFEC00  }
0xe7: {  	[tilespmem:s9], [sflag:$0x1] =	stream.indirect.gather [hbm4b:s5+s8], $0x80, s17, s8, $0xb8;
	[tilespmem:$0x9600] =	vst v63  }
0xe8: {  	_ =	swait.ge [sflag:s31], $0x1400  }
0xe9: {  	[sflag:s31] =	ssyncset.done $0x0  }
0xea: {  	s18 =	simm.s32 $0x1478;
	[sflag:s31] =	ssyncadd.s32 $0xFFFFEC00  }
0xeb: {  	[tilespmem:s12], [sflag:$0x2] =	stream.indirect.gather [hbm4b:s5+s8], $0x80, s18, s8, $0xb8;
	[tilespmem:$0x9600] =	vst v63  }
0xec: {  	_ =	swait.ge [sflag:s28], $0x1400  }
0xed: {  	s20 =	sadd.s32 $0xFFFF6A00, s15;
	[sflag:s28] =	ssyncset.done $0x0  }
0xee: {  	s17 =	sadd.s32 $0x9B00, s20;
	[sflag:s28] =	ssyncadd.s32 $0xFFFFEC00  }
0xef: {  	[hbm4b:s17+s2] =	stream.linear.scatter [tilespmem:s9], [sflag:$0x3], $0x1400, $0x38;
	[tilespmem:$0x9600] =	vst v63  }
0xf0: {  	_ =	swait.ge [sflag:s29], $0x1400  }
0xf1: {  	s0 =	sadd.s32 $0x9D80, s20;
	[sflag:s29] =	ssyncset.done $0x0  }
0xf2: {  	s18 =	simm.s32 $0x14C8;
	s17 =	simm.s32 $0xFFFF6F00;
	[sflag:s29] =	ssyncadd.s32 $0xFFFFEC00  }
.LBB2_5:
0xf3: {  	[hbm4b:s0+s2] =	stream.linear.scatter [tilespmem:s12], [sflag:$0x4], $0x1400, $0x38;
	[tilespmem:$0x9600] =	vst v63  }
0xf4: {  	s0 =	smov.u32 s17  }
0xf5: {  	p1 =	seq.s32 s17, $0xFFFFFB00;
	s17 =	sadd.s32 $0x500, s17;
	_ =	swait.ge [sflag:s30], $0x1400  }
0xf6: {  	[sflag:s30] =	ssyncset.done $0x0  }
0xf7: {  	s20 =	sadd.s32 $0xFFFFFFD8, s18;
	[sflag:s30] =	ssyncadd.s32 $0xFFFFEC00  }
0xf8: {  	[tilespmem:s9], [sflag:$0x1] =	stream.indirect.gather [hbm4b:s5+s8], $0x80, s20, s8, $0xb8;
	[tilespmem:$0x9600] =	vst v63  }
0xf9: {  	_ =	swait.ge [sflag:s31], $0x1400  }
0xfa: {  	[sflag:s31] =	ssyncset.done $0x0  }
0xfb: {  	[sflag:s31] =	ssyncadd.s32 $0xFFFFEC00  }
0xfc: {  	[tilespmem:s12], [sflag:$0x2] =	stream.indirect.gather [hbm4b:s5+s8], $0x80, s18, s8, $0xb8;
	[tilespmem:$0x9600] =	vst v63  }
0xfd: {  	_ =	swait.ge [sflag:s28], $0x1400  }
0xfe: {  	s0 =	sadd.s32 s0, s15;
	[sflag:s28] =	ssyncset.done $0x0  }
.Ltmp7:
0xff: {  	s20 =	sadd.s32 $0x9B00, s0;
	[sflag:s28] =	ssyncadd.s32 $0xFFFFEC00;
	(pc) =	sbr.rel @!p1 .LBB2_5-.Ltmp7, $4  }
0x100: {  	[hbm4b:s20+s2] =	stream.linear.scatter [tilespmem:s9], [sflag:$0x3], $0x1400, $0x38;
	[tilespmem:$0x9600] =	vst v63  }
0x101: {  	_ =	swait.ge [sflag:s29], $0x1400  }
0x102: {  	[sflag:s29] =	ssyncset.done $0x0  }
0x103: {  	s0 =	sadd.s32 $0x9D80, s0;
	s18 =	sadd.s32 $0x50, s18;
	[sflag:s29] =	ssyncadd.s32 $0xFFFFEC00  }
.Ltmp8:
0x104: {  	(pc) =	sbr.rel .LBB2_12-.Ltmp8, $3  }
0x105: {  	_ =	sdelay $0x1  }
0x106: {  	[hbm4b:s0+s2] =	stream.linear.scatter [tilespmem:s12], [sflag:$0x4], $0x1400, $0x38;
	[tilespmem:$0x9600] =	vst v63  }
0x107: {  	s17 =	rddreg [dreg:$0x5]  }
.LBB2_13:
0x108: {  	_ =	sfence.sel $0x180000  }
0x109: {  	[bflag:$0x0] =	sbarrier.arrive $0xFFFF  }
0x10a: {  	_ =	strace $0x9000004A  }
0x10b: {  	s0 =	stileid.u32;
	[bflag:$0x2] =	sbarrier.arrive $0xFFFF  }
0x10c: {  	p0 =	sne.s32 s0, $0x0;
	s0 =	rddreg [dreg:$0x2]  }
0x10d: {  	s0 =	sadd.s32 @!p0 $0x100000, s0  }
0x10e: {  	[sflag:s0] =	ssyncadd.tile.s32 @!p0 $0x1;
	_ =	shalt  }
.Lfunc_end2:
_tile_overlayer_lowered:
.L_overlay_start_2:
0x10f: {  	(tag) =	ssettag $0x2  }
0x110: {  	s0 =	rddreg [dreg:$0x0];
	s2 =	stileid.u32  }
0x111: {  	s1 =	rddreg [dreg:$0x1];
	p0 =	sne.s32 s2, $0x0  }
0x112: {  	s3 =	rddreg [dreg:$0x2];
	[bflag:$0x3] =	sbarrier.arrive $0xFFFF;
	s2 =	simm.s32 @!p0 $0x1C05  }
0x113: {  	[timem:s3], [sflag:s2] =	dma.local @!p0 [hbm:s0], s1  }
0x114: {  	s0 =	simm.s32 @!p0 $0x5  }
0x115: {  	_ =	swait.ge @!p0 [sflag:s0], s1  }
0x116: {  	s1 =	ssub.s32 @!p0 $0x0, s1;
	[sflag:s0] =	ssyncset.done @!p0 $0x0  }
0x117: {  	[sflag:s0] =	ssyncadd.s32 @!p0 s1  }
0x118: {  	[bflag:$0x3] =	sbarrier.arrive $0xFFFF  }
0x119: {  	_ =	shalt  }

// kernel: kernel.15.cloned.1.call-start
scs
__scs_entry_jumppad:
0x0: {  	(pc) =	sbr.rel $0x88, $3  }
0x1: {  	(tag) =	ssettag $0x0;
	lr =	simm.s32 $0x1  }
0x2: {  	[smem:$0x3F94] =	sst lr;
	_ =	strace $0xD0000000  }
0x3: {  	_ = 	snop  }
0x4: {  	_ = 	snop  }
0x5: {  	_ = 	snop  }
0x6: {  	_ = 	snop  }
0x7: {  	_ = 	snop  }
__scs_overlays_trampoline_lowered:
0x8: {  	[smem:$0x3FA3] =	sst s0  }
0x9: {  	[smem:$0x3FA4] =	sst s1  }
0xa: {  	[smem:$0x3FA5] =	sst s2  }
0xb: {  	[smem:$0x3FA6] =	sst s3  }
0xc: {  	[smem:$0x3FA7] =	sst s4  }
0xd: {  	[smem:$0x3FA8] =	sst s5  }
0xe: {  	[smem:$0x3FA9] =	sst s6  }
0xf: {  	[smem:$0x3FAA] =	sst s7  }
0x10: {  	[smem:$0x3FAB] =	sst s8  }
0x11: {  	[smem:$0x3FAC] =	sst s9;
	s0 =	simm.s32 @!p0 $0x0  }
0x12: {  	s1 =	sld [smem:$0x3F92];
	s0 =	simm.s32 @p0 $0x1  }
0x13: {  	[smem:$0x3FAD] =	sst s0;
	s0 =	simm.s32 @!p1 $0x0  }
0x14: {  	s2 =	sld [smem:$0x3F91];
	s0 =	simm.s32 @p1 $0x1  }
0x15: {  	[smem:$0x3FAE] =	sst s0;
	s0 =	simm.s32 @!p2 $0x0  }
0x16: {  	s3 =	sld [smem:$0x3FDB];
	s0 =	simm.s32 @p2 $0x1  }
0x17: {  	s4 =	simm.s32 $0x1BF5;
	[smem:$0x3FB0] =	sst s0  }
0x18: {  	s0 =	sld [smem:$0x3F93];
	_ =	swait.ge [sflag:s4], $0x0  }
0x19: {  	s7 =	sld [smem:$0x3F94]  }
0x1a: {  	s8 =	sadd.s32 $0xFFFFE003, lr  }
0x1b: {  	s9 =	sadd.s32 $0xFFFFFEF7, lr;
	s5 =	simm.s32 $0xFFFFFFFF;
	p2 =	slt.u32 s8, $0xFFFFF086  }
0x1c: {  	p1 =	slt.u32 s9, $0xF7A;
	s5 =	simm.s32 @!p2 $0x0  }
0x1d: {  	s5 =	simm.s32 @p1 $0x1;
	p0 =	seq.s32 s7, s2  }
0x1e: {  	s7 =	smul.u32 @!p0 $0xF7A, s2;
	p2 =	seq.s32 @!p0 s5, $0x0  }
0x1f: {  	s9 =	smul.u32 $0xF7A, s1;
	s8 =	simm.s32 @!p0 $0x1BF5;
	p2 =	por !p2, p0  }
0x20: {  	[sflag:s8] =	ssyncset.s32 @!p0 $0xFFFFF086;
	s6 =	sadd.s32 @!p0 s3, s7;
	s7 =	simm.s32 @!p0 $0x108  }
0x21: {  	s3 =	sadd.s32 s3, s9;
	s6 =	sadd.s32 @!p0 $0x88, s6;
	s7 =	simm.s32 @p2 $0x1082  }
0x22: {  	[simem:s7], [sflag:s8] =	dma.local @!p0 [hbm:s6], $0xF7A  }
0x23: {  	s9 =	sor.u32 $0xD0000000, s2;
	s6 =	simm.s32 $0x108;
	_ =	swait.ge @!p0 [sflag:s8], $0x0  }
0x24: {  	s3 =	sadd.s32 $0x88, s3;
	s6 =	simm.s32 @!p1 $0x1082;
	[sflag:s4] =	ssyncset.s32 $0xFFFFF086  }
0x25: {  	[simem:s6], [sflag:s4] =	dma.local [hbm:s3], $0xF7A  }
0x26: {  	[smem:$0x3F94] =	sst s1;
	(tag) =	ssettag s2;
	_ =	strace s9  }
0x27: {  	s1 =	sld [smem:$0x3FA4]  }
0x28: {  	s2 =	sld [smem:$0x3FA5]  }
0x29: {  	s4 =	sld [smem:$0x3FA7]  }
0x2a: {  	p0 =	seq.s32 s5, $0x0;
	s5 =	sld [smem:$0x3FA8]  }
0x2b: {  	s6 =	sld [smem:$0x3FA9]  }
0x2c: {  	s7 =	sld [smem:$0x3FAA]  }
0x2d: {  	s3 =	simm.s32 $0x108;
	s8 =	sld [smem:$0x3FAB]  }
0x2e: {  	s3 =	simm.s32 @!p0 $0x1082;
	s9 =	sld [smem:$0x3FAC]  }
0x2f: {  	lr =	sadd.s32 s0, s3;
	s0 =	sld [smem:$0x3FA3]  }
0x30: {  	s3 =	sld [smem:$0x3FA6]  }
0x31: {  	[smem:$0x3FAF] =	sst s10  }
0x32: {  	s10 =	sld [smem:$0x3FAD];
	_ =	sdelay $0x3  }
0x33: {  	p0 =	seq.s32 s10, $0x1;
	s10 =	sld [smem:$0x3FAF];
	_ =	sdelay $0x3  }
0x34: {  	[smem:$0x3FAF] =	sst s10  }
0x35: {  	s10 =	sld [smem:$0x3FAE];
	_ =	sdelay $0x3  }
0x36: {  	p1 =	seq.s32 s10, $0x1;
	s10 =	sld [smem:$0x3FAF];
	_ =	sdelay $0x3  }
0x37: {  	[smem:$0x3FAF] =	sst s10  }
0x38: {  	s10 =	sld [smem:$0x3FB0]  }
0x39: {  	_ = 	snop;
	(pc) =	sbr.ind lr, $3  }
0x3a: {  	_ = 	snop  }
0x3b: {  	_ = 	snop  }
0x3c: {  	p2 =	seq.s32 s10, $0x1;
	s10 =	sld [smem:$0x3FAF]  }
0x3d: {  	_ =	shalt  }
0x3e: {  	_ =	shalt  }
0x3f: {  	_ =	shalt  }
0x40: {  	_ =	shalt  }
0x41: {  	_ =	shalt  }
0x42: {  	_ =	shalt  }
0x43: {  	_ =	shalt  }
0x44: {  	_ =	shalt  }
0x45: {  	_ =	shalt  }
0x46: {  	_ =	shalt  }
0x47: {  	_ =	shalt  }
0x48: {  	_ =	shalt  }
0x49: {  	_ =	shalt  }
0x4a: {  	_ =	shalt  }
0x4b: {  	_ =	shalt  }
0x4c: {  	_ =	shalt  }
0x4d: {  	_ =	shalt  }
0x4e: {  	_ =	shalt  }
0x4f: {  	_ =	shalt  }
0x50: {  	_ =	shalt  }
0x51: {  	_ =	shalt  }
0x52: {  	_ =	shalt  }
0x53: {  	_ =	shalt  }
0x54: {  	_ =	shalt  }
0x55: {  	_ =	shalt  }
0x56: {  	_ =	shalt  }
0x57: {  	_ =	shalt  }
0x58: {  	_ =	shalt  }
0x59: {  	_ =	shalt  }
0x5a: {  	_ =	shalt  }
0x5b: {  	_ =	shalt  }
0x5c: {  	_ =	shalt  }
0x5d: {  	_ =	shalt  }
0x5e: {  	_ =	shalt  }
0x5f: {  	_ =	shalt  }
0x60: {  	_ =	shalt  }
0x61: {  	_ =	shalt  }
0x62: {  	_ =	shalt  }
0x63: {  	_ =	shalt  }
0x64: {  	_ =	shalt  }
0x65: {  	_ =	shalt  }
0x66: {  	_ =	shalt  }
0x67: {  	_ =	shalt  }
0x68: {  	_ =	shalt  }
0x69: {  	_ =	shalt  }
0x6a: {  	_ =	shalt  }
0x6b: {  	_ =	shalt  }
0x6c: {  	_ =	shalt  }
0x6d: {  	_ =	shalt  }
0x6e: {  	_ =	shalt  }
0x6f: {  	_ =	shalt  }
0x70: {  	_ =	shalt  }
0x71: {  	_ =	shalt  }
0x72: {  	_ =	shalt  }
0x73: {  	_ =	shalt  }
0x74: {  	_ =	shalt  }
0x75: {  	_ =	shalt  }
0x76: {  	_ =	shalt  }
0x77: {  	_ =	shalt  }
0x78: {  	_ =	shalt  }
0x79: {  	_ =	shalt  }
0x7a: {  	_ =	shalt  }
0x7b: {  	_ =	shalt  }
0x7c: {  	_ =	shalt  }
0x7d: {  	_ =	shalt  }
0x7e: {  	_ =	shalt  }
0x7f: {  	_ =	shalt  }
0x80: {  	_ =	shalt  }
0x81: {  	_ =	shalt  }
0x82: {  	_ =	shalt  }
0x83: {  	_ =	shalt  }
0x84: {  	_ =	shalt  }
0x85: {  	_ =	shalt  }
0x86: {  	_ =	shalt  }
0x87: {  	_ =	shalt  }
.Lfunc_end0:
.L_simem_size_0:
called_computation.2_lowered:
.L_overlay_start_0:
0x88: {  	s2 =	sld [smem:$0x3FD9]  }
0x89: {  	s3 =	sld [smem:$0x3FFE];
	_ =	sdelay $0x1  }
0x8a: {  	s1 =	srdreg.scid  }
0x8b: {  	s0 =	sand.u32 $0x1, s1  }
0x8c: {  	s15 =	sshll.u32 s0, $0xA;
	s2 =	sadd.s32 s3, s2  }
0x8d: {  	s2 =	sadd.s32 s2, s15  }
0x8e: {  	[smem:$0x3FBB] =	sst s2  }
0x8f: {  	_ = 	snop  }
0x90: {  	s2 =	sld [smem:$0x3FD0];
	_ =	sdelay $0x2  }
0x91: {  	s16 =	simm.s32 $0xB;
	s4 =	simm.s32 $0x10  }
0x92: {  	[smem:s4], [sflag:s16] =	dma.local [hbm:s2], $0x1  }
0x93: {  	_ =	swait.eq [sflag:s16], $0x1  }
0x94: {  	[sflag:s16] =	ssyncset.done $0x0  }
0x95: {  	[sflag:s16] =	ssyncadd.s32 $0xFFFFFFFF  }
0x96: {  	s17 =	sld [smem:$0x11];
	(tm) =	ssettm $0x1  }
0x97: {  	s18 =	sld [smem:$0x3FFB];
	_ =	sdelay $0x3  }
0x98: {  	_ =	strace s18  }
0x99: {  	s2 =	sld [smem:$0x3FFC];
	_ =	sdelay $0x3  }
0x9a: {  	_ =	strace s2  }
0x9b: {  	s2 =	sld [smem:$0x3FFD];
	_ =	sdelay $0x3  }
0x9c: {  	_ =	strace s2  }
0x9d: {  	_ =	strace $0x8FFFFFFF  }
0x9e: {  	s19 =	sld [smem:$0x3FDB];
	_ =	sdelay $0x1  }
0x9f: {  	s20 =	simm.s32 $_scs_section_size  }
0xa0: {  	s5 =	simm.s32 $_size__tile_overlayer_lowered;
	s6 =	simm.s32 $_tile_overlayer_lowered  }
0xa1: {  	s7 =	simm.s32 $0x1BFF;
	s21 =	sshll.u32 s6, $0x1;
	s4 =	sadd.s32 s20, s19  }
0xa2: {  	s22 =	simm.s32 $0x0;
	s5 =	sshll.u32 s5, $0x1;
	s6 =	sadd.s32 s21, s4  }
0xa3: {  	[timem:s22], [sflag:s7] =	dma.local [hbm:s6], s5  }
0xa4: {  	_ =	swait.ge [sflag:s7], s5  }
0xa5: {  	s5 =	ssub.s32 $0x0, s5;
	[sflag:s7] =	ssyncset.done $0x0  }
0xa6: {  	[sflag:s7] =	ssyncadd.s32 s5;
	_ =	sdelay $0x1  }
0xa7: {  	s23 =	simm.s32 $0x1B8B  }
0xa8: {  	_ =	swait.ge [sflag:s23], $0x1  }
0xa9: {  	[sflag:s23] =	ssyncset.done $0x0  }
0xaa: {  	[sflag:s23] =	ssyncadd.s32 $0xFFFFFFFF  }
0xab: {  	s5 =	sld [smem:$0x0]  }
0xac: {  	s6 =	sand.u32 $0xFFFFFFFE, s1  }
0xad: {  	p0 =	sne.s32 s1, s6  }
0xae: {  	s6 =	sshll.u32 @p0 s6, $0xE  }
0xaf: {  	s6 =	sadd.s32 @p0 $0x11B8D, s6;
	s7 =	sshll.u32 @p0 s5, $0x11  }
0xb0: {  	s6 =	sor.u32 @p0 s7, s6  }
0xb1: {  	[sflag:s6] =	ssyncadd.remote.s32 @p0 $0x1;
	_ =	sdelay $0x1  }
0xb2: {  	s6 =	simm.s32 @p0 $0x1B8D  }
0xb3: {  	_ =	swait.eq @p0 [sflag:s6], $0x1  }
0xb4: {  	[sflag:s6] =	ssyncadd.s32 @p0 $0xFFFFFFFF  }
0xb5: {  	s7 =	sshll.u32 @!p0 s1, $0xE  }
0xb6: {  	s7 =	sor.u32 @!p0 $0x4000, s7;
	s6 =	simm.s32 @!p0 $0x1B8D  }
0xb7: {  	s5 =	sshll.u32 @!p0 s5, $0x11;
	s7 =	sadd.s32 @!p0 $0x11B8D, s7;
	_ =	swait.eq @!p0 [sflag:s6], $0x1  }
0xb8: {  	s5 =	sor.u32 @!p0 s5, s7;
	[sflag:s6] =	ssyncadd.s32 @!p0 $0xFFFFFFFF  }
0xb9: {  	s25 =	simm.s32 $0x1B8E;
	s24 =	sld [smem:$0x3FFE];
	[sflag:s5] =	ssyncadd.remote.s32 @!p0 $0x1  }
0xba: {  	s26 =	simm.s32 $execute0_lowered;
	[smem:$0x3FD2] =	sst s25  }
0xbb: {  	s6 =	sshll.u32 s26, $0x1;
	_ =	strace $0x8000004C;
	[dreg:$0x1] =	wrdreg $0xFFFFFFFF  }
0xbc: {  	s28 =	simm.s32 $_size_execute0_lowered;
	s4 =	sadd.s32 s4, s6;
	[dreg:$0x0] =	wrdreg $0x0  }
0xbd: {  	s6 =	sshll.u32 s28, $0x1;
	[dreg:$0x2] =	wrdreg s4  }
0xbe: {  	[dreg:$0x3] =	wrdreg s6  }
0xbf: {  	[dreg:$0x4] =	wrdreg $0xC0  }
0xc0: {  	_ =	task [dreg:s22], $0x5FFFF  }
0xc1: {  	[dreg:$0x1] =	wrdreg $0xFFFFFFFF  }
0xc2: {  	[dreg:$0x0] =	wrdreg $0x60  }
0xc3: {  	[dreg:$0x2] =	wrdreg s24  }
0xc4: {  	[dreg:$0x3] =	wrdreg s17  }
0xc5: {  	[dreg:$0x4] =	wrdreg $0x70000  }
0xc6: {  	[dreg:$0x5] =	wrdreg $0xA  }
0xc7: {  	_ =	task.clear_ibuf [dreg:s22], $0x6FFFF;
	_ =	strace $0x9000004C  }
0xc8: {  	s29 =	simm.s32 $0xA;
	_ =	strace $0x8000004E  }
0xc9: {  	_ =	swait.ge [sflag:s29], $0x1  }
0xca: {  	[sflag:s29] =	ssyncadd.s32 $0xFFFFFFFF  }
0xcb: {  	_ =	strace $0x9000004E  }
0xcc: {  	_ =	sfence  }
0xcd: {  	s30 =	sld [smem:$0x0];
	_ =	sdelay $0x2  }
0xce: {  	s31 =	sshll.u32 s1, $0xD;
	s1 =	sshrl.u32 s1, $0x2  }
0xcf: {  	s4 =	sand.u32 $0x4000, s31;
	s1 =	sadd.s32 s1, s30  }
0xd0: {  	s0 =	sor.u32 s4, s0;
	s1 =	sshll.u32 s1, $0x11  }
0xd1: {  	s0 =	sor.u32 s1, s0  }
0xd2: {  	s0 =	sadd.s32 $0x8F2B, s0  }
0xd3: {  	[sflag:s0] =	ssyncadd.remote.s32 $0x1  }
0xd4: {  	_ =	sfence.sel $0xFFFF  }
0xd5: {  	[dreg:$0x0] =	wrdreg $0xFFFFFFFF;
	(pc) =	sbr.abs _section_cstart, $3  }
0xd6: {  	[dreg:$0x1] =	wrdreg $0xFFFFFFFF  }
0xd7: {  	_ =	task.clear_ibuf [dreg:s22], $0x2FFFF;
	_ =	strace $0x9FFFFFFF  }
0xd8: {  	(tm) =	ssettm $0x7FFFFFFF  }
0xd9: {  	_ =	shalt  }
tec
execute0_lowered:
.L_overlay_start_1:
0x0: {  	(tag) =	ssettag $0x1  }
0x1: {  	s0 =	rddreg [dreg:$0x0]  }
0x2: {  	s12 =	rddreg [dreg:$0x1]  }
0x3: {  	s2 =	rddreg [dreg:$0x2]  }
0x4: {  	s3 =	simm.s32 $0x0;
	s1 =	stileid.u32;
	s5 =	srdreg.scid  }
0x5: {  	s28 =	simm.s32 $0x1000;
	s29 =	simm.s32 $0x2000;
	s30 =	simm.s32 $0x4800  }
0x6: {  	s31 =	simm.s32 $0x1;
	[smem:$0x7FF] =	sst s3;
	s4 =	sshll.u32 s1, $0xA  }
0x7: {  	s6 =	sadd.s32 $0xC96200, s0;
	s5 =	sand.u32 $0x1, s5;
	s7 =	sadd.s32 $0x5CA00, s0  }
0x8: {  	s19 =	sadd.s32 $0x83C00, s0;
	s8 =	sadd.s32 $0xAAE00, s0;
	s22 =	sadd.s32 $0xC96280, s0  }
0x9: {  	s10 =	smul.u32 $0x4D800, s1;
	s11 =	sadd.s32 $0xC96300, s0;
	s13 =	sadd.s32 $0x27100, s12  }
0xa: {  	s24 =	sadd.s32 $0xC96380, s0;
	_ =	strace $0x8000004D;
	[dreg:$0x4] =	wrdreg s7  }
0xb: {  	s14 =	sadd.s32 $0xD1F00, s0;
	s12 =	sadd.s32 $0x4E200, s12;
	[dreg:$0x5] =	wrdreg s19  }
0xc: {  	s15 =	sadd.s32 $0xF9000, s0;
	p0 =	sne.s32 s1, $0x0;
	[dreg:$0x6] =	wrdreg s8  }
0xd: {  	p2 =	seq.s32 s1, $0x0;
	s1 =	simm.s32 $0x2;
	[dreg:$0x8] =	wrdreg s13  }
0xe: {  	s4 =	sadd.s32 s4, s0;
	s20 =	ssub.s32 $0x2, s5;
	[dreg:$0xa] =	wrdreg s14  }
0xf: {  	[dreg:$0xb] =	wrdreg s12;
	p1 =	sne.s32 s5, $0x0;
	s0 =	simm.s32 $0x50  }
0x10: {  	s5 =	simm.s32 $0x3;
	s21 =	sshrl.u32 s20, $0x1;
	s7 =	sadd.s32 $0xC91C00, s4  }
0x11: {  	s9 =	sadd.s32 s10, s22;
	s23 =	sadd.s32 s10, s11;
	s25 =	sadd.s32 s10, s24  }
0x12: {  	s26 =	sadd.s32 $0x1400, s10;
	s4 =	simm.s32 $0x80;
	[dreg:$0x7] =	wrdreg s9  }
0x13: {  	s8 =	ssub.s32 s20, s21;
	s9 =	sadd.s32 s6, s10;
	[dreg:$0x9] =	wrdreg s23  }
.Ltmp0:
0x14: {  	[dreg:$0xc] =	wrdreg s25;
	s17 =	sadd.s32 s26, s22;
	(pc) =	sbr.rel .LBB2_1-.Ltmp0, $4  }
0x15: {  	s18 =	sadd.s32 s26, s24;
	s19 =	sadd.s32 s6, s26;
	s20 =	sadd.s32 s26, s11  }
0x16: {  	s25 =	simm.s32 $0x5;
	s26 =	simm.s32 $0x400;
	s6 =	simm.s32 $0x4  }
0x17: {  	s16 =	smax.u32 s8, $0x1;
	s21 =	sadd.s32 $0x2880, s9;
	s22 =	sadd.s32 $0x2980, s9  }
0x18: {  	s23 =	sadd.s32 $0x2800, s9;
	s24 =	sadd.s32 $0x2900, s9;
	s8 =	simm.s32 $0x0  }
.LBB2_12:
0x19: {  	s11 =	sshrl.u32 s2, $0x3;
	s12 =	simm.s32 $0x1C05  }
0x1a: {  	[hbm:s10], [sflag:s12] =	dma.local [spmem:s11], $0x27100  }
0x1b: {  	_ =	swait.ge [sflag:s25], $0x27100  }
0x1c: {  	[sflag:s25] =	ssyncset.done $0x0  }
0x1d: {  	[sflag:s25] =	ssyncadd.s32 $0xFFFD8F00  }
.LBB2_13:
0x1e: {  	s8 =	sadd.s32 $0x1, s8  }
0x1f: {  	p3 =	sne.s32 s8, s16  }
.Ltmp1:
0x20: {  	_ = 	snop;
	(pc) =	sbr.rel @!p3 .LBB2_14-.Ltmp1, $1  }
0x21: {  	_ =	sdelay $0x3  }
.LBB2_1:
0x22: {  	[tilespmem:s3], [sflag:$0x5] =	stream.linear.gather [hbm4b:s7+s3], $0x1F00, $0x38;
	[tilespmem:$0x1A880] =	vst v63  }
.Ltmp2:
0x23: {  	_ =	swait.ge [sflag:s25], $0x1F00;
	(pc) =	sbr.rel @p1 .LBB2_7-.Ltmp2, $4  }
0x24: {  	[sflag:s25] =	ssyncset.done $0x0  }
0x25: {  	[sflag:s25] =	ssyncadd.s32 $0xFFFFE100  }
0x26: {  	[bflag:$0x0] =	sbarrier.arrive $0xFFFF  }
0x27: {  	s11 =	sshrl.u32 @!p0 s2, $0x3;
	s10 =	sshrl.u32 @p2 s2, $0x3  }
0x28: {  	s13 =	simm.s32 @!p0 $0x1C05;
	s12 =	rddreg [dreg:$0x4]  }
0x29: {  	[spmem:s11], [sflag:s13] =	dma.local @!p0 [hbm:s12], $0x27100  }
0x2a: {  	s11 =	simm.s32 @!p0 $0x5  }
0x2b: {  	_ =	swait.ge @!p0 [sflag:s11], $0x27100  }
0x2c: {  	[sflag:s11] =	ssyncset.done @!p0 $0x0  }
0x2d: {  	[sflag:s11] =	ssyncadd.s32 @!p0 $0xFFFD8F00  }
0x2e: {  	[bflag:$0x0] =	sbarrier.arrive $0xFFFF  }
0x2f: {  	[tilespmem:s29], [sflag:$0x1] =	stream.strided.gather [hbm4b:s9+s26], $0x2800, s28, s26, $0x38;
	[tilespmem:$0x1A880] =	vst v63  }
0x30: {  	_ = 	snop  }
0x31: {  	[tilespmem:s30], [sflag:$0x2] =	stream.strided.gather [hbm4b:s19+s26], $0x2800, s28, s26, $0x38;
	[tilespmem:$0x1A880] =	vst v63  }
0x32: {  	_ =	swait.ge [sflag:s31], $0x2800  }
0x33: {  	[sflag:s31] =	ssyncset.done $0x0  }
0x34: {  	[sflag:s31] =	ssyncadd.s32 $0xFFFFD800  }
0x35: {  	[spmem:s2] =	stream.indirect.scatter.add.f32 [tilespmem:s29], [sflag:$0x3], $0x80, s3, s0, $0xb8;
	[tilespmem:$0x1A880] =	vst v63  }
0x36: {  	_ =	swait.ge [sflag:s1], $0x2800  }
0x37: {  	[sflag:s1] =	ssyncset.done $0x0  }
0x38: {  	[sflag:s1] =	ssyncadd.s32 $0xFFFFD800  }
0x39: {  	[spmem:s2] =	stream.indirect.scatter.add.f32 [tilespmem:s30], [sflag:$0x4], $0x80, s4, s0, $0xb8;
	[tilespmem:$0x1A880] =	vst v63  }
0x3a: {  	_ =	swait.ge [sflag:s5], $0x2800  }
0x3b: {  	[sflag:s5] =	ssyncset.done $0x0  }
0x3c: {  	[sflag:s5] =	ssyncadd.s32 $0xFFFFD800  }
0x3d: {  	[tilespmem:s29], [sflag:$0x1] =	stream.strided.gather [hbm4b:s23+s26], $0x2800, s28, s26, $0x38;
	[tilespmem:$0x1A880] =	vst v63  }
0x3e: {  	_ =	swait.ge [sflag:s6], $0x2800  }
0x3f: {  	[sflag:s6] =	ssyncset.done $0x0  }
0x40: {  	s13 =	sadd.s32 $0x1400, s23;
	[sflag:s6] =	ssyncadd.s32 $0xFFFFD800  }
0x41: {  	[tilespmem:s30], [sflag:$0x2] =	stream.strided.gather [hbm4b:s13+s26], $0x2800, s28, s26, $0x38;
	[tilespmem:$0x1A880] =	vst v63  }
0x42: {  	_ =	swait.ge [sflag:s31], $0x2800  }
0x43: {  	[sflag:s31] =	ssyncset.done $0x0  }
0x44: {  	s14 =	simm.s32 $0x100;
	[sflag:s31] =	ssyncadd.s32 $0xFFFFD800  }
0x45: {  	[spmem:s2] =	stream.indirect.scatter.add.f32 [tilespmem:s29], [sflag:$0x3], $0x80, s14, s0, $0xb8;
	[tilespmem:$0x1A880] =	vst v63  }
0x46: {  	_ =	swait.ge [sflag:s1], $0x2800  }
0x47: {  	s11 =	simm.s32 $0xFFFF8C00;
	[sflag:s1] =	ssyncset.done $0x0  }
0x48: {  	s13 =	sadd.s32 $0x2800, s23;
	s14 =	simm.s32 $0x180;
	[sflag:s1] =	ssyncadd.s32 $0xFFFFD800  }
.LBB2_3:
0x49: {  	[spmem:s2] =	stream.indirect.scatter.add.f32 [tilespmem:s30], [sflag:$0x4], $0x80, s14, s0, $0xb8;
	[tilespmem:$0x1A880] =	vst v63  }
0x4a: {  	s14 =	smov.u32 s11  }
0x4b: {  	p3 =	sne.s32 s11, $0xFFFFFC00;
	s11 =	sadd.s32 $0x400, s11;
	_ =	swait.ge [sflag:s5], $0x2800  }
0x4c: {  	[sflag:s5] =	ssyncset.done $0x0  }
0x4d: {  	[sflag:s5] =	ssyncadd.s32 $0xFFFFD800  }
0x4e: {  	[tilespmem:s29], [sflag:$0x1] =	stream.strided.gather [hbm4b:s13+s26], $0x2800, s28, s26, $0x38;
	[tilespmem:$0x1A880] =	vst v63  }
0x4f: {  	_ =	swait.ge [sflag:s6], $0x2800  }
0x50: {  	[sflag:s6] =	ssyncset.done $0x0  }
0x51: {  	s12 =	sadd.s32 $0x1400, s13;
	[sflag:s6] =	ssyncadd.s32 $0xFFFFD800  }
0x52: {  	[tilespmem:s30], [sflag:$0x2] =	stream.strided.gather [hbm4b:s12+s26], $0x2800, s28, s26, $0x38;
	[tilespmem:$0x1A880] =	vst v63  }
0x53: {  	_ =	swait.ge [sflag:s31], $0x2800  }
0x54: {  	s12 =	sshra.s32 s14, $0x2;
	[sflag:s31] =	ssyncset.done $0x0  }
.Ltmp3:
0x55: {  	s14 =	sadd.s32 $0x1F00, s12;
	[sflag:s31] =	ssyncadd.s32 $0xFFFFD800;
	(pc) =	sbr.rel @p3 .LBB2_3-.Ltmp3, $4  }
0x56: {  	[spmem:s2] =	stream.indirect.scatter.add.f32 [tilespmem:s29], [sflag:$0x3], $0x80, s14, s0, $0xb8;
	[tilespmem:$0x1A880] =	vst v63  }
0x57: {  	_ =	swait.ge [sflag:s1], $0x2800  }
0x58: {  	[sflag:s1] =	ssyncset.done $0x0  }
0x59: {  	s13 =	sadd.s32 $0x2800, s13;
	s14 =	sadd.s32 $0x1F80, s12;
	[sflag:s1] =	ssyncadd.s32 $0xFFFFD800  }
0x5a: {  	[spmem:s2] =	stream.indirect.scatter.add.f32 [tilespmem:s30], [sflag:$0x4], $0x80, s14, s0, $0xb8;
	[tilespmem:$0x1A880] =	vst v63  }
0x5b: {  	_ =	swait.ge [sflag:s5], $0x2800  }
0x5c: {  	[sflag:s5] =	ssyncset.done $0x0  }
0x5d: {  	[sflag:s5] =	ssyncadd.s32 $0xFFFFD800  }
0x5e: {  	_ =	swait.ge [sflag:s6], $0x2800  }
0x5f: {  	[sflag:s6] =	ssyncset.done $0x0  }
0x60: {  	[sflag:s6] =	ssyncadd.s32 $0xFFFFD800  }
0x61: {  	[bflag:$0x0] =	sbarrier.arrive $0xFFFF  }
0x62: {  	s11 =	simm.s32 @p2 $0x1C05;
	s12 =	rddreg [dreg:$0x5]  }
0x63: {  	[hbm:s12], [sflag:s11] =	dma.local @p2 [spmem:s10], $0x27100  }
0x64: {  	s12 =	simm.s32 @p2 $0x5  }
0x65: {  	_ =	swait.ge @p2 [sflag:s12], $0x27100  }
0x66: {  	[sflag:s12] =	ssyncset.done @p2 $0x0  }
0x67: {  	[sflag:s12] =	ssyncadd.s32 @p2 $0xFFFD8F00  }
0x68: {  	[bflag:$0x0] =	sbarrier.arrive @p2 $0xFFFF  }
0x69: {  	s13 =	rddreg [dreg:$0x8]  }
0x6a: {  	[spmem:s10], [sflag:s11] =	dma.local @p2 [hbm:s13], $0x27100  }
0x6b: {  	_ =	swait.ge @p2 [sflag:s12], $0x27100  }
0x6c: {  	[sflag:s12] =	ssyncset.done @p2 $0x0  }
0x6d: {  	[sflag:s12] =	ssyncadd.s32 @p2 $0xFFFD8F00  }
0x6e: {  	[bflag:$0x0] =	sbarrier.arrive @!p2 $0xFFFF  }
0x6f: {  	[bflag:$0x0] =	sbarrier.arrive $0xFFFF  }
0x70: {  	s12 =	rddreg [dreg:$0x9]  }
0x71: {  	[tilespmem:s29], [sflag:$0x1] =	stream.strided.gather [hbm4b:s12+s26], $0x2800, s28, s26, $0x38;
	[tilespmem:$0x1A880] =	vst v63  }
0x72: {  	_ = 	snop  }
0x73: {  	[tilespmem:s30], [sflag:$0x2] =	stream.strided.gather [hbm4b:s20+s26], $0x2800, s28, s26, $0x38;
	[tilespmem:$0x1A880] =	vst v63  }
0x74: {  	_ =	swait.ge [sflag:s31], $0x2800  }
0x75: {  	[sflag:s31] =	ssyncset.done $0x0  }
0x76: {  	[sflag:s31] =	ssyncadd.s32 $0xFFFFD800  }
0x77: {  	[spmem:s2] =	stream.indirect.scatter.add.f32 [tilespmem:s29], [sflag:$0x3], $0x80, s3, s0, $0xb8;
	[tilespmem:$0x1A880] =	vst v63  }
0x78: {  	_ =	swait.ge [sflag:s1], $0x2800  }
0x79: {  	[sflag:s1] =	ssyncset.done $0x0  }
0x7a: {  	[sflag:s1] =	ssyncadd.s32 $0xFFFFD800  }
0x7b: {  	[spmem:s2] =	stream.indirect.scatter.add.f32 [tilespmem:s30], [sflag:$0x4], $0x80, s4, s0, $0xb8;
	[tilespmem:$0x1A880] =	vst v63  }
0x7c: {  	_ =	swait.ge [sflag:s5], $0x2800  }
0x7d: {  	[sflag:s5] =	ssyncset.done $0x0  }
0x7e: {  	[sflag:s5] =	ssyncadd.s32 $0xFFFFD800  }
0x7f: {  	[tilespmem:s29], [sflag:$0x1] =	stream.strided.gather [hbm4b:s24+s26], $0x2800, s28, s26, $0x38;
	[tilespmem:$0x1A880] =	vst v63  }
0x80: {  	_ =	swait.ge [sflag:s6], $0x2800  }
0x81: {  	[sflag:s6] =	ssyncset.done $0x0  }
0x82: {  	s13 =	sadd.s32 $0x1400, s24;
	[sflag:s6] =	ssyncadd.s32 $0xFFFFD800  }
0x83: {  	[tilespmem:s30], [sflag:$0x2] =	stream.strided.gather [hbm4b:s13+s26], $0x2800, s28, s26, $0x38;
	[tilespmem:$0x1A880] =	vst v63  }
0x84: {  	_ =	swait.ge [sflag:s31], $0x2800  }
0x85: {  	[sflag:s31] =	ssyncset.done $0x0  }
0x86: {  	s14 =	simm.s32 $0x100;
	[sflag:s31] =	ssyncadd.s32 $0xFFFFD800  }
0x87: {  	[spmem:s2] =	stream.indirect.scatter.add.f32 [tilespmem:s29], [sflag:$0x3], $0x80, s14, s0, $0xb8;
	[tilespmem:$0x1A880] =	vst v63  }
0x88: {  	_ =	swait.ge [sflag:s1], $0x2800  }
0x89: {  	s10 =	simm.s32 $0xFFFF8C00;
	[sflag:s1] =	ssyncset.done $0x0  }
0x8a: {  	s11 =	sadd.s32 $0x2800, s24;
	s13 =	simm.s32 $0x180;
	[sflag:s1] =	ssyncadd.s32 $0xFFFFD800  }
.LBB2_5:
0x8b: {  	[spmem:s2] =	stream.indirect.scatter.add.f32 [tilespmem:s30], [sflag:$0x4], $0x80, s13, s0, $0xb8;
	[tilespmem:$0x1A880] =	vst v63  }
0x8c: {  	s12 =	smov.u32 s10  }
0x8d: {  	p3 =	sne.s32 s10, $0xFFFFFC00;
	s10 =	sadd.s32 $0x400, s10;
	_ =	swait.ge [sflag:s5], $0x2800  }
0x8e: {  	[sflag:s5] =	ssyncset.done $0x0  }
0x8f: {  	[sflag:s5] =	ssyncadd.s32 $0xFFFFD800  }
0x90: {  	[tilespmem:s29], [sflag:$0x1] =	stream.strided.gather [hbm4b:s11+s26], $0x2800, s28, s26, $0x38;
	[tilespmem:$0x1A880] =	vst v63  }
0x91: {  	_ =	swait.ge [sflag:s6], $0x2800  }
0x92: {  	[sflag:s6] =	ssyncset.done $0x0  }
0x93: {  	s13 =	sadd.s32 $0x1400, s11;
	[sflag:s6] =	ssyncadd.s32 $0xFFFFD800  }
0x94: {  	[tilespmem:s30], [sflag:$0x2] =	stream.strided.gather [hbm4b:s13+s26], $0x2800, s28, s26, $0x38;
	[tilespmem:$0x1A880] =	vst v63  }
0x95: {  	_ =	swait.ge [sflag:s31], $0x2800  }
0x96: {  	s12 =	sshra.s32 s12, $0x2;
	[sflag:s31] =	ssyncset.done $0x0  }
.Ltmp4:
0x97: {  	s13 =	sadd.s32 $0x1F00, s12;
	[sflag:s31] =	ssyncadd.s32 $0xFFFFD800;
	(pc) =	sbr.rel @p3 .LBB2_5-.Ltmp4, $4  }
0x98: {  	[spmem:s2] =	stream.indirect.scatter.add.f32 [tilespmem:s29], [sflag:$0x3], $0x80, s13, s0, $0xb8;
	[tilespmem:$0x1A880] =	vst v63  }
0x99: {  	_ =	swait.ge [sflag:s1], $0x2800  }
0x9a: {  	[sflag:s1] =	ssyncset.done $0x0  }
0x9b: {  	s11 =	sadd.s32 $0x2800, s11;
	s13 =	sadd.s32 $0x1F80, s12;
	[sflag:s1] =	ssyncadd.s32 $0xFFFFD800  }
0x9c: {  	[spmem:s2] =	stream.indirect.scatter.add.f32 [tilespmem:s30], [sflag:$0x4], $0x80, s13, s0, $0xb8;
	[tilespmem:$0x1A880] =	vst v63  }
0x9d: {  	_ =	swait.ge [sflag:s5], $0x2800  }
0x9e: {  	[sflag:s5] =	ssyncset.done $0x0  }
0x9f: {  	[sflag:s5] =	ssyncadd.s32 $0xFFFFD800  }
.Ltmp5:
0xa0: {  	_ =	swait.ge [sflag:s6], $0x2800;
	(pc) =	sbr.rel @!p2 .LBB2_13-.Ltmp5, $4  }
.Ltmp6:
0xa1: {  	[sflag:s6] =	ssyncset.done $0x0;
	(pc) =	sbr.rel @p2 .LBB2_12-.Ltmp6, $4  }
0xa2: {  	[sflag:s6] =	ssyncadd.s32 $0xFFFFD800  }
0xa3: {  	[bflag:$0x0] =	sbarrier.arrive $0xFFFF  }
0xa4: {  	s10 =	rddreg [dreg:$0xa]  }
0xa5: {  	_ = 	snop  }
.LBB2_7:
0xa6: {  	s12 =	simm.s32 @!p0 $0x1C05;
	s13 =	rddreg [dreg:$0x1]  }
0xa7: {  	[spmem:s11], [sflag:s12] =	dma.local @!p0 [hbm:s13], $0x27100  }
0xa8: {  	s11 =	simm.s32 @!p0 $0x5  }
0xa9: {  	_ =	swait.ge @!p0 [sflag:s11], $0x27100  }
0xaa: {  	[sflag:s11] =	ssyncset.done @!p0 $0x0  }
0xab: {  	[sflag:s11] =	ssyncadd.s32 @!p0 $0xFFFD8F00  }
0xac: {  	[bflag:$0x0] =	sbarrier.arrive $0xFFFF  }
0xad: {  	s12 =	rddreg [dreg:$0x7]  }
0xae: {  	[tilespmem:s29], [sflag:$0x1] =	stream.strided.gather [hbm4b:s12+s26], $0x2800, s28, s26, $0x38;
	[tilespmem:$0x1A880] =	vst v63  }
0xaf: {  	_ = 	snop  }
0xb0: {  	[tilespmem:s30], [sflag:$0x2] =	stream.strided.gather [hbm4b:s17+s26], $0x2800, s28, s26, $0x38;
	[tilespmem:$0x1A880] =	vst v63  }
0xb1: {  	_ =	swait.ge [sflag:s31], $0x2800  }
0xb2: {  	[sflag:s31] =	ssyncset.done $0x0  }
0xb3: {  	[sflag:s31] =	ssyncadd.s32 $0xFFFFD800  }
0xb4: {  	[spmem:s2] =	stream.indirect.scatter.add.f32 [tilespmem:s29], [sflag:$0x3], $0x80, s3, s0, $0xb8;
	[tilespmem:$0x1A880] =	vst v63  }
0xb5: {  	_ =	swait.ge [sflag:s1], $0x2800  }
0xb6: {  	[sflag:s1] =	ssyncset.done $0x0  }
0xb7: {  	[sflag:s1] =	ssyncadd.s32 $0xFFFFD800  }
0xb8: {  	[spmem:s2] =	stream.indirect.scatter.add.f32 [tilespmem:s30], [sflag:$0x4], $0x80, s4, s0, $0xb8;
	[tilespmem:$0x1A880] =	vst v63  }
0xb9: {  	_ =	swait.ge [sflag:s5], $0x2800  }
0xba: {  	[sflag:s5] =	ssyncset.done $0x0  }
0xbb: {  	[sflag:s5] =	ssyncadd.s32 $0xFFFFD800  }
0xbc: {  	[tilespmem:s29], [sflag:$0x1] =	stream.strided.gather [hbm4b:s21+s26], $0x2800, s28, s26, $0x38;
	[tilespmem:$0x1A880] =	vst v63  }
0xbd: {  	_ =	swait.ge [sflag:s6], $0x2800  }
0xbe: {  	[sflag:s6] =	ssyncset.done $0x0  }
0xbf: {  	s13 =	sadd.s32 $0x1400, s21;
	[sflag:s6] =	ssyncadd.s32 $0xFFFFD800  }
0xc0: {  	[tilespmem:s30], [sflag:$0x2] =	stream.strided.gather [hbm4b:s13+s26], $0x2800, s28, s26, $0x38;
	[tilespmem:$0x1A880] =	vst v63  }
0xc1: {  	_ =	swait.ge [sflag:s31], $0x2800  }
0xc2: {  	[sflag:s31] =	ssyncset.done $0x0  }
0xc3: {  	s14 =	simm.s32 $0x100;
	[sflag:s31] =	ssyncadd.s32 $0xFFFFD800  }
0xc4: {  	[spmem:s2] =	stream.indirect.scatter.add.f32 [tilespmem:s29], [sflag:$0x3], $0x80, s14, s0, $0xb8;
	[tilespmem:$0x1A880] =	vst v63  }
0xc5: {  	_ =	swait.ge [sflag:s1], $0x2800  }
0xc6: {  	s11 =	simm.s32 $0xFFFF8C00;
	[sflag:s1] =	ssyncset.done $0x0  }
0xc7: {  	s13 =	sadd.s32 $0x2800, s21;
	s14 =	simm.s32 $0x180;
	[sflag:s1] =	ssyncadd.s32 $0xFFFFD800  }
.LBB2_8:
0xc8: {  	[spmem:s2] =	stream.indirect.scatter.add.f32 [tilespmem:s30], [sflag:$0x4], $0x80, s14, s0, $0xb8;
	[tilespmem:$0x1A880] =	vst v63  }
0xc9: {  	s12 =	smov.u32 s11  }
0xca: {  	p3 =	sne.s32 s11, $0xFFFFFC00;
	s11 =	sadd.s32 $0x400, s11;
	_ =	swait.ge [sflag:s5], $0x2800  }
0xcb: {  	[sflag:s5] =	ssyncset.done $0x0  }
0xcc: {  	[sflag:s5] =	ssyncadd.s32 $0xFFFFD800  }
0xcd: {  	[tilespmem:s29], [sflag:$0x1] =	stream.strided.gather [hbm4b:s13+s26], $0x2800, s28, s26, $0x38;
	[tilespmem:$0x1A880] =	vst v63  }
0xce: {  	_ =	swait.ge [sflag:s6], $0x2800  }
0xcf: {  	[sflag:s6] =	ssyncset.done $0x0  }
0xd0: {  	s14 =	sadd.s32 $0x1400, s13;
	[sflag:s6] =	ssyncadd.s32 $0xFFFFD800  }
0xd1: {  	[tilespmem:s30], [sflag:$0x2] =	stream.strided.gather [hbm4b:s14+s26], $0x2800, s28, s26, $0x38;
	[tilespmem:$0x1A880] =	vst v63  }
0xd2: {  	_ =	swait.ge [sflag:s31], $0x2800  }
0xd3: {  	s12 =	sshra.s32 s12, $0x2;
	[sflag:s31] =	ssyncset.done $0x0  }
.Ltmp7:
0xd4: {  	s14 =	sadd.s32 $0x1F00, s12;
	[sflag:s31] =	ssyncadd.s32 $0xFFFFD800;
	(pc) =	sbr.rel @p3 .LBB2_8-.Ltmp7, $4  }
0xd5: {  	[spmem:s2] =	stream.indirect.scatter.add.f32 [tilespmem:s29], [sflag:$0x3], $0x80, s14, s0, $0xb8;
	[tilespmem:$0x1A880] =	vst v63  }
0xd6: {  	_ =	swait.ge [sflag:s1], $0x2800  }
0xd7: {  	[sflag:s1] =	ssyncset.done $0x0  }
0xd8: {  	s13 =	sadd.s32 $0x2800, s13;
	s14 =	sadd.s32 $0x1F80, s12;
	[sflag:s1] =	ssyncadd.s32 $0xFFFFD800  }
0xd9: {  	[spmem:s2] =	stream.indirect.scatter.add.f32 [tilespmem:s30], [sflag:$0x4], $0x80, s14, s0, $0xb8;
	[tilespmem:$0x1A880] =	vst v63  }
0xda: {  	_ =	swait.ge [sflag:s5], $0x2800  }
0xdb: {  	[sflag:s5] =	ssyncset.done $0x0  }
0xdc: {  	[sflag:s5] =	ssyncadd.s32 $0xFFFFD800  }
0xdd: {  	_ =	swait.ge [sflag:s6], $0x2800  }
0xde: {  	[sflag:s6] =	ssyncset.done $0x0  }
0xdf: {  	[sflag:s6] =	ssyncadd.s32 $0xFFFFD800  }
0xe0: {  	[bflag:$0x0] =	sbarrier.arrive $0xFFFF  }
0xe1: {  	s11 =	simm.s32 @p2 $0x1C05;
	s12 =	rddreg [dreg:$0x6]  }
0xe2: {  	[hbm:s12], [sflag:s11] =	dma.local @p2 [spmem:s10], $0x27100  }
0xe3: {  	s12 =	simm.s32 @p2 $0x5  }
0xe4: {  	_ =	swait.ge @p2 [sflag:s12], $0x27100  }
0xe5: {  	[sflag:s12] =	ssyncset.done @p2 $0x0  }
0xe6: {  	[sflag:s12] =	ssyncadd.s32 @p2 $0xFFFD8F00  }
0xe7: {  	[bflag:$0x0] =	sbarrier.arrive @p2 $0xFFFF  }
0xe8: {  	s13 =	rddreg [dreg:$0xb]  }
0xe9: {  	[spmem:s10], [sflag:s11] =	dma.local @p2 [hbm:s13], $0x27100  }
0xea: {  	_ =	swait.ge @p2 [sflag:s12], $0x27100  }
0xeb: {  	[sflag:s12] =	ssyncset.done @p2 $0x0  }
0xec: {  	[sflag:s12] =	ssyncadd.s32 @p2 $0xFFFD8F00  }
0xed: {  	[bflag:$0x0] =	sbarrier.arrive @!p2 $0xFFFF  }
0xee: {  	[bflag:$0x0] =	sbarrier.arrive $0xFFFF  }
0xef: {  	s12 =	rddreg [dreg:$0xc]  }
0xf0: {  	[tilespmem:s29], [sflag:$0x1] =	stream.strided.gather [hbm4b:s12+s26], $0x2800, s28, s26, $0x38;
	[tilespmem:$0x1A880] =	vst v63  }
0xf1: {  	_ = 	snop  }
0xf2: {  	[tilespmem:s30], [sflag:$0x2] =	stream.strided.gather [hbm4b:s18+s26], $0x2800, s28, s26, $0x38;
	[tilespmem:$0x1A880] =	vst v63  }
0xf3: {  	_ =	swait.ge [sflag:s31], $0x2800  }
0xf4: {  	[sflag:s31] =	ssyncset.done $0x0  }
0xf5: {  	[sflag:s31] =	ssyncadd.s32 $0xFFFFD800  }
0xf6: {  	[spmem:s2] =	stream.indirect.scatter.add.f32 [tilespmem:s29], [sflag:$0x3], $0x80, s3, s0, $0xb8;
	[tilespmem:$0x1A880] =	vst v63  }
0xf7: {  	_ =	swait.ge [sflag:s1], $0x2800  }
0xf8: {  	[sflag:s1] =	ssyncset.done $0x0  }
0xf9: {  	[sflag:s1] =	ssyncadd.s32 $0xFFFFD800  }
0xfa: {  	[spmem:s2] =	stream.indirect.scatter.add.f32 [tilespmem:s30], [sflag:$0x4], $0x80, s4, s0, $0xb8;
	[tilespmem:$0x1A880] =	vst v63  }
0xfb: {  	_ =	swait.ge [sflag:s5], $0x2800  }
0xfc: {  	[sflag:s5] =	ssyncset.done $0x0  }
0xfd: {  	[sflag:s5] =	ssyncadd.s32 $0xFFFFD800  }
0xfe: {  	[tilespmem:s29], [sflag:$0x1] =	stream.strided.gather [hbm4b:s22+s26], $0x2800, s28, s26, $0x38;
	[tilespmem:$0x1A880] =	vst v63  }
0xff: {  	_ =	swait.ge [sflag:s6], $0x2800  }
0x100: {  	[sflag:s6] =	ssyncset.done $0x0  }
0x101: {  	s13 =	sadd.s32 $0x1400, s22;
	[sflag:s6] =	ssyncadd.s32 $0xFFFFD800  }
0x102: {  	[tilespmem:s30], [sflag:$0x2] =	stream.strided.gather [hbm4b:s13+s26], $0x2800, s28, s26, $0x38;
	[tilespmem:$0x1A880] =	vst v63  }
0x103: {  	_ =	swait.ge [sflag:s31], $0x2800  }
0x104: {  	[sflag:s31] =	ssyncset.done $0x0  }
0x105: {  	s14 =	simm.s32 $0x100;
	[sflag:s31] =	ssyncadd.s32 $0xFFFFD800  }
0x106: {  	[spmem:s2] =	stream.indirect.scatter.add.f32 [tilespmem:s29], [sflag:$0x3], $0x80, s14, s0, $0xb8;
	[tilespmem:$0x1A880] =	vst v63  }
0x107: {  	_ =	swait.ge [sflag:s1], $0x2800  }
0x108: {  	s10 =	simm.s32 $0xFFFF8C00;
	[sflag:s1] =	ssyncset.done $0x0  }
0x109: {  	s11 =	sadd.s32 $0x2800, s22;
	s13 =	simm.s32 $0x180;
	[sflag:s1] =	ssyncadd.s32 $0xFFFFD800  }
.LBB2_10:
0x10a: {  	[spmem:s2] =	stream.indirect.scatter.add.f32 [tilespmem:s30], [sflag:$0x4], $0x80, s13, s0, $0xb8;
	[tilespmem:$0x1A880] =	vst v63  }
0x10b: {  	s12 =	smov.u32 s10  }
0x10c: {  	p3 =	sne.s32 s10, $0xFFFFFC00;
	s10 =	sadd.s32 $0x400, s10;
	_ =	swait.ge [sflag:s5], $0x2800  }
0x10d: {  	[sflag:s5] =	ssyncset.done $0x0  }
0x10e: {  	[sflag:s5] =	ssyncadd.s32 $0xFFFFD800  }
0x10f: {  	[tilespmem:s29], [sflag:$0x1] =	stream.strided.gather [hbm4b:s11+s26], $0x2800, s28, s26, $0x38;
	[tilespmem:$0x1A880] =	vst v63  }
0x110: {  	_ =	swait.ge [sflag:s6], $0x2800  }
0x111: {  	[sflag:s6] =	ssyncset.done $0x0  }
0x112: {  	s13 =	sadd.s32 $0x1400, s11;
	[sflag:s6] =	ssyncadd.s32 $0xFFFFD800  }
0x113: {  	[tilespmem:s30], [sflag:$0x2] =	stream.strided.gather [hbm4b:s13+s26], $0x2800, s28, s26, $0x38;
	[tilespmem:$0x1A880] =	vst v63  }
0x114: {  	_ =	swait.ge [sflag:s31], $0x2800  }
0x115: {  	s12 =	sshra.s32 s12, $0x2;
	[sflag:s31] =	ssyncset.done $0x0  }
.Ltmp8:
0x116: {  	s13 =	sadd.s32 $0x1F00, s12;
	[sflag:s31] =	ssyncadd.s32 $0xFFFFD800;
	(pc) =	sbr.rel @p3 .LBB2_10-.Ltmp8, $4  }
0x117: {  	[spmem:s2] =	stream.indirect.scatter.add.f32 [tilespmem:s29], [sflag:$0x3], $0x80, s13, s0, $0xb8;
	[tilespmem:$0x1A880] =	vst v63  }
0x118: {  	_ =	swait.ge [sflag:s1], $0x2800  }
0x119: {  	[sflag:s1] =	ssyncset.done $0x0  }
0x11a: {  	s11 =	sadd.s32 $0x2800, s11;
	s13 =	sadd.s32 $0x1F80, s12;
	[sflag:s1] =	ssyncadd.s32 $0xFFFFD800  }
0x11b: {  	[spmem:s2] =	stream.indirect.scatter.add.f32 [tilespmem:s30], [sflag:$0x4], $0x80, s13, s0, $0xb8;
	[tilespmem:$0x1A880] =	vst v63  }
0x11c: {  	_ =	swait.ge [sflag:s5], $0x2800  }
0x11d: {  	[sflag:s5] =	ssyncset.done $0x0  }
0x11e: {  	[sflag:s5] =	ssyncadd.s32 $0xFFFFD800  }
.Ltmp9:
0x11f: {  	_ =	swait.ge [sflag:s6], $0x2800;
	(pc) =	sbr.rel @p0 .LBB2_13-.Ltmp9, $4  }
.Ltmp10:
0x120: {  	[sflag:s6] =	ssyncset.done $0x0;
	(pc) =	sbr.rel @!p0 .LBB2_12-.Ltmp10, $4  }
0x121: {  	[sflag:s6] =	ssyncadd.s32 $0xFFFFD800  }
0x122: {  	[bflag:$0x0] =	sbarrier.arrive $0xFFFF  }
0x123: {  	s10 =	smov.u32 s15  }
0x124: {  	_ = 	snop  }
.LBB2_14:
0x125: {  	_ =	sfence.sel $0x180000  }
0x126: {  	[bflag:$0x0] =	sbarrier.arrive $0xFFFF  }
0x127: {  	_ =	strace $0x9000004D  }
0x128: {  	[bflag:$0x2] =	sbarrier.arrive $0xFFFF  }
0x129: {  	s0 =	rddreg [dreg:$0x3]  }
0x12a: {  	s0 =	sadd.s32 @!p0 $0x100000, s0  }
0x12b: {  	[sflag:s0] =	ssyncadd.tile.s32 @!p0 $0x1;
	_ =	shalt  }
.Lfunc_end2:
_tile_overlayer_lowered:
.L_overlay_start_2:
0x12c: {  	(tag) =	ssettag $0x2  }
0x12d: {  	s0 =	rddreg [dreg:$0x0];
	s2 =	stileid.u32  }
0x12e: {  	s1 =	rddreg [dreg:$0x1];
	p0 =	sne.s32 s2, $0x0  }
0x12f: {  	s3 =	rddreg [dreg:$0x2];
	[bflag:$0x3] =	sbarrier.arrive $0xFFFF;
	s2 =	simm.s32 @!p0 $0x1C05  }
0x130: {  	[timem:s3], [sflag:s2] =	dma.local @!p0 [hbm:s0], s1  }
0x131: {  	s0 =	simm.s32 @!p0 $0x5  }
0x132: {  	_ =	swait.ge @!p0 [sflag:s0], s1  }
0x133: {  	s1 =	ssub.s32 @!p0 $0x0, s1;
	[sflag:s0] =	ssyncset.done @!p0 $0x0  }
0x134: {  	[sflag:s0] =	ssyncadd.s32 @!p0 s1  }
0x135: {  	[bflag:$0x3] =	sbarrier.arrive $0xFFFF  }
0x136: {  	_ =	shalt  }

// kernel: kernel.18.cloned.1.call-start
scs
__scs_entry_jumppad:
0x0: {  	(pc) =	sbr.rel $0x88, $3  }
0x1: {  	(tag) =	ssettag $0x0;
	lr =	simm.s32 $0x1  }
0x2: {  	[smem:$0x3F94] =	sst lr;
	_ =	strace $0xD0000000  }
0x3: {  	_ = 	snop  }
0x4: {  	_ = 	snop  }
0x5: {  	_ = 	snop  }
0x6: {  	_ = 	snop  }
0x7: {  	_ = 	snop  }
__scs_overlays_trampoline_lowered:
0x8: {  	[smem:$0x3FA3] =	sst s0  }
0x9: {  	[smem:$0x3FA4] =	sst s1  }
0xa: {  	[smem:$0x3FA5] =	sst s2  }
0xb: {  	[smem:$0x3FA6] =	sst s3  }
0xc: {  	[smem:$0x3FA7] =	sst s4  }
0xd: {  	[smem:$0x3FA8] =	sst s5  }
0xe: {  	[smem:$0x3FA9] =	sst s6  }
0xf: {  	[smem:$0x3FAA] =	sst s7  }
0x10: {  	[smem:$0x3FAB] =	sst s8  }
0x11: {  	[smem:$0x3FAC] =	sst s9;
	s0 =	simm.s32 @!p0 $0x0  }
0x12: {  	s1 =	sld [smem:$0x3F92];
	s0 =	simm.s32 @p0 $0x1  }
0x13: {  	[smem:$0x3FAD] =	sst s0;
	s0 =	simm.s32 @!p1 $0x0  }
0x14: {  	s2 =	sld [smem:$0x3F91];
	s0 =	simm.s32 @p1 $0x1  }
0x15: {  	[smem:$0x3FAE] =	sst s0;
	s0 =	simm.s32 @!p2 $0x0  }
0x16: {  	s3 =	sld [smem:$0x3FDB];
	s0 =	simm.s32 @p2 $0x1  }
0x17: {  	s4 =	simm.s32 $0x1BF5;
	[smem:$0x3FB0] =	sst s0  }
0x18: {  	s0 =	sld [smem:$0x3F93];
	_ =	swait.ge [sflag:s4], $0x0  }
0x19: {  	s7 =	sld [smem:$0x3F94]  }
0x1a: {  	s8 =	sadd.s32 $0xFFFFE003, lr  }
0x1b: {  	s9 =	sadd.s32 $0xFFFFFEF7, lr;
	s5 =	simm.s32 $0xFFFFFFFF;
	p2 =	slt.u32 s8, $0xFFFFF086  }
0x1c: {  	p1 =	slt.u32 s9, $0xF7A;
	s5 =	simm.s32 @!p2 $0x0  }
0x1d: {  	s5 =	simm.s32 @p1 $0x1;
	p0 =	seq.s32 s7, s2  }
0x1e: {  	s7 =	smul.u32 @!p0 $0xF7A, s2;
	p2 =	seq.s32 @!p0 s5, $0x0  }
0x1f: {  	s9 =	smul.u32 $0xF7A, s1;
	s8 =	simm.s32 @!p0 $0x1BF5;
	p2 =	por !p2, p0  }
0x20: {  	[sflag:s8] =	ssyncset.s32 @!p0 $0xFFFFF086;
	s6 =	sadd.s32 @!p0 s3, s7;
	s7 =	simm.s32 @!p0 $0x108  }
0x21: {  	s3 =	sadd.s32 s3, s9;
	s6 =	sadd.s32 @!p0 $0x88, s6;
	s7 =	simm.s32 @p2 $0x1082  }
0x22: {  	[simem:s7], [sflag:s8] =	dma.local @!p0 [hbm:s6], $0xF7A  }
0x23: {  	s9 =	sor.u32 $0xD0000000, s2;
	s6 =	simm.s32 $0x108;
	_ =	swait.ge @!p0 [sflag:s8], $0x0  }
0x24: {  	s3 =	sadd.s32 $0x88, s3;
	s6 =	simm.s32 @!p1 $0x1082;
	[sflag:s4] =	ssyncset.s32 $0xFFFFF086  }
0x25: {  	[simem:s6], [sflag:s4] =	dma.local [hbm:s3], $0xF7A  }
0x26: {  	[smem:$0x3F94] =	sst s1;
	(tag) =	ssettag s2;
	_ =	strace s9  }
0x27: {  	s1 =	sld [smem:$0x3FA4]  }
0x28: {  	s2 =	sld [smem:$0x3FA5]  }
0x29: {  	s4 =	sld [smem:$0x3FA7]  }
0x2a: {  	p0 =	seq.s32 s5, $0x0;
	s5 =	sld [smem:$0x3FA8]  }
0x2b: {  	s6 =	sld [smem:$0x3FA9]  }
0x2c: {  	s7 =	sld [smem:$0x3FAA]  }
0x2d: {  	s3 =	simm.s32 $0x108;
	s8 =	sld [smem:$0x3FAB]  }
0x2e: {  	s3 =	simm.s32 @!p0 $0x1082;
	s9 =	sld [smem:$0x3FAC]  }
0x2f: {  	lr =	sadd.s32 s0, s3;
	s0 =	sld [smem:$0x3FA3]  }
0x30: {  	s3 =	sld [smem:$0x3FA6]  }
0x31: {  	[smem:$0x3FAF] =	sst s10  }
0x32: {  	s10 =	sld [smem:$0x3FAD];
	_ =	sdelay $0x3  }
0x33: {  	p0 =	seq.s32 s10, $0x1;
	s10 =	sld [smem:$0x3FAF];
	_ =	sdelay $0x3  }
0x34: {  	[smem:$0x3FAF] =	sst s10  }
0x35: {  	s10 =	sld [smem:$0x3FAE];
	_ =	sdelay $0x3  }
0x36: {  	p1 =	seq.s32 s10, $0x1;
	s10 =	sld [smem:$0x3FAF];
	_ =	sdelay $0x3  }
0x37: {  	[smem:$0x3FAF] =	sst s10  }
0x38: {  	s10 =	sld [smem:$0x3FB0]  }
0x39: {  	_ = 	snop;
	(pc) =	sbr.ind lr, $3  }
0x3a: {  	_ = 	snop  }
0x3b: {  	_ = 	snop  }
0x3c: {  	p2 =	seq.s32 s10, $0x1;
	s10 =	sld [smem:$0x3FAF]  }
0x3d: {  	_ =	shalt  }
0x3e: {  	_ =	shalt  }
0x3f: {  	_ =	shalt  }
0x40: {  	_ =	shalt  }
0x41: {  	_ =	shalt  }
0x42: {  	_ =	shalt  }
0x43: {  	_ =	shalt  }
0x44: {  	_ =	shalt  }
0x45: {  	_ =	shalt  }
0x46: {  	_ =	shalt  }
0x47: {  	_ =	shalt  }
0x48: {  	_ =	shalt  }
0x49: {  	_ =	shalt  }
0x4a: {  	_ =	shalt  }
0x4b: {  	_ =	shalt  }
0x4c: {  	_ =	shalt  }
0x4d: {  	_ =	shalt  }
0x4e: {  	_ =	shalt  }
0x4f: {  	_ =	shalt  }
0x50: {  	_ =	shalt  }
0x51: {  	_ =	shalt  }
0x52: {  	_ =	shalt  }
0x53: {  	_ =	shalt  }
0x54: {  	_ =	shalt  }
0x55: {  	_ =	shalt  }
0x56: {  	_ =	shalt  }
0x57: {  	_ =	shalt  }
0x58: {  	_ =	shalt  }
0x59: {  	_ =	shalt  }
0x5a: {  	_ =	shalt  }
0x5b: {  	_ =	shalt  }
0x5c: {  	_ =	shalt  }
0x5d: {  	_ =	shalt  }
0x5e: {  	_ =	shalt  }
0x5f: {  	_ =	shalt  }
0x60: {  	_ =	shalt  }
0x61: {  	_ =	shalt  }
0x62: {  	_ =	shalt  }
0x63: {  	_ =	shalt  }
0x64: {  	_ =	shalt  }
0x65: {  	_ =	shalt  }
0x66: {  	_ =	shalt  }
0x67: {  	_ =	shalt  }
0x68: {  	_ =	shalt  }
0x69: {  	_ =	shalt  }
0x6a: {  	_ =	shalt  }
0x6b: {  	_ =	shalt  }
0x6c: {  	_ =	shalt  }
0x6d: {  	_ =	shalt  }
0x6e: {  	_ =	shalt  }
0x6f: {  	_ =	shalt  }
0x70: {  	_ =	shalt  }
0x71: {  	_ =	shalt  }
0x72: {  	_ =	shalt  }
0x73: {  	_ =	shalt  }
0x74: {  	_ =	shalt  }
0x75: {  	_ =	shalt  }
0x76: {  	_ =	shalt  }
0x77: {  	_ =	shalt  }
0x78: {  	_ =	shalt  }
0x79: {  	_ =	shalt  }
0x7a: {  	_ =	shalt  }
0x7b: {  	_ =	shalt  }
0x7c: {  	_ =	shalt  }
0x7d: {  	_ =	shalt  }
0x7e: {  	_ =	shalt  }
0x7f: {  	_ =	shalt  }
0x80: {  	_ =	shalt  }
0x81: {  	_ =	shalt  }
0x82: {  	_ =	shalt  }
0x83: {  	_ =	shalt  }
0x84: {  	_ =	shalt  }
0x85: {  	_ =	shalt  }
0x86: {  	_ =	shalt  }
0x87: {  	_ =	shalt  }
.Lfunc_end0:
.L_simem_size_0:
called_computation.3_lowered:
.L_overlay_start_0:
0x88: {  	s2 =	sld [smem:$0x3FD9]  }
0x89: {  	s3 =	sld [smem:$0x3FFE];
	_ =	sdelay $0x1  }
0x8a: {  	s1 =	srdreg.scid  }
0x8b: {  	s0 =	sand.u32 $0x1, s1  }
0x8c: {  	s14 =	sshll.u32 s0, $0xA;
	s2 =	sadd.s32 s3, s2  }
0x8d: {  	s2 =	sadd.s32 s2, s14  }
0x8e: {  	[smem:$0x3FBB] =	sst s2  }
0x8f: {  	_ = 	snop  }
0x90: {  	s2 =	sld [smem:$0x3FD0];
	_ =	sdelay $0x2  }
0x91: {  	s15 =	simm.s32 $0xB;
	s4 =	simm.s32 $0x10  }
0x92: {  	[smem:s4], [sflag:s15] =	dma.local [hbm:s2], $0x1  }
0x93: {  	_ =	swait.eq [sflag:s15], $0x1  }
0x94: {  	[sflag:s15] =	ssyncset.done $0x0  }
0x95: {  	s16 =	sld [smem:$0x10];
	[sflag:s15] =	ssyncadd.s32 $0xFFFFFFFF  }
0x96: {  	s17 =	sld [smem:$0x11];
	(tm) =	ssettm $0x1  }
0x97: {  	s18 =	sld [smem:$0x3FFB];
	_ =	sdelay $0x3  }
0x98: {  	_ =	strace s18  }
0x99: {  	s4 =	sld [smem:$0x3FFC];
	_ =	sdelay $0x3  }
0x9a: {  	_ =	strace s4  }
0x9b: {  	s4 =	sld [smem:$0x3FFD];
	_ =	sdelay $0x3  }
0x9c: {  	_ =	strace s4  }
0x9d: {  	_ =	strace $0x8FFFFFFF  }
0x9e: {  	s19 =	sld [smem:$0x3FDB];
	_ =	sdelay $0x1  }
0x9f: {  	s5 =	simm.s32 $_scs_section_size  }
0xa0: {  	s6 =	simm.s32 $_size__tile_overlayer_lowered;
	s7 =	simm.s32 $_tile_overlayer_lowered  }
0xa1: {  	s22 =	simm.s32 $0x1BFF;
	s21 =	sshll.u32 s7, $0x1;
	s4 =	sadd.s32 s5, s19  }
0xa2: {  	s8 =	simm.s32 $0x0;
	s20 =	sshll.u32 s6, $0x1;
	s6 =	sadd.s32 s21, s4  }
0xa3: {  	[timem:s8], [sflag:s22] =	dma.local [hbm:s6], s20  }
0xa4: {  	_ =	swait.ge [sflag:s22], s20  }
0xa5: {  	s5 =	ssub.s32 $0x0, s20;
	[sflag:s22] =	ssyncset.done $0x0  }
0xa6: {  	[sflag:s22] =	ssyncadd.s32 s5;
	_ =	sdelay $0x1  }
0xa7: {  	s23 =	simm.s32 $0x1B8B  }
0xa8: {  	_ =	swait.ge [sflag:s23], $0x1  }
0xa9: {  	[sflag:s23] =	ssyncset.done $0x0  }
0xaa: {  	s25 =	simm.s32 $0x1B8E;
	s24 =	sld [smem:$0x3FFE];
	[sflag:s23] =	ssyncadd.s32 $0xFFFFFFFF  }
0xab: {  	s26 =	simm.s32 $execute0_lowered;
	[smem:$0x3FD2] =	sst s25  }
0xac: {  	s6 =	sshll.u32 s26, $0x1;
	_ =	strace $0x8000004F;
	[dreg:$0x1] =	wrdreg $0xFFFFFFFF  }
0xad: {  	s28 =	simm.s32 $_size_execute0_lowered;
	s4 =	sadd.s32 s4, s6;
	[dreg:$0x0] =	wrdreg $0x0  }
0xae: {  	s6 =	sshll.u32 s28, $0x1;
	[dreg:$0x2] =	wrdreg s4  }
0xaf: {  	[dreg:$0x3] =	wrdreg s6  }
0xb0: {  	[dreg:$0x4] =	wrdreg $0xC0  }
0xb1: {  	_ =	task [dreg:s8], $0x5FFFF  }
0xb2: {  	[dreg:$0x1] =	wrdreg $0xFFFFFFFF  }
0xb3: {  	[dreg:$0x0] =	wrdreg $0x60  }
0xb4: {  	[dreg:$0x2] =	wrdreg s24  }
0xb5: {  	[dreg:$0x3] =	wrdreg s16  }
0xb6: {  	[dreg:$0x4] =	wrdreg s17  }
0xb7: {  	[dreg:$0x5] =	wrdreg $0x70000  }
0xb8: {  	[dreg:$0x6] =	wrdreg $0x9  }
0xb9: {  	_ =	task.clear_ibuf [dreg:s8], $0x7FFFF;
	_ =	strace $0x9000004F  }
0xba: {  	s29 =	simm.s32 $0x9;
	_ =	strace $0x80000051  }
0xbb: {  	_ =	swait.ge [sflag:s29], $0x1  }
0xbc: {  	[sflag:s29] =	ssyncadd.s32 $0xFFFFFFFF  }
0xbd: {  	_ =	strace $0x90000051  }
0xbe: {  	_ =	sfence  }
0xbf: {  	s30 =	sld [smem:$0x0];
	_ =	sdelay $0x2  }
0xc0: {  	s31 =	sshll.u32 s1, $0xD;
	s1 =	sshrl.u32 s1, $0x2  }
0xc1: {  	s3 =	sand.u32 $0x4000, s31;
	s1 =	sadd.s32 s1, s30  }
0xc2: {  	s0 =	sor.u32 s3, s0;
	s1 =	sshll.u32 s1, $0x11  }
0xc3: {  	s0 =	sor.u32 s1, s0  }
0xc4: {  	s0 =	sadd.s32 $0x8F2B, s0  }
0xc5: {  	[sflag:s0] =	ssyncadd.remote.s32 $0x1  }
0xc6: {  	_ =	sfence.sel $0xFFFF  }
0xc7: {  	[dreg:$0x0] =	wrdreg $0xFFFFFFFF;
	(pc) =	sbr.abs _section_cstart, $3  }
0xc8: {  	[dreg:$0x1] =	wrdreg $0xFFFFFFFF  }
0xc9: {  	_ =	task.clear_ibuf [dreg:s8], $0x2FFFF;
	_ =	strace $0x9FFFFFFF  }
0xca: {  	(tm) =	ssettm $0x7FFFFFFF  }
0xcb: {  	_ =	shalt  }
tec
execute0_lowered:
.L_overlay_start_1:
0x0: {  	(tag) =	ssettag $0x1  }
0x1: {  	s0 =	rddreg [dreg:$0x0]  }
0x2: {  	s14 =	rddreg [dreg:$0x2]  }
0x3: {  	s3 =	rddreg [dreg:$0x3];
	s4 =	simm.s32 $0x0;
	s1 =	stileid.u32  }
0x4: {  	s6 =	srdreg.scid;
	s30 =	simm.s32 $0x5;
	s31 =	simm.s32 $0x400  }
0x5: {  	[smem:$0x7FF] =	sst s4;
	s2 =	sadd.s32 $0x116E200, s0;
	s5 =	sshll.u32 s1, $0xA  }
0x6: {  	s7 =	smul.u32 $0x276000, s1;
	s8 =	sadd.s32 $0x83C00, s0;
	s15 =	sadd.s32 $0xAAE00, s0  }
0x7: {  	s6 =	sand.u32 $0x1, s6;
	s17 =	sadd.s32 $0x116E280, s0;
	s21 =	sadd.s32 $0x116E300, s0  }
0x8: {  	s11 =	smul.u32 $0x4EC00, s1;
	s13 =	sadd.s32 $0xD1F00, s0;
	s23 =	sadd.s32 $0x116E380, s0  }
0x9: {  	p0 =	sne.s32 s1, $0x0;
	_ =	strace $0x80000050;
	[dreg:$0x5] =	wrdreg s8  }
0xa: {  	p2 =	seq.s32 s1, $0x0;
	s1 =	simm.s32 $0x2000;
	[dreg:$0x6] =	wrdreg s15  }
0xb: {  	s5 =	sadd.s32 s5, s0;
	s16 =	ssub.s32 $0x2, s6;
	[dreg:$0xa] =	wrdreg s13  }
0xc: {  	p1 =	sne.s32 s6, $0x0;
	s6 =	simm.s32 $0x50;
	s13 =	simm.s32 $0x1F00  }
0xd: {  	s9 =	sshrl.u32 s16, $0x1;
	s7 =	sshrl.u32 s7, $0x3;
	s18 =	sadd.s32 s11, s17  }
0xe: {  	s10 =	sadd.s32 s2, s11;
	s22 =	sadd.s32 s11, s21;
	s24 =	sadd.s32 s11, s23  }
0xf: {  	s11 =	sadd.s32 $0x1400, s11;
	s8 =	ssub.s32 s16, s9;
	[dreg:$0x7] =	wrdreg s18  }
0x10: {  	s12 =	sadd.s32 s2, s7;
	s7 =	sadd.s32 $0x4600, s5;
	[dreg:$0xb] =	wrdreg s22  }
0x11: {  	[dreg:$0xd] =	wrdreg s24;
	s9 =	sadd.s32 s11, s17;
	s25 =	sadd.s32 s11, s23  }
0x12: {  	s2 =	sadd.s32 s2, s11;
	s26 =	sadd.s32 s11, s21;
	s21 =	sadd.s32 $0xF9000, s0  }
0x13: {  	s23 =	sadd.s32 $0x4E200, s14;
	s28 =	sadd.s32 $0x2800, s10;
	s29 =	sadd.s32 $0x2900, s10  }
0x14: {  	s0 =	simm.s32 $0x1000;
	s5 =	simm.s32 $0x1;
	[dreg:$0xe] =	wrdreg s9  }
0x15: {  	s11 =	simm.s32 $0x3;
	s19 =	sadd.s32 $0x4D880, s12;
	[dreg:$0xf] =	wrdreg s25  }
0x16: {  	s20 =	sadd.s32 $0x4D800, s12;
	s15 =	sadd.s32 $0x4D900, s12;
	[dreg:$0x10] =	wrdreg s2  }
.Ltmp0:
0x17: {  	[dreg:$0x11] =	wrdreg s26;
	s22 =	sadd.s32 $0x4D980, s12;
	(pc) =	sbr.rel .LBB2_1-.Ltmp0, $4  }
0x18: {  	s24 =	smax.u32 s8, $0x1;
	s25 =	sadd.s32 $0x2880, s10;
	s26 =	sadd.s32 $0x2980, s10  }
0x19: {  	s2 =	simm.s32 $0x4800;
	s8 =	simm.s32 $0x2;
	[dreg:$0x8] =	wrdreg s19  }
0x1a: {  	s9 =	simm.s32 $0x80;
	s12 =	simm.s32 $0x4;
	[dreg:$0x9] =	wrdreg s20  }
0x1b: {  	[dreg:$0xc] =	wrdreg s15;
	s20 =	sadd.s32 $0x27100, s14;
	s14 =	simm.s32 $0x0  }
.LBB2_12:
0x1c: {  	s16 =	sshrl.u32 s3, $0x3;
	s17 =	simm.s32 $0x1C05  }
0x1d: {  	[hbm:s15], [sflag:s17] =	dma.local [spmem:s16], $0x27100  }
0x1e: {  	_ =	swait.ge [sflag:s30], $0x27100  }
0x1f: {  	[sflag:s30] =	ssyncset.done $0x0  }
0x20: {  	[sflag:s30] =	ssyncadd.s32 $0xFFFD8F00  }
.LBB2_13:
0x21: {  	s14 =	sadd.s32 $0x1, s14  }
0x22: {  	p3 =	sne.s32 s14, s24  }
.Ltmp1:
0x23: {  	_ = 	snop;
	(pc) =	sbr.rel @!p3 .LBB2_14-.Ltmp1, $1  }
0x24: {  	_ =	sdelay $0x3  }
.LBB2_1:
0x25: {  	[tilespmem:s4], [sflag:$0x5] =	stream.linear.gather [hbm4b:s7+s4], $0x1F80, $0x38;
	[tilespmem:$0x1A880] =	vst v63  }
.Ltmp2:
0x26: {  	_ =	swait.ge [sflag:s30], $0x1F80;
	(pc) =	sbr.rel @p1 .LBB2_7-.Ltmp2, $4  }
0x27: {  	[sflag:s30] =	ssyncset.done $0x0  }
0x28: {  	[sflag:s30] =	ssyncadd.s32 $0xFFFFE080  }
0x29: {  	[bflag:$0x0] =	sbarrier.arrive $0xFFFF  }
0x2a: {  	s16 =	sshrl.u32 @!p0 s3, $0x3;
	s15 =	sshrl.u32 @p2 s3, $0x3  }
0x2b: {  	s17 =	simm.s32 @!p0 $0x1C05;
	s18 =	rddreg [dreg:$0x5]  }
0x2c: {  	[spmem:s16], [sflag:s17] =	dma.local @!p0 [hbm:s18], $0x27100  }
0x2d: {  	s16 =	simm.s32 @!p0 $0x5  }
0x2e: {  	_ =	swait.ge @!p0 [sflag:s16], $0x27100  }
0x2f: {  	[sflag:s16] =	ssyncset.done @!p0 $0x0  }
0x30: {  	[sflag:s16] =	ssyncadd.s32 @!p0 $0xFFFD8F00  }
0x31: {  	[bflag:$0x0] =	sbarrier.arrive $0xFFFF  }
0x32: {  	[tilespmem:s1], [sflag:$0x1] =	stream.strided.gather [hbm4b:s10+s31], $0x2800, s0, s31, $0x38;
	[tilespmem:$0x1A880] =	vst v63  }
0x33: {  	s17 =	rddreg [dreg:$0x10]  }
0x34: {  	[tilespmem:s2], [sflag:$0x2] =	stream.strided.gather [hbm4b:s17+s31], $0x2800, s0, s31, $0x38;
	[tilespmem:$0x1A880] =	vst v63  }
0x35: {  	_ =	swait.ge [sflag:s5], $0x2800  }
0x36: {  	[sflag:s5] =	ssyncset.done $0x0  }
0x37: {  	[sflag:s5] =	ssyncadd.s32 $0xFFFFD800  }
0x38: {  	[spmem:s3] =	stream.indirect.scatter.add.f32 [tilespmem:s1], [sflag:$0x3], $0x80, s4, s6, $0xb8;
	[tilespmem:$0x1A880] =	vst v63  }
0x39: {  	_ =	swait.ge [sflag:s8], $0x2800  }
0x3a: {  	[sflag:s8] =	ssyncset.done $0x0  }
0x3b: {  	[sflag:s8] =	ssyncadd.s32 $0xFFFFD800  }
0x3c: {  	[spmem:s3] =	stream.indirect.scatter.add.f32 [tilespmem:s2], [sflag:$0x4], $0x80, s9, s6, $0xb8;
	[tilespmem:$0x1A880] =	vst v63  }
0x3d: {  	_ =	swait.ge [sflag:s11], $0x2800  }
0x3e: {  	[sflag:s11] =	ssyncset.done $0x0  }
0x3f: {  	[sflag:s11] =	ssyncadd.s32 $0xFFFFD800  }
0x40: {  	[tilespmem:s1], [sflag:$0x1] =	stream.strided.gather [hbm4b:s28+s31], $0x2800, s0, s31, $0x38;
	[tilespmem:$0x1A880] =	vst v63  }
0x41: {  	_ =	swait.ge [sflag:s12], $0x2800  }
0x42: {  	[sflag:s12] =	ssyncset.done $0x0  }
0x43: {  	s18 =	sadd.s32 $0x1400, s28;
	[sflag:s12] =	ssyncadd.s32 $0xFFFFD800  }
0x44: {  	[tilespmem:s2], [sflag:$0x2] =	stream.strided.gather [hbm4b:s18+s31], $0x2800, s0, s31, $0x38;
	[tilespmem:$0x1A880] =	vst v63  }
0x45: {  	_ =	swait.ge [sflag:s5], $0x2800  }
0x46: {  	[sflag:s5] =	ssyncset.done $0x0  }
0x47: {  	s19 =	simm.s32 $0x100;
	[sflag:s5] =	ssyncadd.s32 $0xFFFFD800  }
0x48: {  	[spmem:s3] =	stream.indirect.scatter.add.f32 [tilespmem:s1], [sflag:$0x3], $0x80, s19, s6, $0xb8;
	[tilespmem:$0x1A880] =	vst v63  }
0x49: {  	_ =	swait.ge [sflag:s8], $0x2800  }
0x4a: {  	s16 =	simm.s32 $0xFFFF8C00;
	[sflag:s8] =	ssyncset.done $0x0  }
0x4b: {  	s17 =	sadd.s32 $0x2800, s28;
	s18 =	simm.s32 $0x180;
	[sflag:s8] =	ssyncadd.s32 $0xFFFFD800  }
.LBB2_3:
0x4c: {  	[spmem:s3] =	stream.indirect.scatter.add.f32 [tilespmem:s2], [sflag:$0x4], $0x80, s18, s6, $0xb8;
	[tilespmem:$0x1A880] =	vst v63  }
0x4d: {  	s18 =	smov.u32 s16  }
0x4e: {  	p3 =	sne.s32 s16, $0xFFFFFC00;
	s16 =	sadd.s32 $0x400, s16;
	_ =	swait.ge [sflag:s11], $0x2800  }
0x4f: {  	[sflag:s11] =	ssyncset.done $0x0  }
0x50: {  	[sflag:s11] =	ssyncadd.s32 $0xFFFFD800  }
0x51: {  	[tilespmem:s1], [sflag:$0x1] =	stream.strided.gather [hbm4b:s17+s31], $0x2800, s0, s31, $0x38;
	[tilespmem:$0x1A880] =	vst v63  }
0x52: {  	_ =	swait.ge [sflag:s12], $0x2800  }
0x53: {  	[sflag:s12] =	ssyncset.done $0x0  }
0x54: {  	s19 =	sadd.s32 $0x1400, s17;
	[sflag:s12] =	ssyncadd.s32 $0xFFFFD800  }
0x55: {  	[tilespmem:s2], [sflag:$0x2] =	stream.strided.gather [hbm4b:s19+s31], $0x2800, s0, s31, $0x38;
	[tilespmem:$0x1A880] =	vst v63  }
0x56: {  	_ =	swait.ge [sflag:s5], $0x2800  }
0x57: {  	s18 =	sshra.s32 s18, $0x2;
	[sflag:s5] =	ssyncset.done $0x0  }
.Ltmp3:
0x58: {  	s19 =	sadd.s32 $0x1F00, s18;
	[sflag:s5] =	ssyncadd.s32 $0xFFFFD800;
	(pc) =	sbr.rel @p3 .LBB2_3-.Ltmp3, $4  }
0x59: {  	[spmem:s3] =	stream.indirect.scatter.add.f32 [tilespmem:s1], [sflag:$0x3], $0x80, s19, s6, $0xb8;
	[tilespmem:$0x1A880] =	vst v63  }
0x5a: {  	_ =	swait.ge [sflag:s8], $0x2800  }
0x5b: {  	[sflag:s8] =	ssyncset.done $0x0  }
0x5c: {  	s17 =	sadd.s32 $0x2800, s17;
	s18 =	sadd.s32 $0x1F80, s18;
	[sflag:s8] =	ssyncadd.s32 $0xFFFFD800  }
0x5d: {  	[spmem:s3] =	stream.indirect.scatter.add.f32 [tilespmem:s2], [sflag:$0x4], $0x80, s18, s6, $0xb8;
	[tilespmem:$0x1A880] =	vst v63  }
0x5e: {  	_ =	swait.ge [sflag:s11], $0x2800  }
0x5f: {  	[sflag:s11] =	ssyncset.done $0x0  }
0x60: {  	s16 =	rddreg [dreg:$0x9];
	[sflag:s11] =	ssyncadd.s32 $0xFFFFD800  }
0x61: {  	[tilespmem:s1], [sflag:$0x1] =	stream.strided.gather [hbm4b:s16+s31], $0x2800, s0, s31, $0x38;
	[tilespmem:$0x1A880] =	vst v63  }
0x62: {  	_ =	swait.ge [sflag:s5], $0x2800  }
0x63: {  	[sflag:s5] =	ssyncset.done $0x0  }
0x64: {  	[sflag:s5] =	ssyncadd.s32 $0xFFFFD800  }
0x65: {  	[spmem:s3] =	stream.indirect.scatter.add.f32 [tilespmem:s1], [sflag:$0x3], $0x80, s13, s6, $0xb8;
	[tilespmem:$0x1A880] =	vst v63  }
0x66: {  	_ =	swait.ge [sflag:s11], $0x2800  }
0x67: {  	[sflag:s11] =	ssyncset.done $0x0  }
0x68: {  	[sflag:s11] =	ssyncadd.s32 $0xFFFFD800  }
0x69: {  	_ =	swait.ge [sflag:s12], $0x2800  }
0x6a: {  	[sflag:s12] =	ssyncset.done $0x0  }
0x6b: {  	[sflag:s12] =	ssyncadd.s32 $0xFFFFD800  }
0x6c: {  	[bflag:$0x0] =	sbarrier.arrive $0xFFFF  }
0x6d: {  	s16 =	simm.s32 @p2 $0x1C05;
	s17 =	rddreg [dreg:$0x1]  }
0x6e: {  	[hbm:s17], [sflag:s16] =	dma.local @p2 [spmem:s15], $0x27100  }
0x6f: {  	s17 =	simm.s32 @p2 $0x5  }
0x70: {  	_ =	swait.ge @p2 [sflag:s17], $0x27100  }
0x71: {  	[sflag:s17] =	ssyncset.done @p2 $0x0  }
0x72: {  	[sflag:s17] =	ssyncadd.s32 @p2 $0xFFFD8F00  }
0x73: {  	[bflag:$0x0] =	sbarrier.arrive @p2 $0xFFFF  }
0x74: {  	s18 =	rddreg [dreg:$0xa]  }
0x75: {  	[spmem:s15], [sflag:s16] =	dma.local @p2 [hbm:s18], $0x27100  }
0x76: {  	_ =	swait.ge @p2 [sflag:s17], $0x27100  }
0x77: {  	[sflag:s17] =	ssyncset.done @p2 $0x0  }
0x78: {  	[sflag:s17] =	ssyncadd.s32 @p2 $0xFFFD8F00  }
0x79: {  	[bflag:$0x0] =	sbarrier.arrive @!p2 $0xFFFF  }
0x7a: {  	[bflag:$0x0] =	sbarrier.arrive $0xFFFF  }
0x7b: {  	s16 =	rddreg [dreg:$0xb]  }
0x7c: {  	[tilespmem:s1], [sflag:$0x1] =	stream.strided.gather [hbm4b:s16+s31], $0x2800, s0, s31, $0x38;
	[tilespmem:$0x1A880] =	vst v63  }
0x7d: {  	s17 =	rddreg [dreg:$0x11]  }
0x7e: {  	[tilespmem:s2], [sflag:$0x2] =	stream.strided.gather [hbm4b:s17+s31], $0x2800, s0, s31, $0x38;
	[tilespmem:$0x1A880] =	vst v63  }
0x7f: {  	_ =	swait.ge [sflag:s5], $0x2800  }
0x80: {  	[sflag:s5] =	ssyncset.done $0x0  }
0x81: {  	[sflag:s5] =	ssyncadd.s32 $0xFFFFD800  }
0x82: {  	[spmem:s3] =	stream.indirect.scatter.add.f32 [tilespmem:s1], [sflag:$0x3], $0x80, s4, s6, $0xb8;
	[tilespmem:$0x1A880] =	vst v63  }
0x83: {  	_ =	swait.ge [sflag:s8], $0x2800  }
0x84: {  	[sflag:s8] =	ssyncset.done $0x0  }
0x85: {  	[sflag:s8] =	ssyncadd.s32 $0xFFFFD800  }
0x86: {  	[spmem:s3] =	stream.indirect.scatter.add.f32 [tilespmem:s2], [sflag:$0x4], $0x80, s9, s6, $0xb8;
	[tilespmem:$0x1A880] =	vst v63  }
0x87: {  	_ =	swait.ge [sflag:s11], $0x2800  }
0x88: {  	[sflag:s11] =	ssyncset.done $0x0  }
0x89: {  	[sflag:s11] =	ssyncadd.s32 $0xFFFFD800  }
0x8a: {  	[tilespmem:s1], [sflag:$0x1] =	stream.strided.gather [hbm4b:s29+s31], $0x2800, s0, s31, $0x38;
	[tilespmem:$0x1A880] =	vst v63  }
0x8b: {  	_ =	swait.ge [sflag:s12], $0x2800  }
0x8c: {  	[sflag:s12] =	ssyncset.done $0x0  }
0x8d: {  	s18 =	sadd.s32 $0x1400, s29;
	[sflag:s12] =	ssyncadd.s32 $0xFFFFD800  }
0x8e: {  	[tilespmem:s2], [sflag:$0x2] =	stream.strided.gather [hbm4b:s18+s31], $0x2800, s0, s31, $0x38;
	[tilespmem:$0x1A880] =	vst v63  }
0x8f: {  	_ =	swait.ge [sflag:s5], $0x2800  }
0x90: {  	[sflag:s5] =	ssyncset.done $0x0  }
0x91: {  	s19 =	simm.s32 $0x100;
	[sflag:s5] =	ssyncadd.s32 $0xFFFFD800  }
0x92: {  	[spmem:s3] =	stream.indirect.scatter.add.f32 [tilespmem:s1], [sflag:$0x3], $0x80, s19, s6, $0xb8;
	[tilespmem:$0x1A880] =	vst v63  }
0x93: {  	_ =	swait.ge [sflag:s8], $0x2800  }
0x94: {  	s15 =	simm.s32 $0xFFFF8C00;
	[sflag:s8] =	ssyncset.done $0x0  }
0x95: {  	s16 =	sadd.s32 $0x2800, s29;
	s17 =	simm.s32 $0x180;
	[sflag:s8] =	ssyncadd.s32 $0xFFFFD800  }
.LBB2_5:
0x96: {  	[spmem:s3] =	stream.indirect.scatter.add.f32 [tilespmem:s2], [sflag:$0x4], $0x80, s17, s6, $0xb8;
	[tilespmem:$0x1A880] =	vst v63  }
0x97: {  	s17 =	smov.u32 s15  }
0x98: {  	p3 =	sne.s32 s15, $0xFFFFFC00;
	s15 =	sadd.s32 $0x400, s15;
	_ =	swait.ge [sflag:s11], $0x2800  }
0x99: {  	[sflag:s11] =	ssyncset.done $0x0  }
0x9a: {  	[sflag:s11] =	ssyncadd.s32 $0xFFFFD800  }
0x9b: {  	[tilespmem:s1], [sflag:$0x1] =	stream.strided.gather [hbm4b:s16+s31], $0x2800, s0, s31, $0x38;
	[tilespmem:$0x1A880] =	vst v63  }
0x9c: {  	_ =	swait.ge [sflag:s12], $0x2800  }
0x9d: {  	[sflag:s12] =	ssyncset.done $0x0  }
0x9e: {  	s18 =	sadd.s32 $0x1400, s16;
	[sflag:s12] =	ssyncadd.s32 $0xFFFFD800  }
0x9f: {  	[tilespmem:s2], [sflag:$0x2] =	stream.strided.gather [hbm4b:s18+s31], $0x2800, s0, s31, $0x38;
	[tilespmem:$0x1A880] =	vst v63  }
0xa0: {  	_ =	swait.ge [sflag:s5], $0x2800  }
0xa1: {  	s17 =	sshra.s32 s17, $0x2;
	[sflag:s5] =	ssyncset.done $0x0  }
.Ltmp4:
0xa2: {  	s18 =	sadd.s32 $0x1F00, s17;
	[sflag:s5] =	ssyncadd.s32 $0xFFFFD800;
	(pc) =	sbr.rel @p3 .LBB2_5-.Ltmp4, $4  }
0xa3: {  	[spmem:s3] =	stream.indirect.scatter.add.f32 [tilespmem:s1], [sflag:$0x3], $0x80, s18, s6, $0xb8;
	[tilespmem:$0x1A880] =	vst v63  }
0xa4: {  	_ =	swait.ge [sflag:s8], $0x2800  }
0xa5: {  	[sflag:s8] =	ssyncset.done $0x0  }
0xa6: {  	s16 =	sadd.s32 $0x2800, s16;
	s17 =	sadd.s32 $0x1F80, s17;
	[sflag:s8] =	ssyncadd.s32 $0xFFFFD800  }
0xa7: {  	[spmem:s3] =	stream.indirect.scatter.add.f32 [tilespmem:s2], [sflag:$0x4], $0x80, s17, s6, $0xb8;
	[tilespmem:$0x1A880] =	vst v63  }
0xa8: {  	_ =	swait.ge [sflag:s11], $0x2800  }
0xa9: {  	[sflag:s11] =	ssyncset.done $0x0  }
0xaa: {  	s15 =	rddreg [dreg:$0xc];
	[sflag:s11] =	ssyncadd.s32 $0xFFFFD800  }
0xab: {  	[tilespmem:s1], [sflag:$0x1] =	stream.strided.gather [hbm4b:s15+s31], $0x2800, s0, s31, $0x38;
	[tilespmem:$0x1A880] =	vst v63  }
0xac: {  	_ =	swait.ge [sflag:s5], $0x2800  }
0xad: {  	[sflag:s5] =	ssyncset.done $0x0  }
0xae: {  	[sflag:s5] =	ssyncadd.s32 $0xFFFFD800  }
0xaf: {  	[spmem:s3] =	stream.indirect.scatter.add.f32 [tilespmem:s1], [sflag:$0x3], $0x80, s13, s6, $0xb8;
	[tilespmem:$0x1A880] =	vst v63  }
0xb0: {  	_ =	swait.ge [sflag:s11], $0x2800  }
0xb1: {  	[sflag:s11] =	ssyncset.done $0x0  }
0xb2: {  	[sflag:s11] =	ssyncadd.s32 $0xFFFFD800  }
.Ltmp5:
0xb3: {  	_ =	swait.ge [sflag:s12], $0x2800;
	(pc) =	sbr.rel @!p2 .LBB2_13-.Ltmp5, $4  }
.Ltmp6:
0xb4: {  	[sflag:s12] =	ssyncset.done $0x0;
	(pc) =	sbr.rel @p2 .LBB2_12-.Ltmp6, $4  }
0xb5: {  	[sflag:s12] =	ssyncadd.s32 $0xFFFFD800  }
0xb6: {  	[bflag:$0x0] =	sbarrier.arrive $0xFFFF  }
0xb7: {  	s15 =	smov.u32 s20  }
0xb8: {  	_ = 	snop  }
.LBB2_7:
0xb9: {  	s17 =	simm.s32 @!p0 $0x1C05;
	s18 =	rddreg [dreg:$0x6]  }
0xba: {  	[spmem:s16], [sflag:s17] =	dma.local @!p0 [hbm:s18], $0x27100  }
0xbb: {  	s16 =	simm.s32 @!p0 $0x5  }
0xbc: {  	_ =	swait.ge @!p0 [sflag:s16], $0x27100  }
0xbd: {  	[sflag:s16] =	ssyncset.done @!p0 $0x0  }
0xbe: {  	[sflag:s16] =	ssyncadd.s32 @!p0 $0xFFFD8F00  }
0xbf: {  	[bflag:$0x0] =	sbarrier.arrive $0xFFFF  }
0xc0: {  	s19 =	rddreg [dreg:$0x7]  }
0xc1: {  	[tilespmem:s1], [sflag:$0x1] =	stream.strided.gather [hbm4b:s19+s31], $0x2800, s0, s31, $0x38;
	[tilespmem:$0x1A880] =	vst v63  }
0xc2: {  	s17 =	rddreg [dreg:$0xe]  }
0xc3: {  	[tilespmem:s2], [sflag:$0x2] =	stream.strided.gather [hbm4b:s17+s31], $0x2800, s0, s31, $0x38;
	[tilespmem:$0x1A880] =	vst v63  }
0xc4: {  	_ =	swait.ge [sflag:s5], $0x2800  }
0xc5: {  	[sflag:s5] =	ssyncset.done $0x0  }
0xc6: {  	[sflag:s5] =	ssyncadd.s32 $0xFFFFD800  }
0xc7: {  	[spmem:s3] =	stream.indirect.scatter.add.f32 [tilespmem:s1], [sflag:$0x3], $0x80, s4, s6, $0xb8;
	[tilespmem:$0x1A880] =	vst v63  }
0xc8: {  	_ =	swait.ge [sflag:s8], $0x2800  }
0xc9: {  	[sflag:s8] =	ssyncset.done $0x0  }
0xca: {  	[sflag:s8] =	ssyncadd.s32 $0xFFFFD800  }
0xcb: {  	[spmem:s3] =	stream.indirect.scatter.add.f32 [tilespmem:s2], [sflag:$0x4], $0x80, s9, s6, $0xb8;
	[tilespmem:$0x1A880] =	vst v63  }
0xcc: {  	_ =	swait.ge [sflag:s11], $0x2800  }
0xcd: {  	[sflag:s11] =	ssyncset.done $0x0  }
0xce: {  	[sflag:s11] =	ssyncadd.s32 $0xFFFFD800  }
0xcf: {  	[tilespmem:s1], [sflag:$0x1] =	stream.strided.gather [hbm4b:s25+s31], $0x2800, s0, s31, $0x38;
	[tilespmem:$0x1A880] =	vst v63  }
0xd0: {  	_ =	swait.ge [sflag:s12], $0x2800  }
0xd1: {  	[sflag:s12] =	ssyncset.done $0x0  }
0xd2: {  	s18 =	sadd.s32 $0x1400, s25;
	[sflag:s12] =	ssyncadd.s32 $0xFFFFD800  }
0xd3: {  	[tilespmem:s2], [sflag:$0x2] =	stream.strided.gather [hbm4b:s18+s31], $0x2800, s0, s31, $0x38;
	[tilespmem:$0x1A880] =	vst v63  }
0xd4: {  	_ =	swait.ge [sflag:s5], $0x2800  }
0xd5: {  	[sflag:s5] =	ssyncset.done $0x0  }
0xd6: {  	s19 =	simm.s32 $0x100;
	[sflag:s5] =	ssyncadd.s32 $0xFFFFD800  }
0xd7: {  	[spmem:s3] =	stream.indirect.scatter.add.f32 [tilespmem:s1], [sflag:$0x3], $0x80, s19, s6, $0xb8;
	[tilespmem:$0x1A880] =	vst v63  }
0xd8: {  	_ =	swait.ge [sflag:s8], $0x2800  }
0xd9: {  	s16 =	simm.s32 $0xFFFF8C00;
	[sflag:s8] =	ssyncset.done $0x0  }
0xda: {  	s17 =	sadd.s32 $0x2800, s25;
	s18 =	simm.s32 $0x180;
	[sflag:s8] =	ssyncadd.s32 $0xFFFFD800  }
.LBB2_8:
0xdb: {  	[spmem:s3] =	stream.indirect.scatter.add.f32 [tilespmem:s2], [sflag:$0x4], $0x80, s18, s6, $0xb8;
	[tilespmem:$0x1A880] =	vst v63  }
0xdc: {  	s18 =	smov.u32 s16  }
0xdd: {  	p3 =	sne.s32 s16, $0xFFFFFC00;
	s16 =	sadd.s32 $0x400, s16;
	_ =	swait.ge [sflag:s11], $0x2800  }
0xde: {  	[sflag:s11] =	ssyncset.done $0x0  }
0xdf: {  	[sflag:s11] =	ssyncadd.s32 $0xFFFFD800  }
0xe0: {  	[tilespmem:s1], [sflag:$0x1] =	stream.strided.gather [hbm4b:s17+s31], $0x2800, s0, s31, $0x38;
	[tilespmem:$0x1A880] =	vst v63  }
0xe1: {  	_ =	swait.ge [sflag:s12], $0x2800  }
0xe2: {  	[sflag:s12] =	ssyncset.done $0x0  }
0xe3: {  	s19 =	sadd.s32 $0x1400, s17;
	[sflag:s12] =	ssyncadd.s32 $0xFFFFD800  }
0xe4: {  	[tilespmem:s2], [sflag:$0x2] =	stream.strided.gather [hbm4b:s19+s31], $0x2800, s0, s31, $0x38;
	[tilespmem:$0x1A880] =	vst v63  }
0xe5: {  	_ =	swait.ge [sflag:s5], $0x2800  }
0xe6: {  	s18 =	sshra.s32 s18, $0x2;
	[sflag:s5] =	ssyncset.done $0x0  }
.Ltmp7:
0xe7: {  	s19 =	sadd.s32 $0x1F00, s18;
	[sflag:s5] =	ssyncadd.s32 $0xFFFFD800;
	(pc) =	sbr.rel @p3 .LBB2_8-.Ltmp7, $4  }
0xe8: {  	[spmem:s3] =	stream.indirect.scatter.add.f32 [tilespmem:s1], [sflag:$0x3], $0x80, s19, s6, $0xb8;
	[tilespmem:$0x1A880] =	vst v63  }
0xe9: {  	_ =	swait.ge [sflag:s8], $0x2800  }
0xea: {  	[sflag:s8] =	ssyncset.done $0x0  }
0xeb: {  	s17 =	sadd.s32 $0x2800, s17;
	s18 =	sadd.s32 $0x1F80, s18;
	[sflag:s8] =	ssyncadd.s32 $0xFFFFD800  }
0xec: {  	[spmem:s3] =	stream.indirect.scatter.add.f32 [tilespmem:s2], [sflag:$0x4], $0x80, s18, s6, $0xb8;
	[tilespmem:$0x1A880] =	vst v63  }
0xed: {  	_ =	swait.ge [sflag:s11], $0x2800  }
0xee: {  	[sflag:s11] =	ssyncset.done $0x0  }
0xef: {  	s16 =	rddreg [dreg:$0x8];
	[sflag:s11] =	ssyncadd.s32 $0xFFFFD800  }
0xf0: {  	[tilespmem:s1], [sflag:$0x1] =	stream.strided.gather [hbm4b:s16+s31], $0x2800, s0, s31, $0x38;
	[tilespmem:$0x1A880] =	vst v63  }
0xf1: {  	_ =	swait.ge [sflag:s5], $0x2800  }
0xf2: {  	[sflag:s5] =	ssyncset.done $0x0  }
0xf3: {  	[sflag:s5] =	ssyncadd.s32 $0xFFFFD800  }
0xf4: {  	[spmem:s3] =	stream.indirect.scatter.add.f32 [tilespmem:s1], [sflag:$0x3], $0x80, s13, s6, $0xb8;
	[tilespmem:$0x1A880] =	vst v63  }
0xf5: {  	_ =	swait.ge [sflag:s11], $0x2800  }
0xf6: {  	[sflag:s11] =	ssyncset.done $0x0  }
0xf7: {  	[sflag:s11] =	ssyncadd.s32 $0xFFFFD800  }
0xf8: {  	_ =	swait.ge [sflag:s12], $0x2800  }
0xf9: {  	[sflag:s12] =	ssyncset.done $0x0  }
0xfa: {  	[sflag:s12] =	ssyncadd.s32 $0xFFFFD800  }
0xfb: {  	[bflag:$0x0] =	sbarrier.arrive $0xFFFF  }
0xfc: {  	s16 =	simm.s32 @p2 $0x1C05;
	s17 =	rddreg [dreg:$0x2]  }
0xfd: {  	[hbm:s17], [sflag:s16] =	dma.local @p2 [spmem:s15], $0x27100  }
0xfe: {  	s17 =	simm.s32 @p2 $0x5  }
0xff: {  	_ =	swait.ge @p2 [sflag:s17], $0x27100  }
0x100: {  	[sflag:s17] =	ssyncset.done @p2 $0x0  }
0x101: {  	[sflag:s17] =	ssyncadd.s32 @p2 $0xFFFD8F00  }
0x102: {  	[bflag:$0x0] =	sbarrier.arrive @p2 $0xFFFF  }
0x103: {  	[spmem:s15], [sflag:s16] =	dma.local @p2 [hbm:s21], $0x27100  }
0x104: {  	_ =	swait.ge @p2 [sflag:s17], $0x27100  }
0x105: {  	[sflag:s17] =	ssyncset.done @p2 $0x0  }
0x106: {  	[sflag:s17] =	ssyncadd.s32 @p2 $0xFFFD8F00  }
0x107: {  	[bflag:$0x0] =	sbarrier.arrive @!p2 $0xFFFF  }
0x108: {  	[bflag:$0x0] =	sbarrier.arrive $0xFFFF  }
0x109: {  	s16 =	rddreg [dreg:$0xd]  }
0x10a: {  	[tilespmem:s1], [sflag:$0x1] =	stream.strided.gather [hbm4b:s16+s31], $0x2800, s0, s31, $0x38;
	[tilespmem:$0x1A880] =	vst v63  }
0x10b: {  	s17 =	rddreg [dreg:$0xf]  }
0x10c: {  	[tilespmem:s2], [sflag:$0x2] =	stream.strided.gather [hbm4b:s17+s31], $0x2800, s0, s31, $0x38;
	[tilespmem:$0x1A880] =	vst v63  }
0x10d: {  	_ =	swait.ge [sflag:s5], $0x2800  }
0x10e: {  	[sflag:s5] =	ssyncset.done $0x0  }
0x10f: {  	[sflag:s5] =	ssyncadd.s32 $0xFFFFD800  }
0x110: {  	[spmem:s3] =	stream.indirect.scatter.add.f32 [tilespmem:s1], [sflag:$0x3], $0x80, s4, s6, $0xb8;
	[tilespmem:$0x1A880] =	vst v63  }
0x111: {  	_ =	swait.ge [sflag:s8], $0x2800  }
0x112: {  	[sflag:s8] =	ssyncset.done $0x0  }
0x113: {  	[sflag:s8] =	ssyncadd.s32 $0xFFFFD800  }
0x114: {  	[spmem:s3] =	stream.indirect.scatter.add.f32 [tilespmem:s2], [sflag:$0x4], $0x80, s9, s6, $0xb8;
	[tilespmem:$0x1A880] =	vst v63  }
0x115: {  	_ =	swait.ge [sflag:s11], $0x2800  }
0x116: {  	[sflag:s11] =	ssyncset.done $0x0  }
0x117: {  	[sflag:s11] =	ssyncadd.s32 $0xFFFFD800  }
0x118: {  	[tilespmem:s1], [sflag:$0x1] =	stream.strided.gather [hbm4b:s26+s31], $0x2800, s0, s31, $0x38;
	[tilespmem:$0x1A880] =	vst v63  }
0x119: {  	_ =	swait.ge [sflag:s12], $0x2800  }
0x11a: {  	[sflag:s12] =	ssyncset.done $0x0  }
0x11b: {  	s18 =	sadd.s32 $0x1400, s26;
	[sflag:s12] =	ssyncadd.s32 $0xFFFFD800  }
0x11c: {  	[tilespmem:s2], [sflag:$0x2] =	stream.strided.gather [hbm4b:s18+s31], $0x2800, s0, s31, $0x38;
	[tilespmem:$0x1A880] =	vst v63  }
0x11d: {  	_ =	swait.ge [sflag:s5], $0x2800  }
0x11e: {  	[sflag:s5] =	ssyncset.done $0x0  }
0x11f: {  	s19 =	simm.s32 $0x100;
	[sflag:s5] =	ssyncadd.s32 $0xFFFFD800  }
0x120: {  	[spmem:s3] =	stream.indirect.scatter.add.f32 [tilespmem:s1], [sflag:$0x3], $0x80, s19, s6, $0xb8;
	[tilespmem:$0x1A880] =	vst v63  }
0x121: {  	_ =	swait.ge [sflag:s8], $0x2800  }
0x122: {  	s15 =	simm.s32 $0xFFFF8C00;
	[sflag:s8] =	ssyncset.done $0x0  }
0x123: {  	s16 =	sadd.s32 $0x2800, s26;
	s17 =	simm.s32 $0x180;
	[sflag:s8] =	ssyncadd.s32 $0xFFFFD800  }
.LBB2_10:
0x124: {  	[spmem:s3] =	stream.indirect.scatter.add.f32 [tilespmem:s2], [sflag:$0x4], $0x80, s17, s6, $0xb8;
	[tilespmem:$0x1A880] =	vst v63  }
0x125: {  	s17 =	smov.u32 s15  }
0x126: {  	p3 =	sne.s32 s15, $0xFFFFFC00;
	s15 =	sadd.s32 $0x400, s15;
	_ =	swait.ge [sflag:s11], $0x2800  }
0x127: {  	[sflag:s11] =	ssyncset.done $0x0  }
0x128: {  	[sflag:s11] =	ssyncadd.s32 $0xFFFFD800  }
0x129: {  	[tilespmem:s1], [sflag:$0x1] =	stream.strided.gather [hbm4b:s16+s31], $0x2800, s0, s31, $0x38;
	[tilespmem:$0x1A880] =	vst v63  }
0x12a: {  	_ =	swait.ge [sflag:s12], $0x2800  }
0x12b: {  	[sflag:s12] =	ssyncset.done $0x0  }
0x12c: {  	s18 =	sadd.s32 $0x1400, s16;
	[sflag:s12] =	ssyncadd.s32 $0xFFFFD800  }
0x12d: {  	[tilespmem:s2], [sflag:$0x2] =	stream.strided.gather [hbm4b:s18+s31], $0x2800, s0, s31, $0x38;
	[tilespmem:$0x1A880] =	vst v63  }
0x12e: {  	_ =	swait.ge [sflag:s5], $0x2800  }
0x12f: {  	s17 =	sshra.s32 s17, $0x2;
	[sflag:s5] =	ssyncset.done $0x0  }
.Ltmp8:
0x130: {  	s18 =	sadd.s32 $0x1F00, s17;
	[sflag:s5] =	ssyncadd.s32 $0xFFFFD800;
	(pc) =	sbr.rel @p3 .LBB2_10-.Ltmp8, $4  }
0x131: {  	[spmem:s3] =	stream.indirect.scatter.add.f32 [tilespmem:s1], [sflag:$0x3], $0x80, s18, s6, $0xb8;
	[tilespmem:$0x1A880] =	vst v63  }
0x132: {  	_ =	swait.ge [sflag:s8], $0x2800  }
0x133: {  	[sflag:s8] =	ssyncset.done $0x0  }
0x134: {  	s16 =	sadd.s32 $0x2800, s16;
	s17 =	sadd.s32 $0x1F80, s17;
	[sflag:s8] =	ssyncadd.s32 $0xFFFFD800  }
0x135: {  	[spmem:s3] =	stream.indirect.scatter.add.f32 [tilespmem:s2], [sflag:$0x4], $0x80, s17, s6, $0xb8;
	[tilespmem:$0x1A880] =	vst v63  }
0x136: {  	_ =	swait.ge [sflag:s11], $0x2800  }
0x137: {  	[sflag:s11] =	ssyncset.done $0x0  }
0x138: {  	[sflag:s11] =	ssyncadd.s32 $0xFFFFD800  }
0x139: {  	[tilespmem:s1], [sflag:$0x1] =	stream.strided.gather [hbm4b:s22+s31], $0x2800, s0, s31, $0x38;
	[tilespmem:$0x1A880] =	vst v63  }
0x13a: {  	_ =	swait.ge [sflag:s5], $0x2800  }
0x13b: {  	[sflag:s5] =	ssyncset.done $0x0  }
0x13c: {  	[sflag:s5] =	ssyncadd.s32 $0xFFFFD800  }
0x13d: {  	[spmem:s3] =	stream.indirect.scatter.add.f32 [tilespmem:s1], [sflag:$0x3], $0x80, s13, s6, $0xb8;
	[tilespmem:$0x1A880] =	vst v63  }
0x13e: {  	_ =	swait.ge [sflag:s11], $0x2800  }
0x13f: {  	[sflag:s11] =	ssyncset.done $0x0  }
0x140: {  	[sflag:s11] =	ssyncadd.s32 $0xFFFFD800  }
.Ltmp9:
0x141: {  	_ =	swait.ge [sflag:s12], $0x2800;
	(pc) =	sbr.rel @p0 .LBB2_13-.Ltmp9, $4  }
.Ltmp10:
0x142: {  	[sflag:s12] =	ssyncset.done $0x0;
	(pc) =	sbr.rel @!p0 .LBB2_12-.Ltmp10, $4  }
0x143: {  	[sflag:s12] =	ssyncadd.s32 $0xFFFFD800  }
0x144: {  	[bflag:$0x0] =	sbarrier.arrive $0xFFFF  }
0x145: {  	s15 =	smov.u32 s23  }
0x146: {  	_ = 	snop  }
.LBB2_14:
0x147: {  	_ =	sfence.sel $0x180000  }
0x148: {  	[bflag:$0x0] =	sbarrier.arrive $0xFFFF  }
0x149: {  	_ =	strace $0x90000050  }
0x14a: {  	[bflag:$0x2] =	sbarrier.arrive $0xFFFF  }
0x14b: {  	s0 =	rddreg [dreg:$0x4]  }
0x14c: {  	s0 =	sadd.s32 @!p0 $0x100000, s0  }
0x14d: {  	[sflag:s0] =	ssyncadd.tile.s32 @!p0 $0x1;
	_ =	shalt  }
.Lfunc_end2:
_tile_overlayer_lowered:
.L_overlay_start_2:
0x14e: {  	(tag) =	ssettag $0x2  }
0x14f: {  	s0 =	rddreg [dreg:$0x0];
	s2 =	stileid.u32  }
0x150: {  	s1 =	rddreg [dreg:$0x1];
	p0 =	sne.s32 s2, $0x0  }
0x151: {  	s3 =	rddreg [dreg:$0x2];
	[bflag:$0x3] =	sbarrier.arrive $0xFFFF;
	s2 =	simm.s32 @!p0 $0x1C05  }
0x152: {  	[timem:s3], [sflag:s2] =	dma.local @!p0 [hbm:s0], s1  }
0x153: {  	s0 =	simm.s32 @!p0 $0x5  }
0x154: {  	_ =	swait.ge @!p0 [sflag:s0], s1  }
0x155: {  	s1 =	ssub.s32 @!p0 $0x0, s1;
	[sflag:s0] =	ssyncset.done @!p0 $0x0  }
0x156: {  	[sflag:s0] =	ssyncadd.s32 @!p0 s1  }
0x157: {  	[bflag:$0x3] =	sbarrier.arrive $0xFFFF  }
0x158: {  	_ =	shalt  }

// kernel: kernel.9.cloned.1.call-start
scs
__scs_entry_jumppad:
0x0: {  	(pc) =	sbr.rel $0x88, $3  }
0x1: {  	(tag) =	ssettag $0x0;
	lr =	simm.s32 $0x1  }
0x2: {  	[smem:$0x3F94] =	sst lr;
	_ =	strace $0xD0000000  }
0x3: {  	_ = 	snop  }
0x4: {  	_ = 	snop  }
0x5: {  	_ = 	snop  }
0x6: {  	_ = 	snop  }
0x7: {  	_ = 	snop  }
__scs_overlays_trampoline_lowered:
0x8: {  	[smem:$0x3FA3] =	sst s0  }
0x9: {  	[smem:$0x3FA4] =	sst s1  }
0xa: {  	[smem:$0x3FA5] =	sst s2  }
0xb: {  	[smem:$0x3FA6] =	sst s3  }
0xc: {  	[smem:$0x3FA7] =	sst s4  }
0xd: {  	[smem:$0x3FA8] =	sst s5  }
0xe: {  	[smem:$0x3FA9] =	sst s6  }
0xf: {  	[smem:$0x3FAA] =	sst s7  }
0x10: {  	[smem:$0x3FAB] =	sst s8  }
0x11: {  	[smem:$0x3FAC] =	sst s9;
	s0 =	simm.s32 @!p0 $0x0  }
0x12: {  	s1 =	sld [smem:$0x3F92];
	s0 =	simm.s32 @p0 $0x1  }
0x13: {  	[smem:$0x3FAD] =	sst s0;
	s0 =	simm.s32 @!p1 $0x0  }
0x14: {  	s2 =	sld [smem:$0x3F91];
	s0 =	simm.s32 @p1 $0x1  }
0x15: {  	[smem:$0x3FAE] =	sst s0;
	s0 =	simm.s32 @!p2 $0x0  }
0x16: {  	s3 =	sld [smem:$0x3FDB];
	s0 =	simm.s32 @p2 $0x1  }
0x17: {  	s4 =	simm.s32 $0x1BF5;
	[smem:$0x3FB0] =	sst s0  }
0x18: {  	s0 =	sld [smem:$0x3F93];
	_ =	swait.ge [sflag:s4], $0x0  }
0x19: {  	s7 =	sld [smem:$0x3F94]  }
0x1a: {  	s8 =	sadd.s32 $0xFFFFE003, lr  }
0x1b: {  	s9 =	sadd.s32 $0xFFFFFEF7, lr;
	s5 =	simm.s32 $0xFFFFFFFF;
	p2 =	slt.u32 s8, $0xFFFFF086  }
0x1c: {  	p1 =	slt.u32 s9, $0xF7A;
	s5 =	simm.s32 @!p2 $0x0  }
0x1d: {  	s5 =	simm.s32 @p1 $0x1;
	p0 =	seq.s32 s7, s2  }
0x1e: {  	s7 =	smul.u32 @!p0 $0xF7A, s2;
	p2 =	seq.s32 @!p0 s5, $0x0  }
0x1f: {  	s9 =	smul.u32 $0xF7A, s1;
	s8 =	simm.s32 @!p0 $0x1BF5;
	p2 =	por !p2, p0  }
0x20: {  	[sflag:s8] =	ssyncset.s32 @!p0 $0xFFFFF086;
	s6 =	sadd.s32 @!p0 s3, s7;
	s7 =	simm.s32 @!p0 $0x108  }
0x21: {  	s3 =	sadd.s32 s3, s9;
	s6 =	sadd.s32 @!p0 $0x88, s6;
	s7 =	simm.s32 @p2 $0x1082  }
0x22: {  	[simem:s7], [sflag:s8] =	dma.local @!p0 [hbm:s6], $0xF7A  }
0x23: {  	s9 =	sor.u32 $0xD0000000, s2;
	s6 =	simm.s32 $0x108;
	_ =	swait.ge @!p0 [sflag:s8], $0x0  }
0x24: {  	s3 =	sadd.s32 $0x88, s3;
	s6 =	simm.s32 @!p1 $0x1082;
	[sflag:s4] =	ssyncset.s32 $0xFFFFF086  }
0x25: {  	[simem:s6], [sflag:s4] =	dma.local [hbm:s3], $0xF7A  }
0x26: {  	[smem:$0x3F94] =	sst s1;
	(tag) =	ssettag s2;
	_ =	strace s9  }
0x27: {  	s1 =	sld [smem:$0x3FA4]  }
0x28: {  	s2 =	sld [smem:$0x3FA5]  }
0x29: {  	s4 =	sld [smem:$0x3FA7]  }
0x2a: {  	p0 =	seq.s32 s5, $0x0;
	s5 =	sld [smem:$0x3FA8]  }
0x2b: {  	s6 =	sld [smem:$0x3FA9]  }
0x2c: {  	s7 =	sld [smem:$0x3FAA]  }
0x2d: {  	s3 =	simm.s32 $0x108;
	s8 =	sld [smem:$0x3FAB]  }
0x2e: {  	s3 =	simm.s32 @!p0 $0x1082;
	s9 =	sld [smem:$0x3FAC]  }
0x2f: {  	lr =	sadd.s32 s0, s3;
	s0 =	sld [smem:$0x3FA3]  }
0x30: {  	s3 =	sld [smem:$0x3FA6]  }
0x31: {  	[smem:$0x3FAF] =	sst s10  }
0x32: {  	s10 =	sld [smem:$0x3FAD];
	_ =	sdelay $0x3  }
0x33: {  	p0 =	seq.s32 s10, $0x1;
	s10 =	sld [smem:$0x3FAF];
	_ =	sdelay $0x3  }
0x34: {  	[smem:$0x3FAF] =	sst s10  }
0x35: {  	s10 =	sld [smem:$0x3FAE];
	_ =	sdelay $0x3  }
0x36: {  	p1 =	seq.s32 s10, $0x1;
	s10 =	sld [smem:$0x3FAF];
	_ =	sdelay $0x3  }
0x37: {  	[smem:$0x3FAF] =	sst s10  }
0x38: {  	s10 =	sld [smem:$0x3FB0]  }
0x39: {  	_ = 	snop;
	(pc) =	sbr.ind lr, $3  }
0x3a: {  	_ = 	snop  }
0x3b: {  	_ = 	snop  }
0x3c: {  	p2 =	seq.s32 s10, $0x1;
	s10 =	sld [smem:$0x3FAF]  }
0x3d: {  	_ =	shalt  }
0x3e: {  	_ =	shalt  }
0x3f: {  	_ =	shalt  }
0x40: {  	_ =	shalt  }
0x41: {  	_ =	shalt  }
0x42: {  	_ =	shalt  }
0x43: {  	_ =	shalt  }
0x44: {  	_ =	shalt  }
0x45: {  	_ =	shalt  }
0x46: {  	_ =	shalt  }
0x47: {  	_ =	shalt  }
0x48: {  	_ =	shalt  }
0x49: {  	_ =	shalt  }
0x4a: {  	_ =	shalt  }
0x4b: {  	_ =	shalt  }
0x4c: {  	_ =	shalt  }
0x4d: {  	_ =	shalt  }
0x4e: {  	_ =	shalt  }
0x4f: {  	_ =	shalt  }
0x50: {  	_ =	shalt  }
0x51: {  	_ =	shalt  }
0x52: {  	_ =	shalt  }
0x53: {  	_ =	shalt  }
0x54: {  	_ =	shalt  }
0x55: {  	_ =	shalt  }
0x56: {  	_ =	shalt  }
0x57: {  	_ =	shalt  }
0x58: {  	_ =	shalt  }
0x59: {  	_ =	shalt  }
0x5a: {  	_ =	shalt  }
0x5b: {  	_ =	shalt  }
0x5c: {  	_ =	shalt  }
0x5d: {  	_ =	shalt  }
0x5e: {  	_ =	shalt  }
0x5f: {  	_ =	shalt  }
0x60: {  	_ =	shalt  }
0x61: {  	_ =	shalt  }
0x62: {  	_ =	shalt  }
0x63: {  	_ =	shalt  }
0x64: {  	_ =	shalt  }
0x65: {  	_ =	shalt  }
0x66: {  	_ =	shalt  }
0x67: {  	_ =	shalt  }
0x68: {  	_ =	shalt  }
0x69: {  	_ =	shalt  }
0x6a: {  	_ =	shalt  }
0x6b: {  	_ =	shalt  }
0x6c: {  	_ =	shalt  }
0x6d: {  	_ =	shalt  }
0x6e: {  	_ =	shalt  }
0x6f: {  	_ =	shalt  }
0x70: {  	_ =	shalt  }
0x71: {  	_ =	shalt  }
0x72: {  	_ =	shalt  }
0x73: {  	_ =	shalt  }
0x74: {  	_ =	shalt  }
0x75: {  	_ =	shalt  }
0x76: {  	_ =	shalt  }
0x77: {  	_ =	shalt  }
0x78: {  	_ =	shalt  }
0x79: {  	_ =	shalt  }
0x7a: {  	_ =	shalt  }
0x7b: {  	_ =	shalt  }
0x7c: {  	_ =	shalt  }
0x7d: {  	_ =	shalt  }
0x7e: {  	_ =	shalt  }
0x7f: {  	_ =	shalt  }
0x80: {  	_ =	shalt  }
0x81: {  	_ =	shalt  }
0x82: {  	_ =	shalt  }
0x83: {  	_ =	shalt  }
0x84: {  	_ =	shalt  }
0x85: {  	_ =	shalt  }
0x86: {  	_ =	shalt  }
0x87: {  	_ =	shalt  }
.Lfunc_end0:
.L_simem_size_0:
called_computation_lowered:
.L_overlay_start_0:
0x88: {  	s2 =	sld [smem:$0x3FD9]  }
0x89: {  	s3 =	sld [smem:$0x3FFE];
	_ =	sdelay $0x1  }
0x8a: {  	s1 =	srdreg.scid  }
0x8b: {  	s0 =	sand.u32 $0x1, s1  }
0x8c: {  	s14 =	sshll.u32 s0, $0xA;
	s2 =	sadd.s32 s3, s2  }
0x8d: {  	s2 =	sadd.s32 s2, s14  }
0x8e: {  	[smem:$0x3FBB] =	sst s2  }
0x8f: {  	_ = 	snop  }
0x90: {  	s2 =	sld [smem:$0x3FD0];
	_ =	sdelay $0x2  }
0x91: {  	s15 =	simm.s32 $0xB;
	s4 =	simm.s32 $0x10  }
0x92: {  	[smem:s4], [sflag:s15] =	dma.local [hbm:s2], $0x1  }
0x93: {  	_ =	swait.eq [sflag:s15], $0x1  }
0x94: {  	[sflag:s15] =	ssyncset.done $0x0  }
0x95: {  	[sflag:s15] =	ssyncadd.s32 $0xFFFFFFFF  }
0x96: {  	s16 =	sld [smem:$0x10];
	(tm) =	ssettm $0x1  }
0x97: {  	s17 =	sld [smem:$0x3FFB];
	_ =	sdelay $0x3  }
0x98: {  	_ =	strace s17  }
0x99: {  	s3 =	sld [smem:$0x3FFC];
	_ =	sdelay $0x3  }
0x9a: {  	_ =	strace s3  }
0x9b: {  	s3 =	sld [smem:$0x3FFD];
	_ =	sdelay $0x3  }
0x9c: {  	_ =	strace s3  }
0x9d: {  	_ =	strace $0x8FFFFFFF  }
0x9e: {  	s18 =	sld [smem:$0x3FDB];
	_ =	sdelay $0x1  }
0x9f: {  	s19 =	simm.s32 $_scs_section_size  }
0xa0: {  	s5 =	simm.s32 $_size__tile_overlayer_lowered;
	s6 =	simm.s32 $_tile_overlayer_lowered  }
0xa1: {  	s22 =	simm.s32 $0x1BFF;
	s21 =	sshll.u32 s6, $0x1;
	s3 =	sadd.s32 s19, s18  }
0xa2: {  	s7 =	simm.s32 $0x0;
	s20 =	sshll.u32 s5, $0x1;
	s5 =	sadd.s32 s21, s3  }
0xa3: {  	[timem:s7], [sflag:s22] =	dma.local [hbm:s5], s20  }
0xa4: {  	_ =	swait.ge [sflag:s22], s20  }
0xa5: {  	s4 =	ssub.s32 $0x0, s20;
	[sflag:s22] =	ssyncset.done $0x0  }
0xa6: {  	[sflag:s22] =	ssyncadd.s32 s4;
	_ =	sdelay $0x1  }
0xa7: {  	s23 =	simm.s32 $0x1B8B  }
0xa8: {  	_ =	swait.ge [sflag:s23], $0x1  }
0xa9: {  	[sflag:s23] =	ssyncset.done $0x0  }
0xaa: {  	s25 =	simm.s32 $0x1B8E;
	s24 =	sld [smem:$0x3FFE];
	[sflag:s23] =	ssyncadd.s32 $0xFFFFFFFF  }
0xab: {  	s26 =	simm.s32 $execute0_lowered;
	[smem:$0x3FD2] =	sst s25  }
0xac: {  	s5 =	sshll.u32 s26, $0x1;
	_ =	strace $0x80000046;
	[dreg:$0x1] =	wrdreg $0xFFFFFFFF  }
0xad: {  	s28 =	simm.s32 $_size_execute0_lowered;
	s3 =	sadd.s32 s3, s5;
	[dreg:$0x0] =	wrdreg $0x0  }
0xae: {  	s5 =	sshll.u32 s28, $0x1;
	[dreg:$0x2] =	wrdreg s3  }
0xaf: {  	[dreg:$0x3] =	wrdreg s5  }
0xb0: {  	[dreg:$0x4] =	wrdreg $0xC0  }
0xb1: {  	_ =	task [dreg:s7], $0x5FFFF  }
0xb2: {  	[dreg:$0x1] =	wrdreg $0xFFFFFFFF  }
0xb3: {  	[dreg:$0x0] =	wrdreg $0x60  }
0xb4: {  	[dreg:$0x2] =	wrdreg s16  }
0xb5: {  	[dreg:$0x3] =	wrdreg s24  }
0xb6: {  	[dreg:$0x4] =	wrdreg $0xA  }
0xb7: {  	_ =	task.clear_ibuf [dreg:s7], $0x5FFFF;
	_ =	strace $0x90000046  }
0xb8: {  	s29 =	simm.s32 $0xA;
	_ =	strace $0x80000048  }
0xb9: {  	_ =	swait.ge [sflag:s29], $0x1  }
0xba: {  	[sflag:s29] =	ssyncadd.s32 $0xFFFFFFFF  }
0xbb: {  	_ =	strace $0x90000048  }
0xbc: {  	_ =	sfence  }
0xbd: {  	s30 =	sld [smem:$0x0];
	_ =	sdelay $0x2  }
0xbe: {  	s31 =	sshll.u32 s1, $0xD;
	s1 =	sshrl.u32 s1, $0x2  }
0xbf: {  	s3 =	sand.u32 $0x4000, s31;
	s1 =	sadd.s32 s1, s30  }
0xc0: {  	s0 =	sor.u32 s3, s0;
	s1 =	sshll.u32 s1, $0x11  }
0xc1: {  	s0 =	sor.u32 s1, s0  }
0xc2: {  	s0 =	sadd.s32 $0x8F2B, s0  }
0xc3: {  	[sflag:s0] =	ssyncadd.remote.s32 $0x1  }
0xc4: {  	_ =	sfence.sel $0xFFFF  }
0xc5: {  	[dreg:$0x0] =	wrdreg $0xFFFFFFFF;
	(pc) =	sbr.abs _section_cstart, $3  }
0xc6: {  	[dreg:$0x1] =	wrdreg $0xFFFFFFFF  }
0xc7: {  	_ =	task.clear_ibuf [dreg:s7], $0x2FFFF;
	_ =	strace $0x9FFFFFFF  }
0xc8: {  	(tm) =	ssettm $0x7FFFFFFF  }
0xc9: {  	_ =	shalt  }
tec
execute0_lowered:
.L_overlay_start_1:
0x0: {  	(tag) =	ssettag $0x1  }
0x1: {  	s1 =	rddreg [dreg:$0x0]  }
0x2: {  	s0 =	rddreg [dreg:$0x1];
	s2 =	simm.s32 $0x0;
	s3 =	srdreg.scid  }
0x3: {  	s12 =	stileid.u32;
	s18 =	simm.s32 $0x5;
	s19 =	simm.s32 $0x50  }
0x4: {  	s20 =	simm.s32 $0x1D80;
	s21 =	simm.s32 $0x4580;
	s22 =	simm.s32 $0x1  }
0x5: {  	s28 =	simm.s32 $0x28;
	s29 =	simm.s32 $0x6D80;
	s30 =	simm.s32 $0x13A8  }
0x6: {  	s31 =	simm.s32 $0x8180;
	[smem:$0x7FF] =	sst s2;
	s4 =	sadd.s32 $0xE600, s0  }
0x7: {  	s5 =	sadd.s32 $0x35800, s0;
	s7 =	sadd.s32 $0x9600, s0;
	s6 =	smul.u32 $0x1360, s12  }
0x8: {  	s3 =	sand.u32 $0x1, s3;
	s15 =	sadd.s32 $0x192A00, s0;
	s11 =	smul.u32 $0x9B0, s12  }
0x9: {  	s8 =	sadd.s32 $0x5CA00, s0;
	s0 =	sadd.s32 $0x2C8A00, s0;
	s14 =	smul.u32 $0x13600, s12  }
0xa: {  	s12 =	smul.u32 $0x9B00, s12;
	_ =	strace $0x80000047;
	s9 =	ssub.s32 $0x2, s3  }
0xb: {  	p0 =	seq.s32 s3, $0x1;
	s10 =	sshrl.u32 s9, $0x1;
	s6 =	sshrl.u32 s6, $0x3  }
0xc: {  	s23 =	sadd.s32 $0x9B00, s11;
	s24 =	sshrl.u32 s11, $0x3;
	s26 =	sadd.s32 $0x500, s14  }
0xd: {  	s11 =	sadd.s32 s0, s12;
	s9 =	ssub.s32 s9, s10;
	s6 =	sadd.s32 s7, s6  }
0xe: {  	s25 =	sshrl.u32 s23, $0x3;
	s10 =	sadd.s32 s7, s24;
	s13 =	sadd.s32 $0x280, s11  }
0xf: {  	s3 =	sshll.u32 s23, $0x4;
	s17 =	sadd.s32 $0x9B280, s11;
	s23 =	simm.s32 $0x2  }
.Ltmp0:
0x10: {  	s24 =	simm.s32 $0x3;
	[dreg:$0x3] =	wrdreg s10;
	(pc) =	sbr.rel .LBB2_1-.Ltmp0, $4  }
0x11: {  	s7 =	sadd.s32 s7, s25;
	s9 =	smax.u32 s9, $0x1;
	s10 =	sadd.s32 s8, s14  }
0x12: {  	s8 =	sadd.s32 s8, s26;
	s14 =	sadd.s32 s15, s14;
	s15 =	sadd.s32 s15, s26  }
0x13: {  	s16 =	sadd.s32 s0, s3;
	s25 =	simm.s32 $0x4;
	[dreg:$0x4] =	wrdreg s7  }
0x14: {  	s26 =	simm.s32 $0x1380;
	s0 =	simm.s32 $0x0;
	[dreg:$0x5] =	wrdreg s8  }
.LBB2_11:
0x15: {  	[hbm4b:s8+s2] =	stream.linear.scatter [tilespmem:s31], [sflag:$0x4], $0x1400, $0x38;
	[tilespmem:$0x9580] =	vst v63  }
.LBB2_12:
0x16: {  	s0 =	sadd.s32 $0x1, s0  }
0x17: {  	_ =	swait.ge [sflag:s24], $0x1400;
	p1 =	sne.s32 s0, s9  }
.Ltmp1:
0x18: {  	[sflag:s24] =	ssyncset.done $0x0;
	(pc) =	sbr.rel @!p1 .LBB2_13-.Ltmp1, $4  }
0x19: {  	[sflag:s24] =	ssyncadd.s32 $0xFFFFEC00  }
0x1a: {  	_ =	swait.ge [sflag:s25], $0x1400  }
0x1b: {  	[sflag:s25] =	ssyncset.done $0x0  }
0x1c: {  	[sflag:s25] =	ssyncadd.s32 $0xFFFFEC00  }
.LBB2_1:
.Ltmp2:
0x1d: {  	(pc) =	sbr.rel @!p0 .LBB2_2-.Ltmp2, $4  }
0x1e: {  	[tilespmem:s2], [sflag:$0x5] =	stream.linear.gather [hbm4b:s6+s2], $0x1360, $0x38;
	[tilespmem:$0x9580] =	vst v63  }
0x1f: {  	_ =	swait.ge [sflag:s18], $0x1360  }
0x20: {  	[sflag:s18] =	ssyncset.done $0x0  }
0x21: {  	[sflag:s18] =	ssyncadd.s32 $0xFFFFECA0  }
0x22: {  	[tilespmem:s20], [sflag:$0x1] =	stream.indirect.gather [hbm4b:s4+s19], $0x80, s2, s19, $0xb8;
	[tilespmem:$0x9580] =	vst v63  }
0x23: {  	_ = 	snop  }
0x24: {  	[tilespmem:s21], [sflag:$0x2] =	stream.indirect.gather [hbm4b:s4+s19], $0x80, s19, s19, $0xb8;
	[tilespmem:$0x9580] =	vst v63  }
0x25: {  	_ =	swait.ge [sflag:s22], $0x2800  }
0x26: {  	[sflag:s22] =	ssyncset.done $0x0  }
0x27: {  	[sflag:s22] =	ssyncadd.s32 $0xFFFFD800  }
0x28: {  	[hbm4b:s14+s2] =	stream.linear.scatter [tilespmem:s20], [sflag:$0x3], $0x2800, $0x38;
	[tilespmem:$0x9580] =	vst v63  }
0x29: {  	_ =	swait.ge [sflag:s23], $0x2800  }
0x2a: {  	[sflag:s23] =	ssyncset.done $0x0  }
0x2b: {  	[sflag:s23] =	ssyncadd.s32 $0xFFFFD800  }
0x2c: {  	[hbm4b:s15+s2] =	stream.linear.scatter [tilespmem:s21], [sflag:$0x4], $0x2800, $0x38;
	[tilespmem:$0x9580] =	vst v63  }
0x2d: {  	_ =	swait.ge [sflag:s24], $0x2800  }
0x2e: {  	[sflag:s24] =	ssyncset.done $0x0  }
0x2f: {  	s7 =	simm.s32 $0xA0;
	[sflag:s24] =	ssyncadd.s32 $0xFFFFD800  }
0x30: {  	[tilespmem:s20], [sflag:$0x1] =	stream.indirect.gather [hbm4b:s4+s19], $0x80, s7, s19, $0xb8;
	[tilespmem:$0x9580] =	vst v63  }
0x31: {  	_ =	swait.ge [sflag:s25], $0x2800  }
0x32: {  	[sflag:s25] =	ssyncset.done $0x0  }
0x33: {  	s3 =	simm.s32 $0xF0;
	[sflag:s25] =	ssyncadd.s32 $0xFFFFD800  }
0x34: {  	[tilespmem:s21], [sflag:$0x2] =	stream.indirect.gather [hbm4b:s4+s19], $0x80, s3, s19, $0xb8;
	[tilespmem:$0x9580] =	vst v63  }
0x35: {  	_ =	swait.ge [sflag:s22], $0x2800  }
0x36: {  	s8 =	sadd.s32 $0xFFFED400, s14;
	[sflag:s22] =	ssyncset.done $0x0  }
0x37: {  	s12 =	sadd.s32 $0x13600, s8;
	[sflag:s22] =	ssyncadd.s32 $0xFFFFD800  }
0x38: {  	[hbm4b:s12+s2] =	stream.linear.scatter [tilespmem:s20], [sflag:$0x3], $0x2800, $0x38;
	[tilespmem:$0x9580] =	vst v63  }
0x39: {  	_ =	swait.ge [sflag:s23], $0x2800  }
0x3a: {  	s8 =	sadd.s32 $0x13B00, s8;
	[sflag:s23] =	ssyncset.done $0x0  }
0x3b: {  	s7 =	simm.s32 $0x190;
	s3 =	simm.s32 $0xFFFEDE00;
	[sflag:s23] =	ssyncadd.s32 $0xFFFFD800  }
.LBB2_8:
0x3c: {  	[hbm4b:s8+s2] =	stream.linear.scatter [tilespmem:s21], [sflag:$0x4], $0x2800, $0x38;
	[tilespmem:$0x9580] =	vst v63  }
0x3d: {  	s8 =	smov.u32 s3  }
0x3e: {  	p1 =	sne.s32 s3, $0xFFFFF600;
	s3 =	sadd.s32 $0xA00, s3;
	_ =	swait.ge [sflag:s24], $0x2800  }
0x3f: {  	[sflag:s24] =	ssyncset.done $0x0  }
0x40: {  	s12 =	sadd.s32 $0xFFFFFFB0, s7;
	[sflag:s24] =	ssyncadd.s32 $0xFFFFD800  }
0x41: {  	[tilespmem:s20], [sflag:$0x1] =	stream.indirect.gather [hbm4b:s4+s19], $0x80, s12, s19, $0xb8;
	[tilespmem:$0x9580] =	vst v63  }
0x42: {  	_ =	swait.ge [sflag:s25], $0x2800  }
0x43: {  	[sflag:s25] =	ssyncset.done $0x0  }
0x44: {  	[sflag:s25] =	ssyncadd.s32 $0xFFFFD800  }
0x45: {  	[tilespmem:s21], [sflag:$0x2] =	stream.indirect.gather [hbm4b:s4+s19], $0x80, s7, s19, $0xb8;
	[tilespmem:$0x9580] =	vst v63  }
0x46: {  	_ =	swait.ge [sflag:s22], $0x2800  }
0x47: {  	s8 =	sadd.s32 s8, s14;
	[sflag:s22] =	ssyncset.done $0x0  }
.Ltmp3:
0x48: {  	s12 =	sadd.s32 $0x13600, s8;
	[sflag:s22] =	ssyncadd.s32 $0xFFFFD800;
	(pc) =	sbr.rel @p1 .LBB2_8-.Ltmp3, $4  }
0x49: {  	[hbm4b:s12+s2] =	stream.linear.scatter [tilespmem:s20], [sflag:$0x3], $0x2800, $0x38;
	[tilespmem:$0x9580] =	vst v63  }
0x4a: {  	_ =	swait.ge [sflag:s23], $0x2800  }
0x4b: {  	[sflag:s23] =	ssyncset.done $0x0  }
0x4c: {  	s8 =	sadd.s32 $0x13B00, s8;
	s7 =	sadd.s32 $0xA0, s7;
	[sflag:s23] =	ssyncadd.s32 $0xFFFFD800  }
0x4d: {  	[hbm4b:s8+s2] =	stream.linear.scatter [tilespmem:s21], [sflag:$0x4], $0x2800, $0x38;
	[tilespmem:$0x9580] =	vst v63  }
0x4e: {  	_ =	swait.ge [sflag:s24], $0x2800  }
0x4f: {  	[sflag:s24] =	ssyncset.done $0x0  }
0x50: {  	[sflag:s24] =	ssyncadd.s32 $0xFFFFD800  }
0x51: {  	_ =	swait.ge [sflag:s25], $0x2800  }
0x52: {  	[sflag:s25] =	ssyncset.done $0x0  }
0x53: {  	s3 =	rddreg [dreg:$0x4];
	[sflag:s25] =	ssyncadd.s32 $0xFFFFD800  }
0x54: {  	[tilespmem:s26], [sflag:$0x5] =	stream.linear.gather [hbm4b:s3+s2], $0x9B0, $0x38;
	[tilespmem:$0x9580] =	vst v63  }
0x55: {  	_ =	swait.ge [sflag:s18], $0x9B0  }
0x56: {  	[sflag:s18] =	ssyncset.done $0x0  }
0x57: {  	[sflag:s18] =	ssyncadd.s32 $0xFFFFF650  }
0x58: {  	[tilespmem:s29], [sflag:$0x1] =	stream.indirect.gather [hbm4b:s5+s28], $0x80, s26, s28, $0xb8;
	[tilespmem:$0x9580] =	vst v63  }
0x59: {  	_ = 	snop  }
0x5a: {  	[tilespmem:s31], [sflag:$0x2] =	stream.indirect.gather [hbm4b:s5+s28], $0x80, s30, s28, $0xb8;
	[tilespmem:$0x9580] =	vst v63  }
0x5b: {  	_ =	swait.ge [sflag:s22], $0x1400  }
0x5c: {  	[sflag:s22] =	ssyncset.done $0x0  }
0x5d: {  	[sflag:s22] =	ssyncadd.s32 $0xFFFFEC00  }
0x5e: {  	[hbm4b:s16+s2] =	stream.linear.scatter [tilespmem:s29], [sflag:$0x3], $0x1400, $0x38;
	[tilespmem:$0x9580] =	vst v63  }
0x5f: {  	_ =	swait.ge [sflag:s23], $0x1400  }
0x60: {  	[sflag:s23] =	ssyncset.done $0x0  }
0x61: {  	[sflag:s23] =	ssyncadd.s32 $0xFFFFEC00  }
0x62: {  	[hbm4b:s17+s2] =	stream.linear.scatter [tilespmem:s31], [sflag:$0x4], $0x1400, $0x38;
	[tilespmem:$0x9580] =	vst v63  }
0x63: {  	_ =	swait.ge [sflag:s24], $0x1400  }
0x64: {  	[sflag:s24] =	ssyncset.done $0x0  }
0x65: {  	s7 =	simm.s32 $0x13D0;
	[sflag:s24] =	ssyncadd.s32 $0xFFFFEC00  }
0x66: {  	[tilespmem:s29], [sflag:$0x1] =	stream.indirect.gather [hbm4b:s5+s28], $0x80, s7, s28, $0xb8;
	[tilespmem:$0x9580] =	vst v63  }
0x67: {  	_ =	swait.ge [sflag:s25], $0x1400  }
0x68: {  	[sflag:s25] =	ssyncset.done $0x0  }
0x69: {  	s8 =	simm.s32 $0x13F8;
	[sflag:s25] =	ssyncadd.s32 $0xFFFFEC00  }
0x6a: {  	[tilespmem:s31], [sflag:$0x2] =	stream.indirect.gather [hbm4b:s5+s28], $0x80, s8, s28, $0xb8;
	[tilespmem:$0x9580] =	vst v63  }
0x6b: {  	_ =	swait.ge [sflag:s22], $0x1400  }
0x6c: {  	s7 =	sadd.s32 $0xFFFF6A00, s11;
	[sflag:s22] =	ssyncset.done $0x0  }
0x6d: {  	s12 =	sadd.s32 $0xA4B00, s7;
	[sflag:s22] =	ssyncadd.s32 $0xFFFFEC00  }
0x6e: {  	[hbm4b:s12+s2] =	stream.linear.scatter [tilespmem:s29], [sflag:$0x3], $0x1400, $0x38;
	[tilespmem:$0x9580] =	vst v63  }
0x6f: {  	_ =	swait.ge [sflag:s23], $0x1400  }
0x70: {  	s3 =	simm.s32 $0xFFFF6F00;
	[sflag:s23] =	ssyncset.done $0x0  }
0x71: {  	s8 =	sadd.s32 $0xA4D80, s7;
	s7 =	simm.s32 $0x1448;
	[sflag:s23] =	ssyncadd.s32 $0xFFFFEC00  }
.LBB2_10:
0x72: {  	[hbm4b:s8+s2] =	stream.linear.scatter [tilespmem:s31], [sflag:$0x4], $0x1400, $0x38;
	[tilespmem:$0x9580] =	vst v63  }
0x73: {  	s8 =	smov.u32 s3  }
0x74: {  	p1 =	sne.s32 s3, $0xFFFFFB00;
	s3 =	sadd.s32 $0x500, s3;
	_ =	swait.ge [sflag:s24], $0x1400  }
0x75: {  	[sflag:s24] =	ssyncset.done $0x0  }
0x76: {  	s12 =	sadd.s32 $0xFFFFFFD8, s7;
	[sflag:s24] =	ssyncadd.s32 $0xFFFFEC00  }
0x77: {  	[tilespmem:s29], [sflag:$0x1] =	stream.indirect.gather [hbm4b:s5+s28], $0x80, s12, s28, $0xb8;
	[tilespmem:$0x9580] =	vst v63  }
0x78: {  	_ =	swait.ge [sflag:s25], $0x1400  }
0x79: {  	[sflag:s25] =	ssyncset.done $0x0  }
0x7a: {  	[sflag:s25] =	ssyncadd.s32 $0xFFFFEC00  }
0x7b: {  	[tilespmem:s31], [sflag:$0x2] =	stream.indirect.gather [hbm4b:s5+s28], $0x80, s7, s28, $0xb8;
	[tilespmem:$0x9580] =	vst v63  }
0x7c: {  	_ =	swait.ge [sflag:s22], $0x1400  }
0x7d: {  	s8 =	sadd.s32 s8, s11;
	[sflag:s22] =	ssyncset.done $0x0  }
.Ltmp4:
0x7e: {  	s12 =	sadd.s32 $0xA4B00, s8;
	[sflag:s22] =	ssyncadd.s32 $0xFFFFEC00;
	(pc) =	sbr.rel @p1 .LBB2_10-.Ltmp4, $4  }
0x7f: {  	[hbm4b:s12+s2] =	stream.linear.scatter [tilespmem:s29], [sflag:$0x3], $0x1400, $0x38;
	[tilespmem:$0x9580] =	vst v63  }
0x80: {  	_ =	swait.ge [sflag:s23], $0x1400  }
0x81: {  	[sflag:s23] =	ssyncset.done $0x0  }
0x82: {  	s8 =	sadd.s32 $0xA4D80, s8;
	s7 =	sadd.s32 $0x50, s7;
	[sflag:s23] =	ssyncadd.s32 $0xFFFFEC00  }
.Ltmp5:
0x83: {  	_ = 	snop;
	(pc) =	sbr.rel .LBB2_11-.Ltmp5, $1  }
0x84: {  	_ =	sdelay $0x3  }
.LBB2_2:
0x85: {  	[tilespmem:s20], [sflag:$0x1] =	stream.indirect.gather [hbm4b:s1+s19], $0x80, s2, s19, $0xb8;
	[tilespmem:$0x9580] =	vst v63  }
0x86: {  	_ = 	snop  }
0x87: {  	[tilespmem:s21], [sflag:$0x2] =	stream.indirect.gather [hbm4b:s1+s19], $0x80, s19, s19, $0xb8;
	[tilespmem:$0x9580] =	vst v63  }
0x88: {  	_ =	swait.ge [sflag:s22], $0x2800  }
0x89: {  	[sflag:s22] =	ssyncset.done $0x0  }
0x8a: {  	[sflag:s22] =	ssyncadd.s32 $0xFFFFD800  }
0x8b: {  	[hbm4b:s10+s2] =	stream.linear.scatter [tilespmem:s20], [sflag:$0x3], $0x2800, $0x38;
	[tilespmem:$0x9580] =	vst v63  }
0x8c: {  	_ =	swait.ge [sflag:s23], $0x2800  }
0x8d: {  	[sflag:s23] =	ssyncset.done $0x0  }
0x8e: {  	s3 =	rddreg [dreg:$0x5];
	[sflag:s23] =	ssyncadd.s32 $0xFFFFD800  }
0x8f: {  	[hbm4b:s3+s2] =	stream.linear.scatter [tilespmem:s21], [sflag:$0x4], $0x2800, $0x38;
	[tilespmem:$0x9580] =	vst v63  }
0x90: {  	_ =	swait.ge [sflag:s24], $0x2800  }
0x91: {  	[sflag:s24] =	ssyncset.done $0x0  }
0x92: {  	s7 =	simm.s32 $0xA0;
	[sflag:s24] =	ssyncadd.s32 $0xFFFFD800  }
0x93: {  	[tilespmem:s20], [sflag:$0x1] =	stream.indirect.gather [hbm4b:s1+s19], $0x80, s7, s19, $0xb8;
	[tilespmem:$0x9580] =	vst v63  }
0x94: {  	_ =	swait.ge [sflag:s25], $0x2800  }
0x95: {  	[sflag:s25] =	ssyncset.done $0x0  }
0x96: {  	s12 =	simm.s32 $0xF0;
	[sflag:s25] =	ssyncadd.s32 $0xFFFFD800  }
0x97: {  	[tilespmem:s21], [sflag:$0x2] =	stream.indirect.gather [hbm4b:s1+s19], $0x80, s12, s19, $0xb8;
	[tilespmem:$0x9580] =	vst v63  }
0x98: {  	_ =	swait.ge [sflag:s22], $0x2800  }
0x99: {  	s8 =	sadd.s32 $0xFFFED400, s10;
	[sflag:s22] =	ssyncset.done $0x0  }
0x9a: {  	s12 =	sadd.s32 $0x13600, s8;
	[sflag:s22] =	ssyncadd.s32 $0xFFFFD800  }
0x9b: {  	[hbm4b:s12+s2] =	stream.linear.scatter [tilespmem:s20], [sflag:$0x3], $0x2800, $0x38;
	[tilespmem:$0x9580] =	vst v63  }
0x9c: {  	_ =	swait.ge [sflag:s23], $0x2800  }
0x9d: {  	s3 =	simm.s32 $0xFFFEDE00;
	[sflag:s23] =	ssyncset.done $0x0  }
0x9e: {  	s7 =	simm.s32 $0x190;
	s8 =	sadd.s32 $0x13B00, s8;
	[sflag:s23] =	ssyncadd.s32 $0xFFFFD800  }
.LBB2_3:
0x9f: {  	[hbm4b:s8+s2] =	stream.linear.scatter [tilespmem:s21], [sflag:$0x4], $0x2800, $0x38;
	[tilespmem:$0x9580] =	vst v63  }
0xa0: {  	s8 =	smov.u32 s3  }
0xa1: {  	p1 =	sne.s32 s3, $0xFFFFF600;
	s3 =	sadd.s32 $0xA00, s3;
	_ =	swait.ge [sflag:s24], $0x2800  }
0xa2: {  	[sflag:s24] =	ssyncset.done $0x0  }
0xa3: {  	s12 =	sadd.s32 $0xFFFFFFB0, s7;
	[sflag:s24] =	ssyncadd.s32 $0xFFFFD800  }
0xa4: {  	[tilespmem:s20], [sflag:$0x1] =	stream.indirect.gather [hbm4b:s1+s19], $0x80, s12, s19, $0xb8;
	[tilespmem:$0x9580] =	vst v63  }
0xa5: {  	_ =	swait.ge [sflag:s25], $0x2800  }
0xa6: {  	[sflag:s25] =	ssyncset.done $0x0  }
0xa7: {  	[sflag:s25] =	ssyncadd.s32 $0xFFFFD800  }
0xa8: {  	[tilespmem:s21], [sflag:$0x2] =	stream.indirect.gather [hbm4b:s1+s19], $0x80, s7, s19, $0xb8;
	[tilespmem:$0x9580] =	vst v63  }
0xa9: {  	_ =	swait.ge [sflag:s22], $0x2800  }
0xaa: {  	s8 =	sadd.s32 s8, s10;
	[sflag:s22] =	ssyncset.done $0x0  }
.Ltmp6:
0xab: {  	s12 =	sadd.s32 $0x13600, s8;
	[sflag:s22] =	ssyncadd.s32 $0xFFFFD800;
	(pc) =	sbr.rel @p1 .LBB2_3-.Ltmp6, $4  }
0xac: {  	[hbm4b:s12+s2] =	stream.linear.scatter [tilespmem:s20], [sflag:$0x3], $0x2800, $0x38;
	[tilespmem:$0x9580] =	vst v63  }
0xad: {  	_ =	swait.ge [sflag:s23], $0x2800  }
0xae: {  	[sflag:s23] =	ssyncset.done $0x0  }
0xaf: {  	s8 =	sadd.s32 $0x13B00, s8;
	s7 =	sadd.s32 $0xA0, s7;
	[sflag:s23] =	ssyncadd.s32 $0xFFFFD800  }
0xb0: {  	[hbm4b:s8+s2] =	stream.linear.scatter [tilespmem:s21], [sflag:$0x4], $0x2800, $0x38;
	[tilespmem:$0x9580] =	vst v63  }
0xb1: {  	_ =	swait.ge [sflag:s24], $0x2800  }
0xb2: {  	[sflag:s24] =	ssyncset.done $0x0  }
0xb3: {  	[sflag:s24] =	ssyncadd.s32 $0xFFFFD800  }
0xb4: {  	_ =	swait.ge [sflag:s25], $0x2800  }
0xb5: {  	[sflag:s25] =	ssyncset.done $0x0  }
0xb6: {  	s3 =	rddreg [dreg:$0x3];
	[sflag:s25] =	ssyncadd.s32 $0xFFFFD800  }
0xb7: {  	[tilespmem:s26], [sflag:$0x5] =	stream.linear.gather [hbm4b:s3+s2], $0x9B0, $0x38;
	[tilespmem:$0x9580] =	vst v63  }
0xb8: {  	_ =	swait.ge [sflag:s18], $0x9B0  }
0xb9: {  	[sflag:s18] =	ssyncset.done $0x0  }
0xba: {  	[sflag:s18] =	ssyncadd.s32 $0xFFFFF650  }
0xbb: {  	[tilespmem:s29], [sflag:$0x1] =	stream.indirect.gather [hbm4b:s5+s28], $0x80, s26, s28, $0xb8;
	[tilespmem:$0x9580] =	vst v63  }
0xbc: {  	_ = 	snop  }
0xbd: {  	[tilespmem:s31], [sflag:$0x2] =	stream.indirect.gather [hbm4b:s5+s28], $0x80, s30, s28, $0xb8;
	[tilespmem:$0x9580] =	vst v63  }
0xbe: {  	_ =	swait.ge [sflag:s22], $0x1400  }
0xbf: {  	[sflag:s22] =	ssyncset.done $0x0  }
0xc0: {  	[sflag:s22] =	ssyncadd.s32 $0xFFFFEC00  }
0xc1: {  	[hbm4b:s11+s2] =	stream.linear.scatter [tilespmem:s29], [sflag:$0x3], $0x1400, $0x38;
	[tilespmem:$0x9580] =	vst v63  }
0xc2: {  	_ =	swait.ge [sflag:s23], $0x1400  }
0xc3: {  	[sflag:s23] =	ssyncset.done $0x0  }
0xc4: {  	[sflag:s23] =	ssyncadd.s32 $0xFFFFEC00  }
0xc5: {  	[hbm4b:s13+s2] =	stream.linear.scatter [tilespmem:s31], [sflag:$0x4], $0x1400, $0x38;
	[tilespmem:$0x9580] =	vst v63  }
0xc6: {  	_ =	swait.ge [sflag:s24], $0x1400  }
0xc7: {  	[sflag:s24] =	ssyncset.done $0x0  }
0xc8: {  	s7 =	simm.s32 $0x13D0;
	[sflag:s24] =	ssyncadd.s32 $0xFFFFEC00  }
0xc9: {  	[tilespmem:s29], [sflag:$0x1] =	stream.indirect.gather [hbm4b:s5+s28], $0x80, s7, s28, $0xb8;
	[tilespmem:$0x9580] =	vst v63  }
0xca: {  	_ =	swait.ge [sflag:s25], $0x1400  }
0xcb: {  	[sflag:s25] =	ssyncset.done $0x0  }
0xcc: {  	s8 =	simm.s32 $0x13F8;
	[sflag:s25] =	ssyncadd.s32 $0xFFFFEC00  }
0xcd: {  	[tilespmem:s31], [sflag:$0x2] =	stream.indirect.gather [hbm4b:s5+s28], $0x80, s8, s28, $0xb8;
	[tilespmem:$0x9580] =	vst v63  }
0xce: {  	_ =	swait.ge [sflag:s22], $0x1400  }
0xcf: {  	s7 =	sadd.s32 $0xFFFF6A00, s11;
	[sflag:s22] =	ssyncset.done $0x0  }
0xd0: {  	s12 =	sadd.s32 $0x9B00, s7;
	[sflag:s22] =	ssyncadd.s32 $0xFFFFEC00  }
0xd1: {  	[hbm4b:s12+s2] =	stream.linear.scatter [tilespmem:s29], [sflag:$0x3], $0x1400, $0x38;
	[tilespmem:$0x9580] =	vst v63  }
0xd2: {  	_ =	swait.ge [sflag:s23], $0x1400  }
0xd3: {  	s3 =	simm.s32 $0xFFFF6F00;
	[sflag:s23] =	ssyncset.done $0x0  }
0xd4: {  	s8 =	sadd.s32 $0x9D80, s7;
	s7 =	simm.s32 $0x1448;
	[sflag:s23] =	ssyncadd.s32 $0xFFFFEC00  }
.LBB2_5:
0xd5: {  	[hbm4b:s8+s2] =	stream.linear.scatter [tilespmem:s31], [sflag:$0x4], $0x1400, $0x38;
	[tilespmem:$0x9580] =	vst v63  }
0xd6: {  	s8 =	smov.u32 s3  }
0xd7: {  	p1 =	seq.s32 s3, $0xFFFFFB00;
	s3 =	sadd.s32 $0x500, s3;
	_ =	swait.ge [sflag:s24], $0x1400  }
0xd8: {  	[sflag:s24] =	ssyncset.done $0x0  }
0xd9: {  	s12 =	sadd.s32 $0xFFFFFFD8, s7;
	[sflag:s24] =	ssyncadd.s32 $0xFFFFEC00  }
0xda: {  	[tilespmem:s29], [sflag:$0x1] =	stream.indirect.gather [hbm4b:s5+s28], $0x80, s12, s28, $0xb8;
	[tilespmem:$0x9580] =	vst v63  }
0xdb: {  	_ =	swait.ge [sflag:s25], $0x1400  }
0xdc: {  	[sflag:s25] =	ssyncset.done $0x0  }
0xdd: {  	[sflag:s25] =	ssyncadd.s32 $0xFFFFEC00  }
0xde: {  	[tilespmem:s31], [sflag:$0x2] =	stream.indirect.gather [hbm4b:s5+s28], $0x80, s7, s28, $0xb8;
	[tilespmem:$0x9580] =	vst v63  }
0xdf: {  	_ =	swait.ge [sflag:s22], $0x1400  }
0xe0: {  	s8 =	sadd.s32 s8, s11;
	[sflag:s22] =	ssyncset.done $0x0  }
.Ltmp7:
0xe1: {  	s12 =	sadd.s32 $0x9B00, s8;
	[sflag:s22] =	ssyncadd.s32 $0xFFFFEC00;
	(pc) =	sbr.rel @!p1 .LBB2_5-.Ltmp7, $4  }
0xe2: {  	[hbm4b:s12+s2] =	stream.linear.scatter [tilespmem:s29], [sflag:$0x3], $0x1400, $0x38;
	[tilespmem:$0x9580] =	vst v63  }
0xe3: {  	_ =	swait.ge [sflag:s23], $0x1400  }
0xe4: {  	[sflag:s23] =	ssyncset.done $0x0  }
0xe5: {  	s8 =	sadd.s32 $0x9D80, s8;
	s7 =	sadd.s32 $0x50, s7;
	[sflag:s23] =	ssyncadd.s32 $0xFFFFEC00  }
.Ltmp8:
0xe6: {  	(pc) =	sbr.rel .LBB2_12-.Ltmp8, $2  }
0xe7: {  	_ =	sdelay $0x2  }
0xe8: {  	[hbm4b:s8+s2] =	stream.linear.scatter [tilespmem:s31], [sflag:$0x4], $0x1400, $0x38;
	[tilespmem:$0x9580] =	vst v63  }
.LBB2_13:
0xe9: {  	_ =	sfence.sel $0x180000  }
0xea: {  	[bflag:$0x0] =	sbarrier.arrive $0xFFFF  }
0xeb: {  	_ =	strace $0x90000047  }
0xec: {  	s0 =	stileid.u32;
	[bflag:$0x2] =	sbarrier.arrive $0xFFFF  }
0xed: {  	p0 =	sne.s32 s0, $0x0;
	s0 =	rddreg [dreg:$0x2]  }
0xee: {  	s0 =	sadd.s32 @!p0 $0x100000, s0  }
0xef: {  	[sflag:s0] =	ssyncadd.tile.s32 @!p0 $0x1;
	_ =	shalt  }
.Lfunc_end2:
_tile_overlayer_lowered:
.L_overlay_start_2:
0xf0: {  	(tag) =	ssettag $0x2  }
0xf1: {  	s0 =	rddreg [dreg:$0x0];
	s2 =	stileid.u32  }
0xf2: {  	s1 =	rddreg [dreg:$0x1];
	p0 =	sne.s32 s2, $0x0  }
0xf3: {  	s3 =	rddreg [dreg:$0x2];
	[bflag:$0x3] =	sbarrier.arrive $0xFFFF;
	s2 =	simm.s32 @!p0 $0x1C05  }
0xf4: {  	[timem:s3], [sflag:s2] =	dma.local @!p0 [hbm:s0], s1  }
0xf5: {  	s0 =	simm.s32 @!p0 $0x5  }
0xf6: {  	_ =	swait.ge @!p0 [sflag:s0], s1  }
0xf7: {  	s1 =	ssub.s32 @!p0 $0x0, s1;
	[sflag:s0] =	ssyncset.done @!p0 $0x0  }
0xf8: {  	[sflag:s0] =	ssyncadd.s32 @!p0 s1  }
0xf9: {  	[bflag:$0x3] =	sbarrier.arrive $0xFFFF  }
0xfa: {  	_ =	shalt  }

</sc_bundles>
